<compile_context>
chip_gen: v7x
topology: tpu7x:2x2x1
jax: 0.10.2.dev20260603
libtpu: 0.0.44.dev20260713+nightly
codegen_flags: <defaults>
</compile_context>

<pallas_src>
import functools

import jax
import jax.numpy as jnp
from jax import lax
from jax.experimental import pallas as pl
from jax.experimental.pallas import tpu as pltpu
from jax.experimental.pallas import tpu_sc as plsc

L, B, D, E = 8192, 2, 768, 8
N = L * B
TM = 512
TL = TM // B
NB = N // TM
TMM = 512
G = N // TMM + E
NPAD = G * TMM
NW = 32
RW = N // NW
CH = 128
NCH = RW // CH
D2 = D // 2


def _pack_bf16(x32):
    xb = x32.astype(jnp.bfloat16)
    hi = lax.bitcast_convert_type(xb[:, :D2], jnp.uint16).astype(jnp.int32)
    lo = lax.bitcast_convert_type(xb[:, D2:], jnp.uint16).astype(jnp.int32)
    return (hi << 16) | lo


def _unpack_bf16(xi):
    hi = lax.bitcast_convert_type((xi >> 16).astype(jnp.uint16), jnp.bfloat16)
    lo = lax.bitcast_convert_type((xi & 0xFFFF).astype(jnp.uint16),
                                  jnp.bfloat16)
    return jnp.concatenate([hi, lo], axis=1)



def _routing_body(alpha_ref, x_ref, wg_ref, bg_ref, tp_ref, wt_ref, bt_ref,
                  xlin_ref, dest_ref, te_ref, laux_ref,
                  psum_ref, cnt_ref, sel_s, rank_s):
    i = pl.program_id(0)
    alpha = alpha_ref[0, 0]
    x = x_ref[...].reshape(TM, D)
    xlin_ref[...] = _pack_bf16(x)

    task_logits = (jnp.dot(tp_ref[...], wt_ref[...],
                           preferred_element_type=jnp.float32)
                   + bt_ref[...])
    logits = ((1.0 - alpha)
              * (jnp.dot(x, wg_ref[...], preferred_element_type=jnp.float32)
                 + bg_ref[...])
              + alpha * task_logits)
    logits = jnp.where(jnp.isfinite(logits), logits, 0.0)

    mx = jnp.max(logits, axis=-1, keepdims=True)
    iota_e = lax.broadcasted_iota(jnp.int32, (TM, E), 1)
    sel = jnp.min(jnp.where(logits == mx, iota_e, E), axis=-1,
                  keepdims=True)
    onehot = (iota_e == sel).astype(jnp.float32)

    ex = jnp.exp(logits - mx)
    probs = ex / jnp.sum(ex, axis=-1, keepdims=True)

    @pl.when(i == 0)
    def _init():
        psum_ref[...] = jnp.zeros_like(psum_ref)
        cnt_ref[...] = jnp.zeros_like(cnt_ref)

    lt = (lax.broadcasted_iota(jnp.int32, (TM, TM), 0)
          > lax.broadcasted_iota(jnp.int32, (TM, TM), 1)).astype(jnp.float32)
    ltoh = jnp.dot(lt, onehot, preferred_element_type=jnp.float32)
    rank = jnp.sum(onehot * (cnt_ref[...] + ltoh), axis=-1,
                   keepdims=True)
    sel_s[i, :, :] = sel.astype(jnp.int32).reshape(1, TM)
    rank_s[i, :, :] = rank.astype(jnp.int32).reshape(1, TM)

    psum_ref[...] += jnp.sum(probs, axis=0, keepdims=True)
    cnt_ref[...] += jnp.sum(onehot, axis=0, keepdims=True)

    @pl.when(i == NB - 1)
    def _fin():
        laux_ref[0, 0] = jnp.sum(psum_ref[...] * cnt_ref[...]) / (N * N)
        iota1 = lax.broadcasted_iota(jnp.int32, (1, E), 1)
        starts = []
        s = jnp.int32(0)
        for e in range(E):
            ce = jnp.sum(
                jnp.where(iota1 == e, cnt_ref[...], 0.0)).astype(jnp.int32)
            starts.append(s)
            s = s + ((ce + TMM - 1) // TMM) * TMM
        iota_g = lax.broadcasted_iota(jnp.int32, (1, 128), 1) * TMM
        te = jnp.zeros((1, 128), jnp.int32)
        for e in range(1, E):
            te = te + (iota_g >= starts[e]).astype(jnp.int32)
        te_ref[...] = te
        for j in range(NB):
            selj = sel_s[j, :, :]
            destj = rank_s[j, :, :]
            for e in range(1, E):
                destj = destj + jnp.where(selj == e, starts[e], 0)
            dest_ref[j, :, :] = destj


def _routing(alpha2, x3, Wg, bg2, tp2, Wt, bt2):
    return pl.pallas_call(
        _routing_body,
        grid=(NB,),
        in_specs=[
            pl.BlockSpec(memory_space=pltpu.SMEM),
            pl.BlockSpec((TL, B, D), lambda i: (i, 0, 0)),
            pl.BlockSpec((D, E), lambda i: (0, 0)),
            pl.BlockSpec((1, E), lambda i: (0, 0)),
            pl.BlockSpec((1, D), lambda i: (0, 0)),
            pl.BlockSpec((D, E), lambda i: (0, 0)),
            pl.BlockSpec((1, E), lambda i: (0, 0)),
        ],
        out_specs=[
            pl.BlockSpec((TM, D2), lambda i: (i, 0)),
            pl.BlockSpec((NB, 1, TM), lambda i: (0, 0, 0)),
            pl.BlockSpec((1, 128), lambda i: (0, 0)),
            pl.BlockSpec(memory_space=pltpu.SMEM),
        ],
        out_shape=[
            jax.ShapeDtypeStruct((N, D2), jnp.int32),
            jax.ShapeDtypeStruct((NB, 1, TM), jnp.int32),
            jax.ShapeDtypeStruct((1, 128), jnp.int32),
            jax.ShapeDtypeStruct((1, 1), jnp.float32),
        ],
        scratch_shapes=[
            pltpu.VMEM((1, E), jnp.float32),
            pltpu.VMEM((1, E), jnp.float32),
            pltpu.VMEM((NB, 1, TM), jnp.int32),
            pltpu.VMEM((NB, 1, TM), jnp.int32),
        ],
    )(alpha2, x3, Wg, bg2, tp2, Wt, bt2)



_SC_MESH = plsc.VectorSubcoreMesh(core_axis_name="c", subcore_axis_name="s")


@functools.partial(
    pl.kernel, mesh=_SC_MESH,
    out_type=jax.ShapeDtypeStruct((NPAD, D2), jnp.int32),
    scratch_types=[
        pltpu.VMEM((CH,), jnp.int32),
        pltpu.VMEM((CH, D2), jnp.int32),
        pltpu.SemaphoreType.DMA,
    ],
)
def _sc_scatter(x_hbm, dest_hbm, xs_hbm, dest_v, rows_v, sem):
    wid = lax.axis_index("s") * 2 + lax.axis_index("c")
    base = wid * RW
    for k in range(NCH):
        off = base + k * CH
        pltpu.sync_copy(dest_hbm.at[pl.ds(off, CH)], dest_v)
        pltpu.sync_copy(x_hbm.at[pl.ds(off, CH)], rows_v)
        pltpu.async_copy(rows_v, xs_hbm.at[dest_v], sem).wait()



def _gmm_body(te_ref, xs_ref, we_ref, be_ref, ys_ref, wcur_ref, bcur_ref):
    i = pl.program_id(0)
    e = te_ref[i]
    changed = jnp.logical_or(i == 0, te_ref[jnp.maximum(i - 1, 0)] != e)

    @pl.when(changed)
    def _stage_weights():
        wcur_ref[...] = we_ref[pl.ds(e, 1)][0]
        bcur_ref[...] = be_ref[pl.ds(e, 1)][0]

    x = _unpack_bf16(xs_ref[...])
    ys_ref[...] = _pack_bf16(
        jnp.dot(x, wcur_ref[...], preferred_element_type=jnp.float32)
        + bcur_ref[...])


def _gmm(te, xs, We, be):
    grid_spec = pltpu.PrefetchScalarGridSpec(
        num_scalar_prefetch=1,
        grid=(G,),
        in_specs=[
            pl.BlockSpec((TMM, D2), lambda i, te: (i, 0)),
            pl.BlockSpec((E, D, D), lambda i, te: (0, 0, 0)),
            pl.BlockSpec((E, 1, D), lambda i, te: (0, 0, 0)),
        ],
        out_specs=pl.BlockSpec((TMM, D2), lambda i, te: (i, 0)),
        scratch_shapes=[
            pltpu.VMEM((D, D), jnp.bfloat16),
            pltpu.VMEM((1, D), jnp.float32),
        ],
    )
    return pl.pallas_call(
        _gmm_body,
        grid_spec=grid_spec,
        out_shape=jax.ShapeDtypeStruct((NPAD, D2), jnp.int32),
    )(te, xs, We.astype(jnp.bfloat16), be.reshape(E, 1, D))



@functools.partial(
    pl.kernel, mesh=_SC_MESH,
    out_type=jax.ShapeDtypeStruct((N, D2), jnp.int32),
    scratch_types=[
        pltpu.VMEM((CH,), jnp.int32),
        pltpu.VMEM((CH, D2), jnp.int32),
        pltpu.SemaphoreType.DMA,
    ],
)
def _sc_gather(ys_hbm, dest_hbm, out_hbm, dest_v, rows_v, sem):
    wid = lax.axis_index("s") * 2 + lax.axis_index("c")
    base = wid * RW
    for k in range(NCH):
        off = base + k * CH
        pltpu.sync_copy(dest_hbm.at[pl.ds(off, CH)], dest_v)
        pltpu.async_copy(ys_hbm.at[dest_v], rows_v, sem).wait()
        pltpu.sync_copy(rows_v, out_hbm.at[pl.ds(off, CH)])



TMR = 2048


def _relayout_body(ylin_ref, out_ref):
    y = _unpack_bf16(ylin_ref[...]).astype(jnp.float32)
    out_ref[...] = y.reshape(TMR // B, B, D)


def _relayout(ylin):
    return pl.pallas_call(
        _relayout_body,
        grid=(N // TMR,),
        in_specs=[pl.BlockSpec((TMR, D2), lambda i: (i, 0))],
        out_specs=pl.BlockSpec((TMR // B, B, D), lambda i: (i, 0, 0)),
        out_shape=jax.ShapeDtypeStruct((L, B, D), jnp.float32),
    )(ylin)



@jax.jit
def kernel(inputs, task_param, alpha, Wg, bg, Wt, bt, We, be):
    alpha2 = jnp.asarray(alpha, jnp.float32).reshape(1, 1)
    xlin, dest3, te, laux = _routing(
        alpha2, inputs, Wg, bg.reshape(1, E), task_param.reshape(1, D), Wt,
        bt.reshape(1, E))
    dest = dest3.reshape(N)
    xs = _sc_scatter(xlin, dest)
    ys = _gmm(te.reshape(128)[:G], xs, We, be)
    out_lin = _sc_gather(ys, dest)
    return _relayout(out_lin), laux[0, 0]

# --- scband reference (transcript-rebuilt; emitter-appended) ---
"""Pipeline reference for scband-moe-layer-64630667870330 (READ-ONLY COPY).

The authoritative reference and input builder live on the scoring server;
editing this copy changes nothing except your own understanding.
"""

import jax, jax.numpy as jnp
import numpy as np

L, B, D, E, K = 8192, 2, 768, 8, 1
LB_WEIGHT = 1.0


def setup_inputs(seed: int = 0) -> dict:
    key = jax.random.key(seed)
    ks = jax.random.split(key, 8)
    inputs = jax.random.normal(ks[0], (L, B, D), dtype=jnp.float32)
    task_param = jax.random.normal(ks[1], (D,), dtype=jnp.float32)
    alpha = jnp.float32(0.5)
    Wg = jax.random.normal(ks[2], (D, E), dtype=jnp.float32) * 0.02
    bg = jnp.zeros((E,), dtype=jnp.float32)
    Wt = jax.random.normal(ks[3], (D, E), dtype=jnp.float32) * 0.02
    bt = jnp.zeros((E,), dtype=jnp.float32)
    We = jax.random.normal(ks[4], (E, D, D), dtype=jnp.float32) * 0.02
    be = jnp.zeros((E, D), dtype=jnp.float32)
    return {"inputs": inputs, "task_param": task_param, "alpha": alpha, "Wg": Wg, "bg": bg, "Wt": Wt, "bt": bt, "We": We, "be": be}


def reference(inputs, task_param, alpha, Wg, bg, Wt, bt, We, be):
    # input gate: Linear(D, E) applied to [L, B, D]
    input_gate_logits = inputs @ Wg + bg                      # [L, B, E]
    # task gate: Linear(D, E) applied to [D]
    task_gate_logits = task_param @ Wt + bt                   # [E]
    gate_logits = (1.0 - alpha) * input_gate_logits + alpha * task_gate_logits
    gate_logits = jnp.nan_to_num(gate_logits, nan=0.0, posinf=0.0, neginf=0.0)
    topk_logits, selected_experts = jax.lax.top_k(gate_logits, K)   # [L, B, K]
    weights_softmax = jax.nn.softmax(gate_logits.astype(jnp.float32), axis=-1).astype(inputs.dtype)
    average_weight = jnp.mean(weights_softmax, axis=(0, 1))          # [E]
    indices_topk = jax.nn.one_hot(selected_experts, E, dtype=jnp.float32).sum(axis=2)  # [L, B, E]
    average_count = jnp.mean(indices_topk, axis=(0, 1)).astype(inputs.dtype)
    l_aux = jnp.mean(average_weight * average_count) * E
    l_aux = l_aux * LB_WEIGHT
    topk_weights = jax.nn.softmax(topk_logits.astype(jnp.float32), axis=-1).astype(inputs.dtype)  # [L, B, K]
    results = jnp.zeros_like(inputs)
    for i in range(E):
        mask = (selected_experts == i).astype(inputs.dtype)   # [L, B, K]
        w = (topk_weights * mask).sum(axis=-1)                # [L, B]
        expert_out = inputs @ We[i] + be[i]                   # [L, B, D]
        results = results + w[..., None] * expert_out
    return results, l_aux.astype(jnp.float32)

if __name__ == "__main__":
    import jax
    _d = setup_inputs()
    print(jax.jit(kernel)(*tuple(_d.values())))

</pallas_src>

<mosaic_0001>
#map = affine_map<(d0, d1) -> (0, 0)>
#map1 = affine_map<(d0, d1) -> (0)>
module attributes {stable_mosaic.version = 14 : i64} {
  func.func @_sc_gather(%arg0: i32, %arg1: i32, %arg2: memref<20480x384xi32, #tpu.memory_space<hbm>>, %arg3: memref<16384xi32, #tpu.memory_space<hbm>>, %arg4: memref<16384x384xi32, #tpu.memory_space<hbm>>, %arg5: memref<128xi32, #tpu.memory_space<vmem>>, %arg6: memref<128x384xi32, #tpu.memory_space<vmem>>, %arg7: memref<!tpu.dma_semaphore, #tpu.memory_space<semaphore_mem>>) attributes {dimension_semantics = [#tpu.dimension_semantics<core_parallel>, #tpu.dimension_semantics<subcore_parallel>], iteration_bounds = array<i64: 2, 16>, scalar_prefetch = 0 : i64, scratch_operands = 3 : i64, tpu.core_type = #tpu.core_type<sc_vector_subcore>, window_params = [{transform_indices = #map}, {transform_indices = #map1}, {transform_indices = #map}]} {
    %mul3A = arith.constant 2 : i32
    %mul3A_0 = arith.muli %arg1, %mul3A : i32
    %add3A = arith.addi %mul3A_0, %arg0 : i32
    %mul3A_1 = arith.constant 512 : i32
    %mul3A_2 = arith.muli %add3A, %mul3A_1 : i32
    %add3A_3 = arith.constant 0 : i32
    %add3A_4 = arith.addi %mul3A_2, %add3A_3 : i32
    "tpu.region"() ({
      %run_scoped3A = tpu.sem_alloc : memref<!tpu.dma_semaphore, #tpu.memory_space<semaphore_mem>>
      %dma_start3A_33 = tpu.memref_slice %arg3[%add3A_4] : memref<16384xi32, #tpu.memory_space<hbm>> -> memref<128xi32, #tpu.memory_space<hbm>>
      %dma_start3A_34 = tpu.memref_slice %arg3[%add3A_4] : memref<16384xi32, #tpu.memory_space<hbm>> -> memref<128xi32, #tpu.memory_space<hbm>>
      tpu.enqueue_dma source(%dma_start3A_34 : memref<128xi32, #tpu.memory_space<hbm>>) target(%arg5 : memref<128xi32, #tpu.memory_space<vmem>>) target_semaphore(%run_scoped3A : memref<!tpu.dma_semaphore, #tpu.memory_space<semaphore_mem>>)
      %dma_wait3A_35 = tpu.memref_slice %arg3[%add3A_4] : memref<16384xi32, #tpu.memory_space<hbm>> -> memref<128xi32, #tpu.memory_space<hbm>>
      %dma_wait3A_36 = tpu.memref_slice %arg3[%add3A_4] : memref<16384xi32, #tpu.memory_space<hbm>> -> memref<128xi32, #tpu.memory_space<hbm>>
      tpu.wait_dma2 semaphore(%run_scoped3A : memref<!tpu.dma_semaphore, #tpu.memory_space<semaphore_mem>>) src(%dma_wait3A_36 : memref<128xi32, #tpu.memory_space<hbm>>) dst(%arg5 : memref<128xi32, #tpu.memory_space<vmem>>)
      tpu.yield
    }) : () -> ()
    %dma_start3A = arith.constant 0 : i32
    %dma_start3A_5 = arith.constant 0 : i32
    %dma_start3A_6 = tpu.memref_slice %arg2[%dma_start3A, %dma_start3A_5] : memref<20480x384xi32, #tpu.memory_space<hbm>> -> memref<20480x384xi32, #tpu.memory_space<hbm>>
    tpu.enqueue_indirect_dma source(%dma_start3A_6 : memref<20480x384xi32, #tpu.memory_space<hbm>>) target(%arg6 : memref<128x384xi32, #tpu.memory_space<vmem>>) offsets(%arg5 : memref<128xi32, #tpu.memory_space<vmem>>) semaphore(%arg7 : memref<!tpu.dma_semaphore, #tpu.memory_space<semaphore_mem>>)
    %dma_wait3A = arith.constant 0 : i32
    %dma_wait3A_7 = arith.constant 0 : i32
    %dma_wait3A_8 = tpu.memref_slice %arg2[%dma_wait3A, %dma_wait3A_7] : memref<20480x384xi32, #tpu.memory_space<hbm>> -> memref<20480x384xi32, #tpu.memory_space<hbm>>
    tpu.wait_indirect_dma semaphore(%arg7 : memref<!tpu.dma_semaphore, #tpu.memory_space<semaphore_mem>>) src(%dma_wait3A_8 : memref<20480x384xi32, #tpu.memory_space<hbm>>) dst(%arg6 : memref<128x384xi32, #tpu.memory_space<vmem>>)
    "tpu.region"() ({
      %run_scoped3A = tpu.sem_alloc : memref<!tpu.dma_semaphore, #tpu.memory_space<semaphore_mem>>
      %dma_start3A_33 = arith.constant 0 : i32
      %dma_start3A_34 = tpu.memref_slice %arg4[%add3A_4, %dma_start3A_33] : memref<16384x384xi32, #tpu.memory_space<hbm>> -> memref<128x384xi32, #tpu.memory_space<hbm>>
      %dma_start3A_35 = arith.constant 0 : i32
      %dma_start3A_36 = tpu.memref_slice %arg4[%add3A_4, %dma_start3A_35] : memref<16384x384xi32, #tpu.memory_space<hbm>> -> memref<128x384xi32, #tpu.memory_space<hbm>>
      tpu.enqueue_dma source(%arg6 : memref<128x384xi32, #tpu.memory_space<vmem>>) target(%dma_start3A_36 : memref<128x384xi32, #tpu.memory_space<hbm>>) target_semaphore(%run_scoped3A : memref<!tpu.dma_semaphore, #tpu.memory_space<semaphore_mem>>)
      %dma_wait3A_37 = arith.constant 0 : i32
      %dma_wait3A_38 = tpu.memref_slice %arg4[%add3A_4, %dma_wait3A_37] : memref<16384x384xi32, #tpu.memory_space<hbm>> -> memref<128x384xi32, #tpu.memory_space<hbm>>
      %dma_wait3A_39 = arith.constant 0 : i32
      %dma_wait3A_40 = tpu.memref_slice %arg4[%add3A_4, %dma_wait3A_39] : memref<16384x384xi32, #tpu.memory_space<hbm>> -> memref<128x384xi32, #tpu.memory_space<hbm>>
      tpu.wait_dma2 semaphore(%run_scoped3A : memref<!tpu.dma_semaphore, #tpu.memory_space<semaphore_mem>>) src(%arg6 : memref<128x384xi32, #tpu.memory_space<vmem>>) dst(%dma_wait3A_40 : memref<128x384xi32, #tpu.memory_space<hbm>>)
      tpu.yield
    }) : () -> ()
    %add3A_9 = arith.constant 128 : i32
    %add3A_10 = arith.addi %mul3A_2, %add3A_9 : i32
    "tpu.region"() ({
      %run_scoped3A = tpu.sem_alloc : memref<!tpu.dma_semaphore, #tpu.memory_space<semaphore_mem>>
      %dma_start3A_33 = tpu.memref_slice %arg3[%add3A_10] : memref<16384xi32, #tpu.memory_space<hbm>> -> memref<128xi32, #tpu.memory_space<hbm>>
      %dma_start3A_34 = tpu.memref_slice %arg3[%add3A_10] : memref<16384xi32, #tpu.memory_space<hbm>> -> memref<128xi32, #tpu.memory_space<hbm>>
      tpu.enqueue_dma source(%dma_start3A_34 : memref<128xi32, #tpu.memory_space<hbm>>) target(%arg5 : memref<128xi32, #tpu.memory_space<vmem>>) target_semaphore(%run_scoped3A : memref<!tpu.dma_semaphore, #tpu.memory_space<semaphore_mem>>)
      %dma_wait3A_35 = tpu.memref_slice %arg3[%add3A_10] : memref<16384xi32, #tpu.memory_space<hbm>> -> memref<128xi32, #tpu.memory_space<hbm>>
      %dma_wait3A_36 = tpu.memref_slice %arg3[%add3A_10] : memref<16384xi32, #tpu.memory_space<hbm>> -> memref<128xi32, #tpu.memory_space<hbm>>
      tpu.wait_dma2 semaphore(%run_scoped3A : memref<!tpu.dma_semaphore, #tpu.memory_space<semaphore_mem>>) src(%dma_wait3A_36 : memref<128xi32, #tpu.memory_space<hbm>>) dst(%arg5 : memref<128xi32, #tpu.memory_space<vmem>>)
      tpu.yield
    }) : () -> ()
    %dma_start3A_11 = arith.constant 0 : i32
    %dma_start3A_12 = arith.constant 0 : i32
    %dma_start3A_13 = tpu.memref_slice %arg2[%dma_start3A_11, %dma_start3A_12] : memref<20480x384xi32, #tpu.memory_space<hbm>> -> memref<20480x384xi32, #tpu.memory_space<hbm>>
    tpu.enqueue_indirect_dma source(%dma_start3A_13 : memref<20480x384xi32, #tpu.memory_space<hbm>>) target(%arg6 : memref<128x384xi32, #tpu.memory_space<vmem>>) offsets(%arg5 : memref<128xi32, #tpu.memory_space<vmem>>) semaphore(%arg7 : memref<!tpu.dma_semaphore, #tpu.memory_space<semaphore_mem>>)
    %dma_wait3A_14 = arith.constant 0 : i32
    %dma_wait3A_15 = arith.constant 0 : i32
    %dma_wait3A_16 = tpu.memref_slice %arg2[%dma_wait3A_14, %dma_wait3A_15] : memref<20480x384xi32, #tpu.memory_space<hbm>> -> memref<20480x384xi32, #tpu.memory_space<hbm>>
    tpu.wait_indirect_dma semaphore(%arg7 : memref<!tpu.dma_semaphore, #tpu.memory_space<semaphore_mem>>) src(%dma_wait3A_16 : memref<20480x384xi32, #tpu.memory_space<hbm>>) dst(%arg6 : memref<128x384xi32, #tpu.memory_space<vmem>>)
    "tpu.region"() ({
      %run_scoped3A = tpu.sem_alloc : memref<!tpu.dma_semaphore, #tpu.memory_space<semaphore_mem>>
      %dma_start3A_33 = arith.constant 0 : i32
      %dma_start3A_34 = tpu.memref_slice %arg4[%add3A_10, %dma_start3A_33] : memref<16384x384xi32, #tpu.memory_space<hbm>> -> memref<128x384xi32, #tpu.memory_space<hbm>>
      %dma_start3A_35 = arith.constant 0 : i32
      %dma_start3A_36 = tpu.memref_slice %arg4[%add3A_10, %dma_start3A_35] : memref<16384x384xi32, #tpu.memory_space<hbm>> -> memref<128x384xi32, #tpu.memory_space<hbm>>
      tpu.enqueue_dma source(%arg6 : memref<128x384xi32, #tpu.memory_space<vmem>>) target(%dma_start3A_36 : memref<128x384xi32, #tpu.memory_space<hbm>>) target_semaphore(%run_scoped3A : memref<!tpu.dma_semaphore, #tpu.memory_space<semaphore_mem>>)
      %dma_wait3A_37 = arith.constant 0 : i32
      %dma_wait3A_38 = tpu.memref_slice %arg4[%add3A_10, %dma_wait3A_37] : memref<16384x384xi32, #tpu.memory_space<hbm>> -> memref<128x384xi32, #tpu.memory_space<hbm>>
      %dma_wait3A_39 = arith.constant 0 : i32
      %dma_wait3A_40 = tpu.memref_slice %arg4[%add3A_10, %dma_wait3A_39] : memref<16384x384xi32, #tpu.memory_space<hbm>> -> memref<128x384xi32, #tpu.memory_space<hbm>>
      tpu.wait_dma2 semaphore(%run_scoped3A : memref<!tpu.dma_semaphore, #tpu.memory_space<semaphore_mem>>) src(%arg6 : memref<128x384xi32, #tpu.memory_space<vmem>>) dst(%dma_wait3A_40 : memref<128x384xi32, #tpu.memory_space<hbm>>)
      tpu.yield
    }) : () -> ()
    %add3A_17 = arith.constant 256 : i32
    %add3A_18 = arith.addi %mul3A_2, %add3A_17 : i32
    "tpu.region"() ({
      %run_scoped3A = tpu.sem_alloc : memref<!tpu.dma_semaphore, #tpu.memory_space<semaphore_mem>>
      %dma_start3A_33 = tpu.memref_slice %arg3[%add3A_18] : memref<16384xi32, #tpu.memory_space<hbm>> -> memref<128xi32, #tpu.memory_space<hbm>>
      %dma_start3A_34 = tpu.memref_slice %arg3[%add3A_18] : memref<16384xi32, #tpu.memory_space<hbm>> -> memref<128xi32, #tpu.memory_space<hbm>>
      tpu.enqueue_dma source(%dma_start3A_34 : memref<128xi32, #tpu.memory_space<hbm>>) target(%arg5 : memref<128xi32, #tpu.memory_space<vmem>>) target_semaphore(%run_scoped3A : memref<!tpu.dma_semaphore, #tpu.memory_space<semaphore_mem>>)
      %dma_wait3A_35 = tpu.memref_slice %arg3[%add3A_18] : memref<16384xi32, #tpu.memory_space<hbm>> -> memref<128xi32, #tpu.memory_space<hbm>>
      %dma_wait3A_36 = tpu.memref_slice %arg3[%add3A_18] : memref<16384xi32, #tpu.memory_space<hbm>> -> memref<128xi32, #tpu.memory_space<hbm>>
      tpu.wait_dma2 semaphore(%run_scoped3A : memref<!tpu.dma_semaphore, #tpu.memory_space<semaphore_mem>>) src(%dma_wait3A_36 : memref<128xi32, #tpu.memory_space<hbm>>) dst(%arg5 : memref<128xi32, #tpu.memory_space<vmem>>)
      tpu.yield
    }) : () -> ()
    %dma_start3A_19 = arith.constant 0 : i32
    %dma_start3A_20 = arith.constant 0 : i32
    %dma_start3A_21 = tpu.memref_slice %arg2[%dma_start3A_19, %dma_start3A_20] : memref<20480x384xi32, #tpu.memory_space<hbm>> -> memref<20480x384xi32, #tpu.memory_space<hbm>>
    tpu.enqueue_indirect_dma source(%dma_start3A_21 : memref<20480x384xi32, #tpu.memory_space<hbm>>) target(%arg6 : memref<128x384xi32, #tpu.memory_space<vmem>>) offsets(%arg5 : memref<128xi32, #tpu.memory_space<vmem>>) semaphore(%arg7 : memref<!tpu.dma_semaphore, #tpu.memory_space<semaphore_mem>>)
    %dma_wait3A_22 = arith.constant 0 : i32
    %dma_wait3A_23 = arith.constant 0 : i32
    %dma_wait3A_24 = tpu.memref_slice %arg2[%dma_wait3A_22, %dma_wait3A_23] : memref<20480x384xi32, #tpu.memory_space<hbm>> -> memref<20480x384xi32, #tpu.memory_space<hbm>>
    tpu.wait_indirect_dma semaphore(%arg7 : memref<!tpu.dma_semaphore, #tpu.memory_space<semaphore_mem>>) src(%dma_wait3A_24 : memref<20480x384xi32, #tpu.memory_space<hbm>>) dst(%arg6 : memref<128x384xi32, #tpu.memory_space<vmem>>)
    "tpu.region"() ({
      %run_scoped3A = tpu.sem_alloc : memref<!tpu.dma_semaphore, #tpu.memory_space<semaphore_mem>>
      %dma_start3A_33 = arith.constant 0 : i32
      %dma_start3A_34 = tpu.memref_slice %arg4[%add3A_18, %dma_start3A_33] : memref<16384x384xi32, #tpu.memory_space<hbm>> -> memref<128x384xi32, #tpu.memory_space<hbm>>
      %dma_start3A_35 = arith.constant 0 : i32
      %dma_start3A_36 = tpu.memref_slice %arg4[%add3A_18, %dma_start3A_35] : memref<16384x384xi32, #tpu.memory_space<hbm>> -> memref<128x384xi32, #tpu.memory_space<hbm>>
      tpu.enqueue_dma source(%arg6 : memref<128x384xi32, #tpu.memory_space<vmem>>) target(%dma_start3A_36 : memref<128x384xi32, #tpu.memory_space<hbm>>) target_semaphore(%run_scoped3A : memref<!tpu.dma_semaphore, #tpu.memory_space<semaphore_mem>>)
      %dma_wait3A_37 = arith.constant 0 : i32
      %dma_wait3A_38 = tpu.memref_slice %arg4[%add3A_18, %dma_wait3A_37] : memref<16384x384xi32, #tpu.memory_space<hbm>> -> memref<128x384xi32, #tpu.memory_space<hbm>>
      %dma_wait3A_39 = arith.constant 0 : i32
      %dma_wait3A_40 = tpu.memref_slice %arg4[%add3A_18, %dma_wait3A_39] : memref<16384x384xi32, #tpu.memory_space<hbm>> -> memref<128x384xi32, #tpu.memory_space<hbm>>
      tpu.wait_dma2 semaphore(%run_scoped3A : memref<!tpu.dma_semaphore, #tpu.memory_space<semaphore_mem>>) src(%arg6 : memref<128x384xi32, #tpu.memory_space<vmem>>) dst(%dma_wait3A_40 : memref<128x384xi32, #tpu.memory_space<hbm>>)
      tpu.yield
    }) : () -> ()
    %add3A_25 = arith.constant 384 : i32
    %add3A_26 = arith.addi %mul3A_2, %add3A_25 : i32
    "tpu.region"() ({
      %run_scoped3A = tpu.sem_alloc : memref<!tpu.dma_semaphore, #tpu.memory_space<semaphore_mem>>
      %dma_start3A_33 = tpu.memref_slice %arg3[%add3A_26] : memref<16384xi32, #tpu.memory_space<hbm>> -> memref<128xi32, #tpu.memory_space<hbm>>
      %dma_start3A_34 = tpu.memref_slice %arg3[%add3A_26] : memref<16384xi32, #tpu.memory_space<hbm>> -> memref<128xi32, #tpu.memory_space<hbm>>
      tpu.enqueue_dma source(%dma_start3A_34 : memref<128xi32, #tpu.memory_space<hbm>>) target(%arg5 : memref<128xi32, #tpu.memory_space<vmem>>) target_semaphore(%run_scoped3A : memref<!tpu.dma_semaphore, #tpu.memory_space<semaphore_mem>>)
      %dma_wait3A_35 = tpu.memref_slice %arg3[%add3A_26] : memref<16384xi32, #tpu.memory_space<hbm>> -> memref<128xi32, #tpu.memory_space<hbm>>
      %dma_wait3A_36 = tpu.memref_slice %arg3[%add3A_26] : memref<16384xi32, #tpu.memory_space<hbm>> -> memref<128xi32, #tpu.memory_space<hbm>>
      tpu.wait_dma2 semaphore(%run_scoped3A : memref<!tpu.dma_semaphore, #tpu.memory_space<semaphore_mem>>) src(%dma_wait3A_36 : memref<128xi32, #tpu.memory_space<hbm>>) dst(%arg5 : memref<128xi32, #tpu.memory_space<vmem>>)
      tpu.yield
    }) : () -> ()
    %dma_start3A_27 = arith.constant 0 : i32
    %dma_start3A_28 = arith.constant 0 : i32
    %dma_start3A_29 = tpu.memref_slice %arg2[%dma_start3A_27, %dma_start3A_28] : memref<20480x384xi32, #tpu.memory_space<hbm>> -> memref<20480x384xi32, #tpu.memory_space<hbm>>
    tpu.enqueue_indirect_dma source(%dma_start3A_29 : memref<20480x384xi32, #tpu.memory_space<hbm>>) target(%arg6 : memref<128x384xi32, #tpu.memory_space<vmem>>) offsets(%arg5 : memref<128xi32, #tpu.memory_space<vmem>>) semaphore(%arg7 : memref<!tpu.dma_semaphore, #tpu.memory_space<semaphore_mem>>)
    %dma_wait3A_30 = arith.constant 0 : i32
    %dma_wait3A_31 = arith.constant 0 : i32
    %dma_wait3A_32 = tpu.memref_slice %arg2[%dma_wait3A_30, %dma_wait3A_31] : memref<20480x384xi32, #tpu.memory_space<hbm>> -> memref<20480x384xi32, #tpu.memory_space<hbm>>
    tpu.wait_indirect_dma semaphore(%arg7 : memref<!tpu.dma_semaphore, #tpu.memory_space<semaphore_mem>>) src(%dma_wait3A_32 : memref<20480x384xi32, #tpu.memory_space<hbm>>) dst(%arg6 : memref<128x384xi32, #tpu.memory_space<vmem>>)
    "tpu.region"() ({
      %run_scoped3A = tpu.sem_alloc : memref<!tpu.dma_semaphore, #tpu.memory_space<semaphore_mem>>
      %dma_start3A_33 = arith.constant 0 : i32
      %dma_start3A_34 = tpu.memref_slice %arg4[%add3A_26, %dma_start3A_33] : memref<16384x384xi32, #tpu.memory_space<hbm>> -> memref<128x384xi32, #tpu.memory_space<hbm>>
      %dma_start3A_35 = arith.constant 0 : i32
      %dma_start3A_36 = tpu.memref_slice %arg4[%add3A_26, %dma_start3A_35] : memref<16384x384xi32, #tpu.memory_space<hbm>> -> memref<128x384xi32, #tpu.memory_space<hbm>>
      tpu.enqueue_dma source(%arg6 : memref<128x384xi32, #tpu.memory_space<vmem>>) target(%dma_start3A_36 : memref<128x384xi32, #tpu.memory_space<hbm>>) target_semaphore(%run_scoped3A : memref<!tpu.dma_semaphore, #tpu.memory_space<semaphore_mem>>)
      %dma_wait3A_37 = arith.constant 0 : i32
      %dma_wait3A_38 = tpu.memref_slice %arg4[%add3A_26, %dma_wait3A_37] : memref<16384x384xi32, #tpu.memory_space<hbm>> -> memref<128x384xi32, #tpu.memory_space<hbm>>
      %dma_wait3A_39 = arith.constant 0 : i32
      %dma_wait3A_40 = tpu.memref_slice %arg4[%add3A_26, %dma_wait3A_39] : memref<16384x384xi32, #tpu.memory_space<hbm>> -> memref<128x384xi32, #tpu.memory_space<hbm>>
      tpu.wait_dma2 semaphore(%run_scoped3A : memref<!tpu.dma_semaphore, #tpu.memory_space<semaphore_mem>>) src(%arg6 : memref<128x384xi32, #tpu.memory_space<vmem>>) dst(%dma_wait3A_40 : memref<128x384xi32, #tpu.memory_space<hbm>>)
      tpu.yield
    }) : () -> ()
    return
  }
}

#map = affine_map<(d0, d1) -> (0, 0)>
#map1 = affine_map<(d0, d1) -> (0)>
module attributes {stable_mosaic.version = 14 : i64} {
  func.func @_sc_scatter(%arg0: i32, %arg1: i32, %arg2: memref<16384x384xi32, #tpu.memory_space<hbm>>, %arg3: memref<16384xi32, #tpu.memory_space<hbm>>, %arg4: memref<20480x384xi32, #tpu.memory_space<hbm>>, %arg5: memref<128xi32, #tpu.memory_space<vmem>>, %arg6: memref<128x384xi32, #tpu.memory_space<vmem>>, %arg7: memref<!tpu.dma_semaphore, #tpu.memory_space<semaphore_mem>>) attributes {dimension_semantics = [#tpu.dimension_semantics<core_parallel>, #tpu.dimension_semantics<subcore_parallel>], iteration_bounds = array<i64: 2, 16>, scalar_prefetch = 0 : i64, scratch_operands = 3 : i64, tpu.core_type = #tpu.core_type<sc_vector_subcore>, window_params = [{transform_indices = #map}, {transform_indices = #map1}, {transform_indices = #map}]} {
    %mul3A = arith.constant 2 : i32
    %mul3A_0 = arith.muli %arg1, %mul3A : i32
    %add3A = arith.addi %mul3A_0, %arg0 : i32
    %mul3A_1 = arith.constant 512 : i32
    %mul3A_2 = arith.muli %add3A, %mul3A_1 : i32
    %add3A_3 = arith.constant 0 : i32
    %add3A_4 = arith.addi %mul3A_2, %add3A_3 : i32
    "tpu.region"() ({
      %run_scoped3A = tpu.sem_alloc : memref<!tpu.dma_semaphore, #tpu.memory_space<semaphore_mem>>
      %dma_start3A_33 = tpu.memref_slice %arg3[%add3A_4] : memref<16384xi32, #tpu.memory_space<hbm>> -> memref<128xi32, #tpu.memory_space<hbm>>
      %dma_start3A_34 = tpu.memref_slice %arg3[%add3A_4] : memref<16384xi32, #tpu.memory_space<hbm>> -> memref<128xi32, #tpu.memory_space<hbm>>
      tpu.enqueue_dma source(%dma_start3A_34 : memref<128xi32, #tpu.memory_space<hbm>>) target(%arg5 : memref<128xi32, #tpu.memory_space<vmem>>) target_semaphore(%run_scoped3A : memref<!tpu.dma_semaphore, #tpu.memory_space<semaphore_mem>>)
      %dma_wait3A_35 = tpu.memref_slice %arg3[%add3A_4] : memref<16384xi32, #tpu.memory_space<hbm>> -> memref<128xi32, #tpu.memory_space<hbm>>
      %dma_wait3A_36 = tpu.memref_slice %arg3[%add3A_4] : memref<16384xi32, #tpu.memory_space<hbm>> -> memref<128xi32, #tpu.memory_space<hbm>>
      tpu.wait_dma2 semaphore(%run_scoped3A : memref<!tpu.dma_semaphore, #tpu.memory_space<semaphore_mem>>) src(%dma_wait3A_36 : memref<128xi32, #tpu.memory_space<hbm>>) dst(%arg5 : memref<128xi32, #tpu.memory_space<vmem>>)
      tpu.yield
    }) : () -> ()
    "tpu.region"() ({
      %run_scoped3A = tpu.sem_alloc : memref<!tpu.dma_semaphore, #tpu.memory_space<semaphore_mem>>
      %dma_start3A_33 = arith.constant 0 : i32
      %dma_start3A_34 = tpu.memref_slice %arg2[%add3A_4, %dma_start3A_33] : memref<16384x384xi32, #tpu.memory_space<hbm>> -> memref<128x384xi32, #tpu.memory_space<hbm>>
      %dma_start3A_35 = arith.constant 0 : i32
      %dma_start3A_36 = tpu.memref_slice %arg2[%add3A_4, %dma_start3A_35] : memref<16384x384xi32, #tpu.memory_space<hbm>> -> memref<128x384xi32, #tpu.memory_space<hbm>>
      tpu.enqueue_dma source(%dma_start3A_36 : memref<128x384xi32, #tpu.memory_space<hbm>>) target(%arg6 : memref<128x384xi32, #tpu.memory_space<vmem>>) target_semaphore(%run_scoped3A : memref<!tpu.dma_semaphore, #tpu.memory_space<semaphore_mem>>)
      %dma_wait3A_37 = arith.constant 0 : i32
      %dma_wait3A_38 = tpu.memref_slice %arg2[%add3A_4, %dma_wait3A_37] : memref<16384x384xi32, #tpu.memory_space<hbm>> -> memref<128x384xi32, #tpu.memory_space<hbm>>
      %dma_wait3A_39 = arith.constant 0 : i32
      %dma_wait3A_40 = tpu.memref_slice %arg2[%add3A_4, %dma_wait3A_39] : memref<16384x384xi32, #tpu.memory_space<hbm>> -> memref<128x384xi32, #tpu.memory_space<hbm>>
      tpu.wait_dma2 semaphore(%run_scoped3A : memref<!tpu.dma_semaphore, #tpu.memory_space<semaphore_mem>>) src(%dma_wait3A_40 : memref<128x384xi32, #tpu.memory_space<hbm>>) dst(%arg6 : memref<128x384xi32, #tpu.memory_space<vmem>>)
      tpu.yield
    }) : () -> ()
    %dma_start3A = arith.constant 0 : i32
    %dma_start3A_5 = arith.constant 0 : i32
    %dma_start3A_6 = tpu.memref_slice %arg4[%dma_start3A, %dma_start3A_5] : memref<20480x384xi32, #tpu.memory_space<hbm>> -> memref<20480x384xi32, #tpu.memory_space<hbm>>
    tpu.enqueue_indirect_dma source(%arg6 : memref<128x384xi32, #tpu.memory_space<vmem>>) target(%dma_start3A_6 : memref<20480x384xi32, #tpu.memory_space<hbm>>) offsets(%arg5 : memref<128xi32, #tpu.memory_space<vmem>>) semaphore(%arg7 : memref<!tpu.dma_semaphore, #tpu.memory_space<semaphore_mem>>)
    %dma_wait3A = arith.constant 0 : i32
    %dma_wait3A_7 = arith.constant 0 : i32
    %dma_wait3A_8 = tpu.memref_slice %arg4[%dma_wait3A, %dma_wait3A_7] : memref<20480x384xi32, #tpu.memory_space<hbm>> -> memref<20480x384xi32, #tpu.memory_space<hbm>>
    tpu.wait_indirect_dma semaphore(%arg7 : memref<!tpu.dma_semaphore, #tpu.memory_space<semaphore_mem>>) src(%arg6 : memref<128x384xi32, #tpu.memory_space<vmem>>) dst(%dma_wait3A_8 : memref<20480x384xi32, #tpu.memory_space<hbm>>)
    %add3A_9 = arith.constant 128 : i32
    %add3A_10 = arith.addi %mul3A_2, %add3A_9 : i32
    "tpu.region"() ({
      %run_scoped3A = tpu.sem_alloc : memref<!tpu.dma_semaphore, #tpu.memory_space<semaphore_mem>>
      %dma_start3A_33 = tpu.memref_slice %arg3[%add3A_10] : memref<16384xi32, #tpu.memory_space<hbm>> -> memref<128xi32, #tpu.memory_space<hbm>>
      %dma_start3A_34 = tpu.memref_slice %arg3[%add3A_10] : memref<16384xi32, #tpu.memory_space<hbm>> -> memref<128xi32, #tpu.memory_space<hbm>>
      tpu.enqueue_dma source(%dma_start3A_34 : memref<128xi32, #tpu.memory_space<hbm>>) target(%arg5 : memref<128xi32, #tpu.memory_space<vmem>>) target_semaphore(%run_scoped3A : memref<!tpu.dma_semaphore, #tpu.memory_space<semaphore_mem>>)
      %dma_wait3A_35 = tpu.memref_slice %arg3[%add3A_10] : memref<16384xi32, #tpu.memory_space<hbm>> -> memref<128xi32, #tpu.memory_space<hbm>>
      %dma_wait3A_36 = tpu.memref_slice %arg3[%add3A_10] : memref<16384xi32, #tpu.memory_space<hbm>> -> memref<128xi32, #tpu.memory_space<hbm>>
      tpu.wait_dma2 semaphore(%run_scoped3A : memref<!tpu.dma_semaphore, #tpu.memory_space<semaphore_mem>>) src(%dma_wait3A_36 : memref<128xi32, #tpu.memory_space<hbm>>) dst(%arg5 : memref<128xi32, #tpu.memory_space<vmem>>)
      tpu.yield
    }) : () -> ()
    "tpu.region"() ({
      %run_scoped3A = tpu.sem_alloc : memref<!tpu.dma_semaphore, #tpu.memory_space<semaphore_mem>>
      %dma_start3A_33 = arith.constant 0 : i32
      %dma_start3A_34 = tpu.memref_slice %arg2[%add3A_10, %dma_start3A_33] : memref<16384x384xi32, #tpu.memory_space<hbm>> -> memref<128x384xi32, #tpu.memory_space<hbm>>
      %dma_start3A_35 = arith.constant 0 : i32
      %dma_start3A_36 = tpu.memref_slice %arg2[%add3A_10, %dma_start3A_35] : memref<16384x384xi32, #tpu.memory_space<hbm>> -> memref<128x384xi32, #tpu.memory_space<hbm>>
      tpu.enqueue_dma source(%dma_start3A_36 : memref<128x384xi32, #tpu.memory_space<hbm>>) target(%arg6 : memref<128x384xi32, #tpu.memory_space<vmem>>) target_semaphore(%run_scoped3A : memref<!tpu.dma_semaphore, #tpu.memory_space<semaphore_mem>>)
      %dma_wait3A_37 = arith.constant 0 : i32
      %dma_wait3A_38 = tpu.memref_slice %arg2[%add3A_10, %dma_wait3A_37] : memref<16384x384xi32, #tpu.memory_space<hbm>> -> memref<128x384xi32, #tpu.memory_space<hbm>>
      %dma_wait3A_39 = arith.constant 0 : i32
      %dma_wait3A_40 = tpu.memref_slice %arg2[%add3A_10, %dma_wait3A_39] : memref<16384x384xi32, #tpu.memory_space<hbm>> -> memref<128x384xi32, #tpu.memory_space<hbm>>
      tpu.wait_dma2 semaphore(%run_scoped3A : memref<!tpu.dma_semaphore, #tpu.memory_space<semaphore_mem>>) src(%dma_wait3A_40 : memref<128x384xi32, #tpu.memory_space<hbm>>) dst(%arg6 : memref<128x384xi32, #tpu.memory_space<vmem>>)
      tpu.yield
    }) : () -> ()
    %dma_start3A_11 = arith.constant 0 : i32
    %dma_start3A_12 = arith.constant 0 : i32
    %dma_start3A_13 = tpu.memref_slice %arg4[%dma_start3A_11, %dma_start3A_12] : memref<20480x384xi32, #tpu.memory_space<hbm>> -> memref<20480x384xi32, #tpu.memory_space<hbm>>
    tpu.enqueue_indirect_dma source(%arg6 : memref<128x384xi32, #tpu.memory_space<vmem>>) target(%dma_start3A_13 : memref<20480x384xi32, #tpu.memory_space<hbm>>) offsets(%arg5 : memref<128xi32, #tpu.memory_space<vmem>>) semaphore(%arg7 : memref<!tpu.dma_semaphore, #tpu.memory_space<semaphore_mem>>)
    %dma_wait3A_14 = arith.constant 0 : i32
    %dma_wait3A_15 = arith.constant 0 : i32
    %dma_wait3A_16 = tpu.memref_slice %arg4[%dma_wait3A_14, %dma_wait3A_15] : memref<20480x384xi32, #tpu.memory_space<hbm>> -> memref<20480x384xi32, #tpu.memory_space<hbm>>
    tpu.wait_indirect_dma semaphore(%arg7 : memref<!tpu.dma_semaphore, #tpu.memory_space<semaphore_mem>>) src(%arg6 : memref<128x384xi32, #tpu.memory_space<vmem>>) dst(%dma_wait3A_16 : memref<20480x384xi32, #tpu.memory_space<hbm>>)
    %add3A_17 = arith.constant 256 : i32
    %add3A_18 = arith.addi %mul3A_2, %add3A_17 : i32
    "tpu.region"() ({
      %run_scoped3A = tpu.sem_alloc : memref<!tpu.dma_semaphore, #tpu.memory_space<semaphore_mem>>
      %dma_start3A_33 = tpu.memref_slice %arg3[%add3A_18] : memref<16384xi32, #tpu.memory_space<hbm>> -> memref<128xi32, #tpu.memory_space<hbm>>
      %dma_start3A_34 = tpu.memref_slice %arg3[%add3A_18] : memref<16384xi32, #tpu.memory_space<hbm>> -> memref<128xi32, #tpu.memory_space<hbm>>
      tpu.enqueue_dma source(%dma_start3A_34 : memref<128xi32, #tpu.memory_space<hbm>>) target(%arg5 : memref<128xi32, #tpu.memory_space<vmem>>) target_semaphore(%run_scoped3A : memref<!tpu.dma_semaphore, #tpu.memory_space<semaphore_mem>>)
      %dma_wait3A_35 = tpu.memref_slice %arg3[%add3A_18] : memref<16384xi32, #tpu.memory_space<hbm>> -> memref<128xi32, #tpu.memory_space<hbm>>
      %dma_wait3A_36 = tpu.memref_slice %arg3[%add3A_18] : memref<16384xi32, #tpu.memory_space<hbm>> -> memref<128xi32, #tpu.memory_space<hbm>>
      tpu.wait_dma2 semaphore(%run_scoped3A : memref<!tpu.dma_semaphore, #tpu.memory_space<semaphore_mem>>) src(%dma_wait3A_36 : memref<128xi32, #tpu.memory_space<hbm>>) dst(%arg5 : memref<128xi32, #tpu.memory_space<vmem>>)
      tpu.yield
    }) : () -> ()
    "tpu.region"() ({
      %run_scoped3A = tpu.sem_alloc : memref<!tpu.dma_semaphore, #tpu.memory_space<semaphore_mem>>
      %dma_start3A_33 = arith.constant 0 : i32
      %dma_start3A_34 = tpu.memref_slice %arg2[%add3A_18, %dma_start3A_33] : memref<16384x384xi32, #tpu.memory_space<hbm>> -> memref<128x384xi32, #tpu.memory_space<hbm>>
      %dma_start3A_35 = arith.constant 0 : i32
      %dma_start3A_36 = tpu.memref_slice %arg2[%add3A_18, %dma_start3A_35] : memref<16384x384xi32, #tpu.memory_space<hbm>> -> memref<128x384xi32, #tpu.memory_space<hbm>>
      tpu.enqueue_dma source(%dma_start3A_36 : memref<128x384xi32, #tpu.memory_space<hbm>>) target(%arg6 : memref<128x384xi32, #tpu.memory_space<vmem>>) target_semaphore(%run_scoped3A : memref<!tpu.dma_semaphore, #tpu.memory_space<semaphore_mem>>)
      %dma_wait3A_37 = arith.constant 0 : i32
      %dma_wait3A_38 = tpu.memref_slice %arg2[%add3A_18, %dma_wait3A_37] : memref<16384x384xi32, #tpu.memory_space<hbm>> -> memref<128x384xi32, #tpu.memory_space<hbm>>
      %dma_wait3A_39 = arith.constant 0 : i32
      %dma_wait3A_40 = tpu.memref_slice %arg2[%add3A_18, %dma_wait3A_39] : memref<16384x384xi32, #tpu.memory_space<hbm>> -> memref<128x384xi32, #tpu.memory_space<hbm>>
      tpu.wait_dma2 semaphore(%run_scoped3A : memref<!tpu.dma_semaphore, #tpu.memory_space<semaphore_mem>>) src(%dma_wait3A_40 : memref<128x384xi32, #tpu.memory_space<hbm>>) dst(%arg6 : memref<128x384xi32, #tpu.memory_space<vmem>>)
      tpu.yield
    }) : () -> ()
    %dma_start3A_19 = arith.constant 0 : i32
    %dma_start3A_20 = arith.constant 0 : i32
    %dma_start3A_21 = tpu.memref_slice %arg4[%dma_start3A_19, %dma_start3A_20] : memref<20480x384xi32, #tpu.memory_space<hbm>> -> memref<20480x384xi32, #tpu.memory_space<hbm>>
    tpu.enqueue_indirect_dma source(%arg6 : memref<128x384xi32, #tpu.memory_space<vmem>>) target(%dma_start3A_21 : memref<20480x384xi32, #tpu.memory_space<hbm>>) offsets(%arg5 : memref<128xi32, #tpu.memory_space<vmem>>) semaphore(%arg7 : memref<!tpu.dma_semaphore, #tpu.memory_space<semaphore_mem>>)
    %dma_wait3A_22 = arith.constant 0 : i32
    %dma_wait3A_23 = arith.constant 0 : i32
    %dma_wait3A_24 = tpu.memref_slice %arg4[%dma_wait3A_22, %dma_wait3A_23] : memref<20480x384xi32, #tpu.memory_space<hbm>> -> memref<20480x384xi32, #tpu.memory_space<hbm>>
    tpu.wait_indirect_dma semaphore(%arg7 : memref<!tpu.dma_semaphore, #tpu.memory_space<semaphore_mem>>) src(%arg6 : memref<128x384xi32, #tpu.memory_space<vmem>>) dst(%dma_wait3A_24 : memref<20480x384xi32, #tpu.memory_space<hbm>>)
    %add3A_25 = arith.constant 384 : i32
    %add3A_26 = arith.addi %mul3A_2, %add3A_25 : i32
    "tpu.region"() ({
      %run_scoped3A = tpu.sem_alloc : memref<!tpu.dma_semaphore, #tpu.memory_space<semaphore_mem>>
      %dma_start3A_33 = tpu.memref_slice %arg3[%add3A_26] : memref<16384xi32, #tpu.memory_space<hbm>> -> memref<128xi32, #tpu.memory_space<hbm>>
      %dma_start3A_34 = tpu.memref_slice %arg3[%add3A_26] : memref<16384xi32, #tpu.memory_space<hbm>> -> memref<128xi32, #tpu.memory_space<hbm>>
      tpu.enqueue_dma source(%dma_start3A_34 : memref<128xi32, #tpu.memory_space<hbm>>) target(%arg5 : memref<128xi32, #tpu.memory_space<vmem>>) target_semaphore(%run_scoped3A : memref<!tpu.dma_semaphore, #tpu.memory_space<semaphore_mem>>)
      %dma_wait3A_35 = tpu.memref_slice %arg3[%add3A_26] : memref<16384xi32, #tpu.memory_space<hbm>> -> memref<128xi32, #tpu.memory_space<hbm>>
      %dma_wait3A_36 = tpu.memref_slice %arg3[%add3A_26] : memref<16384xi32, #tpu.memory_space<hbm>> -> memref<128xi32, #tpu.memory_space<hbm>>
      tpu.wait_dma2 semaphore(%run_scoped3A : memref<!tpu.dma_semaphore, #tpu.memory_space<semaphore_mem>>) src(%dma_wait3A_36 : memref<128xi32, #tpu.memory_space<hbm>>) dst(%arg5 : memref<128xi32, #tpu.memory_space<vmem>>)
      tpu.yield
    }) : () -> ()
    "tpu.region"() ({
      %run_scoped3A = tpu.sem_alloc : memref<!tpu.dma_semaphore, #tpu.memory_space<semaphore_mem>>
      %dma_start3A_33 = arith.constant 0 : i32
      %dma_start3A_34 = tpu.memref_slice %arg2[%add3A_26, %dma_start3A_33] : memref<16384x384xi32, #tpu.memory_space<hbm>> -> memref<128x384xi32, #tpu.memory_space<hbm>>
      %dma_start3A_35 = arith.constant 0 : i32
      %dma_start3A_36 = tpu.memref_slice %arg2[%add3A_26, %dma_start3A_35] : memref<16384x384xi32, #tpu.memory_space<hbm>> -> memref<128x384xi32, #tpu.memory_space<hbm>>
      tpu.enqueue_dma source(%dma_start3A_36 : memref<128x384xi32, #tpu.memory_space<hbm>>) target(%arg6 : memref<128x384xi32, #tpu.memory_space<vmem>>) target_semaphore(%run_scoped3A : memref<!tpu.dma_semaphore, #tpu.memory_space<semaphore_mem>>)
      %dma_wait3A_37 = arith.constant 0 : i32
      %dma_wait3A_38 = tpu.memref_slice %arg2[%add3A_26, %dma_wait3A_37] : memref<16384x384xi32, #tpu.memory_space<hbm>> -> memref<128x384xi32, #tpu.memory_space<hbm>>
      %dma_wait3A_39 = arith.constant 0 : i32
      %dma_wait3A_40 = tpu.memref_slice %arg2[%add3A_26, %dma_wait3A_39] : memref<16384x384xi32, #tpu.memory_space<hbm>> -> memref<128x384xi32, #tpu.memory_space<hbm>>
      tpu.wait_dma2 semaphore(%run_scoped3A : memref<!tpu.dma_semaphore, #tpu.memory_space<semaphore_mem>>) src(%dma_wait3A_40 : memref<128x384xi32, #tpu.memory_space<hbm>>) dst(%arg6 : memref<128x384xi32, #tpu.memory_space<vmem>>)
      tpu.yield
    }) : () -> ()
    %dma_start3A_27 = arith.constant 0 : i32
    %dma_start3A_28 = arith.constant 0 : i32
    %dma_start3A_29 = tpu.memref_slice %arg4[%dma_start3A_27, %dma_start3A_28] : memref<20480x384xi32, #tpu.memory_space<hbm>> -> memref<20480x384xi32, #tpu.memory_space<hbm>>
    tpu.enqueue_indirect_dma source(%arg6 : memref<128x384xi32, #tpu.memory_space<vmem>>) target(%dma_start3A_29 : memref<20480x384xi32, #tpu.memory_space<hbm>>) offsets(%arg5 : memref<128xi32, #tpu.memory_space<vmem>>) semaphore(%arg7 : memref<!tpu.dma_semaphore, #tpu.memory_space<semaphore_mem>>)
    %dma_wait3A_30 = arith.constant 0 : i32
    %dma_wait3A_31 = arith.constant 0 : i32
    %dma_wait3A_32 = tpu.memref_slice %arg4[%dma_wait3A_30, %dma_wait3A_31] : memref<20480x384xi32, #tpu.memory_space<hbm>> -> memref<20480x384xi32, #tpu.memory_space<hbm>>
    tpu.wait_indirect_dma semaphore(%arg7 : memref<!tpu.dma_semaphore, #tpu.memory_space<semaphore_mem>>) src(%arg6 : memref<128x384xi32, #tpu.memory_space<vmem>>) dst(%dma_wait3A_32 : memref<20480x384xi32, #tpu.memory_space<hbm>>)
    return
  }
}

module attributes {stable_mosaic.version = 14 : i64} {
  func.func @_routing_body(%arg0: i32, %arg1: memref<1x1xf32, #tpu.memory_space<smem>>, %arg2: memref<256x2x768xf32, #tpu.memory_space<vmem>>, %arg3: memref<768x8xf32, #tpu.memory_space<vmem>>, %arg4: memref<1x8xf32, #tpu.memory_space<vmem>>, %arg5: memref<1x768xf32, #tpu.memory_space<vmem>>, %arg6: memref<768x8xf32, #tpu.memory_space<vmem>>, %arg7: memref<1x8xf32, #tpu.memory_space<vmem>>, %arg8: memref<512x384xi32, #tpu.memory_space<vmem>>, %arg9: memref<32x1x512xi32, #tpu.memory_space<vmem>>, %arg10: memref<1x128xi32, #tpu.memory_space<vmem>>, %arg11: memref<1x1xf32, #tpu.memory_space<smem>>, %arg12: memref<1x8xf32, #tpu.memory_space<vmem>>, %arg13: memref<1x8xf32, #tpu.memory_space<vmem>>, %arg14: memref<32x1x512xi32, #tpu.memory_space<vmem>>, %arg15: memref<32x1x512xi32, #tpu.memory_space<vmem>>) attributes {dimension_semantics = [#tpu.dimension_semantics<arbitrary>], iteration_bounds = array<i64: 32>, scalar_prefetch = 0 : i64, scratch_operands = 4 : i64, tpu.core_type = #tpu.core_type<tc>, window_params = [{transform_indices = @transform_0, window_bounds = array<i64: 1, 1>}, {transform_indices = @transform_1, window_bounds = array<i64: 256, 2, 768>}, {pipeline_mode = #tpu.pipeline_mode<synchronous>, transform_indices = @transform_2, window_bounds = array<i64: 768, 8>}, {pipeline_mode = #tpu.pipeline_mode<synchronous>, transform_indices = @transform_3, window_bounds = array<i64: 1, 8>}, {pipeline_mode = #tpu.pipeline_mode<synchronous>, transform_indices = @transform_4, window_bounds = array<i64: 1, 768>}, {pipeline_mode = #tpu.pipeline_mode<synchronous>, transform_indices = @transform_5, window_bounds = array<i64: 768, 8>}, {pipeline_mode = #tpu.pipeline_mode<synchronous>, transform_indices = @transform_6, window_bounds = array<i64: 1, 8>}, {transform_indices = @transform_7, window_bounds = array<i64: 512, 384>}, {pipeline_mode = #tpu.pipeline_mode<synchronous>, transform_indices = @transform_8, window_bounds = array<i64: 32, 1, 512>}, {pipeline_mode = #tpu.pipeline_mode<synchronous>, transform_indices = @transform_9, window_bounds = array<i64: 1, 128>}, {transform_indices = @transform_10, window_bounds = array<i64: 1, 1>}]} {
    %get3A = arith.constant 0 : index
    %get3A_0 = arith.constant 0 : index
    %get3A_1 = memref.load %arg1[%get3A, %get3A_0] : memref<1x1xf32, #tpu.memory_space<smem>>
    %get3A_2 = arith.constant 0 : index
    %get3A_3 = arith.constant 0 : index
    %get3A_4 = arith.constant 0 : index
    %get3A_5 = vector.load %arg2[%get3A_2, %get3A_3, %get3A_4] : memref<256x2x768xf32, #tpu.memory_space<vmem>>, vector<256x2x768xf32>
    %reshape3A = vector.shape_cast %get3A_5 : vector<256x2x768xf32> to vector<512x768xf32>
    %convert_element_type3A = arith.truncf %reshape3A : vector<512x768xf32> to vector<512x768xbf16>
    %slice3A = vector.extract_strided_slice %convert_element_type3A {offsets = [0, 0], sizes = [512, 384], strides = [1, 1]} : vector<512x768xbf16> to vector<512x384xbf16>
    %bitcast_convert_type3A = tpu.bitcast %slice3A : vector<512x384xbf16> -> vector<512x384xi16>
    %convert_element_type3A_6 = arith.extui %bitcast_convert_type3A : vector<512x384xi16> to vector<512x384xi32>
    %slice3A_7 = vector.extract_strided_slice %convert_element_type3A {offsets = [0, 384], sizes = [512, 384], strides = [1, 1]} : vector<512x768xbf16> to vector<512x384xbf16>
    %bitcast_convert_type3A_8 = tpu.bitcast %slice3A_7 : vector<512x384xbf16> -> vector<512x384xi16>
    %convert_element_type3A_9 = arith.extui %bitcast_convert_type3A_8 : vector<512x384xi16> to vector<512x384xi32>
    %shift_left3A = arith.constant 16 : i32
    %shift_left3A_10 = vector.broadcast %shift_left3A : i32 to vector<512x384xi32>
    %shift_left3A_11 = arith.shli %convert_element_type3A_6, %shift_left3A_10 : vector<512x384xi32>
    %or3A = arith.ori %shift_left3A_11, %convert_element_type3A_9 : vector<512x384xi32>
    %swap3A = arith.constant 0 : index
    %swap3A_12 = arith.constant 0 : index
    %swap3A_13 = vector.load %arg8[%swap3A, %swap3A_12] : memref<512x384xi32, #tpu.memory_space<vmem>>, vector<512x384xi32>
    tpu.vector_store %arg8[%swap3A, %swap3A_12], %or3A {strides = array<i32>} : memref<512x384xi32, #tpu.memory_space<vmem>>, vector<512x384xi32>,
    %get3A_14 = arith.constant 0 : index
    %get3A_15 = arith.constant 0 : index
    %get3A_16 = vector.load %arg5[%get3A_14, %get3A_15] : memref<1x768xf32, #tpu.memory_space<vmem>>, vector<1x768xf32>
    %get3A_17 = arith.constant 0 : index
    %get3A_18 = arith.constant 0 : index
    %get3A_19 = vector.load %arg6[%get3A_17, %get3A_18] : memref<768x8xf32, #tpu.memory_space<vmem>>, vector<768x8xf32>
    %dot_general3A = arith.constant dense<0.000000e+00> : vector<1x8xf32>
    %dot_general3A_20 = tpu.matmul %get3A_16, %get3A_19, %dot_general3A {dimension_numbers = #tpu.dot_dimension_numbers<[1], [0], [0], [1], [0, 0, 1, 1], [], []>, transpose_lhs_hint = false} : vector<1x768xf32>, vector<768x8xf32>, vector<1x8xf32> -> vector<1x8xf32>
    %get3A_21 = arith.constant 0 : index
    %get3A_22 = arith.constant 0 : index
    %get3A_23 = vector.load %arg7[%get3A_21, %get3A_22] : memref<1x8xf32, #tpu.memory_space<vmem>>, vector<1x8xf32>
    %add3A = arith.addf %dot_general3A_20, %get3A_23 : vector<1x8xf32>
    %sub3A = arith.constant 1.000000e+00 : f32
    %sub3A_24 = arith.subf %sub3A, %get3A_1 : f32
    %get3A_25 = arith.constant 0 : index
    %get3A_26 = arith.constant 0 : index
    %get3A_27 = vector.load %arg3[%get3A_25, %get3A_26] : memref<768x8xf32, #tpu.memory_space<vmem>>, vector<768x8xf32>
    %dot_general3A_28 = arith.constant dense<0.000000e+00> : vector<512x8xf32>
    %dot_general3A_29 = tpu.matmul %reshape3A, %get3A_27, %dot_general3A_28 {dimension_numbers = #tpu.dot_dimension_numbers<[1], [0], [0], [1], [0, 0, 1, 1], [], []>, transpose_lhs_hint = false} : vector<512x768xf32>, vector<768x8xf32>, vector<512x8xf32> -> vector<512x8xf32>
    %get3A_30 = arith.constant 0 : index
    %get3A_31 = arith.constant 0 : index
    %get3A_32 = vector.load %arg4[%get3A_30, %get3A_31] : memref<1x8xf32, #tpu.memory_space<vmem>>, vector<1x8xf32>
    %add3A_33 = vector.broadcast %get3A_32 : vector<1x8xf32> to vector<512x8xf32>
    %add3A_34 = arith.addf %dot_general3A_29, %add3A_33 : vector<512x8xf32>
    %mul3A = vector.broadcast %sub3A_24 : f32 to vector<512x8xf32>
    %mul3A_35 = arith.mulf %mul3A, %add3A_34 : vector<512x8xf32>
    %mul3A_36 = vector.broadcast %get3A_1 : f32 to vector<1x8xf32>
    %mul3A_37 = arith.mulf %mul3A_36, %add3A : vector<1x8xf32>
    %add3A_38 = vector.broadcast %mul3A_37 : vector<1x8xf32> to vector<512x8xf32>
    %add3A_39 = arith.addf %mul3A_35, %add3A_38 : vector<512x8xf32>
    %is_finite3A = tpu.weird %add3A_39 : vector<512x8xf32> -> vector<512x8xi1>
    %is_finite3A_40 = arith.constant dense<true> : vector<512x8xi1>
    %is_finite3A_41 = arith.xori %is_finite3A, %is_finite3A_40 : vector<512x8xi1>
    %jit3A = arith.constant 0.000000e+00 : f32
    %broadcast_in_dim3A = vector.broadcast %jit3A : f32 to vector<512x8xf32>
    %select_n3A = arith.select %is_finite3A_41, %add3A_39, %broadcast_in_dim3A : vector<512x8xi1>, vector<512x8xf32>
    %reduce_max3A = arith.constant dense<0xFF800000> : vector<512xf32>
    %reduce_max3A_42 = vector.multi_reduction <maximumf>, %select_n3A, %reduce_max3A [1] : vector<512x8xf32> to vector<512xf32>
    %broadcast_in_dim3A_43 = vector.shape_cast %reduce_max3A_42 : vector<512xf32> to vector<512x1xf32>
    %iota3A = tpu.iota {dimensions = array<i32: 1>} : vector<512x8xi32>
    %eq3A = vector.broadcast %broadcast_in_dim3A_43 : vector<512x1xf32> to vector<512x8xf32>
    %eq3A_44 = arith.cmpf oeq, %select_n3A, %eq3A : vector<512x8xf32>
    %jit3A_45 = arith.constant 8 : i32
    %broadcast_in_dim3A_46 = vector.broadcast %jit3A_45 : i32 to vector<512x8xi32>
    %select_n3A_47 = arith.select %eq3A_44, %iota3A, %broadcast_in_dim3A_46 : vector<512x8xi1>, vector<512x8xi32>
    %reduce_min3A = arith.constant dense<2147483647> : vector<512xi32>
    %reduce_min3A_48 = vector.multi_reduction <minsi>, %select_n3A_47, %reduce_min3A [1] : vector<512x8xi32> to vector<512xi32>
    %broadcast_in_dim3A_49 = vector.shape_cast %reduce_min3A_48 : vector<512xi32> to vector<512x1xi32>
    %eq3A_50 = vector.broadcast %broadcast_in_dim3A_49 : vector<512x1xi32> to vector<512x8xi32>
    %eq3A_51 = arith.cmpi eq, %iota3A, %eq3A_50 : vector<512x8xi32>
    %convert_element_type3A_52 = arith.extui %eq3A_51 : vector<512x8xi1> to vector<512x8xi32>
    %convert_element_type3A_53 = arith.sitofp %convert_element_type3A_52 : vector<512x8xi32> to vector<512x8xf32>
    %sub3A_54 = vector.broadcast %broadcast_in_dim3A_43 : vector<512x1xf32> to vector<512x8xf32>
    %sub3A_55 = arith.subf %select_n3A, %sub3A_54 : vector<512x8xf32>
    %exp3A = math.exp %sub3A_55 : vector<512x8xf32>
    %reduce_sum3A = arith.constant dense<0.000000e+00> : vector<512xf32>
    %reduce_sum3A_56 = vector.multi_reduction <add>, %exp3A, %reduce_sum3A [1] : vector<512x8xf32> to vector<512xf32>
    %broadcast_in_dim3A_57 = vector.shape_cast %reduce_sum3A_56 : vector<512xf32> to vector<512x1xf32>
    %div3A = vector.broadcast %broadcast_in_dim3A_57 : vector<512x1xf32> to vector<512x8xf32>
    %div3A_58 = arith.divf %exp3A, %div3A : vector<512x8xf32>
    %eq3A_59 = arith.constant 0 : i32
    %eq3A_60 = arith.cmpi eq, %arg0, %eq3A_59 : i32
    %convert_element_type3A_61 = arith.extui %eq3A_60 : i1 to i32
    %cond3A = arith.constant 0 : i32
    %cond3A_62 = arith.cmpi ne, %convert_element_type3A_61, %cond3A : i32
    scf.if %cond3A_62 {
      %broadcast_in_dim3A_118 = arith.constant 0.000000e+00 : f32
      %broadcast_in_dim3A_119 = vector.broadcast %broadcast_in_dim3A_118 : f32 to vector<1x8xf32>
      %swap3A_120 = arith.constant 0 : index
      %swap3A_121 = arith.constant 0 : index
      %swap3A_122 = vector.load %arg12[%swap3A_120, %swap3A_121] : memref<1x8xf32, #tpu.memory_space<vmem>>, vector<1x8xf32>
      tpu.vector_store %arg12[%swap3A_120, %swap3A_121], %broadcast_in_dim3A_119 {strides = array<i32>} : memref<1x8xf32, #tpu.memory_space<vmem>>, vector<1x8xf32>,
      %broadcast_in_dim3A_123 = arith.constant 0.000000e+00 : f32
      %broadcast_in_dim3A_124 = vector.broadcast %broadcast_in_dim3A_123 : f32 to vector<1x8xf32>
      %swap3A_125 = arith.constant 0 : index
      %swap3A_126 = arith.constant 0 : index
      %swap3A_127 = vector.load %arg13[%swap3A_125, %swap3A_126] : memref<1x8xf32, #tpu.memory_space<vmem>>, vector<1x8xf32>
      tpu.vector_store %arg13[%swap3A_125, %swap3A_126], %broadcast_in_dim3A_124 {strides = array<i32>} : memref<1x8xf32, #tpu.memory_space<vmem>>, vector<1x8xf32>,
    } else {
    }
    %iota3A_63 = tpu.iota {dimensions = array<i32: 0>} : vector<512x512xi32>
    %iota3A_64 = tpu.iota {dimensions = array<i32: 1>} : vector<512x512xi32>
    %gt3A = arith.cmpi sgt, %iota3A_63, %iota3A_64 : vector<512x512xi32>
    %convert_element_type3A_65 = arith.extui %gt3A : vector<512x512xi1> to vector<512x512xi32>
    %convert_element_type3A_66 = arith.sitofp %convert_element_type3A_65 : vector<512x512xi32> to vector<512x512xf32>
    %dot_general3A_67 = arith.constant dense<0.000000e+00> : vector<512x8xf32>
    %dot_general3A_68 = tpu.matmul %convert_element_type3A_66, %convert_element_type3A_53, %dot_general3A_67 {dimension_numbers = #tpu.dot_dimension_numbers<[1], [0], [0], [1], [0, 0, 1, 1], [], []>, transpose_lhs_hint = false} : vector<512x512xf32>, vector<512x8xf32>, vector<512x8xf32> -> vector<512x8xf32>
    %get3A_69 = arith.constant 0 : index
    %get3A_70 = arith.constant 0 : index
    %get3A_71 = vector.load %arg13[%get3A_69, %get3A_70] : memref<1x8xf32, #tpu.memory_space<vmem>>, vector<1x8xf32>
    %add3A_72 = vector.broadcast %get3A_71 : vector<1x8xf32> to vector<512x8xf32>
    %add3A_73 = arith.addf %add3A_72, %dot_general3A_68 : vector<512x8xf32>
    %mul3A_74 = arith.mulf %convert_element_type3A_53, %add3A_73 : vector<512x8xf32>
    %reduce_sum3A_75 = arith.constant dense<0.000000e+00> : vector<512xf32>
    %reduce_sum3A_76 = vector.multi_reduction <add>, %mul3A_74, %reduce_sum3A_75 [1] : vector<512x8xf32> to vector<512xf32>
    %broadcast_in_dim3A_77 = vector.shape_cast %reduce_sum3A_76 : vector<512xf32> to vector<512x1xf32>
    %reshape3A_78 = vector.shape_cast %broadcast_in_dim3A_49 : vector<512x1xi32> to vector<1x512xi32>
    %swap3A_79 = arith.index_cast %arg0 : i32 to index
    %swap3A_80 = arith.constant 0 : index
    %swap3A_81 = arith.constant 0 : index
    %swap3A_82 = vector.load %arg14[%swap3A_79, %swap3A_80, %swap3A_81] : memref<32x1x512xi32, #tpu.memory_space<vmem>>, vector<1x1x512xi32>
    %swap3A_83 = vector.shape_cast %swap3A_82 : vector<1x1x512xi32> to vector<1x512xi32>
    %swap3A_84 = vector.shape_cast %reshape3A_78 : vector<1x512xi32> to vector<1x1x512xi32>
    tpu.vector_store %arg14[%swap3A_79, %swap3A_80, %swap3A_81], %swap3A_84 {strides = array<i32>} : memref<32x1x512xi32, #tpu.memory_space<vmem>>, vector<1x1x512xi32>,
    %convert_element_type3A_85 = arith.fptosi %broadcast_in_dim3A_77 : vector<512x1xf32> to vector<512x1xi32>
    %reshape3A_86 = vector.shape_cast %convert_element_type3A_85 : vector<512x1xi32> to vector<1x512xi32>
    %swap3A_87 = arith.index_cast %arg0 : i32 to index
    %swap3A_88 = arith.constant 0 : index
    %swap3A_89 = arith.constant 0 : index
    %swap3A_90 = vector.load %arg15[%swap3A_87, %swap3A_88, %swap3A_89] : memref<32x1x512xi32, #tpu.memory_space<vmem>>, vector<1x1x512xi32>
    %swap3A_91 = vector.shape_cast %swap3A_90 : vector<1x1x512xi32> to vector<1x512xi32>
    %swap3A_92 = vector.shape_cast %reshape3A_86 : vector<1x512xi32> to vector<1x1x512xi32>
    tpu.vector_store %arg15[%swap3A_87, %swap3A_88, %swap3A_89], %swap3A_92 {strides = array<i32>} : memref<32x1x512xi32, #tpu.memory_space<vmem>>, vector<1x1x512xi32>,
    %get3A_93 = arith.constant 0 : index
    %get3A_94 = arith.constant 0 : index
    %get3A_95 = vector.load %arg12[%get3A_93, %get3A_94] : memref<1x8xf32, #tpu.memory_space<vmem>>, vector<1x8xf32>
    %reduce_sum3A_96 = arith.constant dense<0.000000e+00> : vector<8xf32>
    %reduce_sum3A_97 = vector.multi_reduction <add>, %div3A_58, %reduce_sum3A_96 [0] : vector<512x8xf32> to vector<8xf32>
    %broadcast_in_dim3A_98 = vector.shape_cast %reduce_sum3A_97 : vector<8xf32> to vector<1x8xf32>
    %add3A_99 = arith.addf %get3A_95, %broadcast_in_dim3A_98 : vector<1x8xf32>
    %swap3A_100 = arith.constant 0 : index
    %swap3A_101 = arith.constant 0 : index
    %swap3A_102 = vector.load %arg12[%swap3A_100, %swap3A_101] : memref<1x8xf32, #tpu.memory_space<vmem>>, vector<1x8xf32>
    tpu.vector_store %arg12[%swap3A_100, %swap3A_101], %add3A_99 {strides = array<i32>} : memref<1x8xf32, #tpu.memory_space<vmem>>, vector<1x8xf32>,
    %get3A_103 = arith.constant 0 : index
    %get3A_104 = arith.constant 0 : index
    %get3A_105 = vector.load %arg13[%get3A_103, %get3A_104] : memref<1x8xf32, #tpu.memory_space<vmem>>, vector<1x8xf32>
    %reduce_sum3A_106 = arith.constant dense<0.000000e+00> : vector<8xf32>
    %reduce_sum3A_107 = vector.multi_reduction <add>, %convert_element_type3A_53, %reduce_sum3A_106 [0] : vector<512x8xf32> to vector<8xf32>
    %broadcast_in_dim3A_108 = vector.shape_cast %reduce_sum3A_107 : vector<8xf32> to vector<1x8xf32>
    %add3A_109 = arith.addf %get3A_105, %broadcast_in_dim3A_108 : vector<1x8xf32>
    %swap3A_110 = arith.constant 0 : index
    %swap3A_111 = arith.constant 0 : index
    %swap3A_112 = vector.load %arg13[%swap3A_110, %swap3A_111] : memref<1x8xf32, #tpu.memory_space<vmem>>, vector<1x8xf32>
    tpu.vector_store %arg13[%swap3A_110, %swap3A_111], %add3A_109 {strides = array<i32>} : memref<1x8xf32, #tpu.memory_space<vmem>>, vector<1x8xf32>,
    %eq3A_113 = arith.constant 31 : i32
    %eq3A_114 = arith.cmpi eq, %arg0, %eq3A_113 : i32
    %convert_element_type3A_115 = arith.extui %eq3A_114 : i1 to i32
    %cond3A_116 = arith.constant 0 : i32
    %cond3A_117 = arith.cmpi ne, %convert_element_type3A_115, %cond3A_116 : i32
    scf.if %cond3A_117 {
      %get3A_118 = arith.constant 0 : index
      %get3A_119 = arith.constant 0 : index
      %get3A_120 = vector.load %arg12[%get3A_118, %get3A_119] : memref<1x8xf32, #tpu.memory_space<vmem>>, vector<1x8xf32>
      %get3A_121 = arith.constant 0 : index
      %get3A_122 = arith.constant 0 : index
      %get3A_123 = vector.load %arg13[%get3A_121, %get3A_122] : memref<1x8xf32, #tpu.memory_space<vmem>>, vector<1x8xf32>
      %mul3A_124 = arith.mulf %get3A_120, %get3A_123 : vector<1x8xf32>
      %reduce_sum3A_125 = vector.shape_cast %mul3A_124 : vector<1x8xf32> to vector<1x1x8xf32>
      %reduce_sum3A_126 = arith.constant dense<0.000000e+00> : vector<1xf32>
      %reduce_sum3A_127 = vector.multi_reduction <add>, %reduce_sum3A_125, %reduce_sum3A_126 [1, 2] : vector<1x1x8xf32> to vector<1xf32>
      %reduce_sum3A_128 = vector.shape_cast %reduce_sum3A_127 : vector<1xf32> to vector<1x1x1xf32>
      %reduce_sum3A_129 = vector.extract %reduce_sum3A_128[0, 0, 0] : f32 from vector<1x1x1xf32>
      %div3A_130 = arith.constant 0x4D800000 : f32
      %div3A_131 = arith.divf %reduce_sum3A_129, %div3A_130 : f32
      %swap3A_132 = arith.constant 0 : index
      %swap3A_133 = arith.constant 0 : index
      %swap3A_134 = memref.load %arg11[%swap3A_132, %swap3A_133] : memref<1x1xf32, #tpu.memory_space<smem>>
      memref.store %div3A_131, %arg11[%swap3A_132, %swap3A_133] : memref<1x1xf32, #tpu.memory_space<smem>>
      %iota3A_135 = tpu.iota {dimensions = array<i32: 1>} : vector<1x8xi32>
      %eq3A_136 = arith.constant 0 : i32
      %eq3A_137 = vector.broadcast %eq3A_136 : i32 to vector<1x8xi32>
      %eq3A_138 = arith.cmpi eq, %iota3A_135, %eq3A_137 : vector<1x8xi32>
      %get3A_139 = arith.constant 0 : index
      %get3A_140 = arith.constant 0 : index
      %get3A_141 = vector.load %arg13[%get3A_139, %get3A_140] : memref<1x8xf32, #tpu.memory_space<vmem>>, vector<1x8xf32>
      %jit3A_142 = arith.constant 0.000000e+00 : f32
      %broadcast_in_dim3A_143 = vector.broadcast %jit3A_142 : f32 to vector<1x8xf32>
      %select_n3A_144 = arith.select %eq3A_138, %get3A_141, %broadcast_in_dim3A_143 : vector<1x8xi1>, vector<1x8xf32>
      %reduce_sum3A_145 = vector.shape_cast %select_n3A_144 : vector<1x8xf32> to vector<1x1x8xf32>
      %reduce_sum3A_146 = arith.constant dense<0.000000e+00> : vector<1xf32>
      %reduce_sum3A_147 = vector.multi_reduction <add>, %reduce_sum3A_145, %reduce_sum3A_146 [1, 2] : vector<1x1x8xf32> to vector<1xf32>
      %reduce_sum3A_148 = vector.shape_cast %reduce_sum3A_147 : vector<1xf32> to vector<1x1x1xf32>
      %reduce_sum3A_149 = vector.extract %reduce_sum3A_148[0, 0, 0] : f32 from vector<1x1x1xf32>
      %convert_element_type3A_150 = arith.fptosi %reduce_sum3A_149 : f32 to i32
      %add3A_151 = arith.constant 512 : i32
      %add3A_152 = arith.addi %convert_element_type3A_150, %add3A_151 : i32
      %sub3A_153 = arith.constant 1 : i32
      %sub3A_154 = arith.subi %add3A_152, %sub3A_153 : i32
      %jit3A_155 = arith.constant 512 : i32
      %div3A_156 = arith.divsi %sub3A_154, %jit3A_155 : i32
      %sign3A = arith.constant 0 : i32
      %sign3A_157 = arith.cmpi sgt, %sub3A_154, %sign3A : i32
      %sign3A_158 = arith.extui %sign3A_157 : i1 to i32
      %sign3A_159 = arith.constant 0 : i32
      %sign3A_160 = arith.cmpi slt, %sub3A_154, %sign3A_159 : i32
      %sign3A_161 = arith.extui %sign3A_160 : i1 to i32
      %sign3A_162 = arith.subi %sign3A_158, %sign3A_161 : i32
      %sign3A_163 = arith.constant 0 : i32
      %sign3A_164 = arith.cmpi sgt, %jit3A_155, %sign3A_163 : i32
      %sign3A_165 = arith.extui %sign3A_164 : i1 to i32
      %sign3A_166 = arith.constant 0 : i32
      %sign3A_167 = arith.cmpi slt, %jit3A_155, %sign3A_166 : i32
      %sign3A_168 = arith.extui %sign3A_167 : i1 to i32
      %sign3A_169 = arith.subi %sign3A_165, %sign3A_168 : i32
      %ne3A = arith.cmpi ne, %sign3A_162, %sign3A_169 : i32
      %rem3A = arith.remsi %sub3A_154, %jit3A_155 : i32
      %ne3A_170 = arith.constant 0 : i32
      %ne3A_171 = arith.cmpi ne, %rem3A, %ne3A_170 : i32
      %and3A = arith.andi %ne3A, %ne3A_171 : i1
      %sub3A_172 = arith.constant 1 : i32
      %sub3A_173 = arith.subi %div3A_156, %sub3A_172 : i32
      %select_n3A_174 = arith.select %and3A, %sub3A_173, %div3A_156 : i32
      %mul3A_175 = arith.constant 512 : i32
      %mul3A_176 = arith.muli %select_n3A_174, %mul3A_175 : i32
      %add3A_177 = arith.constant 0 : i32
      %add3A_178 = arith.addi %add3A_177, %mul3A_176 : i32
      %eq3A_179 = arith.constant 1 : i32
      %eq3A_180 = vector.broadcast %eq3A_179 : i32 to vector<1x8xi32>
      %eq3A_181 = arith.cmpi eq, %iota3A_135, %eq3A_180 : vector<1x8xi32>
      %get3A_182 = arith.constant 0 : index
      %get3A_183 = arith.constant 0 : index
      %get3A_184 = vector.load %arg13[%get3A_182, %get3A_183] : memref<1x8xf32, #tpu.memory_space<vmem>>, vector<1x8xf32>
      %jit3A_185 = arith.constant 0.000000e+00 : f32
      %broadcast_in_dim3A_186 = vector.broadcast %jit3A_185 : f32 to vector<1x8xf32>
      %select_n3A_187 = arith.select %eq3A_181, %get3A_184, %broadcast_in_dim3A_186 : vector<1x8xi1>, vector<1x8xf32>
      %reduce_sum3A_188 = vector.shape_cast %select_n3A_187 : vector<1x8xf32> to vector<1x1x8xf32>
      %reduce_sum3A_189 = arith.constant dense<0.000000e+00> : vector<1xf32>
      %reduce_sum3A_190 = vector.multi_reduction <add>, %reduce_sum3A_188, %reduce_sum3A_189 [1, 2] : vector<1x1x8xf32> to vector<1xf32>
      %reduce_sum3A_191 = vector.shape_cast %reduce_sum3A_190 : vector<1xf32> to vector<1x1x1xf32>
      %reduce_sum3A_192 = vector.extract %reduce_sum3A_191[0, 0, 0] : f32 from vector<1x1x1xf32>
      %convert_element_type3A_193 = arith.fptosi %reduce_sum3A_192 : f32 to i32
      %add3A_194 = arith.constant 512 : i32
      %add3A_195 = arith.addi %convert_element_type3A_193, %add3A_194 : i32
      %sub3A_196 = arith.constant 1 : i32
      %sub3A_197 = arith.subi %add3A_195, %sub3A_196 : i32
      %jit3A_198 = arith.constant 512 : i32
      %div3A_199 = arith.divsi %sub3A_197, %jit3A_198 : i32
      %sign3A_200 = arith.constant 0 : i32
      %sign3A_201 = arith.cmpi sgt, %sub3A_197, %sign3A_200 : i32
      %sign3A_202 = arith.extui %sign3A_201 : i1 to i32
      %sign3A_203 = arith.constant 0 : i32
      %sign3A_204 = arith.cmpi slt, %sub3A_197, %sign3A_203 : i32
      %sign3A_205 = arith.extui %sign3A_204 : i1 to i32
      %sign3A_206 = arith.subi %sign3A_202, %sign3A_205 : i32
      %sign3A_207 = arith.constant 0 : i32
      %sign3A_208 = arith.cmpi sgt, %jit3A_198, %sign3A_207 : i32
      %sign3A_209 = arith.extui %sign3A_208 : i1 to i32
      %sign3A_210 = arith.constant 0 : i32
      %sign3A_211 = arith.cmpi slt, %jit3A_198, %sign3A_210 : i32
      %sign3A_212 = arith.extui %sign3A_211 : i1 to i32
      %sign3A_213 = arith.subi %sign3A_209, %sign3A_212 : i32
      %ne3A_214 = arith.cmpi ne, %sign3A_206, %sign3A_213 : i32
      %rem3A_215 = arith.remsi %sub3A_197, %jit3A_198 : i32
      %ne3A_216 = arith.constant 0 : i32
      %ne3A_217 = arith.cmpi ne, %rem3A_215, %ne3A_216 : i32
      %and3A_218 = arith.andi %ne3A_214, %ne3A_217 : i1
      %sub3A_219 = arith.constant 1 : i32
      %sub3A_220 = arith.subi %div3A_199, %sub3A_219 : i32
      %select_n3A_221 = arith.select %and3A_218, %sub3A_220, %div3A_199 : i32
      %mul3A_222 = arith.constant 512 : i32
      %mul3A_223 = arith.muli %select_n3A_221, %mul3A_222 : i32
      %add3A_224 = arith.addi %add3A_178, %mul3A_223 : i32
      %eq3A_225 = arith.constant 2 : i32
      %eq3A_226 = vector.broadcast %eq3A_225 : i32 to vector<1x8xi32>
      %eq3A_227 = arith.cmpi eq, %iota3A_135, %eq3A_226 : vector<1x8xi32>
      %get3A_228 = arith.constant 0 : index
      %get3A_229 = arith.constant 0 : index
      %get3A_230 = vector.load %arg13[%get3A_228, %get3A_229] : memref<1x8xf32, #tpu.memory_space<vmem>>, vector<1x8xf32>
      %jit3A_231 = arith.constant 0.000000e+00 : f32
      %broadcast_in_dim3A_232 = vector.broadcast %jit3A_231 : f32 to vector<1x8xf32>
      %select_n3A_233 = arith.select %eq3A_227, %get3A_230, %broadcast_in_dim3A_232 : vector<1x8xi1>, vector<1x8xf32>
      %reduce_sum3A_234 = vector.shape_cast %select_n3A_233 : vector<1x8xf32> to vector<1x1x8xf32>
      %reduce_sum3A_235 = arith.constant dense<0.000000e+00> : vector<1xf32>
      %reduce_sum3A_236 = vector.multi_reduction <add>, %reduce_sum3A_234, %reduce_sum3A_235 [1, 2] : vector<1x1x8xf32> to vector<1xf32>
      %reduce_sum3A_237 = vector.shape_cast %reduce_sum3A_236 : vector<1xf32> to vector<1x1x1xf32>
      %reduce_sum3A_238 = vector.extract %reduce_sum3A_237[0, 0, 0] : f32 from vector<1x1x1xf32>
      %convert_element_type3A_239 = arith.fptosi %reduce_sum3A_238 : f32 to i32
      %add3A_240 = arith.constant 512 : i32
      %add3A_241 = arith.addi %convert_element_type3A_239, %add3A_240 : i32
      %sub3A_242 = arith.constant 1 : i32
      %sub3A_243 = arith.subi %add3A_241, %sub3A_242 : i32
      %jit3A_244 = arith.constant 512 : i32
      %div3A_245 = arith.divsi %sub3A_243, %jit3A_244 : i32
      %sign3A_246 = arith.constant 0 : i32
      %sign3A_247 = arith.cmpi sgt, %sub3A_243, %sign3A_246 : i32
      %sign3A_248 = arith.extui %sign3A_247 : i1 to i32
      %sign3A_249 = arith.constant 0 : i32
      %sign3A_250 = arith.cmpi slt, %sub3A_243, %sign3A_249 : i32
      %sign3A_251 = arith.extui %sign3A_250 : i1 to i32
      %sign3A_252 = arith.subi %sign3A_248, %sign3A_251 : i32
      %sign3A_253 = arith.constant 0 : i32
      %sign3A_254 = arith.cmpi sgt, %jit3A_244, %sign3A_253 : i32
      %sign3A_255 = arith.extui %sign3A_254 : i1 to i32
      %sign3A_256 = arith.constant 0 : i32
      %sign3A_257 = arith.cmpi slt, %jit3A_244, %sign3A_256 : i32
      %sign3A_258 = arith.extui %sign3A_257 : i1 to i32
      %sign3A_259 = arith.subi %sign3A_255, %sign3A_258 : i32
      %ne3A_260 = arith.cmpi ne, %sign3A_252, %sign3A_259 : i32
      %rem3A_261 = arith.remsi %sub3A_243, %jit3A_244 : i32
      %ne3A_262 = arith.constant 0 : i32
      %ne3A_263 = arith.cmpi ne, %rem3A_261, %ne3A_262 : i32
      %and3A_264 = arith.andi %ne3A_260, %ne3A_263 : i1
      %sub3A_265 = arith.constant 1 : i32
      %sub3A_266 = arith.subi %div3A_245, %sub3A_265 : i32
      %select_n3A_267 = arith.select %and3A_264, %sub3A_266, %div3A_245 : i32
      %mul3A_268 = arith.constant 512 : i32
      %mul3A_269 = arith.muli %select_n3A_267, %mul3A_268 : i32
      %add3A_270 = arith.addi %add3A_224, %mul3A_269 : i32
      %eq3A_271 = arith.constant 3 : i32
      %eq3A_272 = vector.broadcast %eq3A_271 : i32 to vector<1x8xi32>
      %eq3A_273 = arith.cmpi eq, %iota3A_135, %eq3A_272 : vector<1x8xi32>
      %get3A_274 = arith.constant 0 : index
      %get3A_275 = arith.constant 0 : index
      %get3A_276 = vector.load %arg13[%get3A_274, %get3A_275] : memref<1x8xf32, #tpu.memory_space<vmem>>, vector<1x8xf32>
      %jit3A_277 = arith.constant 0.000000e+00 : f32
      %broadcast_in_dim3A_278 = vector.broadcast %jit3A_277 : f32 to vector<1x8xf32>
      %select_n3A_279 = arith.select %eq3A_273, %get3A_276, %broadcast_in_dim3A_278 : vector<1x8xi1>, vector<1x8xf32>
      %reduce_sum3A_280 = vector.shape_cast %select_n3A_279 : vector<1x8xf32> to vector<1x1x8xf32>
      %reduce_sum3A_281 = arith.constant dense<0.000000e+00> : vector<1xf32>
      %reduce_sum3A_282 = vector.multi_reduction <add>, %reduce_sum3A_280, %reduce_sum3A_281 [1, 2] : vector<1x1x8xf32> to vector<1xf32>
      %reduce_sum3A_283 = vector.shape_cast %reduce_sum3A_282 : vector<1xf32> to vector<1x1x1xf32>
      %reduce_sum3A_284 = vector.extract %reduce_sum3A_283[0, 0, 0] : f32 from vector<1x1x1xf32>
      %convert_element_type3A_285 = arith.fptosi %reduce_sum3A_284 : f32 to i32
      %add3A_286 = arith.constant 512 : i32
      %add3A_287 = arith.addi %convert_element_type3A_285, %add3A_286 : i32
      %sub3A_288 = arith.constant 1 : i32
      %sub3A_289 = arith.subi %add3A_287, %sub3A_288 : i32
      %jit3A_290 = arith.constant 512 : i32
      %div3A_291 = arith.divsi %sub3A_289, %jit3A_290 : i32
      %sign3A_292 = arith.constant 0 : i32
      %sign3A_293 = arith.cmpi sgt, %sub3A_289, %sign3A_292 : i32
      %sign3A_294 = arith.extui %sign3A_293 : i1 to i32
      %sign3A_295 = arith.constant 0 : i32
      %sign3A_296 = arith.cmpi slt, %sub3A_289, %sign3A_295 : i32
      %sign3A_297 = arith.extui %sign3A_296 : i1 to i32
      %sign3A_298 = arith.subi %sign3A_294, %sign3A_297 : i32
      %sign3A_299 = arith.constant 0 : i32
      %sign3A_300 = arith.cmpi sgt, %jit3A_290, %sign3A_299 : i32
      %sign3A_301 = arith.extui %sign3A_300 : i1 to i32
      %sign3A_302 = arith.constant 0 : i32
      %sign3A_303 = arith.cmpi slt, %jit3A_290, %sign3A_302 : i32
      %sign3A_304 = arith.extui %sign3A_303 : i1 to i32
      %sign3A_305 = arith.subi %sign3A_301, %sign3A_304 : i32
      %ne3A_306 = arith.cmpi ne, %sign3A_298, %sign3A_305 : i32
      %rem3A_307 = arith.remsi %sub3A_289, %jit3A_290 : i32
      %ne3A_308 = arith.constant 0 : i32
      %ne3A_309 = arith.cmpi ne, %rem3A_307, %ne3A_308 : i32
      %and3A_310 = arith.andi %ne3A_306, %ne3A_309 : i1
      %sub3A_311 = arith.constant 1 : i32
      %sub3A_312 = arith.subi %div3A_291, %sub3A_311 : i32
      %select_n3A_313 = arith.select %and3A_310, %sub3A_312, %div3A_291 : i32
      %mul3A_314 = arith.constant 512 : i32
      %mul3A_315 = arith.muli %select_n3A_313, %mul3A_314 : i32
      %add3A_316 = arith.addi %add3A_270, %mul3A_315 : i32
      %eq3A_317 = arith.constant 4 : i32
      %eq3A_318 = vector.broadcast %eq3A_317 : i32 to vector<1x8xi32>
      %eq3A_319 = arith.cmpi eq, %iota3A_135, %eq3A_318 : vector<1x8xi32>
      %get3A_320 = arith.constant 0 : index
      %get3A_321 = arith.constant 0 : index
      %get3A_322 = vector.load %arg13[%get3A_320, %get3A_321] : memref<1x8xf32, #tpu.memory_space<vmem>>, vector<1x8xf32>
      %jit3A_323 = arith.constant 0.000000e+00 : f32
      %broadcast_in_dim3A_324 = vector.broadcast %jit3A_323 : f32 to vector<1x8xf32>
      %select_n3A_325 = arith.select %eq3A_319, %get3A_322, %broadcast_in_dim3A_324 : vector<1x8xi1>, vector<1x8xf32>
      %reduce_sum3A_326 = vector.shape_cast %select_n3A_325 : vector<1x8xf32> to vector<1x1x8xf32>
      %reduce_sum3A_327 = arith.constant dense<0.000000e+00> : vector<1xf32>
      %reduce_sum3A_328 = vector.multi_reduction <add>, %reduce_sum3A_326, %reduce_sum3A_327 [1, 2] : vector<1x1x8xf32> to vector<1xf32>
      %reduce_sum3A_329 = vector.shape_cast %reduce_sum3A_328 : vector<1xf32> to vector<1x1x1xf32>
      %reduce_sum3A_330 = vector.extract %reduce_sum3A_329[0, 0, 0] : f32 from vector<1x1x1xf32>
      %convert_element_type3A_331 = arith.fptosi %reduce_sum3A_330 : f32 to i32
      %add3A_332 = arith.constant 512 : i32
      %add3A_333 = arith.addi %convert_element_type3A_331, %add3A_332 : i32
      %sub3A_334 = arith.constant 1 : i32
      %sub3A_335 = arith.subi %add3A_333, %sub3A_334 : i32
      %jit3A_336 = arith.constant 512 : i32
      %div3A_337 = arith.divsi %sub3A_335, %jit3A_336 : i32
      %sign3A_338 = arith.constant 0 : i32
      %sign3A_339 = arith.cmpi sgt, %sub3A_335, %sign3A_338 : i32
      %sign3A_340 = arith.extui %sign3A_339 : i1 to i32
      %sign3A_341 = arith.constant 0 : i32
      %sign3A_342 = arith.cmpi slt, %sub3A_335, %sign3A_341 : i32
      %sign3A_343 = arith.extui %sign3A_342 : i1 to i32
      %sign3A_344 = arith.subi %sign3A_340, %sign3A_343 : i32
      %sign3A_345 = arith.constant 0 : i32
      %sign3A_346 = arith.cmpi sgt, %jit3A_336, %sign3A_345 : i32
      %sign3A_347 = arith.extui %sign3A_346 : i1 to i32
      %sign3A_348 = arith.constant 0 : i32
      %sign3A_349 = arith.cmpi slt, %jit3A_336, %sign3A_348 : i32
      %sign3A_350 = arith.extui %sign3A_349 : i1 to i32
      %sign3A_351 = arith.subi %sign3A_347, %sign3A_350 : i32
      %ne3A_352 = arith.cmpi ne, %sign3A_344, %sign3A_351 : i32
      %rem3A_353 = arith.remsi %sub3A_335, %jit3A_336 : i32
      %ne3A_354 = arith.constant 0 : i32
      %ne3A_355 = arith.cmpi ne, %rem3A_353, %ne3A_354 : i32
      %and3A_356 = arith.andi %ne3A_352, %ne3A_355 : i1
      %sub3A_357 = arith.constant 1 : i32
      %sub3A_358 = arith.subi %div3A_337, %sub3A_357 : i32
      %select_n3A_359 = arith.select %and3A_356, %sub3A_358, %div3A_337 : i32
      %mul3A_360 = arith.constant 512 : i32
      %mul3A_361 = arith.muli %select_n3A_359, %mul3A_360 : i32
      %add3A_362 = arith.addi %add3A_316, %mul3A_361 : i32
      %eq3A_363 = arith.constant 5 : i32
      %eq3A_364 = vector.broadcast %eq3A_363 : i32 to vector<1x8xi32>
      %eq3A_365 = arith.cmpi eq, %iota3A_135, %eq3A_364 : vector<1x8xi32>
      %get3A_366 = arith.constant 0 : index
      %get3A_367 = arith.constant 0 : index
      %get3A_368 = vector.load %arg13[%get3A_366, %get3A_367] : memref<1x8xf32, #tpu.memory_space<vmem>>, vector<1x8xf32>
      %jit3A_369 = arith.constant 0.000000e+00 : f32
      %broadcast_in_dim3A_370 = vector.broadcast %jit3A_369 : f32 to vector<1x8xf32>
      %select_n3A_371 = arith.select %eq3A_365, %get3A_368, %broadcast_in_dim3A_370 : vector<1x8xi1>, vector<1x8xf32>
      %reduce_sum3A_372 = vector.shape_cast %select_n3A_371 : vector<1x8xf32> to vector<1x1x8xf32>
      %reduce_sum3A_373 = arith.constant dense<0.000000e+00> : vector<1xf32>
      %reduce_sum3A_374 = vector.multi_reduction <add>, %reduce_sum3A_372, %reduce_sum3A_373 [1, 2] : vector<1x1x8xf32> to vector<1xf32>
      %reduce_sum3A_375 = vector.shape_cast %reduce_sum3A_374 : vector<1xf32> to vector<1x1x1xf32>
      %reduce_sum3A_376 = vector.extract %reduce_sum3A_375[0, 0, 0] : f32 from vector<1x1x1xf32>
      %convert_element_type3A_377 = arith.fptosi %reduce_sum3A_376 : f32 to i32
      %add3A_378 = arith.constant 512 : i32
      %add3A_379 = arith.addi %convert_element_type3A_377, %add3A_378 : i32
      %sub3A_380 = arith.constant 1 : i32
      %sub3A_381 = arith.subi %add3A_379, %sub3A_380 : i32
      %jit3A_382 = arith.constant 512 : i32
      %div3A_383 = arith.divsi %sub3A_381, %jit3A_382 : i32
      %sign3A_384 = arith.constant 0 : i32
      %sign3A_385 = arith.cmpi sgt, %sub3A_381, %sign3A_384 : i32
      %sign3A_386 = arith.extui %sign3A_385 : i1 to i32
      %sign3A_387 = arith.constant 0 : i32
      %sign3A_388 = arith.cmpi slt, %sub3A_381, %sign3A_387 : i32
      %sign3A_389 = arith.extui %sign3A_388 : i1 to i32
      %sign3A_390 = arith.subi %sign3A_386, %sign3A_389 : i32
      %sign3A_391 = arith.constant 0 : i32
      %sign3A_392 = arith.cmpi sgt, %jit3A_382, %sign3A_391 : i32
      %sign3A_393 = arith.extui %sign3A_392 : i1 to i32
      %sign3A_394 = arith.constant 0 : i32
      %sign3A_395 = arith.cmpi slt, %jit3A_382, %sign3A_394 : i32
      %sign3A_396 = arith.extui %sign3A_395 : i1 to i32
      %sign3A_397 = arith.subi %sign3A_393, %sign3A_396 : i32
      %ne3A_398 = arith.cmpi ne, %sign3A_390, %sign3A_397 : i32
      %rem3A_399 = arith.remsi %sub3A_381, %jit3A_382 : i32
      %ne3A_400 = arith.constant 0 : i32
      %ne3A_401 = arith.cmpi ne, %rem3A_399, %ne3A_400 : i32
      %and3A_402 = arith.andi %ne3A_398, %ne3A_401 : i1
      %sub3A_403 = arith.constant 1 : i32
      %sub3A_404 = arith.subi %div3A_383, %sub3A_403 : i32
      %select_n3A_405 = arith.select %and3A_402, %sub3A_404, %div3A_383 : i32
      %mul3A_406 = arith.constant 512 : i32
      %mul3A_407 = arith.muli %select_n3A_405, %mul3A_406 : i32
      %add3A_408 = arith.addi %add3A_362, %mul3A_407 : i32
      %eq3A_409 = arith.constant 6 : i32
      %eq3A_410 = vector.broadcast %eq3A_409 : i32 to vector<1x8xi32>
      %eq3A_411 = arith.cmpi eq, %iota3A_135, %eq3A_410 : vector<1x8xi32>
      %get3A_412 = arith.constant 0 : index
      %get3A_413 = arith.constant 0 : index
      %get3A_414 = vector.load %arg13[%get3A_412, %get3A_413] : memref<1x8xf32, #tpu.memory_space<vmem>>, vector<1x8xf32>
      %jit3A_415 = arith.constant 0.000000e+00 : f32
      %broadcast_in_dim3A_416 = vector.broadcast %jit3A_415 : f32 to vector<1x8xf32>
      %select_n3A_417 = arith.select %eq3A_411, %get3A_414, %broadcast_in_dim3A_416 : vector<1x8xi1>, vector<1x8xf32>
      %reduce_sum3A_418 = vector.shape_cast %select_n3A_417 : vector<1x8xf32> to vector<1x1x8xf32>
      %reduce_sum3A_419 = arith.constant dense<0.000000e+00> : vector<1xf32>
      %reduce_sum3A_420 = vector.multi_reduction <add>, %reduce_sum3A_418, %reduce_sum3A_419 [1, 2] : vector<1x1x8xf32> to vector<1xf32>
      %reduce_sum3A_421 = vector.shape_cast %reduce_sum3A_420 : vector<1xf32> to vector<1x1x1xf32>
      %reduce_sum3A_422 = vector.extract %reduce_sum3A_421[0, 0, 0] : f32 from vector<1x1x1xf32>
      %convert_element_type3A_423 = arith.fptosi %reduce_sum3A_422 : f32 to i32
      %add3A_424 = arith.constant 512 : i32
      %add3A_425 = arith.addi %convert_element_type3A_423, %add3A_424 : i32
      %sub3A_426 = arith.constant 1 : i32
      %sub3A_427 = arith.subi %add3A_425, %sub3A_426 : i32
      %jit3A_428 = arith.constant 512 : i32
      %div3A_429 = arith.divsi %sub3A_427, %jit3A_428 : i32
      %sign3A_430 = arith.constant 0 : i32
      %sign3A_431 = arith.cmpi sgt, %sub3A_427, %sign3A_430 : i32
      %sign3A_432 = arith.extui %sign3A_431 : i1 to i32
      %sign3A_433 = arith.constant 0 : i32
      %sign3A_434 = arith.cmpi slt, %sub3A_427, %sign3A_433 : i32
      %sign3A_435 = arith.extui %sign3A_434 : i1 to i32
      %sign3A_436 = arith.subi %sign3A_432, %sign3A_435 : i32
      %sign3A_437 = arith.constant 0 : i32
      %sign3A_438 = arith.cmpi sgt, %jit3A_428, %sign3A_437 : i32
      %sign3A_439 = arith.extui %sign3A_438 : i1 to i32
      %sign3A_440 = arith.constant 0 : i32
      %sign3A_441 = arith.cmpi slt, %jit3A_428, %sign3A_440 : i32
      %sign3A_442 = arith.extui %sign3A_441 : i1 to i32
      %sign3A_443 = arith.subi %sign3A_439, %sign3A_442 : i32
      %ne3A_444 = arith.cmpi ne, %sign3A_436, %sign3A_443 : i32
      %rem3A_445 = arith.remsi %sub3A_427, %jit3A_428 : i32
      %ne3A_446 = arith.constant 0 : i32
      %ne3A_447 = arith.cmpi ne, %rem3A_445, %ne3A_446 : i32
      %and3A_448 = arith.andi %ne3A_444, %ne3A_447 : i1
      %sub3A_449 = arith.constant 1 : i32
      %sub3A_450 = arith.subi %div3A_429, %sub3A_449 : i32
      %select_n3A_451 = arith.select %and3A_448, %sub3A_450, %div3A_429 : i32
      %mul3A_452 = arith.constant 512 : i32
      %mul3A_453 = arith.muli %select_n3A_451, %mul3A_452 : i32
      %add3A_454 = arith.addi %add3A_408, %mul3A_453 : i32
      %iota3A_455 = tpu.iota {dimensions = array<i32: 1>} : vector<1x128xi32>
      %mul3A_456 = arith.constant 512 : i32
      %mul3A_457 = vector.broadcast %mul3A_456 : i32 to vector<1x128xi32>
      %mul3A_458 = arith.muli %iota3A_455, %mul3A_457 : vector<1x128xi32>
      %broadcast_in_dim3A_459 = arith.constant 0 : i32
      %broadcast_in_dim3A_460 = vector.broadcast %broadcast_in_dim3A_459 : i32 to vector<1x128xi32>
      %ge3A = vector.broadcast %add3A_178 : i32 to vector<1x128xi32>
      %ge3A_461 = arith.cmpi sge, %mul3A_458, %ge3A : vector<1x128xi32>
      %convert_element_type3A_462 = arith.extui %ge3A_461 : vector<1x128xi1> to vector<1x128xi32>
      %add3A_463 = arith.addi %broadcast_in_dim3A_460, %convert_element_type3A_462 : vector<1x128xi32>
      %ge3A_464 = vector.broadcast %add3A_224 : i32 to vector<1x128xi32>
      %ge3A_465 = arith.cmpi sge, %mul3A_458, %ge3A_464 : vector<1x128xi32>
      %convert_element_type3A_466 = arith.extui %ge3A_465 : vector<1x128xi1> to vector<1x128xi32>
      %add3A_467 = arith.addi %add3A_463, %convert_element_type3A_466 : vector<1x128xi32>
      %ge3A_468 = vector.broadcast %add3A_270 : i32 to vector<1x128xi32>
      %ge3A_469 = arith.cmpi sge, %mul3A_458, %ge3A_468 : vector<1x128xi32>
      %convert_element_type3A_470 = arith.extui %ge3A_469 : vector<1x128xi1> to vector<1x128xi32>
      %add3A_471 = arith.addi %add3A_467, %convert_element_type3A_470 : vector<1x128xi32>
      %ge3A_472 = vector.broadcast %add3A_316 : i32 to vector<1x128xi32>
      %ge3A_473 = arith.cmpi sge, %mul3A_458, %ge3A_472 : vector<1x128xi32>
      %convert_element_type3A_474 = arith.extui %ge3A_473 : vector<1x128xi1> to vector<1x128xi32>
      %add3A_475 = arith.addi %add3A_471, %convert_element_type3A_474 : vector<1x128xi32>
      %ge3A_476 = vector.broadcast %add3A_362 : i32 to vector<1x128xi32>
      %ge3A_477 = arith.cmpi sge, %mul3A_458, %ge3A_476 : vector<1x128xi32>
      %convert_element_type3A_478 = arith.extui %ge3A_477 : vector<1x128xi1> to vector<1x128xi32>
      %add3A_479 = arith.addi %add3A_475, %convert_element_type3A_478 : vector<1x128xi32>
      %ge3A_480 = vector.broadcast %add3A_408 : i32 to vector<1x128xi32>
      %ge3A_481 = arith.cmpi sge, %mul3A_458, %ge3A_480 : vector<1x128xi32>
      %convert_element_type3A_482 = arith.extui %ge3A_481 : vector<1x128xi1> to vector<1x128xi32>
      %add3A_483 = arith.addi %add3A_479, %convert_element_type3A_482 : vector<1x128xi32>
      %ge3A_484 = vector.broadcast %add3A_454 : i32 to vector<1x128xi32>
      %ge3A_485 = arith.cmpi sge, %mul3A_458, %ge3A_484 : vector<1x128xi32>
      %convert_element_type3A_486 = arith.extui %ge3A_485 : vector<1x128xi1> to vector<1x128xi32>
      %add3A_487 = arith.addi %add3A_483, %convert_element_type3A_486 : vector<1x128xi32>
      %swap3A_488 = arith.constant 0 : index
      %swap3A_489 = arith.constant 0 : index
      %swap3A_490 = vector.load %arg10[%swap3A_488, %swap3A_489] : memref<1x128xi32, #tpu.memory_space<vmem>>, vector<1x128xi32>
      tpu.vector_store %arg10[%swap3A_488, %swap3A_489], %add3A_487 {strides = array<i32>} : memref<1x128xi32, #tpu.memory_space<vmem>>, vector<1x128xi32>,
      %get3A_491 = arith.constant 0 : index
      %get3A_492 = arith.constant 0 : index
      %get3A_493 = arith.constant 0 : index
      %get3A_494 = vector.load %arg14[%get3A_491, %get3A_492, %get3A_493] : memref<32x1x512xi32, #tpu.memory_space<vmem>>, vector<1x1x512xi32>
      %get3A_495 = vector.shape_cast %get3A_494 : vector<1x1x512xi32> to vector<1x512xi32>
      %get3A_496 = arith.constant 0 : index
      %get3A_497 = arith.constant 0 : index
      %get3A_498 = arith.constant 0 : index
      %get3A_499 = vector.load %arg15[%get3A_496, %get3A_497, %get3A_498] : memref<32x1x512xi32, #tpu.memory_space<vmem>>, vector<1x1x512xi32>
      %get3A_500 = vector.shape_cast %get3A_499 : vector<1x1x512xi32> to vector<1x512xi32>
      %eq3A_501 = arith.constant 1 : i32
      %eq3A_502 = vector.broadcast %eq3A_501 : i32 to vector<1x512xi32>
      %eq3A_503 = arith.cmpi eq, %get3A_495, %eq3A_502 : vector<1x512xi32>
      %jit3A_504 = arith.constant 0 : i32
      %broadcast_in_dim3A_505 = vector.broadcast %add3A_178 : i32 to vector<1x512xi32>
      %broadcast_in_dim3A_506 = vector.broadcast %jit3A_504 : i32 to vector<1x512xi32>
      %select_n3A_507 = arith.select %eq3A_503, %broadcast_in_dim3A_505, %broadcast_in_dim3A_506 : vector<1x512xi1>, vector<1x512xi32>
      %add3A_508 = arith.addi %get3A_500, %select_n3A_507 : vector<1x512xi32>
      %eq3A_509 = arith.constant 2 : i32
      %eq3A_510 = vector.broadcast %eq3A_509 : i32 to vector<1x512xi32>
      %eq3A_511 = arith.cmpi eq, %get3A_495, %eq3A_510 : vector<1x512xi32>
      %jit3A_512 = arith.constant 0 : i32
      %broadcast_in_dim3A_513 = vector.broadcast %add3A_224 : i32 to vector<1x512xi32>
      %broadcast_in_dim3A_514 = vector.broadcast %jit3A_512 : i32 to vector<1x512xi32>
      %select_n3A_515 = arith.select %eq3A_511, %broadcast_in_dim3A_513, %broadcast_in_dim3A_514 : vector<1x512xi1>, vector<1x512xi32>
      %add3A_516 = arith.addi %add3A_508, %select_n3A_515 : vector<1x512xi32>
      %eq3A_517 = arith.constant 3 : i32
      %eq3A_518 = vector.broadcast %eq3A_517 : i32 to vector<1x512xi32>
      %eq3A_519 = arith.cmpi eq, %get3A_495, %eq3A_518 : vector<1x512xi32>
      %jit3A_520 = arith.constant 0 : i32
      %broadcast_in_dim3A_521 = vector.broadcast %add3A_270 : i32 to vector<1x512xi32>
      %broadcast_in_dim3A_522 = vector.broadcast %jit3A_520 : i32 to vector<1x512xi32>
      %select_n3A_523 = arith.select %eq3A_519, %broadcast_in_dim3A_521, %broadcast_in_dim3A_522 : vector<1x512xi1>, vector<1x512xi32>
      %add3A_524 = arith.addi %add3A_516, %select_n3A_523 : vector<1x512xi32>
      %eq3A_525 = arith.constant 4 : i32
      %eq3A_526 = vector.broadcast %eq3A_525 : i32 to vector<1x512xi32>
      %eq3A_527 = arith.cmpi eq, %get3A_495, %eq3A_526 : vector<1x512xi32>
      %jit3A_528 = arith.constant 0 : i32
      %broadcast_in_dim3A_529 = vector.broadcast %add3A_316 : i32 to vector<1x512xi32>
      %broadcast_in_dim3A_530 = vector.broadcast %jit3A_528 : i32 to vector<1x512xi32>
      %select_n3A_531 = arith.select %eq3A_527, %broadcast_in_dim3A_529, %broadcast_in_dim3A_530 : vector<1x512xi1>, vector<1x512xi32>
      %add3A_532 = arith.addi %add3A_524, %select_n3A_531 : vector<1x512xi32>
      %eq3A_533 = arith.constant 5 : i32
      %eq3A_534 = vector.broadcast %eq3A_533 : i32 to vector<1x512xi32>
      %eq3A_535 = arith.cmpi eq, %get3A_495, %eq3A_534 : vector<1x512xi32>
      %jit3A_536 = arith.constant 0 : i32
      %broadcast_in_dim3A_537 = vector.broadcast %add3A_362 : i32 to vector<1x512xi32>
      %broadcast_in_dim3A_538 = vector.broadcast %jit3A_536 : i32 to vector<1x512xi32>
      %select_n3A_539 = arith.select %eq3A_535, %broadcast_in_dim3A_537, %broadcast_in_dim3A_538 : vector<1x512xi1>, vector<1x512xi32>
      %add3A_540 = arith.addi %add3A_532, %select_n3A_539 : vector<1x512xi32>
      %eq3A_541 = arith.constant 6 : i32
      %eq3A_542 = vector.broadcast %eq3A_541 : i32 to vector<1x512xi32>
      %eq3A_543 = arith.cmpi eq, %get3A_495, %eq3A_542 : vector<1x512xi32>
      %jit3A_544 = arith.constant 0 : i32
      %broadcast_in_dim3A_545 = vector.broadcast %add3A_408 : i32 to vector<1x512xi32>
      %broadcast_in_dim3A_546 = vector.broadcast %jit3A_544 : i32 to vector<1x512xi32>
      %select_n3A_547 = arith.select %eq3A_543, %broadcast_in_dim3A_545, %broadcast_in_dim3A_546 : vector<1x512xi1>, vector<1x512xi32>
      %add3A_548 = arith.addi %add3A_540, %select_n3A_547 : vector<1x512xi32>
      %eq3A_549 = arith.constant 7 : i32
      %eq3A_550 = vector.broadcast %eq3A_549 : i32 to vector<1x512xi32>
      %eq3A_551 = arith.cmpi eq, %get3A_495, %eq3A_550 : vector<1x512xi32>
      %jit3A_552 = arith.constant 0 : i32
      %broadcast_in_dim3A_553 = vector.broadcast %add3A_454 : i32 to vector<1x512xi32>
      %broadcast_in_dim3A_554 = vector.broadcast %jit3A_552 : i32 to vector<1x512xi32>
      %select_n3A_555 = arith.select %eq3A_551, %broadcast_in_dim3A_553, %broadcast_in_dim3A_554 : vector<1x512xi1>, vector<1x512xi32>
      %add3A_556 = arith.addi %add3A_548, %select_n3A_555 : vector<1x512xi32>
      %swap3A_557 = arith.constant 0 : index
      %swap3A_558 = arith.constant 0 : index
      %swap3A_559 = arith.constant 0 : index
      %swap3A_560 = vector.load %arg9[%swap3A_557, %swap3A_558, %swap3A_559] : memref<32x1x512xi32, #tpu.memory_space<vmem>>, vector<1x1x512xi32>
      %swap3A_561 = vector.shape_cast %swap3A_560 : vector<1x1x512xi32> to vector<1x512xi32>
      %swap3A_562 = vector.shape_cast %add3A_556 : vector<1x512xi32> to vector<1x1x512xi32>
      tpu.vector_store %arg9[%swap3A_557, %swap3A_558, %swap3A_559], %swap3A_562 {strides = array<i32>} : memref<32x1x512xi32, #tpu.memory_space<vmem>>, vector<1x1x512xi32>,
      %get3A_563 = arith.constant 1 : index
      %get3A_564 = arith.constant 0 : index
      %get3A_565 = arith.constant 0 : index
      %get3A_566 = vector.load %arg14[%get3A_563, %get3A_564, %get3A_565] : memref<32x1x512xi32, #tpu.memory_space<vmem>>, vector<1x1x512xi32>
      %get3A_567 = vector.shape_cast %get3A_566 : vector<1x1x512xi32> to vector<1x512xi32>
      %get3A_568 = arith.constant 1 : index
      %get3A_569 = arith.constant 0 : index
      %get3A_570 = arith.constant 0 : index
      %get3A_571 = vector.load %arg15[%get3A_568, %get3A_569, %get3A_570] : memref<32x1x512xi32, #tpu.memory_space<vmem>>, vector<1x1x512xi32>
      %get3A_572 = vector.shape_cast %get3A_571 : vector<1x1x512xi32> to vector<1x512xi32>
      %eq3A_573 = arith.constant 1 : i32
      %eq3A_574 = vector.broadcast %eq3A_573 : i32 to vector<1x512xi32>
      %eq3A_575 = arith.cmpi eq, %get3A_567, %eq3A_574 : vector<1x512xi32>
      %jit3A_576 = arith.constant 0 : i32
      %broadcast_in_dim3A_577 = vector.broadcast %add3A_178 : i32 to vector<1x512xi32>
      %broadcast_in_dim3A_578 = vector.broadcast %jit3A_576 : i32 to vector<1x512xi32>
      %select_n3A_579 = arith.select %eq3A_575, %broadcast_in_dim3A_577, %broadcast_in_dim3A_578 : vector<1x512xi1>, vector<1x512xi32>
      %add3A_580 = arith.addi %get3A_572, %select_n3A_579 : vector<1x512xi32>
      %eq3A_581 = arith.constant 2 : i32
      %eq3A_582 = vector.broadcast %eq3A_581 : i32 to vector<1x512xi32>
      %eq3A_583 = arith.cmpi eq, %get3A_567, %eq3A_582 : vector<1x512xi32>
      %jit3A_584 = arith.constant 0 : i32
      %broadcast_in_dim3A_585 = vector.broadcast %add3A_224 : i32 to vector<1x512xi32>
      %broadcast_in_dim3A_586 = vector.broadcast %jit3A_584 : i32 to vector<1x512xi32>
      %select_n3A_587 = arith.select %eq3A_583, %broadcast_in_dim3A_585, %broadcast_in_dim3A_586 : vector<1x512xi1>, vector<1x512xi32>
      %add3A_588 = arith.addi %add3A_580, %select_n3A_587 : vector<1x512xi32>
      %eq3A_589 = arith.constant 3 : i32
      %eq3A_590 = vector.broadcast %eq3A_589 : i32 to vector<1x512xi32>
      %eq3A_591 = arith.cmpi eq, %get3A_567, %eq3A_590 : vector<1x512xi32>
      %jit3A_592 = arith.constant 0 : i32
      %broadcast_in_dim3A_593 = vector.broadcast %add3A_270 : i32 to vector<1x512xi32>
      %broadcast_in_dim3A_594 = vector.broadcast %jit3A_592 : i32 to vector<1x512xi32>
      %select_n3A_595 = arith.select %eq3A_591, %broadcast_in_dim3A_593, %broadcast_in_dim3A_594 : vector<1x512xi1>, vector<1x512xi32>
      %add3A_596 = arith.addi %add3A_588, %select_n3A_595 : vector<1x512xi32>
      %eq3A_597 = arith.constant 4 : i32
      %eq3A_598 = vector.broadcast %eq3A_597 : i32 to vector<1x512xi32>
      %eq3A_599 = arith.cmpi eq, %get3A_567, %eq3A_598 : vector<1x512xi32>
      %jit3A_600 = arith.constant 0 : i32
      %broadcast_in_dim3A_601 = vector.broadcast %add3A_316 : i32 to vector<1x512xi32>
      %broadcast_in_dim3A_602 = vector.broadcast %jit3A_600 : i32 to vector<1x512xi32>
      %select_n3A_603 = arith.select %eq3A_599, %broadcast_in_dim3A_601, %broadcast_in_dim3A_602 : vector<1x512xi1>, vector<1x512xi32>
      %add3A_604 = arith.addi %add3A_596, %select_n3A_603 : vector<1x512xi32>
      %eq3A_605 = arith.constant 5 : i32
      %eq3A_606 = vector.broadcast %eq3A_605 : i32 to vector<1x512xi32>
      %eq3A_607 = arith.cmpi eq, %get3A_567, %eq3A_606 : vector<1x512xi32>
      %jit3A_608 = arith.constant 0 : i32
      %broadcast_in_dim3A_609 = vector.broadcast %add3A_362 : i32 to vector<1x512xi32>
      %broadcast_in_dim3A_610 = vector.broadcast %jit3A_608 : i32 to vector<1x512xi32>
      %select_n3A_611 = arith.select %eq3A_607, %broadcast_in_dim3A_609, %broadcast_in_dim3A_610 : vector<1x512xi1>, vector<1x512xi32>
      %add3A_612 = arith.addi %add3A_604, %select_n3A_611 : vector<1x512xi32>
      %eq3A_613 = arith.constant 6 : i32
      %eq3A_614 = vector.broadcast %eq3A_613 : i32 to vector<1x512xi32>
      %eq3A_615 = arith.cmpi eq, %get3A_567, %eq3A_614 : vector<1x512xi32>
      %jit3A_616 = arith.constant 0 : i32
      %broadcast_in_dim3A_617 = vector.broadcast %add3A_408 : i32 to vector<1x512xi32>
      %broadcast_in_dim3A_618 = vector.broadcast %jit3A_616 : i32 to vector<1x512xi32>
      %select_n3A_619 = arith.select %eq3A_615, %broadcast_in_dim3A_617, %broadcast_in_dim3A_618 : vector<1x512xi1>, vector<1x512xi32>
      %add3A_620 = arith.addi %add3A_612, %select_n3A_619 : vector<1x512xi32>
      %eq3A_621 = arith.constant 7 : i32
      %eq3A_622 = vector.broadcast %eq3A_621 : i32 to vector<1x512xi32>
      %eq3A_623 = arith.cmpi eq, %get3A_567, %eq3A_622 : vector<1x512xi32>
      %jit3A_624 = arith.constant 0 : i32
      %broadcast_in_dim3A_625 = vector.broadcast %add3A_454 : i32 to vector<1x512xi32>
      %broadcast_in_dim3A_626 = vector.broadcast %jit3A_624 : i32 to vector<1x512xi32>
      %select_n3A_627 = arith.select %eq3A_623, %broadcast_in_dim3A_625, %broadcast_in_dim3A_626 : vector<1x512xi1>, vector<1x512xi32>
      %add3A_628 = arith.addi %add3A_620, %select_n3A_627 : vector<1x512xi32>
      %swap3A_629 = arith.constant 1 : index
      %swap3A_630 = arith.constant 0 : index
      %swap3A_631 = arith.constant 0 : index
      %swap3A_632 = vector.load %arg9[%swap3A_629, %swap3A_630, %swap3A_631] : memref<32x1x512xi32, #tpu.memory_space<vmem>>, vector<1x1x512xi32>
      %swap3A_633 = vector.shape_cast %swap3A_632 : vector<1x1x512xi32> to vector<1x512xi32>
      %swap3A_634 = vector.shape_cast %add3A_628 : vector<1x512xi32> to vector<1x1x512xi32>
      tpu.vector_store %arg9[%swap3A_629, %swap3A_630, %swap3A_631], %swap3A_634 {strides = array<i32>} : memref<32x1x512xi32, #tpu.memory_space<vmem>>, vector<1x1x512xi32>,
      %get3A_635 = arith.constant 2 : index
      %get3A_636 = arith.constant 0 : index
      %get3A_637 = arith.constant 0 : index
      %get3A_638 = vector.load %arg14[%get3A_635, %get3A_636, %get3A_637] : memref<32x1x512xi32, #tpu.memory_space<vmem>>, vector<1x1x512xi32>
      %get3A_639 = vector.shape_cast %get3A_638 : vector<1x1x512xi32> to vector<1x512xi32>
      %get3A_640 = arith.constant 2 : index
      %get3A_641 = arith.constant 0 : index
      %get3A_642 = arith.constant 0 : index
      %get3A_643 = vector.load %arg15[%get3A_640, %get3A_641, %get3A_642] : memref<32x1x512xi32, #tpu.memory_space<vmem>>, vector<1x1x512xi32>
      %get3A_644 = vector.shape_cast %get3A_643 : vector<1x1x512xi32> to vector<1x512xi32>
      %eq3A_645 = arith.constant 1 : i32
      %eq3A_646 = vector.broadcast %eq3A_645 : i32 to vector<1x512xi32>
      %eq3A_647 = arith.cmpi eq, %get3A_639, %eq3A_646 : vector<1x512xi32>
      %jit3A_648 = arith.constant 0 : i32
      %broadcast_in_dim3A_649 = vector.broadcast %add3A_178 : i32 to vector<1x512xi32>
      %broadcast_in_dim3A_650 = vector.broadcast %jit3A_648 : i32 to vector<1x512xi32>
      %select_n3A_651 = arith.select %eq3A_647, %broadcast_in_dim3A_649, %broadcast_in_dim3A_650 : vector<1x512xi1>, vector<1x512xi32>
      %add3A_652 = arith.addi %get3A_644, %select_n3A_651 : vector<1x512xi32>
      %eq3A_653 = arith.constant 2 : i32
      %eq3A_654 = vector.broadcast %eq3A_653 : i32 to vector<1x512xi32>
      %eq3A_655 = arith.cmpi eq, %get3A_639, %eq3A_654 : vector<1x512xi32>
      %jit3A_656 = arith.constant 0 : i32
      %broadcast_in_dim3A_657 = vector.broadcast %add3A_224 : i32 to vector<1x512xi32>
      %broadcast_in_dim3A_658 = vector.broadcast %jit3A_656 : i32 to vector<1x512xi32>
      %select_n3A_659 = arith.select %eq3A_655, %broadcast_in_dim3A_657, %broadcast_in_dim3A_658 : vector<1x512xi1>, vector<1x512xi32>
      %add3A_660 = arith.addi %add3A_652, %select_n3A_659 : vector<1x512xi32>
      %eq3A_661 = arith.constant 3 : i32
      %eq3A_662 = vector.broadcast %eq3A_661 : i32 to vector<1x512xi32>
      %eq3A_663 = arith.cmpi eq, %get3A_639, %eq3A_662 : vector<1x512xi32>
      %jit3A_664 = arith.constant 0 : i32
      %broadcast_in_dim3A_665 = vector.broadcast %add3A_270 : i32 to vector<1x512xi32>
      %broadcast_in_dim3A_666 = vector.broadcast %jit3A_664 : i32 to vector<1x512xi32>
      %select_n3A_667 = arith.select %eq3A_663, %broadcast_in_dim3A_665, %broadcast_in_dim3A_666 : vector<1x512xi1>, vector<1x512xi32>
      %add3A_668 = arith.addi %add3A_660, %select_n3A_667 : vector<1x512xi32>
      %eq3A_669 = arith.constant 4 : i32
      %eq3A_670 = vector.broadcast %eq3A_669 : i32 to vector<1x512xi32>
      %eq3A_671 = arith.cmpi eq, %get3A_639, %eq3A_670 : vector<1x512xi32>
      %jit3A_672 = arith.constant 0 : i32
      %broadcast_in_dim3A_673 = vector.broadcast %add3A_316 : i32 to vector<1x512xi32>
      %broadcast_in_dim3A_674 = vector.broadcast %jit3A_672 : i32 to vector<1x512xi32>
      %select_n3A_675 = arith.select %eq3A_671, %broadcast_in_dim3A_673, %broadcast_in_dim3A_674 : vector<1x512xi1>, vector<1x512xi32>
      %add3A_676 = arith.addi %add3A_668, %select_n3A_675 : vector<1x512xi32>
      %eq3A_677 = arith.constant 5 : i32
      %eq3A_678 = vector.broadcast %eq3A_677 : i32 to vector<1x512xi32>
      %eq3A_679 = arith.cmpi eq, %get3A_639, %eq3A_678 : vector<1x512xi32>
      %jit3A_680 = arith.constant 0 : i32
      %broadcast_in_dim3A_681 = vector.broadcast %add3A_362 : i32 to vector<1x512xi32>
      %broadcast_in_dim3A_682 = vector.broadcast %jit3A_680 : i32 to vector<1x512xi32>
      %select_n3A_683 = arith.select %eq3A_679, %broadcast_in_dim3A_681, %broadcast_in_dim3A_682 : vector<1x512xi1>, vector<1x512xi32>
      %add3A_684 = arith.addi %add3A_676, %select_n3A_683 : vector<1x512xi32>
      %eq3A_685 = arith.constant 6 : i32
      %eq3A_686 = vector.broadcast %eq3A_685 : i32 to vector<1x512xi32>
      %eq3A_687 = arith.cmpi eq, %get3A_639, %eq3A_686 : vector<1x512xi32>
      %jit3A_688 = arith.constant 0 : i32
      %broadcast_in_dim3A_689 = vector.broadcast %add3A_408 : i32 to vector<1x512xi32>
      %broadcast_in_dim3A_690 = vector.broadcast %jit3A_688 : i32 to vector<1x512xi32>
      %select_n3A_691 = arith.select %eq3A_687, %broadcast_in_dim3A_689, %broadcast_in_dim3A_690 : vector<1x512xi1>, vector<1x512xi32>
      %add3A_692 = arith.addi %add3A_684, %select_n3A_691 : vector<1x512xi32>
      %eq3A_693 = arith.constant 7 : i32
      %eq3A_694 = vector.broadcast %eq3A_693 : i32 to vector<1x512xi32>
      %eq3A_695 = arith.cmpi eq, %get3A_639, %eq3A_694 : vector<1x512xi32>
      %jit3A_696 = arith.constant 0 : i32
      %broadcast_in_dim3A_697 = vector.broadcast %add3A_454 : i32 to vector<1x512xi32>
      %broadcast_in_dim3A_698 = vector.broadcast %jit3A_696 : i32 to vector<1x512xi32>
      %select_n3A_699 = arith.select %eq3A_695, %broadcast_in_dim3A_697, %broadcast_in_dim3A_698 : vector<1x512xi1>, vector<1x512xi32>
      %add3A_700 = arith.addi %add3A_692, %select_n3A_699 : vector<1x512xi32>
      %swap3A_701 = arith.constant 2 : index
      %swap3A_702 = arith.constant 0 : index
      %swap3A_703 = arith.constant 0 : index
      %swap3A_704 = vector.load %arg9[%swap3A_701, %swap3A_702, %swap3A_703] : memref<32x1x512xi32, #tpu.memory_space<vmem>>, vector<1x1x512xi32>
      %swap3A_705 = vector.shape_cast %swap3A_704 : vector<1x1x512xi32> to vector<1x512xi32>
      %swap3A_706 = vector.shape_cast %add3A_700 : vector<1x512xi32> to vector<1x1x512xi32>
      tpu.vector_store %arg9[%swap3A_701, %swap3A_702, %swap3A_703], %swap3A_706 {strides = array<i32>} : memref<32x1x512xi32, #tpu.memory_space<vmem>>, vector<1x1x512xi32>,
      %get3A_707 = arith.constant 3 : index
      %get3A_708 = arith.constant 0 : index
      %get3A_709 = arith.constant 0 : index
      %get3A_710 = vector.load %arg14[%get3A_707, %get3A_708, %get3A_709] : memref<32x1x512xi32, #tpu.memory_space<vmem>>, vector<1x1x512xi32>
      %get3A_711 = vector.shape_cast %get3A_710 : vector<1x1x512xi32> to vector<1x512xi32>
      %get3A_712 = arith.constant 3 : index
      %get3A_713 = arith.constant 0 : index
      %get3A_714 = arith.constant 0 : index
      %get3A_715 = vector.load %arg15[%get3A_712, %get3A_713, %get3A_714] : memref<32x1x512xi32, #tpu.memory_space<vmem>>, vector<1x1x512xi32>
      %get3A_716 = vector.shape_cast %get3A_715 : vector<1x1x512xi32> to vector<1x512xi32>
      %eq3A_717 = arith.constant 1 : i32
      %eq3A_718 = vector.broadcast %eq3A_717 : i32 to vector<1x512xi32>
      %eq3A_719 = arith.cmpi eq, %get3A_711, %eq3A_718 : vector<1x512xi32>
      %jit3A_720 = arith.constant 0 : i32
      %broadcast_in_dim3A_721 = vector.broadcast %add3A_178 : i32 to vector<1x512xi32>
      %broadcast_in_dim3A_722 = vector.broadcast %jit3A_720 : i32 to vector<1x512xi32>
      %select_n3A_723 = arith.select %eq3A_719, %broadcast_in_dim3A_721, %broadcast_in_dim3A_722 : vector<1x512xi1>, vector<1x512xi32>
      %add3A_724 = arith.addi %get3A_716, %select_n3A_723 : vector<1x512xi32>
      %eq3A_725 = arith.constant 2 : i32
      %eq3A_726 = vector.broadcast %eq3A_725 : i32 to vector<1x512xi32>
      %eq3A_727 = arith.cmpi eq, %get3A_711, %eq3A_726 : vector<1x512xi32>
      %jit3A_728 = arith.constant 0 : i32
      %broadcast_in_dim3A_729 = vector.broadcast %add3A_224 : i32 to vector<1x512xi32>
      %broadcast_in_dim3A_730 = vector.broadcast %jit3A_728 : i32 to vector<1x512xi32>
      %select_n3A_731 = arith.select %eq3A_727, %broadcast_in_dim3A_729, %broadcast_in_dim3A_730 : vector<1x512xi1>, vector<1x512xi32>
      %add3A_732 = arith.addi %add3A_724, %select_n3A_731 : vector<1x512xi32>
      %eq3A_733 = arith.constant 3 : i32
      %eq3A_734 = vector.broadcast %eq3A_733 : i32 to vector<1x512xi32>
      %eq3A_735 = arith.cmpi eq, %get3A_711, %eq3A_734 : vector<1x512xi32>
      %jit3A_736 = arith.constant 0 : i32
      %broadcast_in_dim3A_737 = vector.broadcast %add3A_270 : i32 to vector<1x512xi32>
      %broadcast_in_dim3A_738 = vector.broadcast %jit3A_736 : i32 to vector<1x512xi32>
      %select_n3A_739 = arith.select %eq3A_735, %broadcast_in_dim3A_737, %broadcast_in_dim3A_738 : vector<1x512xi1>, vector<1x512xi32>
      %add3A_740 = arith.addi %add3A_732, %select_n3A_739 : vector<1x512xi32>
      %eq3A_741 = arith.constant 4 : i32
      %eq3A_742 = vector.broadcast %eq3A_741 : i32 to vector<1x512xi32>
      %eq3A_743 = arith.cmpi eq, %get3A_711, %eq3A_742 : vector<1x512xi32>
      %jit3A_744 = arith.constant 0 : i32
      %broadcast_in_dim3A_745 = vector.broadcast %add3A_316 : i32 to vector<1x512xi32>
      %broadcast_in_dim3A_746 = vector.broadcast %jit3A_744 : i32 to vector<1x512xi32>
      %select_n3A_747 = arith.select %eq3A_743, %broadcast_in_dim3A_745, %broadcast_in_dim3A_746 : vector<1x512xi1>, vector<1x512xi32>
      %add3A_748 = arith.addi %add3A_740, %select_n3A_747 : vector<1x512xi32>
      %eq3A_749 = arith.constant 5 : i32
      %eq3A_750 = vector.broadcast %eq3A_749 : i32 to vector<1x512xi32>
      %eq3A_751 = arith.cmpi eq, %get3A_711, %eq3A_750 : vector<1x512xi32>
      %jit3A_752 = arith.constant 0 : i32
      %broadcast_in_dim3A_753 = vector.broadcast %add3A_362 : i32 to vector<1x512xi32>
      %broadcast_in_dim3A_754 = vector.broadcast %jit3A_752 : i32 to vector<1x512xi32>
      %select_n3A_755 = arith.select %eq3A_751, %broadcast_in_dim3A_753, %broadcast_in_dim3A_754 : vector<1x512xi1>, vector<1x512xi32>
      %add3A_756 = arith.addi %add3A_748, %select_n3A_755 : vector<1x512xi32>
      %eq3A_757 = arith.constant 6 : i32
      %eq3A_758 = vector.broadcast %eq3A_757 : i32 to vector<1x512xi32>
      %eq3A_759 = arith.cmpi eq, %get3A_711, %eq3A_758 : vector<1x512xi32>
      %jit3A_760 = arith.constant 0 : i32
      %broadcast_in_dim3A_761 = vector.broadcast %add3A_408 : i32 to vector<1x512xi32>
      %broadcast_in_dim3A_762 = vector.broadcast %jit3A_760 : i32 to vector<1x512xi32>
      %select_n3A_763 = arith.select %eq3A_759, %broadcast_in_dim3A_761, %broadcast_in_dim3A_762 : vector<1x512xi1>, vector<1x512xi32>
      %add3A_764 = arith.addi %add3A_756, %select_n3A_763 : vector<1x512xi32>
      %eq3A_765 = arith.constant 7 : i32
      %eq3A_766 = vector.broadcast %eq3A_765 : i32 to vector<1x512xi32>
      %eq3A_767 = arith.cmpi eq, %get3A_711, %eq3A_766 : vector<1x512xi32>
      %jit3A_768 = arith.constant 0 : i32
      %broadcast_in_dim3A_769 = vector.broadcast %add3A_454 : i32 to vector<1x512xi32>
      %broadcast_in_dim3A_770 = vector.broadcast %jit3A_768 : i32 to vector<1x512xi32>
      %select_n3A_771 = arith.select %eq3A_767, %broadcast_in_dim3A_769, %broadcast_in_dim3A_770 : vector<1x512xi1>, vector<1x512xi32>
      %add3A_772 = arith.addi %add3A_764, %select_n3A_771 : vector<1x512xi32>
      %swap3A_773 = arith.constant 3 : index
      %swap3A_774 = arith.constant 0 : index
      %swap3A_775 = arith.constant 0 : index
      %swap3A_776 = vector.load %arg9[%swap3A_773, %swap3A_774, %swap3A_775] : memref<32x1x512xi32, #tpu.memory_space<vmem>>, vector<1x1x512xi32>
      %swap3A_777 = vector.shape_cast %swap3A_776 : vector<1x1x512xi32> to vector<1x512xi32>
      %swap3A_778 = vector.shape_cast %add3A_772 : vector<1x512xi32> to vector<1x1x512xi32>
      tpu.vector_store %arg9[%swap3A_773, %swap3A_774, %swap3A_775], %swap3A_778 {strides = array<i32>} : memref<32x1x512xi32, #tpu.memory_space<vmem>>, vector<1x1x512xi32>,
      %get3A_779 = arith.constant 4 : index
      %get3A_780 = arith.constant 0 : index
      %get3A_781 = arith.constant 0 : index
      %get3A_782 = vector.load %arg14[%get3A_779, %get3A_780, %get3A_781] : memref<32x1x512xi32, #tpu.memory_space<vmem>>, vector<1x1x512xi32>
      %get3A_783 = vector.shape_cast %get3A_782 : vector<1x1x512xi32> to vector<1x512xi32>
      %get3A_784 = arith.constant 4 : index
      %get3A_785 = arith.constant 0 : index
      %get3A_786 = arith.constant 0 : index
      %get3A_787 = vector.load %arg15[%get3A_784, %get3A_785, %get3A_786] : memref<32x1x512xi32, #tpu.memory_space<vmem>>, vector<1x1x512xi32>
      %get3A_788 = vector.shape_cast %get3A_787 : vector<1x1x512xi32> to vector<1x512xi32>
      %eq3A_789 = arith.constant 1 : i32
      %eq3A_790 = vector.broadcast %eq3A_789 : i32 to vector<1x512xi32>
      %eq3A_791 = arith.cmpi eq, %get3A_783, %eq3A_790 : vector<1x512xi32>
      %jit3A_792 = arith.constant 0 : i32
      %broadcast_in_dim3A_793 = vector.broadcast %add3A_178 : i32 to vector<1x512xi32>
      %broadcast_in_dim3A_794 = vector.broadcast %jit3A_792 : i32 to vector<1x512xi32>
      %select_n3A_795 = arith.select %eq3A_791, %broadcast_in_dim3A_793, %broadcast_in_dim3A_794 : vector<1x512xi1>, vector<1x512xi32>
      %add3A_796 = arith.addi %get3A_788, %select_n3A_795 : vector<1x512xi32>
      %eq3A_797 = arith.constant 2 : i32
      %eq3A_798 = vector.broadcast %eq3A_797 : i32 to vector<1x512xi32>
      %eq3A_799 = arith.cmpi eq, %get3A_783, %eq3A_798 : vector<1x512xi32>
      %jit3A_800 = arith.constant 0 : i32
      %broadcast_in_dim3A_801 = vector.broadcast %add3A_224 : i32 to vector<1x512xi32>
      %broadcast_in_dim3A_802 = vector.broadcast %jit3A_800 : i32 to vector<1x512xi32>
      %select_n3A_803 = arith.select %eq3A_799, %broadcast_in_dim3A_801, %broadcast_in_dim3A_802 : vector<1x512xi1>, vector<1x512xi32>
      %add3A_804 = arith.addi %add3A_796, %select_n3A_803 : vector<1x512xi32>
      %eq3A_805 = arith.constant 3 : i32
      %eq3A_806 = vector.broadcast %eq3A_805 : i32 to vector<1x512xi32>
      %eq3A_807 = arith.cmpi eq, %get3A_783, %eq3A_806 : vector<1x512xi32>
      %jit3A_808 = arith.constant 0 : i32
      %broadcast_in_dim3A_809 = vector.broadcast %add3A_270 : i32 to vector<1x512xi32>
      %broadcast_in_dim3A_810 = vector.broadcast %jit3A_808 : i32 to vector<1x512xi32>
      %select_n3A_811 = arith.select %eq3A_807, %broadcast_in_dim3A_809, %broadcast_in_dim3A_810 : vector<1x512xi1>, vector<1x512xi32>
      %add3A_812 = arith.addi %add3A_804, %select_n3A_811 : vector<1x512xi32>
      %eq3A_813 = arith.constant 4 : i32
      %eq3A_814 = vector.broadcast %eq3A_813 : i32 to vector<1x512xi32>
      %eq3A_815 = arith.cmpi eq, %get3A_783, %eq3A_814 : vector<1x512xi32>
      %jit3A_816 = arith.constant 0 : i32
      %broadcast_in_dim3A_817 = vector.broadcast %add3A_316 : i32 to vector<1x512xi32>
      %broadcast_in_dim3A_818 = vector.broadcast %jit3A_816 : i32 to vector<1x512xi32>
      %select_n3A_819 = arith.select %eq3A_815, %broadcast_in_dim3A_817, %broadcast_in_dim3A_818 : vector<1x512xi1>, vector<1x512xi32>
      %add3A_820 = arith.addi %add3A_812, %select_n3A_819 : vector<1x512xi32>
      %eq3A_821 = arith.constant 5 : i32
      %eq3A_822 = vector.broadcast %eq3A_821 : i32 to vector<1x512xi32>
      %eq3A_823 = arith.cmpi eq, %get3A_783, %eq3A_822 : vector<1x512xi32>
      %jit3A_824 = arith.constant 0 : i32
      %broadcast_in_dim3A_825 = vector.broadcast %add3A_362 : i32 to vector<1x512xi32>
      %broadcast_in_dim3A_826 = vector.broadcast %jit3A_824 : i32 to vector<1x512xi32>
      %select_n3A_827 = arith.select %eq3A_823, %broadcast_in_dim3A_825, %broadcast_in_dim3A_826 : vector<1x512xi1>, vector<1x512xi32>
      %add3A_828 = arith.addi %add3A_820, %select_n3A_827 : vector<1x512xi32>
      %eq3A_829 = arith.constant 6 : i32
      %eq3A_830 = vector.broadcast %eq3A_829 : i32 to vector<1x512xi32>
      %eq3A_831 = arith.cmpi eq, %get3A_783, %eq3A_830 : vector<1x512xi32>
      %jit3A_832 = arith.constant 0 : i32
      %broadcast_in_dim3A_833 = vector.broadcast %add3A_408 : i32 to vector<1x512xi32>
      %broadcast_in_dim3A_834 = vector.broadcast %jit3A_832 : i32 to vector<1x512xi32>
      %select_n3A_835 = arith.select %eq3A_831, %broadcast_in_dim3A_833, %broadcast_in_dim3A_834 : vector<1x512xi1>, vector<1x512xi32>
      %add3A_836 = arith.addi %add3A_828, %select_n3A_835 : vector<1x512xi32>
      %eq3A_837 = arith.constant 7 : i32
      %eq3A_838 = vector.broadcast %eq3A_837 : i32 to vector<1x512xi32>
      %eq3A_839 = arith.cmpi eq, %get3A_783, %eq3A_838 : vector<1x512xi32>
      %jit3A_840 = arith.constant 0 : i32
      %broadcast_in_dim3A_841 = vector.broadcast %add3A_454 : i32 to vector<1x512xi32>
      %broadcast_in_dim3A_842 = vector.broadcast %jit3A_840 : i32 to vector<1x512xi32>
      %select_n3A_843 = arith.select %eq3A_839, %broadcast_in_dim3A_841, %broadcast_in_dim3A_842 : vector<1x512xi1>, vector<1x512xi32>
      %add3A_844 = arith.addi %add3A_836, %select_n3A_843 : vector<1x512xi32>
      %swap3A_845 = arith.constant 4 : index
      %swap3A_846 = arith.constant 0 : index
      %swap3A_847 = arith.constant 0 : index
      %swap3A_848 = vector.load %arg9[%swap3A_845, %swap3A_846, %swap3A_847] : memref<32x1x512xi32, #tpu.memory_space<vmem>>, vector<1x1x512xi32>
      %swap3A_849 = vector.shape_cast %swap3A_848 : vector<1x1x512xi32> to vector<1x512xi32>
      %swap3A_850 = vector.shape_cast %add3A_844 : vector<1x512xi32> to vector<1x1x512xi32>
      tpu.vector_store %arg9[%swap3A_845, %swap3A_846, %swap3A_847], %swap3A_850 {strides = array<i32>} : memref<32x1x512xi32, #tpu.memory_space<vmem>>, vector<1x1x512xi32>,
      %get3A_851 = arith.constant 5 : index
      %get3A_852 = arith.constant 0 : index
      %get3A_853 = arith.constant 0 : index
      %get3A_854 = vector.load %arg14[%get3A_851, %get3A_852, %get3A_853] : memref<32x1x512xi32, #tpu.memory_space<vmem>>, vector<1x1x512xi32>
      %get3A_855 = vector.shape_cast %get3A_854 : vector<1x1x512xi32> to vector<1x512xi32>
      %get3A_856 = arith.constant 5 : index
      %get3A_857 = arith.constant 0 : index
      %get3A_858 = arith.constant 0 : index
      %get3A_859 = vector.load %arg15[%get3A_856, %get3A_857, %get3A_858] : memref<32x1x512xi32, #tpu.memory_space<vmem>>, vector<1x1x512xi32>
      %get3A_860 = vector.shape_cast %get3A_859 : vector<1x1x512xi32> to vector<1x512xi32>
      %eq3A_861 = arith.constant 1 : i32
      %eq3A_862 = vector.broadcast %eq3A_861 : i32 to vector<1x512xi32>
      %eq3A_863 = arith.cmpi eq, %get3A_855, %eq3A_862 : vector<1x512xi32>
      %jit3A_864 = arith.constant 0 : i32
      %broadcast_in_dim3A_865 = vector.broadcast %add3A_178 : i32 to vector<1x512xi32>
      %broadcast_in_dim3A_866 = vector.broadcast %jit3A_864 : i32 to vector<1x512xi32>
      %select_n3A_867 = arith.select %eq3A_863, %broadcast_in_dim3A_865, %broadcast_in_dim3A_866 : vector<1x512xi1>, vector<1x512xi32>
      %add3A_868 = arith.addi %get3A_860, %select_n3A_867 : vector<1x512xi32>
      %eq3A_869 = arith.constant 2 : i32
      %eq3A_870 = vector.broadcast %eq3A_869 : i32 to vector<1x512xi32>
      %eq3A_871 = arith.cmpi eq, %get3A_855, %eq3A_870 : vector<1x512xi32>
      %jit3A_872 = arith.constant 0 : i32
      %broadcast_in_dim3A_873 = vector.broadcast %add3A_224 : i32 to vector<1x512xi32>
      %broadcast_in_dim3A_874 = vector.broadcast %jit3A_872 : i32 to vector<1x512xi32>
      %select_n3A_875 = arith.select %eq3A_871, %broadcast_in_dim3A_873, %broadcast_in_dim3A_874 : vector<1x512xi1>, vector<1x512xi32>
      %add3A_876 = arith.addi %add3A_868, %select_n3A_875 : vector<1x512xi32>
      %eq3A_877 = arith.constant 3 : i32
      %eq3A_878 = vector.broadcast %eq3A_877 : i32 to vector<1x512xi32>
      %eq3A_879 = arith.cmpi eq, %get3A_855, %eq3A_878 : vector<1x512xi32>
      %jit3A_880 = arith.constant 0 : i32
      %broadcast_in_dim3A_881 = vector.broadcast %add3A_270 : i32 to vector<1x512xi32>
      %broadcast_in_dim3A_882 = vector.broadcast %jit3A_880 : i32 to vector<1x512xi32>
      %select_n3A_883 = arith.select %eq3A_879, %broadcast_in_dim3A_881, %broadcast_in_dim3A_882 : vector<1x512xi1>, vector<1x512xi32>
      %add3A_884 = arith.addi %add3A_876, %select_n3A_883 : vector<1x512xi32>
      %eq3A_885 = arith.constant 4 : i32
      %eq3A_886 = vector.broadcast %eq3A_885 : i32 to vector<1x512xi32>
      %eq3A_887 = arith.cmpi eq, %get3A_855, %eq3A_886 : vector<1x512xi32>
      %jit3A_888 = arith.constant 0 : i32
      %broadcast_in_dim3A_889 = vector.broadcast %add3A_316 : i32 to vector<1x512xi32>
      %broadcast_in_dim3A_890 = vector.broadcast %jit3A_888 : i32 to vector<1x512xi32>
      %select_n3A_891 = arith.select %eq3A_887, %broadcast_in_dim3A_889, %broadcast_in_dim3A_890 : vector<1x512xi1>, vector<1x512xi32>
      %add3A_892 = arith.addi %add3A_884, %select_n3A_891 : vector<1x512xi32>
      %eq3A_893 = arith.constant 5 : i32
      %eq3A_894 = vector.broadcast %eq3A_893 : i32 to vector<1x512xi32>
      %eq3A_895 = arith.cmpi eq, %get3A_855, %eq3A_894 : vector<1x512xi32>
      %jit3A_896 = arith.constant 0 : i32
      %broadcast_in_dim3A_897 = vector.broadcast %add3A_362 : i32 to vector<1x512xi32>
      %broadcast_in_dim3A_898 = vector.broadcast %jit3A_896 : i32 to vector<1x512xi32>
      %select_n3A_899 = arith.select %eq3A_895, %broadcast_in_dim3A_897, %broadcast_in_dim3A_898 : vector<1x512xi1>, vector<1x512xi32>
      %add3A_900 = arith.addi %add3A_892, %select_n3A_899 : vector<1x512xi32>
      %eq3A_901 = arith.constant 6 : i32
      %eq3A_902 = vector.broadcast %eq3A_901 : i32 to vector<1x512xi32>
      %eq3A_903 = arith.cmpi eq, %get3A_855, %eq3A_902 : vector<1x512xi32>
      %jit3A_904 = arith.constant 0 : i32
      %broadcast_in_dim3A_905 = vector.broadcast %add3A_408 : i32 to vector<1x512xi32>
      %broadcast_in_dim3A_906 = vector.broadcast %jit3A_904 : i32 to vector<1x512xi32>
      %select_n3A_907 = arith.select %eq3A_903, %broadcast_in_dim3A_905, %broadcast_in_dim3A_906 : vector<1x512xi1>, vector<1x512xi32>
      %add3A_908 = arith.addi %add3A_900, %select_n3A_907 : vector<1x512xi32>
      %eq3A_909 = arith.constant 7 : i32
      %eq3A_910 = vector.broadcast %eq3A_909 : i32 to vector<1x512xi32>
      %eq3A_911 = arith.cmpi eq, %get3A_855, %eq3A_910 : vector<1x512xi32>
      %jit3A_912 = arith.constant 0 : i32
      %broadcast_in_dim3A_913 = vector.broadcast %add3A_454 : i32 to vector<1x512xi32>
      %broadcast_in_dim3A_914 = vector.broadcast %jit3A_912 : i32 to vector<1x512xi32>
      %select_n3A_915 = arith.select %eq3A_911, %broadcast_in_dim3A_913, %broadcast_in_dim3A_914 : vector<1x512xi1>, vector<1x512xi32>
      %add3A_916 = arith.addi %add3A_908, %select_n3A_915 : vector<1x512xi32>
      %swap3A_917 = arith.constant 5 : index
      %swap3A_918 = arith.constant 0 : index
      %swap3A_919 = arith.constant 0 : index
      %swap3A_920 = vector.load %arg9[%swap3A_917, %swap3A_918, %swap3A_919] : memref<32x1x512xi32, #tpu.memory_space<vmem>>, vector<1x1x512xi32>
      %swap3A_921 = vector.shape_cast %swap3A_920 : vector<1x1x512xi32> to vector<1x512xi32>
      %swap3A_922 = vector.shape_cast %add3A_916 : vector<1x512xi32> to vector<1x1x512xi32>
      tpu.vector_store %arg9[%swap3A_917, %swap3A_918, %swap3A_919], %swap3A_922 {strides = array<i32>} : memref<32x1x512xi32, #tpu.memory_space<vmem>>, vector<1x1x512xi32>,
      %get3A_923 = arith.constant 6 : index
      %get3A_924 = arith.constant 0 : index
      %get3A_925 = arith.constant 0 : index
      %get3A_926 = vector.load %arg14[%get3A_923, %get3A_924, %get3A_925] : memref<32x1x512xi32, #tpu.memory_space<vmem>>, vector<1x1x512xi32>
      %get3A_927 = vector.shape_cast %get3A_926 : vector<1x1x512xi32> to vector<1x512xi32>
      %get3A_928 = arith.constant 6 : index
      %get3A_929 = arith.constant 0 : index
      %get3A_930 = arith.constant 0 : index
      %get3A_931 = vector.load %arg15[%get3A_928, %get3A_929, %get3A_930] : memref<32x1x512xi32, #tpu.memory_space<vmem>>, vector<1x1x512xi32>
      %get3A_932 = vector.shape_cast %get3A_931 : vector<1x1x512xi32> to vector<1x512xi32>
      %eq3A_933 = arith.constant 1 : i32
      %eq3A_934 = vector.broadcast %eq3A_933 : i32 to vector<1x512xi32>
      %eq3A_935 = arith.cmpi eq, %get3A_927, %eq3A_934 : vector<1x512xi32>
      %jit3A_936 = arith.constant 0 : i32
      %broadcast_in_dim3A_937 = vector.broadcast %add3A_178 : i32 to vector<1x512xi32>
      %broadcast_in_dim3A_938 = vector.broadcast %jit3A_936 : i32 to vector<1x512xi32>
      %select_n3A_939 = arith.select %eq3A_935, %broadcast_in_dim3A_937, %broadcast_in_dim3A_938 : vector<1x512xi1>, vector<1x512xi32>
      %add3A_940 = arith.addi %get3A_932, %select_n3A_939 : vector<1x512xi32>
      %eq3A_941 = arith.constant 2 : i32
      %eq3A_942 = vector.broadcast %eq3A_941 : i32 to vector<1x512xi32>
      %eq3A_943 = arith.cmpi eq, %get3A_927, %eq3A_942 : vector<1x512xi32>
      %jit3A_944 = arith.constant 0 : i32
      %broadcast_in_dim3A_945 = vector.broadcast %add3A_224 : i32 to vector<1x512xi32>
      %broadcast_in_dim3A_946 = vector.broadcast %jit3A_944 : i32 to vector<1x512xi32>
      %select_n3A_947 = arith.select %eq3A_943, %broadcast_in_dim3A_945, %broadcast_in_dim3A_946 : vector<1x512xi1>, vector<1x512xi32>
      %add3A_948 = arith.addi %add3A_940, %select_n3A_947 : vector<1x512xi32>
      %eq3A_949 = arith.constant 3 : i32
      %eq3A_950 = vector.broadcast %eq3A_949 : i32 to vector<1x512xi32>
      %eq3A_951 = arith.cmpi eq, %get3A_927, %eq3A_950 : vector<1x512xi32>
      %jit3A_952 = arith.constant 0 : i32
      %broadcast_in_dim3A_953 = vector.broadcast %add3A_270 : i32 to vector<1x512xi32>
      %broadcast_in_dim3A_954 = vector.broadcast %jit3A_952 : i32 to vector<1x512xi32>
      %select_n3A_955 = arith.select %eq3A_951, %broadcast_in_dim3A_953, %broadcast_in_dim3A_954 : vector<1x512xi1>, vector<1x512xi32>
      %add3A_956 = arith.addi %add3A_948, %select_n3A_955 : vector<1x512xi32>
      %eq3A_957 = arith.constant 4 : i32
      %eq3A_958 = vector.broadcast %eq3A_957 : i32 to vector<1x512xi32>
      %eq3A_959 = arith.cmpi eq, %get3A_927, %eq3A_958 : vector<1x512xi32>
      %jit3A_960 = arith.constant 0 : i32
      %broadcast_in_dim3A_961 = vector.broadcast %add3A_316 : i32 to vector<1x512xi32>
      %broadcast_in_dim3A_962 = vector.broadcast %jit3A_960 : i32 to vector<1x512xi32>
      %select_n3A_963 = arith.select %eq3A_959, %broadcast_in_dim3A_961, %broadcast_in_dim3A_962 : vector<1x512xi1>, vector<1x512xi32>
      %add3A_964 = arith.addi %add3A_956, %select_n3A_963 : vector<1x512xi32>
      %eq3A_965 = arith.constant 5 : i32
      %eq3A_966 = vector.broadcast %eq3A_965 : i32 to vector<1x512xi32>
      %eq3A_967 = arith.cmpi eq, %get3A_927, %eq3A_966 : vector<1x512xi32>
      %jit3A_968 = arith.constant 0 : i32
      %broadcast_in_dim3A_969 = vector.broadcast %add3A_362 : i32 to vector<1x512xi32>
      %broadcast_in_dim3A_970 = vector.broadcast %jit3A_968 : i32 to vector<1x512xi32>
      %select_n3A_971 = arith.select %eq3A_967, %broadcast_in_dim3A_969, %broadcast_in_dim3A_970 : vector<1x512xi1>, vector<1x512xi32>
      %add3A_972 = arith.addi %add3A_964, %select_n3A_971 : vector<1x512xi32>
      %eq3A_973 = arith.constant 6 : i32
      %eq3A_974 = vector.broadcast %eq3A_973 : i32 to vector<1x512xi32>
      %eq3A_975 = arith.cmpi eq, %get3A_927, %eq3A_974 : vector<1x512xi32>
      %jit3A_976 = arith.constant 0 : i32
      %broadcast_in_dim3A_977 = vector.broadcast %add3A_408 : i32 to vector<1x512xi32>
      %broadcast_in_dim3A_978 = vector.broadcast %jit3A_976 : i32 to vector<1x512xi32>
      %select_n3A_979 = arith.select %eq3A_975, %broadcast_in_dim3A_977, %broadcast_in_dim3A_978 : vector<1x512xi1>, vector<1x512xi32>
      %add3A_980 = arith.addi %add3A_972, %select_n3A_979 : vector<1x512xi32>
      %eq3A_981 = arith.constant 7 : i32
      %eq3A_982 = vector.broadcast %eq3A_981 : i32 to vector<1x512xi32>
      %eq3A_983 = arith.cmpi eq, %get3A_927, %eq3A_982 : vector<1x512xi32>
      %jit3A_984 = arith.constant 0 : i32
      %broadcast_in_dim3A_985 = vector.broadcast %add3A_454 : i32 to vector<1x512xi32>
      %broadcast_in_dim3A_986 = vector.broadcast %jit3A_984 : i32 to vector<1x512xi32>
      %select_n3A_987 = arith.select %eq3A_983, %broadcast_in_dim3A_985, %broadcast_in_dim3A_986 : vector<1x512xi1>, vector<1x512xi32>
      %add3A_988 = arith.addi %add3A_980, %select_n3A_987 : vector<1x512xi32>
      %swap3A_989 = arith.constant 6 : index
      %swap3A_990 = arith.constant 0 : index
      %swap3A_991 = arith.constant 0 : index
      %swap3A_992 = vector.load %arg9[%swap3A_989, %swap3A_990, %swap3A_991] : memref<32x1x512xi32, #tpu.memory_space<vmem>>, vector<1x1x512xi32>
      %swap3A_993 = vector.shape_cast %swap3A_992 : vector<1x1x512xi32> to vector<1x512xi32>
      %swap3A_994 = vector.shape_cast %add3A_988 : vector<1x512xi32> to vector<1x1x512xi32>
      tpu.vector_store %arg9[%swap3A_989, %swap3A_990, %swap3A_991], %swap3A_994 {strides = array<i32>} : memref<32x1x512xi32, #tpu.memory_space<vmem>>, vector<1x1x512xi32>,
      %get3A_995 = arith.constant 7 : index
      %get3A_996 = arith.constant 0 : index
      %get3A_997 = arith.constant 0 : index
      %get3A_998 = vector.load %arg14[%get3A_995, %get3A_996, %get3A_997] : memref<32x1x512xi32, #tpu.memory_space<vmem>>, vector<1x1x512xi32>
      %get3A_999 = vector.shape_cast %get3A_998 : vector<1x1x512xi32> to vector<1x512xi32>
      %get3A_1000 = arith.constant 7 : index
      %get3A_1001 = arith.constant 0 : index
      %get3A_1002 = arith.constant 0 : index
      %get3A_1003 = vector.load %arg15[%get3A_1000, %get3A_1001, %get3A_1002] : memref<32x1x512xi32, #tpu.memory_space<vmem>>, vector<1x1x512xi32>
      %get3A_1004 = vector.shape_cast %get3A_1003 : vector<1x1x512xi32> to vector<1x512xi32>
      %eq3A_1005 = arith.constant 1 : i32
      %eq3A_1006 = vector.broadcast %eq3A_1005 : i32 to vector<1x512xi32>
      %eq3A_1007 = arith.cmpi eq, %get3A_999, %eq3A_1006 : vector<1x512xi32>
      %jit3A_1008 = arith.constant 0 : i32
      %broadcast_in_dim3A_1009 = vector.broadcast %add3A_178 : i32 to vector<1x512xi32>
      %broadcast_in_dim3A_1010 = vector.broadcast %jit3A_1008 : i32 to vector<1x512xi32>
      %select_n3A_1011 = arith.select %eq3A_1007, %broadcast_in_dim3A_1009, %broadcast_in_dim3A_1010 : vector<1x512xi1>, vector<1x512xi32>
      %add3A_1012 = arith.addi %get3A_1004, %select_n3A_1011 : vector<1x512xi32>
      %eq3A_1013 = arith.constant 2 : i32
      %eq3A_1014 = vector.broadcast %eq3A_1013 : i32 to vector<1x512xi32>
      %eq3A_1015 = arith.cmpi eq, %get3A_999, %eq3A_1014 : vector<1x512xi32>
      %jit3A_1016 = arith.constant 0 : i32
      %broadcast_in_dim3A_1017 = vector.broadcast %add3A_224 : i32 to vector<1x512xi32>
      %broadcast_in_dim3A_1018 = vector.broadcast %jit3A_1016 : i32 to vector<1x512xi32>
      %select_n3A_1019 = arith.select %eq3A_1015, %broadcast_in_dim3A_1017, %broadcast_in_dim3A_1018 : vector<1x512xi1>, vector<1x512xi32>
      %add3A_1020 = arith.addi %add3A_1012, %select_n3A_1019 : vector<1x512xi32>
      %eq3A_1021 = arith.constant 3 : i32
      %eq3A_1022 = vector.broadcast %eq3A_1021 : i32 to vector<1x512xi32>
      %eq3A_1023 = arith.cmpi eq, %get3A_999, %eq3A_1022 : vector<1x512xi32>
      %jit3A_1024 = arith.constant 0 : i32
      %broadcast_in_dim3A_1025 = vector.broadcast %add3A_270 : i32 to vector<1x512xi32>
      %broadcast_in_dim3A_1026 = vector.broadcast %jit3A_1024 : i32 to vector<1x512xi32>
      %select_n3A_1027 = arith.select %eq3A_1023, %broadcast_in_dim3A_1025, %broadcast_in_dim3A_1026 : vector<1x512xi1>, vector<1x512xi32>
      %add3A_1028 = arith.addi %add3A_1020, %select_n3A_1027 : vector<1x512xi32>
      %eq3A_1029 = arith.constant 4 : i32
      %eq3A_1030 = vector.broadcast %eq3A_1029 : i32 to vector<1x512xi32>
      %eq3A_1031 = arith.cmpi eq, %get3A_999, %eq3A_1030 : vector<1x512xi32>
      %jit3A_1032 = arith.constant 0 : i32
      %broadcast_in_dim3A_1033 = vector.broadcast %add3A_316 : i32 to vector<1x512xi32>
      %broadcast_in_dim3A_1034 = vector.broadcast %jit3A_1032 : i32 to vector<1x512xi32>
      %select_n3A_1035 = arith.select %eq3A_1031, %broadcast_in_dim3A_1033, %broadcast_in_dim3A_1034 : vector<1x512xi1>, vector<1x512xi32>
      %add3A_1036 = arith.addi %add3A_1028, %select_n3A_1035 : vector<1x512xi32>
      %eq3A_1037 = arith.constant 5 : i32
      %eq3A_1038 = vector.broadcast %eq3A_1037 : i32 to vector<1x512xi32>
      %eq3A_1039 = arith.cmpi eq, %get3A_999, %eq3A_1038 : vector<1x512xi32>
      %jit3A_1040 = arith.constant 0 : i32
      %broadcast_in_dim3A_1041 = vector.broadcast %add3A_362 : i32 to vector<1x512xi32>
      %broadcast_in_dim3A_1042 = vector.broadcast %jit3A_1040 : i32 to vector<1x512xi32>
      %select_n3A_1043 = arith.select %eq3A_1039, %broadcast_in_dim3A_1041, %broadcast_in_dim3A_1042 : vector<1x512xi1>, vector<1x512xi32>
      %add3A_1044 = arith.addi %add3A_1036, %select_n3A_1043 : vector<1x512xi32>
      %eq3A_1045 = arith.constant 6 : i32
      %eq3A_1046 = vector.broadcast %eq3A_1045 : i32 to vector<1x512xi32>
      %eq3A_1047 = arith.cmpi eq, %get3A_999, %eq3A_1046 : vector<1x512xi32>
      %jit3A_1048 = arith.constant 0 : i32
      %broadcast_in_dim3A_1049 = vector.broadcast %add3A_408 : i32 to vector<1x512xi32>
      %broadcast_in_dim3A_1050 = vector.broadcast %jit3A_1048 : i32 to vector<1x512xi32>
      %select_n3A_1051 = arith.select %eq3A_1047, %broadcast_in_dim3A_1049, %broadcast_in_dim3A_1050 : vector<1x512xi1>, vector<1x512xi32>
      %add3A_1052 = arith.addi %add3A_1044, %select_n3A_1051 : vector<1x512xi32>
      %eq3A_1053 = arith.constant 7 : i32
      %eq3A_1054 = vector.broadcast %eq3A_1053 : i32 to vector<1x512xi32>
      %eq3A_1055 = arith.cmpi eq, %get3A_999, %eq3A_1054 : vector<1x512xi32>
      %jit3A_1056 = arith.constant 0 : i32
      %broadcast_in_dim3A_1057 = vector.broadcast %add3A_454 : i32 to vector<1x512xi32>
      %broadcast_in_dim3A_1058 = vector.broadcast %jit3A_1056 : i32 to vector<1x512xi32>
      %select_n3A_1059 = arith.select %eq3A_1055, %broadcast_in_dim3A_1057, %broadcast_in_dim3A_1058 : vector<1x512xi1>, vector<1x512xi32>
      %add3A_1060 = arith.addi %add3A_1052, %select_n3A_1059 : vector<1x512xi32>
      %swap3A_1061 = arith.constant 7 : index
      %swap3A_1062 = arith.constant 0 : index
      %swap3A_1063 = arith.constant 0 : index
      %swap3A_1064 = vector.load %arg9[%swap3A_1061, %swap3A_1062, %swap3A_1063] : memref<32x1x512xi32, #tpu.memory_space<vmem>>, vector<1x1x512xi32>
      %swap3A_1065 = vector.shape_cast %swap3A_1064 : vector<1x1x512xi32> to vector<1x512xi32>
      %swap3A_1066 = vector.shape_cast %add3A_1060 : vector<1x512xi32> to vector<1x1x512xi32>
      tpu.vector_store %arg9[%swap3A_1061, %swap3A_1062, %swap3A_1063], %swap3A_1066 {strides = array<i32>} : memref<32x1x512xi32, #tpu.memory_space<vmem>>, vector<1x1x512xi32>,
      %get3A_1067 = arith.constant 8 : index
      %get3A_1068 = arith.constant 0 : index
      %get3A_1069 = arith.constant 0 : index
      %get3A_1070 = vector.load %arg14[%get3A_1067, %get3A_1068, %get3A_1069] : memref<32x1x512xi32, #tpu.memory_space<vmem>>, vector<1x1x512xi32>
      %get3A_1071 = vector.shape_cast %get3A_1070 : vector<1x1x512xi32> to vector<1x512xi32>
      %get3A_1072 = arith.constant 8 : index
      %get3A_1073 = arith.constant 0 : index
      %get3A_1074 = arith.constant 0 : index
      %get3A_1075 = vector.load %arg15[%get3A_1072, %get3A_1073, %get3A_1074] : memref<32x1x512xi32, #tpu.memory_space<vmem>>, vector<1x1x512xi32>
      %get3A_1076 = vector.shape_cast %get3A_1075 : vector<1x1x512xi32> to vector<1x512xi32>
      %eq3A_1077 = arith.constant 1 : i32
      %eq3A_1078 = vector.broadcast %eq3A_1077 : i32 to vector<1x512xi32>
      %eq3A_1079 = arith.cmpi eq, %get3A_1071, %eq3A_1078 : vector<1x512xi32>
      %jit3A_1080 = arith.constant 0 : i32
      %broadcast_in_dim3A_1081 = vector.broadcast %add3A_178 : i32 to vector<1x512xi32>
      %broadcast_in_dim3A_1082 = vector.broadcast %jit3A_1080 : i32 to vector<1x512xi32>
      %select_n3A_1083 = arith.select %eq3A_1079, %broadcast_in_dim3A_1081, %broadcast_in_dim3A_1082 : vector<1x512xi1>, vector<1x512xi32>
      %add3A_1084 = arith.addi %get3A_1076, %select_n3A_1083 : vector<1x512xi32>
      %eq3A_1085 = arith.constant 2 : i32
      %eq3A_1086 = vector.broadcast %eq3A_1085 : i32 to vector<1x512xi32>
      %eq3A_1087 = arith.cmpi eq, %get3A_1071, %eq3A_1086 : vector<1x512xi32>
      %jit3A_1088 = arith.constant 0 : i32
      %broadcast_in_dim3A_1089 = vector.broadcast %add3A_224 : i32 to vector<1x512xi32>
      %broadcast_in_dim3A_1090 = vector.broadcast %jit3A_1088 : i32 to vector<1x512xi32>
      %select_n3A_1091 = arith.select %eq3A_1087, %broadcast_in_dim3A_1089, %broadcast_in_dim3A_1090 : vector<1x512xi1>, vector<1x512xi32>
      %add3A_1092 = arith.addi %add3A_1084, %select_n3A_1091 : vector<1x512xi32>
      %eq3A_1093 = arith.constant 3 : i32
      %eq3A_1094 = vector.broadcast %eq3A_1093 : i32 to vector<1x512xi32>
      %eq3A_1095 = arith.cmpi eq, %get3A_1071, %eq3A_1094 : vector<1x512xi32>
      %jit3A_1096 = arith.constant 0 : i32
      %broadcast_in_dim3A_1097 = vector.broadcast %add3A_270 : i32 to vector<1x512xi32>
      %broadcast_in_dim3A_1098 = vector.broadcast %jit3A_1096 : i32 to vector<1x512xi32>
      %select_n3A_1099 = arith.select %eq3A_1095, %broadcast_in_dim3A_1097, %broadcast_in_dim3A_1098 : vector<1x512xi1>, vector<1x512xi32>
      %add3A_1100 = arith.addi %add3A_1092, %select_n3A_1099 : vector<1x512xi32>
      %eq3A_1101 = arith.constant 4 : i32
      %eq3A_1102 = vector.broadcast %eq3A_1101 : i32 to vector<1x512xi32>
      %eq3A_1103 = arith.cmpi eq, %get3A_1071, %eq3A_1102 : vector<1x512xi32>
      %jit3A_1104 = arith.constant 0 : i32
      %broadcast_in_dim3A_1105 = vector.broadcast %add3A_316 : i32 to vector<1x512xi32>
      %broadcast_in_dim3A_1106 = vector.broadcast %jit3A_1104 : i32 to vector<1x512xi32>
      %select_n3A_1107 = arith.select %eq3A_1103, %broadcast_in_dim3A_1105, %broadcast_in_dim3A_1106 : vector<1x512xi1>, vector<1x512xi32>
      %add3A_1108 = arith.addi %add3A_1100, %select_n3A_1107 : vector<1x512xi32>
      %eq3A_1109 = arith.constant 5 : i32
      %eq3A_1110 = vector.broadcast %eq3A_1109 : i32 to vector<1x512xi32>
      %eq3A_1111 = arith.cmpi eq, %get3A_1071, %eq3A_1110 : vector<1x512xi32>
      %jit3A_1112 = arith.constant 0 : i32
      %broadcast_in_dim3A_1113 = vector.broadcast %add3A_362 : i32 to vector<1x512xi32>
      %broadcast_in_dim3A_1114 = vector.broadcast %jit3A_1112 : i32 to vector<1x512xi32>
      %select_n3A_1115 = arith.select %eq3A_1111, %broadcast_in_dim3A_1113, %broadcast_in_dim3A_1114 : vector<1x512xi1>, vector<1x512xi32>
      %add3A_1116 = arith.addi %add3A_1108, %select_n3A_1115 : vector<1x512xi32>
      %eq3A_1117 = arith.constant 6 : i32
      %eq3A_1118 = vector.broadcast %eq3A_1117 : i32 to vector<1x512xi32>
      %eq3A_1119 = arith.cmpi eq, %get3A_1071, %eq3A_1118 : vector<1x512xi32>
      %jit3A_1120 = arith.constant 0 : i32
      %broadcast_in_dim3A_1121 = vector.broadcast %add3A_408 : i32 to vector<1x512xi32>
      %broadcast_in_dim3A_1122 = vector.broadcast %jit3A_1120 : i32 to vector<1x512xi32>
      %select_n3A_1123 = arith.select %eq3A_1119, %broadcast_in_dim3A_1121, %broadcast_in_dim3A_1122 : vector<1x512xi1>, vector<1x512xi32>
      %add3A_1124 = arith.addi %add3A_1116, %select_n3A_1123 : vector<1x512xi32>
      %eq3A_1125 = arith.constant 7 : i32
      %eq3A_1126 = vector.broadcast %eq3A_1125 : i32 to vector<1x512xi32>
      %eq3A_1127 = arith.cmpi eq, %get3A_1071, %eq3A_1126 : vector<1x512xi32>
      %jit3A_1128 = arith.constant 0 : i32
      %broadcast_in_dim3A_1129 = vector.broadcast %add3A_454 : i32 to vector<1x512xi32>
      %broadcast_in_dim3A_1130 = vector.broadcast %jit3A_1128 : i32 to vector<1x512xi32>
      %select_n3A_1131 = arith.select %eq3A_1127, %broadcast_in_dim3A_1129, %broadcast_in_dim3A_1130 : vector<1x512xi1>, vector<1x512xi32>
      %add3A_1132 = arith.addi %add3A_1124, %select_n3A_1131 : vector<1x512xi32>
      %swap3A_1133 = arith.constant 8 : index
      %swap3A_1134 = arith.constant 0 : index
      %swap3A_1135 = arith.constant 0 : index
      %swap3A_1136 = vector.load %arg9[%swap3A_1133, %swap3A_1134, %swap3A_1135] : memref<32x1x512xi32, #tpu.memory_space<vmem>>, vector<1x1x512xi32>
      %swap3A_1137 = vector.shape_cast %swap3A_1136 : vector<1x1x512xi32> to vector<1x512xi32>
      %swap3A_1138 = vector.shape_cast %add3A_1132 : vector<1x512xi32> to vector<1x1x512xi32>
      tpu.vector_store %arg9[%swap3A_1133, %swap3A_1134, %swap3A_1135], %swap3A_1138 {strides = array<i32>} : memref<32x1x512xi32, #tpu.memory_space<vmem>>, vector<1x1x512xi32>,
      %get3A_1139 = arith.constant 9 : index
      %get3A_1140 = arith.constant 0 : index
      %get3A_1141 = arith.constant 0 : index
      %get3A_1142 = vector.load %arg14[%get3A_1139, %get3A_1140, %get3A_1141] : memref<32x1x512xi32, #tpu.memory_space<vmem>>, vector<1x1x512xi32>
      %get3A_1143 = vector.shape_cast %get3A_1142 : vector<1x1x512xi32> to vector<1x512xi32>
      %get3A_1144 = arith.constant 9 : index
      %get3A_1145 = arith.constant 0 : index
      %get3A_1146 = arith.constant 0 : index
      %get3A_1147 = vector.load %arg15[%get3A_1144, %get3A_1145, %get3A_1146] : memref<32x1x512xi32, #tpu.memory_space<vmem>>, vector<1x1x512xi32>
      %get3A_1148 = vector.shape_cast %get3A_1147 : vector<1x1x512xi32> to vector<1x512xi32>
      %eq3A_1149 = arith.constant 1 : i32
      %eq3A_1150 = vector.broadcast %eq3A_1149 : i32 to vector<1x512xi32>
      %eq3A_1151 = arith.cmpi eq, %get3A_1143, %eq3A_1150 : vector<1x512xi32>
      %jit3A_1152 = arith.constant 0 : i32
      %broadcast_in_dim3A_1153 = vector.broadcast %add3A_178 : i32 to vector<1x512xi32>
      %broadcast_in_dim3A_1154 = vector.broadcast %jit3A_1152 : i32 to vector<1x512xi32>
      %select_n3A_1155 = arith.select %eq3A_1151, %broadcast_in_dim3A_1153, %broadcast_in_dim3A_1154 : vector<1x512xi1>, vector<1x512xi32>
      %add3A_1156 = arith.addi %get3A_1148, %select_n3A_1155 : vector<1x512xi32>
      %eq3A_1157 = arith.constant 2 : i32
      %eq3A_1158 = vector.broadcast %eq3A_1157 : i32 to vector<1x512xi32>
      %eq3A_1159 = arith.cmpi eq, %get3A_1143, %eq3A_1158 : vector<1x512xi32>
      %jit3A_1160 = arith.constant 0 : i32
      %broadcast_in_dim3A_1161 = vector.broadcast %add3A_224 : i32 to vector<1x512xi32>
      %broadcast_in_dim3A_1162 = vector.broadcast %jit3A_1160 : i32 to vector<1x512xi32>
      %select_n3A_1163 = arith.select %eq3A_1159, %broadcast_in_dim3A_1161, %broadcast_in_dim3A_1162 : vector<1x512xi1>, vector<1x512xi32>
      %add3A_1164 = arith.addi %add3A_1156, %select_n3A_1163 : vector<1x512xi32>
      %eq3A_1165 = arith.constant 3 : i32
      %eq3A_1166 = vector.broadcast %eq3A_1165 : i32 to vector<1x512xi32>
      %eq3A_1167 = arith.cmpi eq, %get3A_1143, %eq3A_1166 : vector<1x512xi32>
      %jit3A_1168 = arith.constant 0 : i32
      %broadcast_in_dim3A_1169 = vector.broadcast %add3A_270 : i32 to vector<1x512xi32>
      %broadcast_in_dim3A_1170 = vector.broadcast %jit3A_1168 : i32 to vector<1x512xi32>
      %select_n3A_1171 = arith.select %eq3A_1167, %broadcast_in_dim3A_1169, %broadcast_in_dim3A_1170 : vector<1x512xi1>, vector<1x512xi32>
      %add3A_1172 = arith.addi %add3A_1164, %select_n3A_1171 : vector<1x512xi32>
      %eq3A_1173 = arith.constant 4 : i32
      %eq3A_1174 = vector.broadcast %eq3A_1173 : i32 to vector<1x512xi32>
      %eq3A_1175 = arith.cmpi eq, %get3A_1143, %eq3A_1174 : vector<1x512xi32>
      %jit3A_1176 = arith.constant 0 : i32
      %broadcast_in_dim3A_1177 = vector.broadcast %add3A_316 : i32 to vector<1x512xi32>
      %broadcast_in_dim3A_1178 = vector.broadcast %jit3A_1176 : i32 to vector<1x512xi32>
      %select_n3A_1179 = arith.select %eq3A_1175, %broadcast_in_dim3A_1177, %broadcast_in_dim3A_1178 : vector<1x512xi1>, vector<1x512xi32>
      %add3A_1180 = arith.addi %add3A_1172, %select_n3A_1179 : vector<1x512xi32>
      %eq3A_1181 = arith.constant 5 : i32
      %eq3A_1182 = vector.broadcast %eq3A_1181 : i32 to vector<1x512xi32>
      %eq3A_1183 = arith.cmpi eq, %get3A_1143, %eq3A_1182 : vector<1x512xi32>
      %jit3A_1184 = arith.constant 0 : i32
      %broadcast_in_dim3A_1185 = vector.broadcast %add3A_362 : i32 to vector<1x512xi32>
      %broadcast_in_dim3A_1186 = vector.broadcast %jit3A_1184 : i32 to vector<1x512xi32>
      %select_n3A_1187 = arith.select %eq3A_1183, %broadcast_in_dim3A_1185, %broadcast_in_dim3A_1186 : vector<1x512xi1>, vector<1x512xi32>
      %add3A_1188 = arith.addi %add3A_1180, %select_n3A_1187 : vector<1x512xi32>
      %eq3A_1189 = arith.constant 6 : i32
      %eq3A_1190 = vector.broadcast %eq3A_1189 : i32 to vector<1x512xi32>
      %eq3A_1191 = arith.cmpi eq, %get3A_1143, %eq3A_1190 : vector<1x512xi32>
      %jit3A_1192 = arith.constant 0 : i32
      %broadcast_in_dim3A_1193 = vector.broadcast %add3A_408 : i32 to vector<1x512xi32>
      %broadcast_in_dim3A_1194 = vector.broadcast %jit3A_1192 : i32 to vector<1x512xi32>
      %select_n3A_1195 = arith.select %eq3A_1191, %broadcast_in_dim3A_1193, %broadcast_in_dim3A_1194 : vector<1x512xi1>, vector<1x512xi32>
      %add3A_1196 = arith.addi %add3A_1188, %select_n3A_1195 : vector<1x512xi32>
      %eq3A_1197 = arith.constant 7 : i32
      %eq3A_1198 = vector.broadcast %eq3A_1197 : i32 to vector<1x512xi32>
      %eq3A_1199 = arith.cmpi eq, %get3A_1143, %eq3A_1198 : vector<1x512xi32>
      %jit3A_1200 = arith.constant 0 : i32
      %broadcast_in_dim3A_1201 = vector.broadcast %add3A_454 : i32 to vector<1x512xi32>
      %broadcast_in_dim3A_1202 = vector.broadcast %jit3A_1200 : i32 to vector<1x512xi32>
      %select_n3A_1203 = arith.select %eq3A_1199, %broadcast_in_dim3A_1201, %broadcast_in_dim3A_1202 : vector<1x512xi1>, vector<1x512xi32>
      %add3A_1204 = arith.addi %add3A_1196, %select_n3A_1203 : vector<1x512xi32>
      %swap3A_1205 = arith.constant 9 : index
      %swap3A_1206 = arith.constant 0 : index
      %swap3A_1207 = arith.constant 0 : index
      %swap3A_1208 = vector.load %arg9[%swap3A_1205, %swap3A_1206, %swap3A_1207] : memref<32x1x512xi32, #tpu.memory_space<vmem>>, vector<1x1x512xi32>
      %swap3A_1209 = vector.shape_cast %swap3A_1208 : vector<1x1x512xi32> to vector<1x512xi32>
      %swap3A_1210 = vector.shape_cast %add3A_1204 : vector<1x512xi32> to vector<1x1x512xi32>
      tpu.vector_store %arg9[%swap3A_1205, %swap3A_1206, %swap3A_1207], %swap3A_1210 {strides = array<i32>} : memref<32x1x512xi32, #tpu.memory_space<vmem>>, vector<1x1x512xi32>,
      %get3A_1211 = arith.constant 10 : index
      %get3A_1212 = arith.constant 0 : index
      %get3A_1213 = arith.constant 0 : index
      %get3A_1214 = vector.load %arg14[%get3A_1211, %get3A_1212, %get3A_1213] : memref<32x1x512xi32, #tpu.memory_space<vmem>>, vector<1x1x512xi32>
      %get3A_1215 = vector.shape_cast %get3A_1214 : vector<1x1x512xi32> to vector<1x512xi32>
      %get3A_1216 = arith.constant 10 : index
      %get3A_1217 = arith.constant 0 : index
      %get3A_1218 = arith.constant 0 : index
      %get3A_1219 = vector.load %arg15[%get3A_1216, %get3A_1217, %get3A_1218] : memref<32x1x512xi32, #tpu.memory_space<vmem>>, vector<1x1x512xi32>
      %get3A_1220 = vector.shape_cast %get3A_1219 : vector<1x1x512xi32> to vector<1x512xi32>
      %eq3A_1221 = arith.constant 1 : i32
      %eq3A_1222 = vector.broadcast %eq3A_1221 : i32 to vector<1x512xi32>
      %eq3A_1223 = arith.cmpi eq, %get3A_1215, %eq3A_1222 : vector<1x512xi32>
      %jit3A_1224 = arith.constant 0 : i32
      %broadcast_in_dim3A_1225 = vector.broadcast %add3A_178 : i32 to vector<1x512xi32>
      %broadcast_in_dim3A_1226 = vector.broadcast %jit3A_1224 : i32 to vector<1x512xi32>
      %select_n3A_1227 = arith.select %eq3A_1223, %broadcast_in_dim3A_1225, %broadcast_in_dim3A_1226 : vector<1x512xi1>, vector<1x512xi32>
      %add3A_1228 = arith.addi %get3A_1220, %select_n3A_1227 : vector<1x512xi32>
      %eq3A_1229 = arith.constant 2 : i32
      %eq3A_1230 = vector.broadcast %eq3A_1229 : i32 to vector<1x512xi32>
      %eq3A_1231 = arith.cmpi eq, %get3A_1215, %eq3A_1230 : vector<1x512xi32>
      %jit3A_1232 = arith.constant 0 : i32
      %broadcast_in_dim3A_1233 = vector.broadcast %add3A_224 : i32 to vector<1x512xi32>
      %broadcast_in_dim3A_1234 = vector.broadcast %jit3A_1232 : i32 to vector<1x512xi32>
      %select_n3A_1235 = arith.select %eq3A_1231, %broadcast_in_dim3A_1233, %broadcast_in_dim3A_1234 : vector<1x512xi1>, vector<1x512xi32>
      %add3A_1236 = arith.addi %add3A_1228, %select_n3A_1235 : vector<1x512xi32>
      %eq3A_1237 = arith.constant 3 : i32
      %eq3A_1238 = vector.broadcast %eq3A_1237 : i32 to vector<1x512xi32>
      %eq3A_1239 = arith.cmpi eq, %get3A_1215, %eq3A_1238 : vector<1x512xi32>
      %jit3A_1240 = arith.constant 0 : i32
      %broadcast_in_dim3A_1241 = vector.broadcast %add3A_270 : i32 to vector<1x512xi32>
      %broadcast_in_dim3A_1242 = vector.broadcast %jit3A_1240 : i32 to vector<1x512xi32>
      %select_n3A_1243 = arith.select %eq3A_1239, %broadcast_in_dim3A_1241, %broadcast_in_dim3A_1242 : vector<1x512xi1>, vector<1x512xi32>
      %add3A_1244 = arith.addi %add3A_1236, %select_n3A_1243 : vector<1x512xi32>
      %eq3A_1245 = arith.constant 4 : i32
      %eq3A_1246 = vector.broadcast %eq3A_1245 : i32 to vector<1x512xi32>
      %eq3A_1247 = arith.cmpi eq, %get3A_1215, %eq3A_1246 : vector<1x512xi32>
      %jit3A_1248 = arith.constant 0 : i32
      %broadcast_in_dim3A_1249 = vector.broadcast %add3A_316 : i32 to vector<1x512xi32>
      %broadcast_in_dim3A_1250 = vector.broadcast %jit3A_1248 : i32 to vector<1x512xi32>
      %select_n3A_1251 = arith.select %eq3A_1247, %broadcast_in_dim3A_1249, %broadcast_in_dim3A_1250 : vector<1x512xi1>, vector<1x512xi32>
      %add3A_1252 = arith.addi %add3A_1244, %select_n3A_1251 : vector<1x512xi32>
      %eq3A_1253 = arith.constant 5 : i32
      %eq3A_1254 = vector.broadcast %eq3A_1253 : i32 to vector<1x512xi32>
      %eq3A_1255 = arith.cmpi eq, %get3A_1215, %eq3A_1254 : vector<1x512xi32>
      %jit3A_1256 = arith.constant 0 : i32
      %broadcast_in_dim3A_1257 = vector.broadcast %add3A_362 : i32 to vector<1x512xi32>
      %broadcast_in_dim3A_1258 = vector.broadcast %jit3A_1256 : i32 to vector<1x512xi32>
      %select_n3A_1259 = arith.select %eq3A_1255, %broadcast_in_dim3A_1257, %broadcast_in_dim3A_1258 : vector<1x512xi1>, vector<1x512xi32>
      %add3A_1260 = arith.addi %add3A_1252, %select_n3A_1259 : vector<1x512xi32>
      %eq3A_1261 = arith.constant 6 : i32
      %eq3A_1262 = vector.broadcast %eq3A_1261 : i32 to vector<1x512xi32>
      %eq3A_1263 = arith.cmpi eq, %get3A_1215, %eq3A_1262 : vector<1x512xi32>
      %jit3A_1264 = arith.constant 0 : i32
      %broadcast_in_dim3A_1265 = vector.broadcast %add3A_408 : i32 to vector<1x512xi32>
      %broadcast_in_dim3A_1266 = vector.broadcast %jit3A_1264 : i32 to vector<1x512xi32>
      %select_n3A_1267 = arith.select %eq3A_1263, %broadcast_in_dim3A_1265, %broadcast_in_dim3A_1266 : vector<1x512xi1>, vector<1x512xi32>
      %add3A_1268 = arith.addi %add3A_1260, %select_n3A_1267 : vector<1x512xi32>
      %eq3A_1269 = arith.constant 7 : i32
      %eq3A_1270 = vector.broadcast %eq3A_1269 : i32 to vector<1x512xi32>
      %eq3A_1271 = arith.cmpi eq, %get3A_1215, %eq3A_1270 : vector<1x512xi32>
      %jit3A_1272 = arith.constant 0 : i32
      %broadcast_in_dim3A_1273 = vector.broadcast %add3A_454 : i32 to vector<1x512xi32>
      %broadcast_in_dim3A_1274 = vector.broadcast %jit3A_1272 : i32 to vector<1x512xi32>
      %select_n3A_1275 = arith.select %eq3A_1271, %broadcast_in_dim3A_1273, %broadcast_in_dim3A_1274 : vector<1x512xi1>, vector<1x512xi32>
      %add3A_1276 = arith.addi %add3A_1268, %select_n3A_1275 : vector<1x512xi32>
      %swap3A_1277 = arith.constant 10 : index
      %swap3A_1278 = arith.constant 0 : index
      %swap3A_1279 = arith.constant 0 : index
      %swap3A_1280 = vector.load %arg9[%swap3A_1277, %swap3A_1278, %swap3A_1279] : memref<32x1x512xi32, #tpu.memory_space<vmem>>, vector<1x1x512xi32>
      %swap3A_1281 = vector.shape_cast %swap3A_1280 : vector<1x1x512xi32> to vector<1x512xi32>
      %swap3A_1282 = vector.shape_cast %add3A_1276 : vector<1x512xi32> to vector<1x1x512xi32>
      tpu.vector_store %arg9[%swap3A_1277, %swap3A_1278, %swap3A_1279], %swap3A_1282 {strides = array<i32>} : memref<32x1x512xi32, #tpu.memory_space<vmem>>, vector<1x1x512xi32>,
      %get3A_1283 = arith.constant 11 : index
      %get3A_1284 = arith.constant 0 : index
      %get3A_1285 = arith.constant 0 : index
      %get3A_1286 = vector.load %arg14[%get3A_1283, %get3A_1284, %get3A_1285] : memref<32x1x512xi32, #tpu.memory_space<vmem>>, vector<1x1x512xi32>
      %get3A_1287 = vector.shape_cast %get3A_1286 : vector<1x1x512xi32> to vector<1x512xi32>
      %get3A_1288 = arith.constant 11 : index
      %get3A_1289 = arith.constant 0 : index
      %get3A_1290 = arith.constant 0 : index
      %get3A_1291 = vector.load %arg15[%get3A_1288, %get3A_1289, %get3A_1290] : memref<32x1x512xi32, #tpu.memory_space<vmem>>, vector<1x1x512xi32>
      %get3A_1292 = vector.shape_cast %get3A_1291 : vector<1x1x512xi32> to vector<1x512xi32>
      %eq3A_1293 = arith.constant 1 : i32
      %eq3A_1294 = vector.broadcast %eq3A_1293 : i32 to vector<1x512xi32>
      %eq3A_1295 = arith.cmpi eq, %get3A_1287, %eq3A_1294 : vector<1x512xi32>
      %jit3A_1296 = arith.constant 0 : i32
      %broadcast_in_dim3A_1297 = vector.broadcast %add3A_178 : i32 to vector<1x512xi32>
      %broadcast_in_dim3A_1298 = vector.broadcast %jit3A_1296 : i32 to vector<1x512xi32>
      %select_n3A_1299 = arith.select %eq3A_1295, %broadcast_in_dim3A_1297, %broadcast_in_dim3A_1298 : vector<1x512xi1>, vector<1x512xi32>
      %add3A_1300 = arith.addi %get3A_1292, %select_n3A_1299 : vector<1x512xi32>
      %eq3A_1301 = arith.constant 2 : i32
      %eq3A_1302 = vector.broadcast %eq3A_1301 : i32 to vector<1x512xi32>
      %eq3A_1303 = arith.cmpi eq, %get3A_1287, %eq3A_1302 : vector<1x512xi32>
      %jit3A_1304 = arith.constant 0 : i32
      %broadcast_in_dim3A_1305 = vector.broadcast %add3A_224 : i32 to vector<1x512xi32>
      %broadcast_in_dim3A_1306 = vector.broadcast %jit3A_1304 : i32 to vector<1x512xi32>
      %select_n3A_1307 = arith.select %eq3A_1303, %broadcast_in_dim3A_1305, %broadcast_in_dim3A_1306 : vector<1x512xi1>, vector<1x512xi32>
      %add3A_1308 = arith.addi %add3A_1300, %select_n3A_1307 : vector<1x512xi32>
      %eq3A_1309 = arith.constant 3 : i32
      %eq3A_1310 = vector.broadcast %eq3A_1309 : i32 to vector<1x512xi32>
      %eq3A_1311 = arith.cmpi eq, %get3A_1287, %eq3A_1310 : vector<1x512xi32>
      %jit3A_1312 = arith.constant 0 : i32
      %broadcast_in_dim3A_1313 = vector.broadcast %add3A_270 : i32 to vector<1x512xi32>
      %broadcast_in_dim3A_1314 = vector.broadcast %jit3A_1312 : i32 to vector<1x512xi32>
      %select_n3A_1315 = arith.select %eq3A_1311, %broadcast_in_dim3A_1313, %broadcast_in_dim3A_1314 : vector<1x512xi1>, vector<1x512xi32>
      %add3A_1316 = arith.addi %add3A_1308, %select_n3A_1315 : vector<1x512xi32>
      %eq3A_1317 = arith.constant 4 : i32
      %eq3A_1318 = vector.broadcast %eq3A_1317 : i32 to vector<1x512xi32>
      %eq3A_1319 = arith.cmpi eq, %get3A_1287, %eq3A_1318 : vector<1x512xi32>
      %jit3A_1320 = arith.constant 0 : i32
      %broadcast_in_dim3A_1321 = vector.broadcast %add3A_316 : i32 to vector<1x512xi32>
      %broadcast_in_dim3A_1322 = vector.broadcast %jit3A_1320 : i32 to vector<1x512xi32>
      %select_n3A_1323 = arith.select %eq3A_1319, %broadcast_in_dim3A_1321, %broadcast_in_dim3A_1322 : vector<1x512xi1>, vector<1x512xi32>
      %add3A_1324 = arith.addi %add3A_1316, %select_n3A_1323 : vector<1x512xi32>
      %eq3A_1325 = arith.constant 5 : i32
      %eq3A_1326 = vector.broadcast %eq3A_1325 : i32 to vector<1x512xi32>
      %eq3A_1327 = arith.cmpi eq, %get3A_1287, %eq3A_1326 : vector<1x512xi32>
      %jit3A_1328 = arith.constant 0 : i32
      %broadcast_in_dim3A_1329 = vector.broadcast %add3A_362 : i32 to vector<1x512xi32>
      %broadcast_in_dim3A_1330 = vector.broadcast %jit3A_1328 : i32 to vector<1x512xi32>
      %select_n3A_1331 = arith.select %eq3A_1327, %broadcast_in_dim3A_1329, %broadcast_in_dim3A_1330 : vector<1x512xi1>, vector<1x512xi32>
      %add3A_1332 = arith.addi %add3A_1324, %select_n3A_1331 : vector<1x512xi32>
      %eq3A_1333 = arith.constant 6 : i32
      %eq3A_1334 = vector.broadcast %eq3A_1333 : i32 to vector<1x512xi32>
      %eq3A_1335 = arith.cmpi eq, %get3A_1287, %eq3A_1334 : vector<1x512xi32>
      %jit3A_1336 = arith.constant 0 : i32
      %broadcast_in_dim3A_1337 = vector.broadcast %add3A_408 : i32 to vector<1x512xi32>
      %broadcast_in_dim3A_1338 = vector.broadcast %jit3A_1336 : i32 to vector<1x512xi32>
      %select_n3A_1339 = arith.select %eq3A_1335, %broadcast_in_dim3A_1337, %broadcast_in_dim3A_1338 : vector<1x512xi1>, vector<1x512xi32>
      %add3A_1340 = arith.addi %add3A_1332, %select_n3A_1339 : vector<1x512xi32>
      %eq3A_1341 = arith.constant 7 : i32
      %eq3A_1342 = vector.broadcast %eq3A_1341 : i32 to vector<1x512xi32>
      %eq3A_1343 = arith.cmpi eq, %get3A_1287, %eq3A_1342 : vector<1x512xi32>
      %jit3A_1344 = arith.constant 0 : i32
      %broadcast_in_dim3A_1345 = vector.broadcast %add3A_454 : i32 to vector<1x512xi32>
      %broadcast_in_dim3A_1346 = vector.broadcast %jit3A_1344 : i32 to vector<1x512xi32>
      %select_n3A_1347 = arith.select %eq3A_1343, %broadcast_in_dim3A_1345, %broadcast_in_dim3A_1346 : vector<1x512xi1>, vector<1x512xi32>
      %add3A_1348 = arith.addi %add3A_1340, %select_n3A_1347 : vector<1x512xi32>
      %swap3A_1349 = arith.constant 11 : index
      %swap3A_1350 = arith.constant 0 : index
      %swap3A_1351 = arith.constant 0 : index
      %swap3A_1352 = vector.load %arg9[%swap3A_1349, %swap3A_1350, %swap3A_1351] : memref<32x1x512xi32, #tpu.memory_space<vmem>>, vector<1x1x512xi32>
      %swap3A_1353 = vector.shape_cast %swap3A_1352 : vector<1x1x512xi32> to vector<1x512xi32>
      %swap3A_1354 = vector.shape_cast %add3A_1348 : vector<1x512xi32> to vector<1x1x512xi32>
      tpu.vector_store %arg9[%swap3A_1349, %swap3A_1350, %swap3A_1351], %swap3A_1354 {strides = array<i32>} : memref<32x1x512xi32, #tpu.memory_space<vmem>>, vector<1x1x512xi32>,
      %get3A_1355 = arith.constant 12 : index
      %get3A_1356 = arith.constant 0 : index
      %get3A_1357 = arith.constant 0 : index
      %get3A_1358 = vector.load %arg14[%get3A_1355, %get3A_1356, %get3A_1357] : memref<32x1x512xi32, #tpu.memory_space<vmem>>, vector<1x1x512xi32>
      %get3A_1359 = vector.shape_cast %get3A_1358 : vector<1x1x512xi32> to vector<1x512xi32>
      %get3A_1360 = arith.constant 12 : index
      %get3A_1361 = arith.constant 0 : index
      %get3A_1362 = arith.constant 0 : index
      %get3A_1363 = vector.load %arg15[%get3A_1360, %get3A_1361, %get3A_1362] : memref<32x1x512xi32, #tpu.memory_space<vmem>>, vector<1x1x512xi32>
      %get3A_1364 = vector.shape_cast %get3A_1363 : vector<1x1x512xi32> to vector<1x512xi32>
      %eq3A_1365 = arith.constant 1 : i32
      %eq3A_1366 = vector.broadcast %eq3A_1365 : i32 to vector<1x512xi32>
      %eq3A_1367 = arith.cmpi eq, %get3A_1359, %eq3A_1366 : vector<1x512xi32>
      %jit3A_1368 = arith.constant 0 : i32
      %broadcast_in_dim3A_1369 = vector.broadcast %add3A_178 : i32 to vector<1x512xi32>
      %broadcast_in_dim3A_1370 = vector.broadcast %jit3A_1368 : i32 to vector<1x512xi32>
      %select_n3A_1371 = arith.select %eq3A_1367, %broadcast_in_dim3A_1369, %broadcast_in_dim3A_1370 : vector<1x512xi1>, vector<1x512xi32>
      %add3A_1372 = arith.addi %get3A_1364, %select_n3A_1371 : vector<1x512xi32>
      %eq3A_1373 = arith.constant 2 : i32
      %eq3A_1374 = vector.broadcast %eq3A_1373 : i32 to vector<1x512xi32>
      %eq3A_1375 = arith.cmpi eq, %get3A_1359, %eq3A_1374 : vector<1x512xi32>
      %jit3A_1376 = arith.constant 0 : i32
      %broadcast_in_dim3A_1377 = vector.broadcast %add3A_224 : i32 to vector<1x512xi32>
      %broadcast_in_dim3A_1378 = vector.broadcast %jit3A_1376 : i32 to vector<1x512xi32>
      %select_n3A_1379 = arith.select %eq3A_1375, %broadcast_in_dim3A_1377, %broadcast_in_dim3A_1378 : vector<1x512xi1>, vector<1x512xi32>
      %add3A_1380 = arith.addi %add3A_1372, %select_n3A_1379 : vector<1x512xi32>
      %eq3A_1381 = arith.constant 3 : i32
      %eq3A_1382 = vector.broadcast %eq3A_1381 : i32 to vector<1x512xi32>
      %eq3A_1383 = arith.cmpi eq, %get3A_1359, %eq3A_1382 : vector<1x512xi32>
      %jit3A_1384 = arith.constant 0 : i32
      %broadcast_in_dim3A_1385 = vector.broadcast %add3A_270 : i32 to vector<1x512xi32>
      %broadcast_in_dim3A_1386 = vector.broadcast %jit3A_1384 : i32 to vector<1x512xi32>
      %select_n3A_1387 = arith.select %eq3A_1383, %broadcast_in_dim3A_1385, %broadcast_in_dim3A_1386 : vector<1x512xi1>, vector<1x512xi32>
      %add3A_1388 = arith.addi %add3A_1380, %select_n3A_1387 : vector<1x512xi32>
      %eq3A_1389 = arith.constant 4 : i32
      %eq3A_1390 = vector.broadcast %eq3A_1389 : i32 to vector<1x512xi32>
      %eq3A_1391 = arith.cmpi eq, %get3A_1359, %eq3A_1390 : vector<1x512xi32>
      %jit3A_1392 = arith.constant 0 : i32
      %broadcast_in_dim3A_1393 = vector.broadcast %add3A_316 : i32 to vector<1x512xi32>
      %broadcast_in_dim3A_1394 = vector.broadcast %jit3A_1392 : i32 to vector<1x512xi32>
      %select_n3A_1395 = arith.select %eq3A_1391, %broadcast_in_dim3A_1393, %broadcast_in_dim3A_1394 : vector<1x512xi1>, vector<1x512xi32>
      %add3A_1396 = arith.addi %add3A_1388, %select_n3A_1395 : vector<1x512xi32>
      %eq3A_1397 = arith.constant 5 : i32
      %eq3A_1398 = vector.broadcast %eq3A_1397 : i32 to vector<1x512xi32>
      %eq3A_1399 = arith.cmpi eq, %get3A_1359, %eq3A_1398 : vector<1x512xi32>
      %jit3A_1400 = arith.constant 0 : i32
      %broadcast_in_dim3A_1401 = vector.broadcast %add3A_362 : i32 to vector<1x512xi32>
      %broadcast_in_dim3A_1402 = vector.broadcast %jit3A_1400 : i32 to vector<1x512xi32>
      %select_n3A_1403 = arith.select %eq3A_1399, %broadcast_in_dim3A_1401, %broadcast_in_dim3A_1402 : vector<1x512xi1>, vector<1x512xi32>
      %add3A_1404 = arith.addi %add3A_1396, %select_n3A_1403 : vector<1x512xi32>
      %eq3A_1405 = arith.constant 6 : i32
      %eq3A_1406 = vector.broadcast %eq3A_1405 : i32 to vector<1x512xi32>
      %eq3A_1407 = arith.cmpi eq, %get3A_1359, %eq3A_1406 : vector<1x512xi32>
      %jit3A_1408 = arith.constant 0 : i32
      %broadcast_in_dim3A_1409 = vector.broadcast %add3A_408 : i32 to vector<1x512xi32>
      %broadcast_in_dim3A_1410 = vector.broadcast %jit3A_1408 : i32 to vector<1x512xi32>
      %select_n3A_1411 = arith.select %eq3A_1407, %broadcast_in_dim3A_1409, %broadcast_in_dim3A_1410 : vector<1x512xi1>, vector<1x512xi32>
      %add3A_1412 = arith.addi %add3A_1404, %select_n3A_1411 : vector<1x512xi32>
      %eq3A_1413 = arith.constant 7 : i32
      %eq3A_1414 = vector.broadcast %eq3A_1413 : i32 to vector<1x512xi32>
      %eq3A_1415 = arith.cmpi eq, %get3A_1359, %eq3A_1414 : vector<1x512xi32>
      %jit3A_1416 = arith.constant 0 : i32
      %broadcast_in_dim3A_1417 = vector.broadcast %add3A_454 : i32 to vector<1x512xi32>
      %broadcast_in_dim3A_1418 = vector.broadcast %jit3A_1416 : i32 to vector<1x512xi32>
      %select_n3A_1419 = arith.select %eq3A_1415, %broadcast_in_dim3A_1417, %broadcast_in_dim3A_1418 : vector<1x512xi1>, vector<1x512xi32>
      %add3A_1420 = arith.addi %add3A_1412, %select_n3A_1419 : vector<1x512xi32>
      %swap3A_1421 = arith.constant 12 : index
      %swap3A_1422 = arith.constant 0 : index
      %swap3A_1423 = arith.constant 0 : index
      %swap3A_1424 = vector.load %arg9[%swap3A_1421, %swap3A_1422, %swap3A_1423] : memref<32x1x512xi32, #tpu.memory_space<vmem>>, vector<1x1x512xi32>
      %swap3A_1425 = vector.shape_cast %swap3A_1424 : vector<1x1x512xi32> to vector<1x512xi32>
      %swap3A_1426 = vector.shape_cast %add3A_1420 : vector<1x512xi32> to vector<1x1x512xi32>
      tpu.vector_store %arg9[%swap3A_1421, %swap3A_1422, %swap3A_1423], %swap3A_1426 {strides = array<i32>} : memref<32x1x512xi32, #tpu.memory_space<vmem>>, vector<1x1x512xi32>,
      %get3A_1427 = arith.constant 13 : index
      %get3A_1428 = arith.constant 0 : index
      %get3A_1429 = arith.constant 0 : index
      %get3A_1430 = vector.load %arg14[%get3A_1427, %get3A_1428, %get3A_1429] : memref<32x1x512xi32, #tpu.memory_space<vmem>>, vector<1x1x512xi32>
      %get3A_1431 = vector.shape_cast %get3A_1430 : vector<1x1x512xi32> to vector<1x512xi32>
      %get3A_1432 = arith.constant 13 : index
      %get3A_1433 = arith.constant 0 : index
      %get3A_1434 = arith.constant 0 : index
      %get3A_1435 = vector.load %arg15[%get3A_1432, %get3A_1433, %get3A_1434] : memref<32x1x512xi32, #tpu.memory_space<vmem>>, vector<1x1x512xi32>
      %get3A_1436 = vector.shape_cast %get3A_1435 : vector<1x1x512xi32> to vector<1x512xi32>
      %eq3A_1437 = arith.constant 1 : i32
      %eq3A_1438 = vector.broadcast %eq3A_1437 : i32 to vector<1x512xi32>
      %eq3A_1439 = arith.cmpi eq, %get3A_1431, %eq3A_1438 : vector<1x512xi32>
      %jit3A_1440 = arith.constant 0 : i32
      %broadcast_in_dim3A_1441 = vector.broadcast %add3A_178 : i32 to vector<1x512xi32>
      %broadcast_in_dim3A_1442 = vector.broadcast %jit3A_1440 : i32 to vector<1x512xi32>
      %select_n3A_1443 = arith.select %eq3A_1439, %broadcast_in_dim3A_1441, %broadcast_in_dim3A_1442 : vector<1x512xi1>, vector<1x512xi32>
      %add3A_1444 = arith.addi %get3A_1436, %select_n3A_1443 : vector<1x512xi32>
      %eq3A_1445 = arith.constant 2 : i32
      %eq3A_1446 = vector.broadcast %eq3A_1445 : i32 to vector<1x512xi32>
      %eq3A_1447 = arith.cmpi eq, %get3A_1431, %eq3A_1446 : vector<1x512xi32>
      %jit3A_1448 = arith.constant 0 : i32
      %broadcast_in_dim3A_1449 = vector.broadcast %add3A_224 : i32 to vector<1x512xi32>
      %broadcast_in_dim3A_1450 = vector.broadcast %jit3A_1448 : i32 to vector<1x512xi32>
      %select_n3A_1451 = arith.select %eq3A_1447, %broadcast_in_dim3A_1449, %broadcast_in_dim3A_1450 : vector<1x512xi1>, vector<1x512xi32>
      %add3A_1452 = arith.addi %add3A_1444, %select_n3A_1451 : vector<1x512xi32>
      %eq3A_1453 = arith.constant 3 : i32
      %eq3A_1454 = vector.broadcast %eq3A_1453 : i32 to vector<1x512xi32>
      %eq3A_1455 = arith.cmpi eq, %get3A_1431, %eq3A_1454 : vector<1x512xi32>
      %jit3A_1456 = arith.constant 0 : i32
      %broadcast_in_dim3A_1457 = vector.broadcast %add3A_270 : i32 to vector<1x512xi32>
      %broadcast_in_dim3A_1458 = vector.broadcast %jit3A_1456 : i32 to vector<1x512xi32>
      %select_n3A_1459 = arith.select %eq3A_1455, %broadcast_in_dim3A_1457, %broadcast_in_dim3A_1458 : vector<1x512xi1>, vector<1x512xi32>
      %add3A_1460 = arith.addi %add3A_1452, %select_n3A_1459 : vector<1x512xi32>
      %eq3A_1461 = arith.constant 4 : i32
      %eq3A_1462 = vector.broadcast %eq3A_1461 : i32 to vector<1x512xi32>
      %eq3A_1463 = arith.cmpi eq, %get3A_1431, %eq3A_1462 : vector<1x512xi32>
      %jit3A_1464 = arith.constant 0 : i32
      %broadcast_in_dim3A_1465 = vector.broadcast %add3A_316 : i32 to vector<1x512xi32>
      %broadcast_in_dim3A_1466 = vector.broadcast %jit3A_1464 : i32 to vector<1x512xi32>
      %select_n3A_1467 = arith.select %eq3A_1463, %broadcast_in_dim3A_1465, %broadcast_in_dim3A_1466 : vector<1x512xi1>, vector<1x512xi32>
      %add3A_1468 = arith.addi %add3A_1460, %select_n3A_1467 : vector<1x512xi32>
      %eq3A_1469 = arith.constant 5 : i32
      %eq3A_1470 = vector.broadcast %eq3A_1469 : i32 to vector<1x512xi32>
      %eq3A_1471 = arith.cmpi eq, %get3A_1431, %eq3A_1470 : vector<1x512xi32>
      %jit3A_1472 = arith.constant 0 : i32
      %broadcast_in_dim3A_1473 = vector.broadcast %add3A_362 : i32 to vector<1x512xi32>
      %broadcast_in_dim3A_1474 = vector.broadcast %jit3A_1472 : i32 to vector<1x512xi32>
      %select_n3A_1475 = arith.select %eq3A_1471, %broadcast_in_dim3A_1473, %broadcast_in_dim3A_1474 : vector<1x512xi1>, vector<1x512xi32>
      %add3A_1476 = arith.addi %add3A_1468, %select_n3A_1475 : vector<1x512xi32>
      %eq3A_1477 = arith.constant 6 : i32
      %eq3A_1478 = vector.broadcast %eq3A_1477 : i32 to vector<1x512xi32>
      %eq3A_1479 = arith.cmpi eq, %get3A_1431, %eq3A_1478 : vector<1x512xi32>
      %jit3A_1480 = arith.constant 0 : i32
      %broadcast_in_dim3A_1481 = vector.broadcast %add3A_408 : i32 to vector<1x512xi32>
      %broadcast_in_dim3A_1482 = vector.broadcast %jit3A_1480 : i32 to vector<1x512xi32>
      %select_n3A_1483 = arith.select %eq3A_1479, %broadcast_in_dim3A_1481, %broadcast_in_dim3A_1482 : vector<1x512xi1>, vector<1x512xi32>
      %add3A_1484 = arith.addi %add3A_1476, %select_n3A_1483 : vector<1x512xi32>
      %eq3A_1485 = arith.constant 7 : i32
      %eq3A_1486 = vector.broadcast %eq3A_1485 : i32 to vector<1x512xi32>
      %eq3A_1487 = arith.cmpi eq, %get3A_1431, %eq3A_1486 : vector<1x512xi32>
      %jit3A_1488 = arith.constant 0 : i32
      %broadcast_in_dim3A_1489 = vector.broadcast %add3A_454 : i32 to vector<1x512xi32>
      %broadcast_in_dim3A_1490 = vector.broadcast %jit3A_1488 : i32 to vector<1x512xi32>
      %select_n3A_1491 = arith.select %eq3A_1487, %broadcast_in_dim3A_1489, %broadcast_in_dim3A_1490 : vector<1x512xi1>, vector<1x512xi32>
      %add3A_1492 = arith.addi %add3A_1484, %select_n3A_1491 : vector<1x512xi32>
      %swap3A_1493 = arith.constant 13 : index
      %swap3A_1494 = arith.constant 0 : index
      %swap3A_1495 = arith.constant 0 : index
      %swap3A_1496 = vector.load %arg9[%swap3A_1493, %swap3A_1494, %swap3A_1495] : memref<32x1x512xi32, #tpu.memory_space<vmem>>, vector<1x1x512xi32>
      %swap3A_1497 = vector.shape_cast %swap3A_1496 : vector<1x1x512xi32> to vector<1x512xi32>
      %swap3A_1498 = vector.shape_cast %add3A_1492 : vector<1x512xi32> to vector<1x1x512xi32>
      tpu.vector_store %arg9[%swap3A_1493, %swap3A_1494, %swap3A_1495], %swap3A_1498 {strides = array<i32>} : memref<32x1x512xi32, #tpu.memory_space<vmem>>, vector<1x1x512xi32>,
      %get3A_1499 = arith.constant 14 : index
      %get3A_1500 = arith.constant 0 : index
      %get3A_1501 = arith.constant 0 : index
      %get3A_1502 = vector.load %arg14[%get3A_1499, %get3A_1500, %get3A_1501] : memref<32x1x512xi32, #tpu.memory_space<vmem>>, vector<1x1x512xi32>
      %get3A_1503 = vector.shape_cast %get3A_1502 : vector<1x1x512xi32> to vector<1x512xi32>
      %get3A_1504 = arith.constant 14 : index
      %get3A_1505 = arith.constant 0 : index
      %get3A_1506 = arith.constant 0 : index
      %get3A_1507 = vector.load %arg15[%get3A_1504, %get3A_1505, %get3A_1506] : memref<32x1x512xi32, #tpu.memory_space<vmem>>, vector<1x1x512xi32>
      %get3A_1508 = vector.shape_cast %get3A_1507 : vector<1x1x512xi32> to vector<1x512xi32>
      %eq3A_1509 = arith.constant 1 : i32
      %eq3A_1510 = vector.broadcast %eq3A_1509 : i32 to vector<1x512xi32>
      %eq3A_1511 = arith.cmpi eq, %get3A_1503, %eq3A_1510 : vector<1x512xi32>
      %jit3A_1512 = arith.constant 0 : i32
      %broadcast_in_dim3A_1513 = vector.broadcast %add3A_178 : i32 to vector<1x512xi32>
      %broadcast_in_dim3A_1514 = vector.broadcast %jit3A_1512 : i32 to vector<1x512xi32>
      %select_n3A_1515 = arith.select %eq3A_1511, %broadcast_in_dim3A_1513, %broadcast_in_dim3A_1514 : vector<1x512xi1>, vector<1x512xi32>
      %add3A_1516 = arith.addi %get3A_1508, %select_n3A_1515 : vector<1x512xi32>
      %eq3A_1517 = arith.constant 2 : i32
      %eq3A_1518 = vector.broadcast %eq3A_1517 : i32 to vector<1x512xi32>
      %eq3A_1519 = arith.cmpi eq, %get3A_1503, %eq3A_1518 : vector<1x512xi32>
      %jit3A_1520 = arith.constant 0 : i32
      %broadcast_in_dim3A_1521 = vector.broadcast %add3A_224 : i32 to vector<1x512xi32>
      %broadcast_in_dim3A_1522 = vector.broadcast %jit3A_1520 : i32 to vector<1x512xi32>
      %select_n3A_1523 = arith.select %eq3A_1519, %broadcast_in_dim3A_1521, %broadcast_in_dim3A_1522 : vector<1x512xi1>, vector<1x512xi32>
      %add3A_1524 = arith.addi %add3A_1516, %select_n3A_1523 : vector<1x512xi32>
      %eq3A_1525 = arith.constant 3 : i32
      %eq3A_1526 = vector.broadcast %eq3A_1525 : i32 to vector<1x512xi32>
      %eq3A_1527 = arith.cmpi eq, %get3A_1503, %eq3A_1526 : vector<1x512xi32>
      %jit3A_1528 = arith.constant 0 : i32
      %broadcast_in_dim3A_1529 = vector.broadcast %add3A_270 : i32 to vector<1x512xi32>
      %broadcast_in_dim3A_1530 = vector.broadcast %jit3A_1528 : i32 to vector<1x512xi32>
      %select_n3A_1531 = arith.select %eq3A_1527, %broadcast_in_dim3A_1529, %broadcast_in_dim3A_1530 : vector<1x512xi1>, vector<1x512xi32>
      %add3A_1532 = arith.addi %add3A_1524, %select_n3A_1531 : vector<1x512xi32>
      %eq3A_1533 = arith.constant 4 : i32
      %eq3A_1534 = vector.broadcast %eq3A_1533 : i32 to vector<1x512xi32>
      %eq3A_1535 = arith.cmpi eq, %get3A_1503, %eq3A_1534 : vector<1x512xi32>
      %jit3A_1536 = arith.constant 0 : i32
      %broadcast_in_dim3A_1537 = vector.broadcast %add3A_316 : i32 to vector<1x512xi32>
      %broadcast_in_dim3A_1538 = vector.broadcast %jit3A_1536 : i32 to vector<1x512xi32>
      %select_n3A_1539 = arith.select %eq3A_1535, %broadcast_in_dim3A_1537, %broadcast_in_dim3A_1538 : vector<1x512xi1>, vector<1x512xi32>
      %add3A_1540 = arith.addi %add3A_1532, %select_n3A_1539 : vector<1x512xi32>
      %eq3A_1541 = arith.constant 5 : i32
      %eq3A_1542 = vector.broadcast %eq3A_1541 : i32 to vector<1x512xi32>
      %eq3A_1543 = arith.cmpi eq, %get3A_1503, %eq3A_1542 : vector<1x512xi32>
      %jit3A_1544 = arith.constant 0 : i32
      %broadcast_in_dim3A_1545 = vector.broadcast %add3A_362 : i32 to vector<1x512xi32>
      %broadcast_in_dim3A_1546 = vector.broadcast %jit3A_1544 : i32 to vector<1x512xi32>
      %select_n3A_1547 = arith.select %eq3A_1543, %broadcast_in_dim3A_1545, %broadcast_in_dim3A_1546 : vector<1x512xi1>, vector<1x512xi32>
      %add3A_1548 = arith.addi %add3A_1540, %select_n3A_1547 : vector<1x512xi32>
      %eq3A_1549 = arith.constant 6 : i32
      %eq3A_1550 = vector.broadcast %eq3A_1549 : i32 to vector<1x512xi32>
      %eq3A_1551 = arith.cmpi eq, %get3A_1503, %eq3A_1550 : vector<1x512xi32>
      %jit3A_1552 = arith.constant 0 : i32
      %broadcast_in_dim3A_1553 = vector.broadcast %add3A_408 : i32 to vector<1x512xi32>
      %broadcast_in_dim3A_1554 = vector.broadcast %jit3A_1552 : i32 to vector<1x512xi32>
      %select_n3A_1555 = arith.select %eq3A_1551, %broadcast_in_dim3A_1553, %broadcast_in_dim3A_1554 : vector<1x512xi1>, vector<1x512xi32>
      %add3A_1556 = arith.addi %add3A_1548, %select_n3A_1555 : vector<1x512xi32>
      %eq3A_1557 = arith.constant 7 : i32
      %eq3A_1558 = vector.broadcast %eq3A_1557 : i32 to vector<1x512xi32>
      %eq3A_1559 = arith.cmpi eq, %get3A_1503, %eq3A_1558 : vector<1x512xi32>
      %jit3A_1560 = arith.constant 0 : i32
      %broadcast_in_dim3A_1561 = vector.broadcast %add3A_454 : i32 to vector<1x512xi32>
      %broadcast_in_dim3A_1562 = vector.broadcast %jit3A_1560 : i32 to vector<1x512xi32>
      %select_n3A_1563 = arith.select %eq3A_1559, %broadcast_in_dim3A_1561, %broadcast_in_dim3A_1562 : vector<1x512xi1>, vector<1x512xi32>
      %add3A_1564 = arith.addi %add3A_1556, %select_n3A_1563 : vector<1x512xi32>
      %swap3A_1565 = arith.constant 14 : index
      %swap3A_1566 = arith.constant 0 : index
      %swap3A_1567 = arith.constant 0 : index
      %swap3A_1568 = vector.load %arg9[%swap3A_1565, %swap3A_1566, %swap3A_1567] : memref<32x1x512xi32, #tpu.memory_space<vmem>>, vector<1x1x512xi32>
      %swap3A_1569 = vector.shape_cast %swap3A_1568 : vector<1x1x512xi32> to vector<1x512xi32>
      %swap3A_1570 = vector.shape_cast %add3A_1564 : vector<1x512xi32> to vector<1x1x512xi32>
      tpu.vector_store %arg9[%swap3A_1565, %swap3A_1566, %swap3A_1567], %swap3A_1570 {strides = array<i32>} : memref<32x1x512xi32, #tpu.memory_space<vmem>>, vector<1x1x512xi32>,
      %get3A_1571 = arith.constant 15 : index
      %get3A_1572 = arith.constant 0 : index
      %get3A_1573 = arith.constant 0 : index
      %get3A_1574 = vector.load %arg14[%get3A_1571, %get3A_1572, %get3A_1573] : memref<32x1x512xi32, #tpu.memory_space<vmem>>, vector<1x1x512xi32>
      %get3A_1575 = vector.shape_cast %get3A_1574 : vector<1x1x512xi32> to vector<1x512xi32>
      %get3A_1576 = arith.constant 15 : index
      %get3A_1577 = arith.constant 0 : index
      %get3A_1578 = arith.constant 0 : index
      %get3A_1579 = vector.load %arg15[%get3A_1576, %get3A_1577, %get3A_1578] : memref<32x1x512xi32, #tpu.memory_space<vmem>>, vector<1x1x512xi32>
      %get3A_1580 = vector.shape_cast %get3A_1579 : vector<1x1x512xi32> to vector<1x512xi32>
      %eq3A_1581 = arith.constant 1 : i32
      %eq3A_1582 = vector.broadcast %eq3A_1581 : i32 to vector<1x512xi32>
      %eq3A_1583 = arith.cmpi eq, %get3A_1575, %eq3A_1582 : vector<1x512xi32>
      %jit3A_1584 = arith.constant 0 : i32
      %broadcast_in_dim3A_1585 = vector.broadcast %add3A_178 : i32 to vector<1x512xi32>
      %broadcast_in_dim3A_1586 = vector.broadcast %jit3A_1584 : i32 to vector<1x512xi32>
      %select_n3A_1587 = arith.select %eq3A_1583, %broadcast_in_dim3A_1585, %broadcast_in_dim3A_1586 : vector<1x512xi1>, vector<1x512xi32>
      %add3A_1588 = arith.addi %get3A_1580, %select_n3A_1587 : vector<1x512xi32>
      %eq3A_1589 = arith.constant 2 : i32
      %eq3A_1590 = vector.broadcast %eq3A_1589 : i32 to vector<1x512xi32>
      %eq3A_1591 = arith.cmpi eq, %get3A_1575, %eq3A_1590 : vector<1x512xi32>
      %jit3A_1592 = arith.constant 0 : i32
      %broadcast_in_dim3A_1593 = vector.broadcast %add3A_224 : i32 to vector<1x512xi32>
      %broadcast_in_dim3A_1594 = vector.broadcast %jit3A_1592 : i32 to vector<1x512xi32>
      %select_n3A_1595 = arith.select %eq3A_1591, %broadcast_in_dim3A_1593, %broadcast_in_dim3A_1594 : vector<1x512xi1>, vector<1x512xi32>
      %add3A_1596 = arith.addi %add3A_1588, %select_n3A_1595 : vector<1x512xi32>
      %eq3A_1597 = arith.constant 3 : i32
      %eq3A_1598 = vector.broadcast %eq3A_1597 : i32 to vector<1x512xi32>
      %eq3A_1599 = arith.cmpi eq, %get3A_1575, %eq3A_1598 : vector<1x512xi32>
      %jit3A_1600 = arith.constant 0 : i32
      %broadcast_in_dim3A_1601 = vector.broadcast %add3A_270 : i32 to vector<1x512xi32>
      %broadcast_in_dim3A_1602 = vector.broadcast %jit3A_1600 : i32 to vector<1x512xi32>
      %select_n3A_1603 = arith.select %eq3A_1599, %broadcast_in_dim3A_1601, %broadcast_in_dim3A_1602 : vector<1x512xi1>, vector<1x512xi32>
      %add3A_1604 = arith.addi %add3A_1596, %select_n3A_1603 : vector<1x512xi32>
      %eq3A_1605 = arith.constant 4 : i32
      %eq3A_1606 = vector.broadcast %eq3A_1605 : i32 to vector<1x512xi32>
      %eq3A_1607 = arith.cmpi eq, %get3A_1575, %eq3A_1606 : vector<1x512xi32>
      %jit3A_1608 = arith.constant 0 : i32
      %broadcast_in_dim3A_1609 = vector.broadcast %add3A_316 : i32 to vector<1x512xi32>
      %broadcast_in_dim3A_1610 = vector.broadcast %jit3A_1608 : i32 to vector<1x512xi32>
      %select_n3A_1611 = arith.select %eq3A_1607, %broadcast_in_dim3A_1609, %broadcast_in_dim3A_1610 : vector<1x512xi1>, vector<1x512xi32>
      %add3A_1612 = arith.addi %add3A_1604, %select_n3A_1611 : vector<1x512xi32>
      %eq3A_1613 = arith.constant 5 : i32
      %eq3A_1614 = vector.broadcast %eq3A_1613 : i32 to vector<1x512xi32>
      %eq3A_1615 = arith.cmpi eq, %get3A_1575, %eq3A_1614 : vector<1x512xi32>
      %jit3A_1616 = arith.constant 0 : i32
      %broadcast_in_dim3A_1617 = vector.broadcast %add3A_362 : i32 to vector<1x512xi32>
      %broadcast_in_dim3A_1618 = vector.broadcast %jit3A_1616 : i32 to vector<1x512xi32>
      %select_n3A_1619 = arith.select %eq3A_1615, %broadcast_in_dim3A_1617, %broadcast_in_dim3A_1618 : vector<1x512xi1>, vector<1x512xi32>
      %add3A_1620 = arith.addi %add3A_1612, %select_n3A_1619 : vector<1x512xi32>
      %eq3A_1621 = arith.constant 6 : i32
      %eq3A_1622 = vector.broadcast %eq3A_1621 : i32 to vector<1x512xi32>
      %eq3A_1623 = arith.cmpi eq, %get3A_1575, %eq3A_1622 : vector<1x512xi32>
      %jit3A_1624 = arith.constant 0 : i32
      %broadcast_in_dim3A_1625 = vector.broadcast %add3A_408 : i32 to vector<1x512xi32>
      %broadcast_in_dim3A_1626 = vector.broadcast %jit3A_1624 : i32 to vector<1x512xi32>
      %select_n3A_1627 = arith.select %eq3A_1623, %broadcast_in_dim3A_1625, %broadcast_in_dim3A_1626 : vector<1x512xi1>, vector<1x512xi32>
      %add3A_1628 = arith.addi %add3A_1620, %select_n3A_1627 : vector<1x512xi32>
      %eq3A_1629 = arith.constant 7 : i32
      %eq3A_1630 = vector.broadcast %eq3A_1629 : i32 to vector<1x512xi32>
      %eq3A_1631 = arith.cmpi eq, %get3A_1575, %eq3A_1630 : vector<1x512xi32>
      %jit3A_1632 = arith.constant 0 : i32
      %broadcast_in_dim3A_1633 = vector.broadcast %add3A_454 : i32 to vector<1x512xi32>
      %broadcast_in_dim3A_1634 = vector.broadcast %jit3A_1632 : i32 to vector<1x512xi32>
      %select_n3A_1635 = arith.select %eq3A_1631, %broadcast_in_dim3A_1633, %broadcast_in_dim3A_1634 : vector<1x512xi1>, vector<1x512xi32>
      %add3A_1636 = arith.addi %add3A_1628, %select_n3A_1635 : vector<1x512xi32>
      %swap3A_1637 = arith.constant 15 : index
      %swap3A_1638 = arith.constant 0 : index
      %swap3A_1639 = arith.constant 0 : index
      %swap3A_1640 = vector.load %arg9[%swap3A_1637, %swap3A_1638, %swap3A_1639] : memref<32x1x512xi32, #tpu.memory_space<vmem>>, vector<1x1x512xi32>
      %swap3A_1641 = vector.shape_cast %swap3A_1640 : vector<1x1x512xi32> to vector<1x512xi32>
      %swap3A_1642 = vector.shape_cast %add3A_1636 : vector<1x512xi32> to vector<1x1x512xi32>
      tpu.vector_store %arg9[%swap3A_1637, %swap3A_1638, %swap3A_1639], %swap3A_1642 {strides = array<i32>} : memref<32x1x512xi32, #tpu.memory_space<vmem>>, vector<1x1x512xi32>,
      %get3A_1643 = arith.constant 16 : index
      %get3A_1644 = arith.constant 0 : index
      %get3A_1645 = arith.constant 0 : index
      %get3A_1646 = vector.load %arg14[%get3A_1643, %get3A_1644, %get3A_1645] : memref<32x1x512xi32, #tpu.memory_space<vmem>>, vector<1x1x512xi32>
      %get3A_1647 = vector.shape_cast %get3A_1646 : vector<1x1x512xi32> to vector<1x512xi32>
      %get3A_1648 = arith.constant 16 : index
      %get3A_1649 = arith.constant 0 : index
      %get3A_1650 = arith.constant 0 : index
      %get3A_1651 = vector.load %arg15[%get3A_1648, %get3A_1649, %get3A_1650] : memref<32x1x512xi32, #tpu.memory_space<vmem>>, vector<1x1x512xi32>
      %get3A_1652 = vector.shape_cast %get3A_1651 : vector<1x1x512xi32> to vector<1x512xi32>
      %eq3A_1653 = arith.constant 1 : i32
      %eq3A_1654 = vector.broadcast %eq3A_1653 : i32 to vector<1x512xi32>
      %eq3A_1655 = arith.cmpi eq, %get3A_1647, %eq3A_1654 : vector<1x512xi32>
      %jit3A_1656 = arith.constant 0 : i32
      %broadcast_in_dim3A_1657 = vector.broadcast %add3A_178 : i32 to vector<1x512xi32>
      %broadcast_in_dim3A_1658 = vector.broadcast %jit3A_1656 : i32 to vector<1x512xi32>
      %select_n3A_1659 = arith.select %eq3A_1655, %broadcast_in_dim3A_1657, %broadcast_in_dim3A_1658 : vector<1x512xi1>, vector<1x512xi32>
      %add3A_1660 = arith.addi %get3A_1652, %select_n3A_1659 : vector<1x512xi32>
      %eq3A_1661 = arith.constant 2 : i32
      %eq3A_1662 = vector.broadcast %eq3A_1661 : i32 to vector<1x512xi32>
      %eq3A_1663 = arith.cmpi eq, %get3A_1647, %eq3A_1662 : vector<1x512xi32>
      %jit3A_1664 = arith.constant 0 : i32
      %broadcast_in_dim3A_1665 = vector.broadcast %add3A_224 : i32 to vector<1x512xi32>
      %broadcast_in_dim3A_1666 = vector.broadcast %jit3A_1664 : i32 to vector<1x512xi32>
      %select_n3A_1667 = arith.select %eq3A_1663, %broadcast_in_dim3A_1665, %broadcast_in_dim3A_1666 : vector<1x512xi1>, vector<1x512xi32>
      %add3A_1668 = arith.addi %add3A_1660, %select_n3A_1667 : vector<1x512xi32>
      %eq3A_1669 = arith.constant 3 : i32
      %eq3A_1670 = vector.broadcast %eq3A_1669 : i32 to vector<1x512xi32>
      %eq3A_1671 = arith.cmpi eq, %get3A_1647, %eq3A_1670 : vector<1x512xi32>
      %jit3A_1672 = arith.constant 0 : i32
      %broadcast_in_dim3A_1673 = vector.broadcast %add3A_270 : i32 to vector<1x512xi32>
      %broadcast_in_dim3A_1674 = vector.broadcast %jit3A_1672 : i32 to vector<1x512xi32>
      %select_n3A_1675 = arith.select %eq3A_1671, %broadcast_in_dim3A_1673, %broadcast_in_dim3A_1674 : vector<1x512xi1>, vector<1x512xi32>
      %add3A_1676 = arith.addi %add3A_1668, %select_n3A_1675 : vector<1x512xi32>
      %eq3A_1677 = arith.constant 4 : i32
      %eq3A_1678 = vector.broadcast %eq3A_1677 : i32 to vector<1x512xi32>
      %eq3A_1679 = arith.cmpi eq, %get3A_1647, %eq3A_1678 : vector<1x512xi32>
      %jit3A_1680 = arith.constant 0 : i32
      %broadcast_in_dim3A_1681 = vector.broadcast %add3A_316 : i32 to vector<1x512xi32>
      %broadcast_in_dim3A_1682 = vector.broadcast %jit3A_1680 : i32 to vector<1x512xi32>
      %select_n3A_1683 = arith.select %eq3A_1679, %broadcast_in_dim3A_1681, %broadcast_in_dim3A_1682 : vector<1x512xi1>, vector<1x512xi32>
      %add3A_1684 = arith.addi %add3A_1676, %select_n3A_1683 : vector<1x512xi32>
      %eq3A_1685 = arith.constant 5 : i32
      %eq3A_1686 = vector.broadcast %eq3A_1685 : i32 to vector<1x512xi32>
      %eq3A_1687 = arith.cmpi eq, %get3A_1647, %eq3A_1686 : vector<1x512xi32>
      %jit3A_1688 = arith.constant 0 : i32
      %broadcast_in_dim3A_1689 = vector.broadcast %add3A_362 : i32 to vector<1x512xi32>
      %broadcast_in_dim3A_1690 = vector.broadcast %jit3A_1688 : i32 to vector<1x512xi32>
      %select_n3A_1691 = arith.select %eq3A_1687, %broadcast_in_dim3A_1689, %broadcast_in_dim3A_1690 : vector<1x512xi1>, vector<1x512xi32>
      %add3A_1692 = arith.addi %add3A_1684, %select_n3A_1691 : vector<1x512xi32>
      %eq3A_1693 = arith.constant 6 : i32
      %eq3A_1694 = vector.broadcast %eq3A_1693 : i32 to vector<1x512xi32>
      %eq3A_1695 = arith.cmpi eq, %get3A_1647, %eq3A_1694 : vector<1x512xi32>
      %jit3A_1696 = arith.constant 0 : i32
      %broadcast_in_dim3A_1697 = vector.broadcast %add3A_408 : i32 to vector<1x512xi32>
      %broadcast_in_dim3A_1698 = vector.broadcast %jit3A_1696 : i32 to vector<1x512xi32>
      %select_n3A_1699 = arith.select %eq3A_1695, %broadcast_in_dim3A_1697, %broadcast_in_dim3A_1698 : vector<1x512xi1>, vector<1x512xi32>
      %add3A_1700 = arith.addi %add3A_1692, %select_n3A_1699 : vector<1x512xi32>
      %eq3A_1701 = arith.constant 7 : i32
      %eq3A_1702 = vector.broadcast %eq3A_1701 : i32 to vector<1x512xi32>
      %eq3A_1703 = arith.cmpi eq, %get3A_1647, %eq3A_1702 : vector<1x512xi32>
      %jit3A_1704 = arith.constant 0 : i32
      %broadcast_in_dim3A_1705 = vector.broadcast %add3A_454 : i32 to vector<1x512xi32>
      %broadcast_in_dim3A_1706 = vector.broadcast %jit3A_1704 : i32 to vector<1x512xi32>
      %select_n3A_1707 = arith.select %eq3A_1703, %broadcast_in_dim3A_1705, %broadcast_in_dim3A_1706 : vector<1x512xi1>, vector<1x512xi32>
      %add3A_1708 = arith.addi %add3A_1700, %select_n3A_1707 : vector<1x512xi32>
      %swap3A_1709 = arith.constant 16 : index
      %swap3A_1710 = arith.constant 0 : index
      %swap3A_1711 = arith.constant 0 : index
      %swap3A_1712 = vector.load %arg9[%swap3A_1709, %swap3A_1710, %swap3A_1711] : memref<32x1x512xi32, #tpu.memory_space<vmem>>, vector<1x1x512xi32>
      %swap3A_1713 = vector.shape_cast %swap3A_1712 : vector<1x1x512xi32> to vector<1x512xi32>
      %swap3A_1714 = vector.shape_cast %add3A_1708 : vector<1x512xi32> to vector<1x1x512xi32>
      tpu.vector_store %arg9[%swap3A_1709, %swap3A_1710, %swap3A_1711], %swap3A_1714 {strides = array<i32>} : memref<32x1x512xi32, #tpu.memory_space<vmem>>, vector<1x1x512xi32>,
      %get3A_1715 = arith.constant 17 : index
      %get3A_1716 = arith.constant 0 : index
      %get3A_1717 = arith.constant 0 : index
      %get3A_1718 = vector.load %arg14[%get3A_1715, %get3A_1716, %get3A_1717] : memref<32x1x512xi32, #tpu.memory_space<vmem>>, vector<1x1x512xi32>
      %get3A_1719 = vector.shape_cast %get3A_1718 : vector<1x1x512xi32> to vector<1x512xi32>
      %get3A_1720 = arith.constant 17 : index
      %get3A_1721 = arith.constant 0 : index
      %get3A_1722 = arith.constant 0 : index
      %get3A_1723 = vector.load %arg15[%get3A_1720, %get3A_1721, %get3A_1722] : memref<32x1x512xi32, #tpu.memory_space<vmem>>, vector<1x1x512xi32>
      %get3A_1724 = vector.shape_cast %get3A_1723 : vector<1x1x512xi32> to vector<1x512xi32>
      %eq3A_1725 = arith.constant 1 : i32
      %eq3A_1726 = vector.broadcast %eq3A_1725 : i32 to vector<1x512xi32>
      %eq3A_1727 = arith.cmpi eq, %get3A_1719, %eq3A_1726 : vector<1x512xi32>
      %jit3A_1728 = arith.constant 0 : i32
      %broadcast_in_dim3A_1729 = vector.broadcast %add3A_178 : i32 to vector<1x512xi32>
      %broadcast_in_dim3A_1730 = vector.broadcast %jit3A_1728 : i32 to vector<1x512xi32>
      %select_n3A_1731 = arith.select %eq3A_1727, %broadcast_in_dim3A_1729, %broadcast_in_dim3A_1730 : vector<1x512xi1>, vector<1x512xi32>
      %add3A_1732 = arith.addi %get3A_1724, %select_n3A_1731 : vector<1x512xi32>
      %eq3A_1733 = arith.constant 2 : i32
      %eq3A_1734 = vector.broadcast %eq3A_1733 : i32 to vector<1x512xi32>
      %eq3A_1735 = arith.cmpi eq, %get3A_1719, %eq3A_1734 : vector<1x512xi32>
      %jit3A_1736 = arith.constant 0 : i32
      %broadcast_in_dim3A_1737 = vector.broadcast %add3A_224 : i32 to vector<1x512xi32>
      %broadcast_in_dim3A_1738 = vector.broadcast %jit3A_1736 : i32 to vector<1x512xi32>
      %select_n3A_1739 = arith.select %eq3A_1735, %broadcast_in_dim3A_1737, %broadcast_in_dim3A_1738 : vector<1x512xi1>, vector<1x512xi32>
      %add3A_1740 = arith.addi %add3A_1732, %select_n3A_1739 : vector<1x512xi32>
      %eq3A_1741 = arith.constant 3 : i32
      %eq3A_1742 = vector.broadcast %eq3A_1741 : i32 to vector<1x512xi32>
      %eq3A_1743 = arith.cmpi eq, %get3A_1719, %eq3A_1742 : vector<1x512xi32>
      %jit3A_1744 = arith.constant 0 : i32
      %broadcast_in_dim3A_1745 = vector.broadcast %add3A_270 : i32 to vector<1x512xi32>
      %broadcast_in_dim3A_1746 = vector.broadcast %jit3A_1744 : i32 to vector<1x512xi32>
      %select_n3A_1747 = arith.select %eq3A_1743, %broadcast_in_dim3A_1745, %broadcast_in_dim3A_1746 : vector<1x512xi1>, vector<1x512xi32>
      %add3A_1748 = arith.addi %add3A_1740, %select_n3A_1747 : vector<1x512xi32>
      %eq3A_1749 = arith.constant 4 : i32
      %eq3A_1750 = vector.broadcast %eq3A_1749 : i32 to vector<1x512xi32>
      %eq3A_1751 = arith.cmpi eq, %get3A_1719, %eq3A_1750 : vector<1x512xi32>
      %jit3A_1752 = arith.constant 0 : i32
      %broadcast_in_dim3A_1753 = vector.broadcast %add3A_316 : i32 to vector<1x512xi32>
      %broadcast_in_dim3A_1754 = vector.broadcast %jit3A_1752 : i32 to vector<1x512xi32>
      %select_n3A_1755 = arith.select %eq3A_1751, %broadcast_in_dim3A_1753, %broadcast_in_dim3A_1754 : vector<1x512xi1>, vector<1x512xi32>
      %add3A_1756 = arith.addi %add3A_1748, %select_n3A_1755 : vector<1x512xi32>
      %eq3A_1757 = arith.constant 5 : i32
      %eq3A_1758 = vector.broadcast %eq3A_1757 : i32 to vector<1x512xi32>
      %eq3A_1759 = arith.cmpi eq, %get3A_1719, %eq3A_1758 : vector<1x512xi32>
      %jit3A_1760 = arith.constant 0 : i32
      %broadcast_in_dim3A_1761 = vector.broadcast %add3A_362 : i32 to vector<1x512xi32>
      %broadcast_in_dim3A_1762 = vector.broadcast %jit3A_1760 : i32 to vector<1x512xi32>
      %select_n3A_1763 = arith.select %eq3A_1759, %broadcast_in_dim3A_1761, %broadcast_in_dim3A_1762 : vector<1x512xi1>, vector<1x512xi32>
      %add3A_1764 = arith.addi %add3A_1756, %select_n3A_1763 : vector<1x512xi32>
      %eq3A_1765 = arith.constant 6 : i32
      %eq3A_1766 = vector.broadcast %eq3A_1765 : i32 to vector<1x512xi32>
      %eq3A_1767 = arith.cmpi eq, %get3A_1719, %eq3A_1766 : vector<1x512xi32>
      %jit3A_1768 = arith.constant 0 : i32
      %broadcast_in_dim3A_1769 = vector.broadcast %add3A_408 : i32 to vector<1x512xi32>
      %broadcast_in_dim3A_1770 = vector.broadcast %jit3A_1768 : i32 to vector<1x512xi32>
      %select_n3A_1771 = arith.select %eq3A_1767, %broadcast_in_dim3A_1769, %broadcast_in_dim3A_1770 : vector<1x512xi1>, vector<1x512xi32>
      %add3A_1772 = arith.addi %add3A_1764, %select_n3A_1771 : vector<1x512xi32>
      %eq3A_1773 = arith.constant 7 : i32
      %eq3A_1774 = vector.broadcast %eq3A_1773 : i32 to vector<1x512xi32>
      %eq3A_1775 = arith.cmpi eq, %get3A_1719, %eq3A_1774 : vector<1x512xi32>
      %jit3A_1776 = arith.constant 0 : i32
      %broadcast_in_dim3A_1777 = vector.broadcast %add3A_454 : i32 to vector<1x512xi32>
      %broadcast_in_dim3A_1778 = vector.broadcast %jit3A_1776 : i32 to vector<1x512xi32>
      %select_n3A_1779 = arith.select %eq3A_1775, %broadcast_in_dim3A_1777, %broadcast_in_dim3A_1778 : vector<1x512xi1>, vector<1x512xi32>
      %add3A_1780 = arith.addi %add3A_1772, %select_n3A_1779 : vector<1x512xi32>
      %swap3A_1781 = arith.constant 17 : index
      %swap3A_1782 = arith.constant 0 : index
      %swap3A_1783 = arith.constant 0 : index
      %swap3A_1784 = vector.load %arg9[%swap3A_1781, %swap3A_1782, %swap3A_1783] : memref<32x1x512xi32, #tpu.memory_space<vmem>>, vector<1x1x512xi32>
      %swap3A_1785 = vector.shape_cast %swap3A_1784 : vector<1x1x512xi32> to vector<1x512xi32>
      %swap3A_1786 = vector.shape_cast %add3A_1780 : vector<1x512xi32> to vector<1x1x512xi32>
      tpu.vector_store %arg9[%swap3A_1781, %swap3A_1782, %swap3A_1783], %swap3A_1786 {strides = array<i32>} : memref<32x1x512xi32, #tpu.memory_space<vmem>>, vector<1x1x512xi32>,
      %get3A_1787 = arith.constant 18 : index
      %get3A_1788 = arith.constant 0 : index
      %get3A_1789 = arith.constant 0 : index
      %get3A_1790 = vector.load %arg14[%get3A_1787, %get3A_1788, %get3A_1789] : memref<32x1x512xi32, #tpu.memory_space<vmem>>, vector<1x1x512xi32>
      %get3A_1791 = vector.shape_cast %get3A_1790 : vector<1x1x512xi32> to vector<1x512xi32>
      %get3A_1792 = arith.constant 18 : index
      %get3A_1793 = arith.constant 0 : index
      %get3A_1794 = arith.constant 0 : index
      %get3A_1795 = vector.load %arg15[%get3A_1792, %get3A_1793, %get3A_1794] : memref<32x1x512xi32, #tpu.memory_space<vmem>>, vector<1x1x512xi32>
      %get3A_1796 = vector.shape_cast %get3A_1795 : vector<1x1x512xi32> to vector<1x512xi32>
      %eq3A_1797 = arith.constant 1 : i32
      %eq3A_1798 = vector.broadcast %eq3A_1797 : i32 to vector<1x512xi32>
      %eq3A_1799 = arith.cmpi eq, %get3A_1791, %eq3A_1798 : vector<1x512xi32>
      %jit3A_1800 = arith.constant 0 : i32
      %broadcast_in_dim3A_1801 = vector.broadcast %add3A_178 : i32 to vector<1x512xi32>
      %broadcast_in_dim3A_1802 = vector.broadcast %jit3A_1800 : i32 to vector<1x512xi32>
      %select_n3A_1803 = arith.select %eq3A_1799, %broadcast_in_dim3A_1801, %broadcast_in_dim3A_1802 : vector<1x512xi1>, vector<1x512xi32>
      %add3A_1804 = arith.addi %get3A_1796, %select_n3A_1803 : vector<1x512xi32>
      %eq3A_1805 = arith.constant 2 : i32
      %eq3A_1806 = vector.broadcast %eq3A_1805 : i32 to vector<1x512xi32>
      %eq3A_1807 = arith.cmpi eq, %get3A_1791, %eq3A_1806 : vector<1x512xi32>
      %jit3A_1808 = arith.constant 0 : i32
      %broadcast_in_dim3A_1809 = vector.broadcast %add3A_224 : i32 to vector<1x512xi32>
      %broadcast_in_dim3A_1810 = vector.broadcast %jit3A_1808 : i32 to vector<1x512xi32>
      %select_n3A_1811 = arith.select %eq3A_1807, %broadcast_in_dim3A_1809, %broadcast_in_dim3A_1810 : vector<1x512xi1>, vector<1x512xi32>
      %add3A_1812 = arith.addi %add3A_1804, %select_n3A_1811 : vector<1x512xi32>
      %eq3A_1813 = arith.constant 3 : i32
      %eq3A_1814 = vector.broadcast %eq3A_1813 : i32 to vector<1x512xi32>
      %eq3A_1815 = arith.cmpi eq, %get3A_1791, %eq3A_1814 : vector<1x512xi32>
      %jit3A_1816 = arith.constant 0 : i32
      %broadcast_in_dim3A_1817 = vector.broadcast %add3A_270 : i32 to vector<1x512xi32>
      %broadcast_in_dim3A_1818 = vector.broadcast %jit3A_1816 : i32 to vector<1x512xi32>
      %select_n3A_1819 = arith.select %eq3A_1815, %broadcast_in_dim3A_1817, %broadcast_in_dim3A_1818 : vector<1x512xi1>, vector<1x512xi32>
      %add3A_1820 = arith.addi %add3A_1812, %select_n3A_1819 : vector<1x512xi32>
      %eq3A_1821 = arith.constant 4 : i32
      %eq3A_1822 = vector.broadcast %eq3A_1821 : i32 to vector<1x512xi32>
      %eq3A_1823 = arith.cmpi eq, %get3A_1791, %eq3A_1822 : vector<1x512xi32>
      %jit3A_1824 = arith.constant 0 : i32
      %broadcast_in_dim3A_1825 = vector.broadcast %add3A_316 : i32 to vector<1x512xi32>
      %broadcast_in_dim3A_1826 = vector.broadcast %jit3A_1824 : i32 to vector<1x512xi32>
      %select_n3A_1827 = arith.select %eq3A_1823, %broadcast_in_dim3A_1825, %broadcast_in_dim3A_1826 : vector<1x512xi1>, vector<1x512xi32>
      %add3A_1828 = arith.addi %add3A_1820, %select_n3A_1827 : vector<1x512xi32>
      %eq3A_1829 = arith.constant 5 : i32
      %eq3A_1830 = vector.broadcast %eq3A_1829 : i32 to vector<1x512xi32>
      %eq3A_1831 = arith.cmpi eq, %get3A_1791, %eq3A_1830 : vector<1x512xi32>
      %jit3A_1832 = arith.constant 0 : i32
      %broadcast_in_dim3A_1833 = vector.broadcast %add3A_362 : i32 to vector<1x512xi32>
      %broadcast_in_dim3A_1834 = vector.broadcast %jit3A_1832 : i32 to vector<1x512xi32>
      %select_n3A_1835 = arith.select %eq3A_1831, %broadcast_in_dim3A_1833, %broadcast_in_dim3A_1834 : vector<1x512xi1>, vector<1x512xi32>
      %add3A_1836 = arith.addi %add3A_1828, %select_n3A_1835 : vector<1x512xi32>
      %eq3A_1837 = arith.constant 6 : i32
      %eq3A_1838 = vector.broadcast %eq3A_1837 : i32 to vector<1x512xi32>
      %eq3A_1839 = arith.cmpi eq, %get3A_1791, %eq3A_1838 : vector<1x512xi32>
      %jit3A_1840 = arith.constant 0 : i32
      %broadcast_in_dim3A_1841 = vector.broadcast %add3A_408 : i32 to vector<1x512xi32>
      %broadcast_in_dim3A_1842 = vector.broadcast %jit3A_1840 : i32 to vector<1x512xi32>
      %select_n3A_1843 = arith.select %eq3A_1839, %broadcast_in_dim3A_1841, %broadcast_in_dim3A_1842 : vector<1x512xi1>, vector<1x512xi32>
      %add3A_1844 = arith.addi %add3A_1836, %select_n3A_1843 : vector<1x512xi32>
      %eq3A_1845 = arith.constant 7 : i32
      %eq3A_1846 = vector.broadcast %eq3A_1845 : i32 to vector<1x512xi32>
      %eq3A_1847 = arith.cmpi eq, %get3A_1791, %eq3A_1846 : vector<1x512xi32>
      %jit3A_1848 = arith.constant 0 : i32
      %broadcast_in_dim3A_1849 = vector.broadcast %add3A_454 : i32 to vector<1x512xi32>
      %broadcast_in_dim3A_1850 = vector.broadcast %jit3A_1848 : i32 to vector<1x512xi32>
      %select_n3A_1851 = arith.select %eq3A_1847, %broadcast_in_dim3A_1849, %broadcast_in_dim3A_1850 : vector<1x512xi1>, vector<1x512xi32>
      %add3A_1852 = arith.addi %add3A_1844, %select_n3A_1851 : vector<1x512xi32>
      %swap3A_1853 = arith.constant 18 : index
      %swap3A_1854 = arith.constant 0 : index
      %swap3A_1855 = arith.constant 0 : index
      %swap3A_1856 = vector.load %arg9[%swap3A_1853, %swap3A_1854, %swap3A_1855] : memref<32x1x512xi32, #tpu.memory_space<vmem>>, vector<1x1x512xi32>
      %swap3A_1857 = vector.shape_cast %swap3A_1856 : vector<1x1x512xi32> to vector<1x512xi32>
      %swap3A_1858 = vector.shape_cast %add3A_1852 : vector<1x512xi32> to vector<1x1x512xi32>
      tpu.vector_store %arg9[%swap3A_1853, %swap3A_1854, %swap3A_1855], %swap3A_1858 {strides = array<i32>} : memref<32x1x512xi32, #tpu.memory_space<vmem>>, vector<1x1x512xi32>,
      %get3A_1859 = arith.constant 19 : index
      %get3A_1860 = arith.constant 0 : index
      %get3A_1861 = arith.constant 0 : index
      %get3A_1862 = vector.load %arg14[%get3A_1859, %get3A_1860, %get3A_1861] : memref<32x1x512xi32, #tpu.memory_space<vmem>>, vector<1x1x512xi32>
      %get3A_1863 = vector.shape_cast %get3A_1862 : vector<1x1x512xi32> to vector<1x512xi32>
      %get3A_1864 = arith.constant 19 : index
      %get3A_1865 = arith.constant 0 : index
      %get3A_1866 = arith.constant 0 : index
      %get3A_1867 = vector.load %arg15[%get3A_1864, %get3A_1865, %get3A_1866] : memref<32x1x512xi32, #tpu.memory_space<vmem>>, vector<1x1x512xi32>
      %get3A_1868 = vector.shape_cast %get3A_1867 : vector<1x1x512xi32> to vector<1x512xi32>
      %eq3A_1869 = arith.constant 1 : i32
      %eq3A_1870 = vector.broadcast %eq3A_1869 : i32 to vector<1x512xi32>
      %eq3A_1871 = arith.cmpi eq, %get3A_1863, %eq3A_1870 : vector<1x512xi32>
      %jit3A_1872 = arith.constant 0 : i32
      %broadcast_in_dim3A_1873 = vector.broadcast %add3A_178 : i32 to vector<1x512xi32>
      %broadcast_in_dim3A_1874 = vector.broadcast %jit3A_1872 : i32 to vector<1x512xi32>
      %select_n3A_1875 = arith.select %eq3A_1871, %broadcast_in_dim3A_1873, %broadcast_in_dim3A_1874 : vector<1x512xi1>, vector<1x512xi32>
      %add3A_1876 = arith.addi %get3A_1868, %select_n3A_1875 : vector<1x512xi32>
      %eq3A_1877 = arith.constant 2 : i32
      %eq3A_1878 = vector.broadcast %eq3A_1877 : i32 to vector<1x512xi32>
      %eq3A_1879 = arith.cmpi eq, %get3A_1863, %eq3A_1878 : vector<1x512xi32>
      %jit3A_1880 = arith.constant 0 : i32
      %broadcast_in_dim3A_1881 = vector.broadcast %add3A_224 : i32 to vector<1x512xi32>
      %broadcast_in_dim3A_1882 = vector.broadcast %jit3A_1880 : i32 to vector<1x512xi32>
      %select_n3A_1883 = arith.select %eq3A_1879, %broadcast_in_dim3A_1881, %broadcast_in_dim3A_1882 : vector<1x512xi1>, vector<1x512xi32>
      %add3A_1884 = arith.addi %add3A_1876, %select_n3A_1883 : vector<1x512xi32>
      %eq3A_1885 = arith.constant 3 : i32
      %eq3A_1886 = vector.broadcast %eq3A_1885 : i32 to vector<1x512xi32>
      %eq3A_1887 = arith.cmpi eq, %get3A_1863, %eq3A_1886 : vector<1x512xi32>
      %jit3A_1888 = arith.constant 0 : i32
      %broadcast_in_dim3A_1889 = vector.broadcast %add3A_270 : i32 to vector<1x512xi32>
      %broadcast_in_dim3A_1890 = vector.broadcast %jit3A_1888 : i32 to vector<1x512xi32>
      %select_n3A_1891 = arith.select %eq3A_1887, %broadcast_in_dim3A_1889, %broadcast_in_dim3A_1890 : vector<1x512xi1>, vector<1x512xi32>
      %add3A_1892 = arith.addi %add3A_1884, %select_n3A_1891 : vector<1x512xi32>
      %eq3A_1893 = arith.constant 4 : i32
      %eq3A_1894 = vector.broadcast %eq3A_1893 : i32 to vector<1x512xi32>
      %eq3A_1895 = arith.cmpi eq, %get3A_1863, %eq3A_1894 : vector<1x512xi32>
      %jit3A_1896 = arith.constant 0 : i32
      %broadcast_in_dim3A_1897 = vector.broadcast %add3A_316 : i32 to vector<1x512xi32>
      %broadcast_in_dim3A_1898 = vector.broadcast %jit3A_1896 : i32 to vector<1x512xi32>
      %select_n3A_1899 = arith.select %eq3A_1895, %broadcast_in_dim3A_1897, %broadcast_in_dim3A_1898 : vector<1x512xi1>, vector<1x512xi32>
      %add3A_1900 = arith.addi %add3A_1892, %select_n3A_1899 : vector<1x512xi32>
      %eq3A_1901 = arith.constant 5 : i32
      %eq3A_1902 = vector.broadcast %eq3A_1901 : i32 to vector<1x512xi32>
      %eq3A_1903 = arith.cmpi eq, %get3A_1863, %eq3A_1902 : vector<1x512xi32>
      %jit3A_1904 = arith.constant 0 : i32
      %broadcast_in_dim3A_1905 = vector.broadcast %add3A_362 : i32 to vector<1x512xi32>
      %broadcast_in_dim3A_1906 = vector.broadcast %jit3A_1904 : i32 to vector<1x512xi32>
      %select_n3A_1907 = arith.select %eq3A_1903, %broadcast_in_dim3A_1905, %broadcast_in_dim3A_1906 : vector<1x512xi1>, vector<1x512xi32>
      %add3A_1908 = arith.addi %add3A_1900, %select_n3A_1907 : vector<1x512xi32>
      %eq3A_1909 = arith.constant 6 : i32
      %eq3A_1910 = vector.broadcast %eq3A_1909 : i32 to vector<1x512xi32>
      %eq3A_1911 = arith.cmpi eq, %get3A_1863, %eq3A_1910 : vector<1x512xi32>
      %jit3A_1912 = arith.constant 0 : i32
      %broadcast_in_dim3A_1913 = vector.broadcast %add3A_408 : i32 to vector<1x512xi32>
      %broadcast_in_dim3A_1914 = vector.broadcast %jit3A_1912 : i32 to vector<1x512xi32>
      %select_n3A_1915 = arith.select %eq3A_1911, %broadcast_in_dim3A_1913, %broadcast_in_dim3A_1914 : vector<1x512xi1>, vector<1x512xi32>
      %add3A_1916 = arith.addi %add3A_1908, %select_n3A_1915 : vector<1x512xi32>
      %eq3A_1917 = arith.constant 7 : i32
      %eq3A_1918 = vector.broadcast %eq3A_1917 : i32 to vector<1x512xi32>
      %eq3A_1919 = arith.cmpi eq, %get3A_1863, %eq3A_1918 : vector<1x512xi32>
      %jit3A_1920 = arith.constant 0 : i32
      %broadcast_in_dim3A_1921 = vector.broadcast %add3A_454 : i32 to vector<1x512xi32>
      %broadcast_in_dim3A_1922 = vector.broadcast %jit3A_1920 : i32 to vector<1x512xi32>
      %select_n3A_1923 = arith.select %eq3A_1919, %broadcast_in_dim3A_1921, %broadcast_in_dim3A_1922 : vector<1x512xi1>, vector<1x512xi32>
      %add3A_1924 = arith.addi %add3A_1916, %select_n3A_1923 : vector<1x512xi32>
      %swap3A_1925 = arith.constant 19 : index
      %swap3A_1926 = arith.constant 0 : index
      %swap3A_1927 = arith.constant 0 : index
      %swap3A_1928 = vector.load %arg9[%swap3A_1925, %swap3A_1926, %swap3A_1927] : memref<32x1x512xi32, #tpu.memory_space<vmem>>, vector<1x1x512xi32>
      %swap3A_1929 = vector.shape_cast %swap3A_1928 : vector<1x1x512xi32> to vector<1x512xi32>
      %swap3A_1930 = vector.shape_cast %add3A_1924 : vector<1x512xi32> to vector<1x1x512xi32>
      tpu.vector_store %arg9[%swap3A_1925, %swap3A_1926, %swap3A_1927], %swap3A_1930 {strides = array<i32>} : memref<32x1x512xi32, #tpu.memory_space<vmem>>, vector<1x1x512xi32>,
      %get3A_1931 = arith.constant 20 : index
      %get3A_1932 = arith.constant 0 : index
      %get3A_1933 = arith.constant 0 : index
      %get3A_1934 = vector.load %arg14[%get3A_1931, %get3A_1932, %get3A_1933] : memref<32x1x512xi32, #tpu.memory_space<vmem>>, vector<1x1x512xi32>
      %get3A_1935 = vector.shape_cast %get3A_1934 : vector<1x1x512xi32> to vector<1x512xi32>
      %get3A_1936 = arith.constant 20 : index
      %get3A_1937 = arith.constant 0 : index
      %get3A_1938 = arith.constant 0 : index
      %get3A_1939 = vector.load %arg15[%get3A_1936, %get3A_1937, %get3A_1938] : memref<32x1x512xi32, #tpu.memory_space<vmem>>, vector<1x1x512xi32>
      %get3A_1940 = vector.shape_cast %get3A_1939 : vector<1x1x512xi32> to vector<1x512xi32>
      %eq3A_1941 = arith.constant 1 : i32
      %eq3A_1942 = vector.broadcast %eq3A_1941 : i32 to vector<1x512xi32>
      %eq3A_1943 = arith.cmpi eq, %get3A_1935, %eq3A_1942 : vector<1x512xi32>
      %jit3A_1944 = arith.constant 0 : i32
      %broadcast_in_dim3A_1945 = vector.broadcast %add3A_178 : i32 to vector<1x512xi32>
      %broadcast_in_dim3A_1946 = vector.broadcast %jit3A_1944 : i32 to vector<1x512xi32>
      %select_n3A_1947 = arith.select %eq3A_1943, %broadcast_in_dim3A_1945, %broadcast_in_dim3A_1946 : vector<1x512xi1>, vector<1x512xi32>
      %add3A_1948 = arith.addi %get3A_1940, %select_n3A_1947 : vector<1x512xi32>
      %eq3A_1949 = arith.constant 2 : i32
      %eq3A_1950 = vector.broadcast %eq3A_1949 : i32 to vector<1x512xi32>
      %eq3A_1951 = arith.cmpi eq, %get3A_1935, %eq3A_1950 : vector<1x512xi32>
      %jit3A_1952 = arith.constant 0 : i32
      %broadcast_in_dim3A_1953 = vector.broadcast %add3A_224 : i32 to vector<1x512xi32>
      %broadcast_in_dim3A_1954 = vector.broadcast %jit3A_1952 : i32 to vector<1x512xi32>
      %select_n3A_1955 = arith.select %eq3A_1951, %broadcast_in_dim3A_1953, %broadcast_in_dim3A_1954 : vector<1x512xi1>, vector<1x512xi32>
      %add3A_1956 = arith.addi %add3A_1948, %select_n3A_1955 : vector<1x512xi32>
      %eq3A_1957 = arith.constant 3 : i32
      %eq3A_1958 = vector.broadcast %eq3A_1957 : i32 to vector<1x512xi32>
      %eq3A_1959 = arith.cmpi eq, %get3A_1935, %eq3A_1958 : vector<1x512xi32>
      %jit3A_1960 = arith.constant 0 : i32
      %broadcast_in_dim3A_1961 = vector.broadcast %add3A_270 : i32 to vector<1x512xi32>
      %broadcast_in_dim3A_1962 = vector.broadcast %jit3A_1960 : i32 to vector<1x512xi32>
      %select_n3A_1963 = arith.select %eq3A_1959, %broadcast_in_dim3A_1961, %broadcast_in_dim3A_1962 : vector<1x512xi1>, vector<1x512xi32>
      %add3A_1964 = arith.addi %add3A_1956, %select_n3A_1963 : vector<1x512xi32>
      %eq3A_1965 = arith.constant 4 : i32
      %eq3A_1966 = vector.broadcast %eq3A_1965 : i32 to vector<1x512xi32>
      %eq3A_1967 = arith.cmpi eq, %get3A_1935, %eq3A_1966 : vector<1x512xi32>
      %jit3A_1968 = arith.constant 0 : i32
      %broadcast_in_dim3A_1969 = vector.broadcast %add3A_316 : i32 to vector<1x512xi32>
      %broadcast_in_dim3A_1970 = vector.broadcast %jit3A_1968 : i32 to vector<1x512xi32>
      %select_n3A_1971 = arith.select %eq3A_1967, %broadcast_in_dim3A_1969, %broadcast_in_dim3A_1970 : vector<1x512xi1>, vector<1x512xi32>
      %add3A_1972 = arith.addi %add3A_1964, %select_n3A_1971 : vector<1x512xi32>
      %eq3A_1973 = arith.constant 5 : i32
      %eq3A_1974 = vector.broadcast %eq3A_1973 : i32 to vector<1x512xi32>
      %eq3A_1975 = arith.cmpi eq, %get3A_1935, %eq3A_1974 : vector<1x512xi32>
      %jit3A_1976 = arith.constant 0 : i32
      %broadcast_in_dim3A_1977 = vector.broadcast %add3A_362 : i32 to vector<1x512xi32>
      %broadcast_in_dim3A_1978 = vector.broadcast %jit3A_1976 : i32 to vector<1x512xi32>
      %select_n3A_1979 = arith.select %eq3A_1975, %broadcast_in_dim3A_1977, %broadcast_in_dim3A_1978 : vector<1x512xi1>, vector<1x512xi32>
      %add3A_1980 = arith.addi %add3A_1972, %select_n3A_1979 : vector<1x512xi32>
      %eq3A_1981 = arith.constant 6 : i32
      %eq3A_1982 = vector.broadcast %eq3A_1981 : i32 to vector<1x512xi32>
      %eq3A_1983 = arith.cmpi eq, %get3A_1935, %eq3A_1982 : vector<1x512xi32>
      %jit3A_1984 = arith.constant 0 : i32
      %broadcast_in_dim3A_1985 = vector.broadcast %add3A_408 : i32 to vector<1x512xi32>
      %broadcast_in_dim3A_1986 = vector.broadcast %jit3A_1984 : i32 to vector<1x512xi32>
      %select_n3A_1987 = arith.select %eq3A_1983, %broadcast_in_dim3A_1985, %broadcast_in_dim3A_1986 : vector<1x512xi1>, vector<1x512xi32>
      %add3A_1988 = arith.addi %add3A_1980, %select_n3A_1987 : vector<1x512xi32>
      %eq3A_1989 = arith.constant 7 : i32
      %eq3A_1990 = vector.broadcast %eq3A_1989 : i32 to vector<1x512xi32>
      %eq3A_1991 = arith.cmpi eq, %get3A_1935, %eq3A_1990 : vector<1x512xi32>
      %jit3A_1992 = arith.constant 0 : i32
      %broadcast_in_dim3A_1993 = vector.broadcast %add3A_454 : i32 to vector<1x512xi32>
      %broadcast_in_dim3A_1994 = vector.broadcast %jit3A_1992 : i32 to vector<1x512xi32>
      %select_n3A_1995 = arith.select %eq3A_1991, %broadcast_in_dim3A_1993, %broadcast_in_dim3A_1994 : vector<1x512xi1>, vector<1x512xi32>
      %add3A_1996 = arith.addi %add3A_1988, %select_n3A_1995 : vector<1x512xi32>
      %swap3A_1997 = arith.constant 20 : index
      %swap3A_1998 = arith.constant 0 : index
      %swap3A_1999 = arith.constant 0 : index
      %swap3A_2000 = vector.load %arg9[%swap3A_1997, %swap3A_1998, %swap3A_1999] : memref<32x1x512xi32, #tpu.memory_space<vmem>>, vector<1x1x512xi32>
      %swap3A_2001 = vector.shape_cast %swap3A_2000 : vector<1x1x512xi32> to vector<1x512xi32>
      %swap3A_2002 = vector.shape_cast %add3A_1996 : vector<1x512xi32> to vector<1x1x512xi32>
      tpu.vector_store %arg9[%swap3A_1997, %swap3A_1998, %swap3A_1999], %swap3A_2002 {strides = array<i32>} : memref<32x1x512xi32, #tpu.memory_space<vmem>>, vector<1x1x512xi32>,
      %get3A_2003 = arith.constant 21 : index
      %get3A_2004 = arith.constant 0 : index
      %get3A_2005 = arith.constant 0 : index
      %get3A_2006 = vector.load %arg14[%get3A_2003, %get3A_2004, %get3A_2005] : memref<32x1x512xi32, #tpu.memory_space<vmem>>, vector<1x1x512xi32>
      %get3A_2007 = vector.shape_cast %get3A_2006 : vector<1x1x512xi32> to vector<1x512xi32>
      %get3A_2008 = arith.constant 21 : index
      %get3A_2009 = arith.constant 0 : index
      %get3A_2010 = arith.constant 0 : index
      %get3A_2011 = vector.load %arg15[%get3A_2008, %get3A_2009, %get3A_2010] : memref<32x1x512xi32, #tpu.memory_space<vmem>>, vector<1x1x512xi32>
      %get3A_2012 = vector.shape_cast %get3A_2011 : vector<1x1x512xi32> to vector<1x512xi32>
      %eq3A_2013 = arith.constant 1 : i32
      %eq3A_2014 = vector.broadcast %eq3A_2013 : i32 to vector<1x512xi32>
      %eq3A_2015 = arith.cmpi eq, %get3A_2007, %eq3A_2014 : vector<1x512xi32>
      %jit3A_2016 = arith.constant 0 : i32
      %broadcast_in_dim3A_2017 = vector.broadcast %add3A_178 : i32 to vector<1x512xi32>
      %broadcast_in_dim3A_2018 = vector.broadcast %jit3A_2016 : i32 to vector<1x512xi32>
      %select_n3A_2019 = arith.select %eq3A_2015, %broadcast_in_dim3A_2017, %broadcast_in_dim3A_2018 : vector<1x512xi1>, vector<1x512xi32>
      %add3A_2020 = arith.addi %get3A_2012, %select_n3A_2019 : vector<1x512xi32>
      %eq3A_2021 = arith.constant 2 : i32
      %eq3A_2022 = vector.broadcast %eq3A_2021 : i32 to vector<1x512xi32>
      %eq3A_2023 = arith.cmpi eq, %get3A_2007, %eq3A_2022 : vector<1x512xi32>
      %jit3A_2024 = arith.constant 0 : i32
      %broadcast_in_dim3A_2025 = vector.broadcast %add3A_224 : i32 to vector<1x512xi32>
      %broadcast_in_dim3A_2026 = vector.broadcast %jit3A_2024 : i32 to vector<1x512xi32>
      %select_n3A_2027 = arith.select %eq3A_2023, %broadcast_in_dim3A_2025, %broadcast_in_dim3A_2026 : vector<1x512xi1>, vector<1x512xi32>
      %add3A_2028 = arith.addi %add3A_2020, %select_n3A_2027 : vector<1x512xi32>
      %eq3A_2029 = arith.constant 3 : i32
      %eq3A_2030 = vector.broadcast %eq3A_2029 : i32 to vector<1x512xi32>
      %eq3A_2031 = arith.cmpi eq, %get3A_2007, %eq3A_2030 : vector<1x512xi32>
      %jit3A_2032 = arith.constant 0 : i32
      %broadcast_in_dim3A_2033 = vector.broadcast %add3A_270 : i32 to vector<1x512xi32>
      %broadcast_in_dim3A_2034 = vector.broadcast %jit3A_2032 : i32 to vector<1x512xi32>
      %select_n3A_2035 = arith.select %eq3A_2031, %broadcast_in_dim3A_2033, %broadcast_in_dim3A_2034 : vector<1x512xi1>, vector<1x512xi32>
      %add3A_2036 = arith.addi %add3A_2028, %select_n3A_2035 : vector<1x512xi32>
      %eq3A_2037 = arith.constant 4 : i32
      %eq3A_2038 = vector.broadcast %eq3A_2037 : i32 to vector<1x512xi32>
      %eq3A_2039 = arith.cmpi eq, %get3A_2007, %eq3A_2038 : vector<1x512xi32>
      %jit3A_2040 = arith.constant 0 : i32
      %broadcast_in_dim3A_2041 = vector.broadcast %add3A_316 : i32 to vector<1x512xi32>
      %broadcast_in_dim3A_2042 = vector.broadcast %jit3A_2040 : i32 to vector<1x512xi32>
      %select_n3A_2043 = arith.select %eq3A_2039, %broadcast_in_dim3A_2041, %broadcast_in_dim3A_2042 : vector<1x512xi1>, vector<1x512xi32>
      %add3A_2044 = arith.addi %add3A_2036, %select_n3A_2043 : vector<1x512xi32>
      %eq3A_2045 = arith.constant 5 : i32
      %eq3A_2046 = vector.broadcast %eq3A_2045 : i32 to vector<1x512xi32>
      %eq3A_2047 = arith.cmpi eq, %get3A_2007, %eq3A_2046 : vector<1x512xi32>
      %jit3A_2048 = arith.constant 0 : i32
      %broadcast_in_dim3A_2049 = vector.broadcast %add3A_362 : i32 to vector<1x512xi32>
      %broadcast_in_dim3A_2050 = vector.broadcast %jit3A_2048 : i32 to vector<1x512xi32>
      %select_n3A_2051 = arith.select %eq3A_2047, %broadcast_in_dim3A_2049, %broadcast_in_dim3A_2050 : vector<1x512xi1>, vector<1x512xi32>
      %add3A_2052 = arith.addi %add3A_2044, %select_n3A_2051 : vector<1x512xi32>
      %eq3A_2053 = arith.constant 6 : i32
      %eq3A_2054 = vector.broadcast %eq3A_2053 : i32 to vector<1x512xi32>
      %eq3A_2055 = arith.cmpi eq, %get3A_2007, %eq3A_2054 : vector<1x512xi32>
      %jit3A_2056 = arith.constant 0 : i32
      %broadcast_in_dim3A_2057 = vector.broadcast %add3A_408 : i32 to vector<1x512xi32>
      %broadcast_in_dim3A_2058 = vector.broadcast %jit3A_2056 : i32 to vector<1x512xi32>
      %select_n3A_2059 = arith.select %eq3A_2055, %broadcast_in_dim3A_2057, %broadcast_in_dim3A_2058 : vector<1x512xi1>, vector<1x512xi32>
      %add3A_2060 = arith.addi %add3A_2052, %select_n3A_2059 : vector<1x512xi32>
      %eq3A_2061 = arith.constant 7 : i32
      %eq3A_2062 = vector.broadcast %eq3A_2061 : i32 to vector<1x512xi32>
      %eq3A_2063 = arith.cmpi eq, %get3A_2007, %eq3A_2062 : vector<1x512xi32>
      %jit3A_2064 = arith.constant 0 : i32
      %broadcast_in_dim3A_2065 = vector.broadcast %add3A_454 : i32 to vector<1x512xi32>
      %broadcast_in_dim3A_2066 = vector.broadcast %jit3A_2064 : i32 to vector<1x512xi32>
      %select_n3A_2067 = arith.select %eq3A_2063, %broadcast_in_dim3A_2065, %broadcast_in_dim3A_2066 : vector<1x512xi1>, vector<1x512xi32>
      %add3A_2068 = arith.addi %add3A_2060, %select_n3A_2067 : vector<1x512xi32>
      %swap3A_2069 = arith.constant 21 : index
      %swap3A_2070 = arith.constant 0 : index
      %swap3A_2071 = arith.constant 0 : index
      %swap3A_2072 = vector.load %arg9[%swap3A_2069, %swap3A_2070, %swap3A_2071] : memref<32x1x512xi32, #tpu.memory_space<vmem>>, vector<1x1x512xi32>
      %swap3A_2073 = vector.shape_cast %swap3A_2072 : vector<1x1x512xi32> to vector<1x512xi32>
      %swap3A_2074 = vector.shape_cast %add3A_2068 : vector<1x512xi32> to vector<1x1x512xi32>
      tpu.vector_store %arg9[%swap3A_2069, %swap3A_2070, %swap3A_2071], %swap3A_2074 {strides = array<i32>} : memref<32x1x512xi32, #tpu.memory_space<vmem>>, vector<1x1x512xi32>,
      %get3A_2075 = arith.constant 22 : index
      %get3A_2076 = arith.constant 0 : index
      %get3A_2077 = arith.constant 0 : index
      %get3A_2078 = vector.load %arg14[%get3A_2075, %get3A_2076, %get3A_2077] : memref<32x1x512xi32, #tpu.memory_space<vmem>>, vector<1x1x512xi32>
      %get3A_2079 = vector.shape_cast %get3A_2078 : vector<1x1x512xi32> to vector<1x512xi32>
      %get3A_2080 = arith.constant 22 : index
      %get3A_2081 = arith.constant 0 : index
      %get3A_2082 = arith.constant 0 : index
      %get3A_2083 = vector.load %arg15[%get3A_2080, %get3A_2081, %get3A_2082] : memref<32x1x512xi32, #tpu.memory_space<vmem>>, vector<1x1x512xi32>
      %get3A_2084 = vector.shape_cast %get3A_2083 : vector<1x1x512xi32> to vector<1x512xi32>
      %eq3A_2085 = arith.constant 1 : i32
      %eq3A_2086 = vector.broadcast %eq3A_2085 : i32 to vector<1x512xi32>
      %eq3A_2087 = arith.cmpi eq, %get3A_2079, %eq3A_2086 : vector<1x512xi32>
      %jit3A_2088 = arith.constant 0 : i32
      %broadcast_in_dim3A_2089 = vector.broadcast %add3A_178 : i32 to vector<1x512xi32>
      %broadcast_in_dim3A_2090 = vector.broadcast %jit3A_2088 : i32 to vector<1x512xi32>
      %select_n3A_2091 = arith.select %eq3A_2087, %broadcast_in_dim3A_2089, %broadcast_in_dim3A_2090 : vector<1x512xi1>, vector<1x512xi32>
      %add3A_2092 = arith.addi %get3A_2084, %select_n3A_2091 : vector<1x512xi32>
      %eq3A_2093 = arith.constant 2 : i32
      %eq3A_2094 = vector.broadcast %eq3A_2093 : i32 to vector<1x512xi32>
      %eq3A_2095 = arith.cmpi eq, %get3A_2079, %eq3A_2094 : vector<1x512xi32>
      %jit3A_2096 = arith.constant 0 : i32
      %broadcast_in_dim3A_2097 = vector.broadcast %add3A_224 : i32 to vector<1x512xi32>
      %broadcast_in_dim3A_2098 = vector.broadcast %jit3A_2096 : i32 to vector<1x512xi32>
      %select_n3A_2099 = arith.select %eq3A_2095, %broadcast_in_dim3A_2097, %broadcast_in_dim3A_2098 : vector<1x512xi1>, vector<1x512xi32>
      %add3A_2100 = arith.addi %add3A_2092, %select_n3A_2099 : vector<1x512xi32>
      %eq3A_2101 = arith.constant 3 : i32
      %eq3A_2102 = vector.broadcast %eq3A_2101 : i32 to vector<1x512xi32>
      %eq3A_2103 = arith.cmpi eq, %get3A_2079, %eq3A_2102 : vector<1x512xi32>
      %jit3A_2104 = arith.constant 0 : i32
      %broadcast_in_dim3A_2105 = vector.broadcast %add3A_270 : i32 to vector<1x512xi32>
      %broadcast_in_dim3A_2106 = vector.broadcast %jit3A_2104 : i32 to vector<1x512xi32>
      %select_n3A_2107 = arith.select %eq3A_2103, %broadcast_in_dim3A_2105, %broadcast_in_dim3A_2106 : vector<1x512xi1>, vector<1x512xi32>
      %add3A_2108 = arith.addi %add3A_2100, %select_n3A_2107 : vector<1x512xi32>
      %eq3A_2109 = arith.constant 4 : i32
      %eq3A_2110 = vector.broadcast %eq3A_2109 : i32 to vector<1x512xi32>
      %eq3A_2111 = arith.cmpi eq, %get3A_2079, %eq3A_2110 : vector<1x512xi32>
      %jit3A_2112 = arith.constant 0 : i32
      %broadcast_in_dim3A_2113 = vector.broadcast %add3A_316 : i32 to vector<1x512xi32>
      %broadcast_in_dim3A_2114 = vector.broadcast %jit3A_2112 : i32 to vector<1x512xi32>
      %select_n3A_2115 = arith.select %eq3A_2111, %broadcast_in_dim3A_2113, %broadcast_in_dim3A_2114 : vector<1x512xi1>, vector<1x512xi32>
      %add3A_2116 = arith.addi %add3A_2108, %select_n3A_2115 : vector<1x512xi32>
      %eq3A_2117 = arith.constant 5 : i32
      %eq3A_2118 = vector.broadcast %eq3A_2117 : i32 to vector<1x512xi32>
      %eq3A_2119 = arith.cmpi eq, %get3A_2079, %eq3A_2118 : vector<1x512xi32>
      %jit3A_2120 = arith.constant 0 : i32
      %broadcast_in_dim3A_2121 = vector.broadcast %add3A_362 : i32 to vector<1x512xi32>
      %broadcast_in_dim3A_2122 = vector.broadcast %jit3A_2120 : i32 to vector<1x512xi32>
      %select_n3A_2123 = arith.select %eq3A_2119, %broadcast_in_dim3A_2121, %broadcast_in_dim3A_2122 : vector<1x512xi1>, vector<1x512xi32>
      %add3A_2124 = arith.addi %add3A_2116, %select_n3A_2123 : vector<1x512xi32>
      %eq3A_2125 = arith.constant 6 : i32
      %eq3A_2126 = vector.broadcast %eq3A_2125 : i32 to vector<1x512xi32>
      %eq3A_2127 = arith.cmpi eq, %get3A_2079, %eq3A_2126 : vector<1x512xi32>
      %jit3A_2128 = arith.constant 0 : i32
      %broadcast_in_dim3A_2129 = vector.broadcast %add3A_408 : i32 to vector<1x512xi32>
      %broadcast_in_dim3A_2130 = vector.broadcast %jit3A_2128 : i32 to vector<1x512xi32>
      %select_n3A_2131 = arith.select %eq3A_2127, %broadcast_in_dim3A_2129, %broadcast_in_dim3A_2130 : vector<1x512xi1>, vector<1x512xi32>
      %add3A_2132 = arith.addi %add3A_2124, %select_n3A_2131 : vector<1x512xi32>
      %eq3A_2133 = arith.constant 7 : i32
      %eq3A_2134 = vector.broadcast %eq3A_2133 : i32 to vector<1x512xi32>
      %eq3A_2135 = arith.cmpi eq, %get3A_2079, %eq3A_2134 : vector<1x512xi32>
      %jit3A_2136 = arith.constant 0 : i32
      %broadcast_in_dim3A_2137 = vector.broadcast %add3A_454 : i32 to vector<1x512xi32>
      %broadcast_in_dim3A_2138 = vector.broadcast %jit3A_2136 : i32 to vector<1x512xi32>
      %select_n3A_2139 = arith.select %eq3A_2135, %broadcast_in_dim3A_2137, %broadcast_in_dim3A_2138 : vector<1x512xi1>, vector<1x512xi32>
      %add3A_2140 = arith.addi %add3A_2132, %select_n3A_2139 : vector<1x512xi32>
      %swap3A_2141 = arith.constant 22 : index
      %swap3A_2142 = arith.constant 0 : index
      %swap3A_2143 = arith.constant 0 : index
      %swap3A_2144 = vector.load %arg9[%swap3A_2141, %swap3A_2142, %swap3A_2143] : memref<32x1x512xi32, #tpu.memory_space<vmem>>, vector<1x1x512xi32>
      %swap3A_2145 = vector.shape_cast %swap3A_2144 : vector<1x1x512xi32> to vector<1x512xi32>
      %swap3A_2146 = vector.shape_cast %add3A_2140 : vector<1x512xi32> to vector<1x1x512xi32>
      tpu.vector_store %arg9[%swap3A_2141, %swap3A_2142, %swap3A_2143], %swap3A_2146 {strides = array<i32>} : memref<32x1x512xi32, #tpu.memory_space<vmem>>, vector<1x1x512xi32>,
      %get3A_2147 = arith.constant 23 : index
      %get3A_2148 = arith.constant 0 : index
      %get3A_2149 = arith.constant 0 : index
      %get3A_2150 = vector.load %arg14[%get3A_2147, %get3A_2148, %get3A_2149] : memref<32x1x512xi32, #tpu.memory_space<vmem>>, vector<1x1x512xi32>
      %get3A_2151 = vector.shape_cast %get3A_2150 : vector<1x1x512xi32> to vector<1x512xi32>
      %get3A_2152 = arith.constant 23 : index
      %get3A_2153 = arith.constant 0 : index
      %get3A_2154 = arith.constant 0 : index
      %get3A_2155 = vector.load %arg15[%get3A_2152, %get3A_2153, %get3A_2154] : memref<32x1x512xi32, #tpu.memory_space<vmem>>, vector<1x1x512xi32>
      %get3A_2156 = vector.shape_cast %get3A_2155 : vector<1x1x512xi32> to vector<1x512xi32>
      %eq3A_2157 = arith.constant 1 : i32
      %eq3A_2158 = vector.broadcast %eq3A_2157 : i32 to vector<1x512xi32>
      %eq3A_2159 = arith.cmpi eq, %get3A_2151, %eq3A_2158 : vector<1x512xi32>
      %jit3A_2160 = arith.constant 0 : i32
      %broadcast_in_dim3A_2161 = vector.broadcast %add3A_178 : i32 to vector<1x512xi32>
      %broadcast_in_dim3A_2162 = vector.broadcast %jit3A_2160 : i32 to vector<1x512xi32>
      %select_n3A_2163 = arith.select %eq3A_2159, %broadcast_in_dim3A_2161, %broadcast_in_dim3A_2162 : vector<1x512xi1>, vector<1x512xi32>
      %add3A_2164 = arith.addi %get3A_2156, %select_n3A_2163 : vector<1x512xi32>
      %eq3A_2165 = arith.constant 2 : i32
      %eq3A_2166 = vector.broadcast %eq3A_2165 : i32 to vector<1x512xi32>
      %eq3A_2167 = arith.cmpi eq, %get3A_2151, %eq3A_2166 : vector<1x512xi32>
      %jit3A_2168 = arith.constant 0 : i32
      %broadcast_in_dim3A_2169 = vector.broadcast %add3A_224 : i32 to vector<1x512xi32>
      %broadcast_in_dim3A_2170 = vector.broadcast %jit3A_2168 : i32 to vector<1x512xi32>
      %select_n3A_2171 = arith.select %eq3A_2167, %broadcast_in_dim3A_2169, %broadcast_in_dim3A_2170 : vector<1x512xi1>, vector<1x512xi32>
      %add3A_2172 = arith.addi %add3A_2164, %select_n3A_2171 : vector<1x512xi32>
      %eq3A_2173 = arith.constant 3 : i32
      %eq3A_2174 = vector.broadcast %eq3A_2173 : i32 to vector<1x512xi32>
      %eq3A_2175 = arith.cmpi eq, %get3A_2151, %eq3A_2174 : vector<1x512xi32>
      %jit3A_2176 = arith.constant 0 : i32
      %broadcast_in_dim3A_2177 = vector.broadcast %add3A_270 : i32 to vector<1x512xi32>
      %broadcast_in_dim3A_2178 = vector.broadcast %jit3A_2176 : i32 to vector<1x512xi32>
      %select_n3A_2179 = arith.select %eq3A_2175, %broadcast_in_dim3A_2177, %broadcast_in_dim3A_2178 : vector<1x512xi1>, vector<1x512xi32>
      %add3A_2180 = arith.addi %add3A_2172, %select_n3A_2179 : vector<1x512xi32>
      %eq3A_2181 = arith.constant 4 : i32
      %eq3A_2182 = vector.broadcast %eq3A_2181 : i32 to vector<1x512xi32>
      %eq3A_2183 = arith.cmpi eq, %get3A_2151, %eq3A_2182 : vector<1x512xi32>
      %jit3A_2184 = arith.constant 0 : i32
      %broadcast_in_dim3A_2185 = vector.broadcast %add3A_316 : i32 to vector<1x512xi32>
      %broadcast_in_dim3A_2186 = vector.broadcast %jit3A_2184 : i32 to vector<1x512xi32>
      %select_n3A_2187 = arith.select %eq3A_2183, %broadcast_in_dim3A_2185, %broadcast_in_dim3A_2186 : vector<1x512xi1>, vector<1x512xi32>
      %add3A_2188 = arith.addi %add3A_2180, %select_n3A_2187 : vector<1x512xi32>
      %eq3A_2189 = arith.constant 5 : i32
      %eq3A_2190 = vector.broadcast %eq3A_2189 : i32 to vector<1x512xi32>
      %eq3A_2191 = arith.cmpi eq, %get3A_2151, %eq3A_2190 : vector<1x512xi32>
      %jit3A_2192 = arith.constant 0 : i32
      %broadcast_in_dim3A_2193 = vector.broadcast %add3A_362 : i32 to vector<1x512xi32>
      %broadcast_in_dim3A_2194 = vector.broadcast %jit3A_2192 : i32 to vector<1x512xi32>
      %select_n3A_2195 = arith.select %eq3A_2191, %broadcast_in_dim3A_2193, %broadcast_in_dim3A_2194 : vector<1x512xi1>, vector<1x512xi32>
      %add3A_2196 = arith.addi %add3A_2188, %select_n3A_2195 : vector<1x512xi32>
      %eq3A_2197 = arith.constant 6 : i32
      %eq3A_2198 = vector.broadcast %eq3A_2197 : i32 to vector<1x512xi32>
      %eq3A_2199 = arith.cmpi eq, %get3A_2151, %eq3A_2198 : vector<1x512xi32>
      %jit3A_2200 = arith.constant 0 : i32
      %broadcast_in_dim3A_2201 = vector.broadcast %add3A_408 : i32 to vector<1x512xi32>
      %broadcast_in_dim3A_2202 = vector.broadcast %jit3A_2200 : i32 to vector<1x512xi32>
      %select_n3A_2203 = arith.select %eq3A_2199, %broadcast_in_dim3A_2201, %broadcast_in_dim3A_2202 : vector<1x512xi1>, vector<1x512xi32>
      %add3A_2204 = arith.addi %add3A_2196, %select_n3A_2203 : vector<1x512xi32>
      %eq3A_2205 = arith.constant 7 : i32
      %eq3A_2206 = vector.broadcast %eq3A_2205 : i32 to vector<1x512xi32>
      %eq3A_2207 = arith.cmpi eq, %get3A_2151, %eq3A_2206 : vector<1x512xi32>
      %jit3A_2208 = arith.constant 0 : i32
      %broadcast_in_dim3A_2209 = vector.broadcast %add3A_454 : i32 to vector<1x512xi32>
      %broadcast_in_dim3A_2210 = vector.broadcast %jit3A_2208 : i32 to vector<1x512xi32>
      %select_n3A_2211 = arith.select %eq3A_2207, %broadcast_in_dim3A_2209, %broadcast_in_dim3A_2210 : vector<1x512xi1>, vector<1x512xi32>
      %add3A_2212 = arith.addi %add3A_2204, %select_n3A_2211 : vector<1x512xi32>
      %swap3A_2213 = arith.constant 23 : index
      %swap3A_2214 = arith.constant 0 : index
      %swap3A_2215 = arith.constant 0 : index
      %swap3A_2216 = vector.load %arg9[%swap3A_2213, %swap3A_2214, %swap3A_2215] : memref<32x1x512xi32, #tpu.memory_space<vmem>>, vector<1x1x512xi32>
      %swap3A_2217 = vector.shape_cast %swap3A_2216 : vector<1x1x512xi32> to vector<1x512xi32>
      %swap3A_2218 = vector.shape_cast %add3A_2212 : vector<1x512xi32> to vector<1x1x512xi32>
      tpu.vector_store %arg9[%swap3A_2213, %swap3A_2214, %swap3A_2215], %swap3A_2218 {strides = array<i32>} : memref<32x1x512xi32, #tpu.memory_space<vmem>>, vector<1x1x512xi32>,
      %get3A_2219 = arith.constant 24 : index
      %get3A_2220 = arith.constant 0 : index
      %get3A_2221 = arith.constant 0 : index
      %get3A_2222 = vector.load %arg14[%get3A_2219, %get3A_2220, %get3A_2221] : memref<32x1x512xi32, #tpu.memory_space<vmem>>, vector<1x1x512xi32>
      %get3A_2223 = vector.shape_cast %get3A_2222 : vector<1x1x512xi32> to vector<1x512xi32>
      %get3A_2224 = arith.constant 24 : index
      %get3A_2225 = arith.constant 0 : index
      %get3A_2226 = arith.constant 0 : index
      %get3A_2227 = vector.load %arg15[%get3A_2224, %get3A_2225, %get3A_2226] : memref<32x1x512xi32, #tpu.memory_space<vmem>>, vector<1x1x512xi32>
      %get3A_2228 = vector.shape_cast %get3A_2227 : vector<1x1x512xi32> to vector<1x512xi32>
      %eq3A_2229 = arith.constant 1 : i32
      %eq3A_2230 = vector.broadcast %eq3A_2229 : i32 to vector<1x512xi32>
      %eq3A_2231 = arith.cmpi eq, %get3A_2223, %eq3A_2230 : vector<1x512xi32>
      %jit3A_2232 = arith.constant 0 : i32
      %broadcast_in_dim3A_2233 = vector.broadcast %add3A_178 : i32 to vector<1x512xi32>
      %broadcast_in_dim3A_2234 = vector.broadcast %jit3A_2232 : i32 to vector<1x512xi32>
      %select_n3A_2235 = arith.select %eq3A_2231, %broadcast_in_dim3A_2233, %broadcast_in_dim3A_2234 : vector<1x512xi1>, vector<1x512xi32>
      %add3A_2236 = arith.addi %get3A_2228, %select_n3A_2235 : vector<1x512xi32>
      %eq3A_2237 = arith.constant 2 : i32
      %eq3A_2238 = vector.broadcast %eq3A_2237 : i32 to vector<1x512xi32>
      %eq3A_2239 = arith.cmpi eq, %get3A_2223, %eq3A_2238 : vector<1x512xi32>
      %jit3A_2240 = arith.constant 0 : i32
      %broadcast_in_dim3A_2241 = vector.broadcast %add3A_224 : i32 to vector<1x512xi32>
      %broadcast_in_dim3A_2242 = vector.broadcast %jit3A_2240 : i32 to vector<1x512xi32>
      %select_n3A_2243 = arith.select %eq3A_2239, %broadcast_in_dim3A_2241, %broadcast_in_dim3A_2242 : vector<1x512xi1>, vector<1x512xi32>
      %add3A_2244 = arith.addi %add3A_2236, %select_n3A_2243 : vector<1x512xi32>
      %eq3A_2245 = arith.constant 3 : i32
      %eq3A_2246 = vector.broadcast %eq3A_2245 : i32 to vector<1x512xi32>
      %eq3A_2247 = arith.cmpi eq, %get3A_2223, %eq3A_2246 : vector<1x512xi32>
      %jit3A_2248 = arith.constant 0 : i32
      %broadcast_in_dim3A_2249 = vector.broadcast %add3A_270 : i32 to vector<1x512xi32>
      %broadcast_in_dim3A_2250 = vector.broadcast %jit3A_2248 : i32 to vector<1x512xi32>
      %select_n3A_2251 = arith.select %eq3A_2247, %broadcast_in_dim3A_2249, %broadcast_in_dim3A_2250 : vector<1x512xi1>, vector<1x512xi32>
      %add3A_2252 = arith.addi %add3A_2244, %select_n3A_2251 : vector<1x512xi32>
      %eq3A_2253 = arith.constant 4 : i32
      %eq3A_2254 = vector.broadcast %eq3A_2253 : i32 to vector<1x512xi32>
      %eq3A_2255 = arith.cmpi eq, %get3A_2223, %eq3A_2254 : vector<1x512xi32>
      %jit3A_2256 = arith.constant 0 : i32
      %broadcast_in_dim3A_2257 = vector.broadcast %add3A_316 : i32 to vector<1x512xi32>
      %broadcast_in_dim3A_2258 = vector.broadcast %jit3A_2256 : i32 to vector<1x512xi32>
      %select_n3A_2259 = arith.select %eq3A_2255, %broadcast_in_dim3A_2257, %broadcast_in_dim3A_2258 : vector<1x512xi1>, vector<1x512xi32>
      %add3A_2260 = arith.addi %add3A_2252, %select_n3A_2259 : vector<1x512xi32>
      %eq3A_2261 = arith.constant 5 : i32
      %eq3A_2262 = vector.broadcast %eq3A_2261 : i32 to vector<1x512xi32>
      %eq3A_2263 = arith.cmpi eq, %get3A_2223, %eq3A_2262 : vector<1x512xi32>
      %jit3A_2264 = arith.constant 0 : i32
      %broadcast_in_dim3A_2265 = vector.broadcast %add3A_362 : i32 to vector<1x512xi32>
      %broadcast_in_dim3A_2266 = vector.broadcast %jit3A_2264 : i32 to vector<1x512xi32>
      %select_n3A_2267 = arith.select %eq3A_2263, %broadcast_in_dim3A_2265, %broadcast_in_dim3A_2266 : vector<1x512xi1>, vector<1x512xi32>
      %add3A_2268 = arith.addi %add3A_2260, %select_n3A_2267 : vector<1x512xi32>
      %eq3A_2269 = arith.constant 6 : i32
      %eq3A_2270 = vector.broadcast %eq3A_2269 : i32 to vector<1x512xi32>
      %eq3A_2271 = arith.cmpi eq, %get3A_2223, %eq3A_2270 : vector<1x512xi32>
      %jit3A_2272 = arith.constant 0 : i32
      %broadcast_in_dim3A_2273 = vector.broadcast %add3A_408 : i32 to vector<1x512xi32>
      %broadcast_in_dim3A_2274 = vector.broadcast %jit3A_2272 : i32 to vector<1x512xi32>
      %select_n3A_2275 = arith.select %eq3A_2271, %broadcast_in_dim3A_2273, %broadcast_in_dim3A_2274 : vector<1x512xi1>, vector<1x512xi32>
      %add3A_2276 = arith.addi %add3A_2268, %select_n3A_2275 : vector<1x512xi32>
      %eq3A_2277 = arith.constant 7 : i32
      %eq3A_2278 = vector.broadcast %eq3A_2277 : i32 to vector<1x512xi32>
      %eq3A_2279 = arith.cmpi eq, %get3A_2223, %eq3A_2278 : vector<1x512xi32>
      %jit3A_2280 = arith.constant 0 : i32
      %broadcast_in_dim3A_2281 = vector.broadcast %add3A_454 : i32 to vector<1x512xi32>
      %broadcast_in_dim3A_2282 = vector.broadcast %jit3A_2280 : i32 to vector<1x512xi32>
      %select_n3A_2283 = arith.select %eq3A_2279, %broadcast_in_dim3A_2281, %broadcast_in_dim3A_2282 : vector<1x512xi1>, vector<1x512xi32>
      %add3A_2284 = arith.addi %add3A_2276, %select_n3A_2283 : vector<1x512xi32>
      %swap3A_2285 = arith.constant 24 : index
      %swap3A_2286 = arith.constant 0 : index
      %swap3A_2287 = arith.constant 0 : index
      %swap3A_2288 = vector.load %arg9[%swap3A_2285, %swap3A_2286, %swap3A_2287] : memref<32x1x512xi32, #tpu.memory_space<vmem>>, vector<1x1x512xi32>
      %swap3A_2289 = vector.shape_cast %swap3A_2288 : vector<1x1x512xi32> to vector<1x512xi32>
      %swap3A_2290 = vector.shape_cast %add3A_2284 : vector<1x512xi32> to vector<1x1x512xi32>
      tpu.vector_store %arg9[%swap3A_2285, %swap3A_2286, %swap3A_2287], %swap3A_2290 {strides = array<i32>} : memref<32x1x512xi32, #tpu.memory_space<vmem>>, vector<1x1x512xi32>,
      %get3A_2291 = arith.constant 25 : index
      %get3A_2292 = arith.constant 0 : index
      %get3A_2293 = arith.constant 0 : index
      %get3A_2294 = vector.load %arg14[%get3A_2291, %get3A_2292, %get3A_2293] : memref<32x1x512xi32, #tpu.memory_space<vmem>>, vector<1x1x512xi32>
      %get3A_2295 = vector.shape_cast %get3A_2294 : vector<1x1x512xi32> to vector<1x512xi32>
      %get3A_2296 = arith.constant 25 : index
      %get3A_2297 = arith.constant 0 : index
      %get3A_2298 = arith.constant 0 : index
      %get3A_2299 = vector.load %arg15[%get3A_2296, %get3A_2297, %get3A_2298] : memref<32x1x512xi32, #tpu.memory_space<vmem>>, vector<1x1x512xi32>
      %get3A_2300 = vector.shape_cast %get3A_2299 : vector<1x1x512xi32> to vector<1x512xi32>
      %eq3A_2301 = arith.constant 1 : i32
      %eq3A_2302 = vector.broadcast %eq3A_2301 : i32 to vector<1x512xi32>
      %eq3A_2303 = arith.cmpi eq, %get3A_2295, %eq3A_2302 : vector<1x512xi32>
      %jit3A_2304 = arith.constant 0 : i32
      %broadcast_in_dim3A_2305 = vector.broadcast %add3A_178 : i32 to vector<1x512xi32>
      %broadcast_in_dim3A_2306 = vector.broadcast %jit3A_2304 : i32 to vector<1x512xi32>
      %select_n3A_2307 = arith.select %eq3A_2303, %broadcast_in_dim3A_2305, %broadcast_in_dim3A_2306 : vector<1x512xi1>, vector<1x512xi32>
      %add3A_2308 = arith.addi %get3A_2300, %select_n3A_2307 : vector<1x512xi32>
      %eq3A_2309 = arith.constant 2 : i32
      %eq3A_2310 = vector.broadcast %eq3A_2309 : i32 to vector<1x512xi32>
      %eq3A_2311 = arith.cmpi eq, %get3A_2295, %eq3A_2310 : vector<1x512xi32>
      %jit3A_2312 = arith.constant 0 : i32
      %broadcast_in_dim3A_2313 = vector.broadcast %add3A_224 : i32 to vector<1x512xi32>
      %broadcast_in_dim3A_2314 = vector.broadcast %jit3A_2312 : i32 to vector<1x512xi32>
      %select_n3A_2315 = arith.select %eq3A_2311, %broadcast_in_dim3A_2313, %broadcast_in_dim3A_2314 : vector<1x512xi1>, vector<1x512xi32>
      %add3A_2316 = arith.addi %add3A_2308, %select_n3A_2315 : vector<1x512xi32>
      %eq3A_2317 = arith.constant 3 : i32
      %eq3A_2318 = vector.broadcast %eq3A_2317 : i32 to vector<1x512xi32>
      %eq3A_2319 = arith.cmpi eq, %get3A_2295, %eq3A_2318 : vector<1x512xi32>
      %jit3A_2320 = arith.constant 0 : i32
      %broadcast_in_dim3A_2321 = vector.broadcast %add3A_270 : i32 to vector<1x512xi32>
      %broadcast_in_dim3A_2322 = vector.broadcast %jit3A_2320 : i32 to vector<1x512xi32>
      %select_n3A_2323 = arith.select %eq3A_2319, %broadcast_in_dim3A_2321, %broadcast_in_dim3A_2322 : vector<1x512xi1>, vector<1x512xi32>
      %add3A_2324 = arith.addi %add3A_2316, %select_n3A_2323 : vector<1x512xi32>
      %eq3A_2325 = arith.constant 4 : i32
      %eq3A_2326 = vector.broadcast %eq3A_2325 : i32 to vector<1x512xi32>
      %eq3A_2327 = arith.cmpi eq, %get3A_2295, %eq3A_2326 : vector<1x512xi32>
      %jit3A_2328 = arith.constant 0 : i32
      %broadcast_in_dim3A_2329 = vector.broadcast %add3A_316 : i32 to vector<1x512xi32>
      %broadcast_in_dim3A_2330 = vector.broadcast %jit3A_2328 : i32 to vector<1x512xi32>
      %select_n3A_2331 = arith.select %eq3A_2327, %broadcast_in_dim3A_2329, %broadcast_in_dim3A_2330 : vector<1x512xi1>, vector<1x512xi32>
      %add3A_2332 = arith.addi %add3A_2324, %select_n3A_2331 : vector<1x512xi32>
      %eq3A_2333 = arith.constant 5 : i32
      %eq3A_2334 = vector.broadcast %eq3A_2333 : i32 to vector<1x512xi32>
      %eq3A_2335 = arith.cmpi eq, %get3A_2295, %eq3A_2334 : vector<1x512xi32>
      %jit3A_2336 = arith.constant 0 : i32
      %broadcast_in_dim3A_2337 = vector.broadcast %add3A_362 : i32 to vector<1x512xi32>
      %broadcast_in_dim3A_2338 = vector.broadcast %jit3A_2336 : i32 to vector<1x512xi32>
      %select_n3A_2339 = arith.select %eq3A_2335, %broadcast_in_dim3A_2337, %broadcast_in_dim3A_2338 : vector<1x512xi1>, vector<1x512xi32>
      %add3A_2340 = arith.addi %add3A_2332, %select_n3A_2339 : vector<1x512xi32>
      %eq3A_2341 = arith.constant 6 : i32
      %eq3A_2342 = vector.broadcast %eq3A_2341 : i32 to vector<1x512xi32>
      %eq3A_2343 = arith.cmpi eq, %get3A_2295, %eq3A_2342 : vector<1x512xi32>
      %jit3A_2344 = arith.constant 0 : i32
      %broadcast_in_dim3A_2345 = vector.broadcast %add3A_408 : i32 to vector<1x512xi32>
      %broadcast_in_dim3A_2346 = vector.broadcast %jit3A_2344 : i32 to vector<1x512xi32>
      %select_n3A_2347 = arith.select %eq3A_2343, %broadcast_in_dim3A_2345, %broadcast_in_dim3A_2346 : vector<1x512xi1>, vector<1x512xi32>
      %add3A_2348 = arith.addi %add3A_2340, %select_n3A_2347 : vector<1x512xi32>
      %eq3A_2349 = arith.constant 7 : i32
      %eq3A_2350 = vector.broadcast %eq3A_2349 : i32 to vector<1x512xi32>
      %eq3A_2351 = arith.cmpi eq, %get3A_2295, %eq3A_2350 : vector<1x512xi32>
      %jit3A_2352 = arith.constant 0 : i32
      %broadcast_in_dim3A_2353 = vector.broadcast %add3A_454 : i32 to vector<1x512xi32>
      %broadcast_in_dim3A_2354 = vector.broadcast %jit3A_2352 : i32 to vector<1x512xi32>
      %select_n3A_2355 = arith.select %eq3A_2351, %broadcast_in_dim3A_2353, %broadcast_in_dim3A_2354 : vector<1x512xi1>, vector<1x512xi32>
      %add3A_2356 = arith.addi %add3A_2348, %select_n3A_2355 : vector<1x512xi32>
      %swap3A_2357 = arith.constant 25 : index
      %swap3A_2358 = arith.constant 0 : index
      %swap3A_2359 = arith.constant 0 : index
      %swap3A_2360 = vector.load %arg9[%swap3A_2357, %swap3A_2358, %swap3A_2359] : memref<32x1x512xi32, #tpu.memory_space<vmem>>, vector<1x1x512xi32>
      %swap3A_2361 = vector.shape_cast %swap3A_2360 : vector<1x1x512xi32> to vector<1x512xi32>
      %swap3A_2362 = vector.shape_cast %add3A_2356 : vector<1x512xi32> to vector<1x1x512xi32>
      tpu.vector_store %arg9[%swap3A_2357, %swap3A_2358, %swap3A_2359], %swap3A_2362 {strides = array<i32>} : memref<32x1x512xi32, #tpu.memory_space<vmem>>, vector<1x1x512xi32>,
      %get3A_2363 = arith.constant 26 : index
      %get3A_2364 = arith.constant 0 : index
      %get3A_2365 = arith.constant 0 : index
      %get3A_2366 = vector.load %arg14[%get3A_2363, %get3A_2364, %get3A_2365] : memref<32x1x512xi32, #tpu.memory_space<vmem>>, vector<1x1x512xi32>
      %get3A_2367 = vector.shape_cast %get3A_2366 : vector<1x1x512xi32> to vector<1x512xi32>
      %get3A_2368 = arith.constant 26 : index
      %get3A_2369 = arith.constant 0 : index
      %get3A_2370 = arith.constant 0 : index
      %get3A_2371 = vector.load %arg15[%get3A_2368, %get3A_2369, %get3A_2370] : memref<32x1x512xi32, #tpu.memory_space<vmem>>, vector<1x1x512xi32>
      %get3A_2372 = vector.shape_cast %get3A_2371 : vector<1x1x512xi32> to vector<1x512xi32>
      %eq3A_2373 = arith.constant 1 : i32
      %eq3A_2374 = vector.broadcast %eq3A_2373 : i32 to vector<1x512xi32>
      %eq3A_2375 = arith.cmpi eq, %get3A_2367, %eq3A_2374 : vector<1x512xi32>
      %jit3A_2376 = arith.constant 0 : i32
      %broadcast_in_dim3A_2377 = vector.broadcast %add3A_178 : i32 to vector<1x512xi32>
      %broadcast_in_dim3A_2378 = vector.broadcast %jit3A_2376 : i32 to vector<1x512xi32>
      %select_n3A_2379 = arith.select %eq3A_2375, %broadcast_in_dim3A_2377, %broadcast_in_dim3A_2378 : vector<1x512xi1>, vector<1x512xi32>
      %add3A_2380 = arith.addi %get3A_2372, %select_n3A_2379 : vector<1x512xi32>
      %eq3A_2381 = arith.constant 2 : i32
      %eq3A_2382 = vector.broadcast %eq3A_2381 : i32 to vector<1x512xi32>
      %eq3A_2383 = arith.cmpi eq, %get3A_2367, %eq3A_2382 : vector<1x512xi32>
      %jit3A_2384 = arith.constant 0 : i32
      %broadcast_in_dim3A_2385 = vector.broadcast %add3A_224 : i32 to vector<1x512xi32>
      %broadcast_in_dim3A_2386 = vector.broadcast %jit3A_2384 : i32 to vector<1x512xi32>
      %select_n3A_2387 = arith.select %eq3A_2383, %broadcast_in_dim3A_2385, %broadcast_in_dim3A_2386 : vector<1x512xi1>, vector<1x512xi32>
      %add3A_2388 = arith.addi %add3A_2380, %select_n3A_2387 : vector<1x512xi32>
      %eq3A_2389 = arith.constant 3 : i32
      %eq3A_2390 = vector.broadcast %eq3A_2389 : i32 to vector<1x512xi32>
      %eq3A_2391 = arith.cmpi eq, %get3A_2367, %eq3A_2390 : vector<1x512xi32>
      %jit3A_2392 = arith.constant 0 : i32
      %broadcast_in_dim3A_2393 = vector.broadcast %add3A_270 : i32 to vector<1x512xi32>
      %broadcast_in_dim3A_2394 = vector.broadcast %jit3A_2392 : i32 to vector<1x512xi32>
      %select_n3A_2395 = arith.select %eq3A_2391, %broadcast_in_dim3A_2393, %broadcast_in_dim3A_2394 : vector<1x512xi1>, vector<1x512xi32>
      %add3A_2396 = arith.addi %add3A_2388, %select_n3A_2395 : vector<1x512xi32>
      %eq3A_2397 = arith.constant 4 : i32
      %eq3A_2398 = vector.broadcast %eq3A_2397 : i32 to vector<1x512xi32>
      %eq3A_2399 = arith.cmpi eq, %get3A_2367, %eq3A_2398 : vector<1x512xi32>
      %jit3A_2400 = arith.constant 0 : i32
      %broadcast_in_dim3A_2401 = vector.broadcast %add3A_316 : i32 to vector<1x512xi32>
      %broadcast_in_dim3A_2402 = vector.broadcast %jit3A_2400 : i32 to vector<1x512xi32>
      %select_n3A_2403 = arith.select %eq3A_2399, %broadcast_in_dim3A_2401, %broadcast_in_dim3A_2402 : vector<1x512xi1>, vector<1x512xi32>
      %add3A_2404 = arith.addi %add3A_2396, %select_n3A_2403 : vector<1x512xi32>
      %eq3A_2405 = arith.constant 5 : i32
      %eq3A_2406 = vector.broadcast %eq3A_2405 : i32 to vector<1x512xi32>
      %eq3A_2407 = arith.cmpi eq, %get3A_2367, %eq3A_2406 : vector<1x512xi32>
      %jit3A_2408 = arith.constant 0 : i32
      %broadcast_in_dim3A_2409 = vector.broadcast %add3A_362 : i32 to vector<1x512xi32>
      %broadcast_in_dim3A_2410 = vector.broadcast %jit3A_2408 : i32 to vector<1x512xi32>
      %select_n3A_2411 = arith.select %eq3A_2407, %broadcast_in_dim3A_2409, %broadcast_in_dim3A_2410 : vector<1x512xi1>, vector<1x512xi32>
      %add3A_2412 = arith.addi %add3A_2404, %select_n3A_2411 : vector<1x512xi32>
      %eq3A_2413 = arith.constant 6 : i32
      %eq3A_2414 = vector.broadcast %eq3A_2413 : i32 to vector<1x512xi32>
      %eq3A_2415 = arith.cmpi eq, %get3A_2367, %eq3A_2414 : vector<1x512xi32>
      %jit3A_2416 = arith.constant 0 : i32
      %broadcast_in_dim3A_2417 = vector.broadcast %add3A_408 : i32 to vector<1x512xi32>
      %broadcast_in_dim3A_2418 = vector.broadcast %jit3A_2416 : i32 to vector<1x512xi32>
      %select_n3A_2419 = arith.select %eq3A_2415, %broadcast_in_dim3A_2417, %broadcast_in_dim3A_2418 : vector<1x512xi1>, vector<1x512xi32>
      %add3A_2420 = arith.addi %add3A_2412, %select_n3A_2419 : vector<1x512xi32>
      %eq3A_2421 = arith.constant 7 : i32
      %eq3A_2422 = vector.broadcast %eq3A_2421 : i32 to vector<1x512xi32>
      %eq3A_2423 = arith.cmpi eq, %get3A_2367, %eq3A_2422 : vector<1x512xi32>
      %jit3A_2424 = arith.constant 0 : i32
      %broadcast_in_dim3A_2425 = vector.broadcast %add3A_454 : i32 to vector<1x512xi32>
      %broadcast_in_dim3A_2426 = vector.broadcast %jit3A_2424 : i32 to vector<1x512xi32>
      %select_n3A_2427 = arith.select %eq3A_2423, %broadcast_in_dim3A_2425, %broadcast_in_dim3A_2426 : vector<1x512xi1>, vector<1x512xi32>
      %add3A_2428 = arith.addi %add3A_2420, %select_n3A_2427 : vector<1x512xi32>
      %swap3A_2429 = arith.constant 26 : index
      %swap3A_2430 = arith.constant 0 : index
      %swap3A_2431 = arith.constant 0 : index
      %swap3A_2432 = vector.load %arg9[%swap3A_2429, %swap3A_2430, %swap3A_2431] : memref<32x1x512xi32, #tpu.memory_space<vmem>>, vector<1x1x512xi32>
      %swap3A_2433 = vector.shape_cast %swap3A_2432 : vector<1x1x512xi32> to vector<1x512xi32>
      %swap3A_2434 = vector.shape_cast %add3A_2428 : vector<1x512xi32> to vector<1x1x512xi32>
      tpu.vector_store %arg9[%swap3A_2429, %swap3A_2430, %swap3A_2431], %swap3A_2434 {strides = array<i32>} : memref<32x1x512xi32, #tpu.memory_space<vmem>>, vector<1x1x512xi32>,
      %get3A_2435 = arith.constant 27 : index
      %get3A_2436 = arith.constant 0 : index
      %get3A_2437 = arith.constant 0 : index
      %get3A_2438 = vector.load %arg14[%get3A_2435, %get3A_2436, %get3A_2437] : memref<32x1x512xi32, #tpu.memory_space<vmem>>, vector<1x1x512xi32>
      %get3A_2439 = vector.shape_cast %get3A_2438 : vector<1x1x512xi32> to vector<1x512xi32>
      %get3A_2440 = arith.constant 27 : index
      %get3A_2441 = arith.constant 0 : index
      %get3A_2442 = arith.constant 0 : index
      %get3A_2443 = vector.load %arg15[%get3A_2440, %get3A_2441, %get3A_2442] : memref<32x1x512xi32, #tpu.memory_space<vmem>>, vector<1x1x512xi32>
      %get3A_2444 = vector.shape_cast %get3A_2443 : vector<1x1x512xi32> to vector<1x512xi32>
      %eq3A_2445 = arith.constant 1 : i32
      %eq3A_2446 = vector.broadcast %eq3A_2445 : i32 to vector<1x512xi32>
      %eq3A_2447 = arith.cmpi eq, %get3A_2439, %eq3A_2446 : vector<1x512xi32>
      %jit3A_2448 = arith.constant 0 : i32
      %broadcast_in_dim3A_2449 = vector.broadcast %add3A_178 : i32 to vector<1x512xi32>
      %broadcast_in_dim3A_2450 = vector.broadcast %jit3A_2448 : i32 to vector<1x512xi32>
      %select_n3A_2451 = arith.select %eq3A_2447, %broadcast_in_dim3A_2449, %broadcast_in_dim3A_2450 : vector<1x512xi1>, vector<1x512xi32>
      %add3A_2452 = arith.addi %get3A_2444, %select_n3A_2451 : vector<1x512xi32>
      %eq3A_2453 = arith.constant 2 : i32
      %eq3A_2454 = vector.broadcast %eq3A_2453 : i32 to vector<1x512xi32>
      %eq3A_2455 = arith.cmpi eq, %get3A_2439, %eq3A_2454 : vector<1x512xi32>
      %jit3A_2456 = arith.constant 0 : i32
      %broadcast_in_dim3A_2457 = vector.broadcast %add3A_224 : i32 to vector<1x512xi32>
      %broadcast_in_dim3A_2458 = vector.broadcast %jit3A_2456 : i32 to vector<1x512xi32>
      %select_n3A_2459 = arith.select %eq3A_2455, %broadcast_in_dim3A_2457, %broadcast_in_dim3A_2458 : vector<1x512xi1>, vector<1x512xi32>
      %add3A_2460 = arith.addi %add3A_2452, %select_n3A_2459 : vector<1x512xi32>
      %eq3A_2461 = arith.constant 3 : i32
      %eq3A_2462 = vector.broadcast %eq3A_2461 : i32 to vector<1x512xi32>
      %eq3A_2463 = arith.cmpi eq, %get3A_2439, %eq3A_2462 : vector<1x512xi32>
      %jit3A_2464 = arith.constant 0 : i32
      %broadcast_in_dim3A_2465 = vector.broadcast %add3A_270 : i32 to vector<1x512xi32>
      %broadcast_in_dim3A_2466 = vector.broadcast %jit3A_2464 : i32 to vector<1x512xi32>
      %select_n3A_2467 = arith.select %eq3A_2463, %broadcast_in_dim3A_2465, %broadcast_in_dim3A_2466 : vector<1x512xi1>, vector<1x512xi32>
      %add3A_2468 = arith.addi %add3A_2460, %select_n3A_2467 : vector<1x512xi32>
      %eq3A_2469 = arith.constant 4 : i32
      %eq3A_2470 = vector.broadcast %eq3A_2469 : i32 to vector<1x512xi32>
      %eq3A_2471 = arith.cmpi eq, %get3A_2439, %eq3A_2470 : vector<1x512xi32>
      %jit3A_2472 = arith.constant 0 : i32
      %broadcast_in_dim3A_2473 = vector.broadcast %add3A_316 : i32 to vector<1x512xi32>
      %broadcast_in_dim3A_2474 = vector.broadcast %jit3A_2472 : i32 to vector<1x512xi32>
      %select_n3A_2475 = arith.select %eq3A_2471, %broadcast_in_dim3A_2473, %broadcast_in_dim3A_2474 : vector<1x512xi1>, vector<1x512xi32>
      %add3A_2476 = arith.addi %add3A_2468, %select_n3A_2475 : vector<1x512xi32>
      %eq3A_2477 = arith.constant 5 : i32
      %eq3A_2478 = vector.broadcast %eq3A_2477 : i32 to vector<1x512xi32>
      %eq3A_2479 = arith.cmpi eq, %get3A_2439, %eq3A_2478 : vector<1x512xi32>
      %jit3A_2480 = arith.constant 0 : i32
      %broadcast_in_dim3A_2481 = vector.broadcast %add3A_362 : i32 to vector<1x512xi32>
      %broadcast_in_dim3A_2482 = vector.broadcast %jit3A_2480 : i32 to vector<1x512xi32>
      %select_n3A_2483 = arith.select %eq3A_2479, %broadcast_in_dim3A_2481, %broadcast_in_dim3A_2482 : vector<1x512xi1>, vector<1x512xi32>
      %add3A_2484 = arith.addi %add3A_2476, %select_n3A_2483 : vector<1x512xi32>
      %eq3A_2485 = arith.constant 6 : i32
      %eq3A_2486 = vector.broadcast %eq3A_2485 : i32 to vector<1x512xi32>
      %eq3A_2487 = arith.cmpi eq, %get3A_2439, %eq3A_2486 : vector<1x512xi32>
      %jit3A_2488 = arith.constant 0 : i32
      %broadcast_in_dim3A_2489 = vector.broadcast %add3A_408 : i32 to vector<1x512xi32>
      %broadcast_in_dim3A_2490 = vector.broadcast %jit3A_2488 : i32 to vector<1x512xi32>
      %select_n3A_2491 = arith.select %eq3A_2487, %broadcast_in_dim3A_2489, %broadcast_in_dim3A_2490 : vector<1x512xi1>, vector<1x512xi32>
      %add3A_2492 = arith.addi %add3A_2484, %select_n3A_2491 : vector<1x512xi32>
      %eq3A_2493 = arith.constant 7 : i32
      %eq3A_2494 = vector.broadcast %eq3A_2493 : i32 to vector<1x512xi32>
      %eq3A_2495 = arith.cmpi eq, %get3A_2439, %eq3A_2494 : vector<1x512xi32>
      %jit3A_2496 = arith.constant 0 : i32
      %broadcast_in_dim3A_2497 = vector.broadcast %add3A_454 : i32 to vector<1x512xi32>
      %broadcast_in_dim3A_2498 = vector.broadcast %jit3A_2496 : i32 to vector<1x512xi32>
      %select_n3A_2499 = arith.select %eq3A_2495, %broadcast_in_dim3A_2497, %broadcast_in_dim3A_2498 : vector<1x512xi1>, vector<1x512xi32>
      %add3A_2500 = arith.addi %add3A_2492, %select_n3A_2499 : vector<1x512xi32>
      %swap3A_2501 = arith.constant 27 : index
      %swap3A_2502 = arith.constant 0 : index
      %swap3A_2503 = arith.constant 0 : index
      %swap3A_2504 = vector.load %arg9[%swap3A_2501, %swap3A_2502, %swap3A_2503] : memref<32x1x512xi32, #tpu.memory_space<vmem>>, vector<1x1x512xi32>
      %swap3A_2505 = vector.shape_cast %swap3A_2504 : vector<1x1x512xi32> to vector<1x512xi32>
      %swap3A_2506 = vector.shape_cast %add3A_2500 : vector<1x512xi32> to vector<1x1x512xi32>
      tpu.vector_store %arg9[%swap3A_2501, %swap3A_2502, %swap3A_2503], %swap3A_2506 {strides = array<i32>} : memref<32x1x512xi32, #tpu.memory_space<vmem>>, vector<1x1x512xi32>,
      %get3A_2507 = arith.constant 28 : index
      %get3A_2508 = arith.constant 0 : index
      %get3A_2509 = arith.constant 0 : index
      %get3A_2510 = vector.load %arg14[%get3A_2507, %get3A_2508, %get3A_2509] : memref<32x1x512xi32, #tpu.memory_space<vmem>>, vector<1x1x512xi32>
      %get3A_2511 = vector.shape_cast %get3A_2510 : vector<1x1x512xi32> to vector<1x512xi32>
      %get3A_2512 = arith.constant 28 : index
      %get3A_2513 = arith.constant 0 : index
      %get3A_2514 = arith.constant 0 : index
      %get3A_2515 = vector.load %arg15[%get3A_2512, %get3A_2513, %get3A_2514] : memref<32x1x512xi32, #tpu.memory_space<vmem>>, vector<1x1x512xi32>
      %get3A_2516 = vector.shape_cast %get3A_2515 : vector<1x1x512xi32> to vector<1x512xi32>
      %eq3A_2517 = arith.constant 1 : i32
      %eq3A_2518 = vector.broadcast %eq3A_2517 : i32 to vector<1x512xi32>
      %eq3A_2519 = arith.cmpi eq, %get3A_2511, %eq3A_2518 : vector<1x512xi32>
      %jit3A_2520 = arith.constant 0 : i32
      %broadcast_in_dim3A_2521 = vector.broadcast %add3A_178 : i32 to vector<1x512xi32>
      %broadcast_in_dim3A_2522 = vector.broadcast %jit3A_2520 : i32 to vector<1x512xi32>
      %select_n3A_2523 = arith.select %eq3A_2519, %broadcast_in_dim3A_2521, %broadcast_in_dim3A_2522 : vector<1x512xi1>, vector<1x512xi32>
      %add3A_2524 = arith.addi %get3A_2516, %select_n3A_2523 : vector<1x512xi32>
      %eq3A_2525 = arith.constant 2 : i32
      %eq3A_2526 = vector.broadcast %eq3A_2525 : i32 to vector<1x512xi32>
      %eq3A_2527 = arith.cmpi eq, %get3A_2511, %eq3A_2526 : vector<1x512xi32>
      %jit3A_2528 = arith.constant 0 : i32
      %broadcast_in_dim3A_2529 = vector.broadcast %add3A_224 : i32 to vector<1x512xi32>
      %broadcast_in_dim3A_2530 = vector.broadcast %jit3A_2528 : i32 to vector<1x512xi32>
      %select_n3A_2531 = arith.select %eq3A_2527, %broadcast_in_dim3A_2529, %broadcast_in_dim3A_2530 : vector<1x512xi1>, vector<1x512xi32>
      %add3A_2532 = arith.addi %add3A_2524, %select_n3A_2531 : vector<1x512xi32>
      %eq3A_2533 = arith.constant 3 : i32
      %eq3A_2534 = vector.broadcast %eq3A_2533 : i32 to vector<1x512xi32>
      %eq3A_2535 = arith.cmpi eq, %get3A_2511, %eq3A_2534 : vector<1x512xi32>
      %jit3A_2536 = arith.constant 0 : i32
      %broadcast_in_dim3A_2537 = vector.broadcast %add3A_270 : i32 to vector<1x512xi32>
      %broadcast_in_dim3A_2538 = vector.broadcast %jit3A_2536 : i32 to vector<1x512xi32>
      %select_n3A_2539 = arith.select %eq3A_2535, %broadcast_in_dim3A_2537, %broadcast_in_dim3A_2538 : vector<1x512xi1>, vector<1x512xi32>
      %add3A_2540 = arith.addi %add3A_2532, %select_n3A_2539 : vector<1x512xi32>
      %eq3A_2541 = arith.constant 4 : i32
      %eq3A_2542 = vector.broadcast %eq3A_2541 : i32 to vector<1x512xi32>
      %eq3A_2543 = arith.cmpi eq, %get3A_2511, %eq3A_2542 : vector<1x512xi32>
      %jit3A_2544 = arith.constant 0 : i32
      %broadcast_in_dim3A_2545 = vector.broadcast %add3A_316 : i32 to vector<1x512xi32>
      %broadcast_in_dim3A_2546 = vector.broadcast %jit3A_2544 : i32 to vector<1x512xi32>
      %select_n3A_2547 = arith.select %eq3A_2543, %broadcast_in_dim3A_2545, %broadcast_in_dim3A_2546 : vector<1x512xi1>, vector<1x512xi32>
      %add3A_2548 = arith.addi %add3A_2540, %select_n3A_2547 : vector<1x512xi32>
      %eq3A_2549 = arith.constant 5 : i32
      %eq3A_2550 = vector.broadcast %eq3A_2549 : i32 to vector<1x512xi32>
      %eq3A_2551 = arith.cmpi eq, %get3A_2511, %eq3A_2550 : vector<1x512xi32>
      %jit3A_2552 = arith.constant 0 : i32
      %broadcast_in_dim3A_2553 = vector.broadcast %add3A_362 : i32 to vector<1x512xi32>
      %broadcast_in_dim3A_2554 = vector.broadcast %jit3A_2552 : i32 to vector<1x512xi32>
      %select_n3A_2555 = arith.select %eq3A_2551, %broadcast_in_dim3A_2553, %broadcast_in_dim3A_2554 : vector<1x512xi1>, vector<1x512xi32>
      %add3A_2556 = arith.addi %add3A_2548, %select_n3A_2555 : vector<1x512xi32>
      %eq3A_2557 = arith.constant 6 : i32
      %eq3A_2558 = vector.broadcast %eq3A_2557 : i32 to vector<1x512xi32>
      %eq3A_2559 = arith.cmpi eq, %get3A_2511, %eq3A_2558 : vector<1x512xi32>
      %jit3A_2560 = arith.constant 0 : i32
      %broadcast_in_dim3A_2561 = vector.broadcast %add3A_408 : i32 to vector<1x512xi32>
      %broadcast_in_dim3A_2562 = vector.broadcast %jit3A_2560 : i32 to vector<1x512xi32>
      %select_n3A_2563 = arith.select %eq3A_2559, %broadcast_in_dim3A_2561, %broadcast_in_dim3A_2562 : vector<1x512xi1>, vector<1x512xi32>
      %add3A_2564 = arith.addi %add3A_2556, %select_n3A_2563 : vector<1x512xi32>
      %eq3A_2565 = arith.constant 7 : i32
      %eq3A_2566 = vector.broadcast %eq3A_2565 : i32 to vector<1x512xi32>
      %eq3A_2567 = arith.cmpi eq, %get3A_2511, %eq3A_2566 : vector<1x512xi32>
      %jit3A_2568 = arith.constant 0 : i32
      %broadcast_in_dim3A_2569 = vector.broadcast %add3A_454 : i32 to vector<1x512xi32>
      %broadcast_in_dim3A_2570 = vector.broadcast %jit3A_2568 : i32 to vector<1x512xi32>
      %select_n3A_2571 = arith.select %eq3A_2567, %broadcast_in_dim3A_2569, %broadcast_in_dim3A_2570 : vector<1x512xi1>, vector<1x512xi32>
      %add3A_2572 = arith.addi %add3A_2564, %select_n3A_2571 : vector<1x512xi32>
      %swap3A_2573 = arith.constant 28 : index
      %swap3A_2574 = arith.constant 0 : index
      %swap3A_2575 = arith.constant 0 : index
      %swap3A_2576 = vector.load %arg9[%swap3A_2573, %swap3A_2574, %swap3A_2575] : memref<32x1x512xi32, #tpu.memory_space<vmem>>, vector<1x1x512xi32>
      %swap3A_2577 = vector.shape_cast %swap3A_2576 : vector<1x1x512xi32> to vector<1x512xi32>
      %swap3A_2578 = vector.shape_cast %add3A_2572 : vector<1x512xi32> to vector<1x1x512xi32>
      tpu.vector_store %arg9[%swap3A_2573, %swap3A_2574, %swap3A_2575], %swap3A_2578 {strides = array<i32>} : memref<32x1x512xi32, #tpu.memory_space<vmem>>, vector<1x1x512xi32>,
      %get3A_2579 = arith.constant 29 : index
      %get3A_2580 = arith.constant 0 : index
      %get3A_2581 = arith.constant 0 : index
      %get3A_2582 = vector.load %arg14[%get3A_2579, %get3A_2580, %get3A_2581] : memref<32x1x512xi32, #tpu.memory_space<vmem>>, vector<1x1x512xi32>
      %get3A_2583 = vector.shape_cast %get3A_2582 : vector<1x1x512xi32> to vector<1x512xi32>
      %get3A_2584 = arith.constant 29 : index
      %get3A_2585 = arith.constant 0 : index
      %get3A_2586 = arith.constant 0 : index
      %get3A_2587 = vector.load %arg15[%get3A_2584, %get3A_2585, %get3A_2586] : memref<32x1x512xi32, #tpu.memory_space<vmem>>, vector<1x1x512xi32>
      %get3A_2588 = vector.shape_cast %get3A_2587 : vector<1x1x512xi32> to vector<1x512xi32>
      %eq3A_2589 = arith.constant 1 : i32
      %eq3A_2590 = vector.broadcast %eq3A_2589 : i32 to vector<1x512xi32>
      %eq3A_2591 = arith.cmpi eq, %get3A_2583, %eq3A_2590 : vector<1x512xi32>
      %jit3A_2592 = arith.constant 0 : i32
      %broadcast_in_dim3A_2593 = vector.broadcast %add3A_178 : i32 to vector<1x512xi32>
      %broadcast_in_dim3A_2594 = vector.broadcast %jit3A_2592 : i32 to vector<1x512xi32>
      %select_n3A_2595 = arith.select %eq3A_2591, %broadcast_in_dim3A_2593, %broadcast_in_dim3A_2594 : vector<1x512xi1>, vector<1x512xi32>
      %add3A_2596 = arith.addi %get3A_2588, %select_n3A_2595 : vector<1x512xi32>
      %eq3A_2597 = arith.constant 2 : i32
      %eq3A_2598 = vector.broadcast %eq3A_2597 : i32 to vector<1x512xi32>
      %eq3A_2599 = arith.cmpi eq, %get3A_2583, %eq3A_2598 : vector<1x512xi32>
      %jit3A_2600 = arith.constant 0 : i32
      %broadcast_in_dim3A_2601 = vector.broadcast %add3A_224 : i32 to vector<1x512xi32>
      %broadcast_in_dim3A_2602 = vector.broadcast %jit3A_2600 : i32 to vector<1x512xi32>
      %select_n3A_2603 = arith.select %eq3A_2599, %broadcast_in_dim3A_2601, %broadcast_in_dim3A_2602 : vector<1x512xi1>, vector<1x512xi32>
      %add3A_2604 = arith.addi %add3A_2596, %select_n3A_2603 : vector<1x512xi32>
      %eq3A_2605 = arith.constant 3 : i32
      %eq3A_2606 = vector.broadcast %eq3A_2605 : i32 to vector<1x512xi32>
      %eq3A_2607 = arith.cmpi eq, %get3A_2583, %eq3A_2606 : vector<1x512xi32>
      %jit3A_2608 = arith.constant 0 : i32
      %broadcast_in_dim3A_2609 = vector.broadcast %add3A_270 : i32 to vector<1x512xi32>
      %broadcast_in_dim3A_2610 = vector.broadcast %jit3A_2608 : i32 to vector<1x512xi32>
      %select_n3A_2611 = arith.select %eq3A_2607, %broadcast_in_dim3A_2609, %broadcast_in_dim3A_2610 : vector<1x512xi1>, vector<1x512xi32>
      %add3A_2612 = arith.addi %add3A_2604, %select_n3A_2611 : vector<1x512xi32>
      %eq3A_2613 = arith.constant 4 : i32
      %eq3A_2614 = vector.broadcast %eq3A_2613 : i32 to vector<1x512xi32>
      %eq3A_2615 = arith.cmpi eq, %get3A_2583, %eq3A_2614 : vector<1x512xi32>
      %jit3A_2616 = arith.constant 0 : i32
      %broadcast_in_dim3A_2617 = vector.broadcast %add3A_316 : i32 to vector<1x512xi32>
      %broadcast_in_dim3A_2618 = vector.broadcast %jit3A_2616 : i32 to vector<1x512xi32>
      %select_n3A_2619 = arith.select %eq3A_2615, %broadcast_in_dim3A_2617, %broadcast_in_dim3A_2618 : vector<1x512xi1>, vector<1x512xi32>
      %add3A_2620 = arith.addi %add3A_2612, %select_n3A_2619 : vector<1x512xi32>
      %eq3A_2621 = arith.constant 5 : i32
      %eq3A_2622 = vector.broadcast %eq3A_2621 : i32 to vector<1x512xi32>
      %eq3A_2623 = arith.cmpi eq, %get3A_2583, %eq3A_2622 : vector<1x512xi32>
      %jit3A_2624 = arith.constant 0 : i32
      %broadcast_in_dim3A_2625 = vector.broadcast %add3A_362 : i32 to vector<1x512xi32>
      %broadcast_in_dim3A_2626 = vector.broadcast %jit3A_2624 : i32 to vector<1x512xi32>
      %select_n3A_2627 = arith.select %eq3A_2623, %broadcast_in_dim3A_2625, %broadcast_in_dim3A_2626 : vector<1x512xi1>, vector<1x512xi32>
      %add3A_2628 = arith.addi %add3A_2620, %select_n3A_2627 : vector<1x512xi32>
      %eq3A_2629 = arith.constant 6 : i32
      %eq3A_2630 = vector.broadcast %eq3A_2629 : i32 to vector<1x512xi32>
      %eq3A_2631 = arith.cmpi eq, %get3A_2583, %eq3A_2630 : vector<1x512xi32>
      %jit3A_2632 = arith.constant 0 : i32
      %broadcast_in_dim3A_2633 = vector.broadcast %add3A_408 : i32 to vector<1x512xi32>
      %broadcast_in_dim3A_2634 = vector.broadcast %jit3A_2632 : i32 to vector<1x512xi32>
      %select_n3A_2635 = arith.select %eq3A_2631, %broadcast_in_dim3A_2633, %broadcast_in_dim3A_2634 : vector<1x512xi1>, vector<1x512xi32>
      %add3A_2636 = arith.addi %add3A_2628, %select_n3A_2635 : vector<1x512xi32>
      %eq3A_2637 = arith.constant 7 : i32
      %eq3A_2638 = vector.broadcast %eq3A_2637 : i32 to vector<1x512xi32>
      %eq3A_2639 = arith.cmpi eq, %get3A_2583, %eq3A_2638 : vector<1x512xi32>
      %jit3A_2640 = arith.constant 0 : i32
      %broadcast_in_dim3A_2641 = vector.broadcast %add3A_454 : i32 to vector<1x512xi32>
      %broadcast_in_dim3A_2642 = vector.broadcast %jit3A_2640 : i32 to vector<1x512xi32>
      %select_n3A_2643 = arith.select %eq3A_2639, %broadcast_in_dim3A_2641, %broadcast_in_dim3A_2642 : vector<1x512xi1>, vector<1x512xi32>
      %add3A_2644 = arith.addi %add3A_2636, %select_n3A_2643 : vector<1x512xi32>
      %swap3A_2645 = arith.constant 29 : index
      %swap3A_2646 = arith.constant 0 : index
      %swap3A_2647 = arith.constant 0 : index
      %swap3A_2648 = vector.load %arg9[%swap3A_2645, %swap3A_2646, %swap3A_2647] : memref<32x1x512xi32, #tpu.memory_space<vmem>>, vector<1x1x512xi32>
      %swap3A_2649 = vector.shape_cast %swap3A_2648 : vector<1x1x512xi32> to vector<1x512xi32>
      %swap3A_2650 = vector.shape_cast %add3A_2644 : vector<1x512xi32> to vector<1x1x512xi32>
      tpu.vector_store %arg9[%swap3A_2645, %swap3A_2646, %swap3A_2647], %swap3A_2650 {strides = array<i32>} : memref<32x1x512xi32, #tpu.memory_space<vmem>>, vector<1x1x512xi32>,
      %get3A_2651 = arith.constant 30 : index
      %get3A_2652 = arith.constant 0 : index
      %get3A_2653 = arith.constant 0 : index
      %get3A_2654 = vector.load %arg14[%get3A_2651, %get3A_2652, %get3A_2653] : memref<32x1x512xi32, #tpu.memory_space<vmem>>, vector<1x1x512xi32>
      %get3A_2655 = vector.shape_cast %get3A_2654 : vector<1x1x512xi32> to vector<1x512xi32>
      %get3A_2656 = arith.constant 30 : index
      %get3A_2657 = arith.constant 0 : index
      %get3A_2658 = arith.constant 0 : index
      %get3A_2659 = vector.load %arg15[%get3A_2656, %get3A_2657, %get3A_2658] : memref<32x1x512xi32, #tpu.memory_space<vmem>>, vector<1x1x512xi32>
      %get3A_2660 = vector.shape_cast %get3A_2659 : vector<1x1x512xi32> to vector<1x512xi32>
      %eq3A_2661 = arith.constant 1 : i32
      %eq3A_2662 = vector.broadcast %eq3A_2661 : i32 to vector<1x512xi32>
      %eq3A_2663 = arith.cmpi eq, %get3A_2655, %eq3A_2662 : vector<1x512xi32>
      %jit3A_2664 = arith.constant 0 : i32
      %broadcast_in_dim3A_2665 = vector.broadcast %add3A_178 : i32 to vector<1x512xi32>
      %broadcast_in_dim3A_2666 = vector.broadcast %jit3A_2664 : i32 to vector<1x512xi32>
      %select_n3A_2667 = arith.select %eq3A_2663, %broadcast_in_dim3A_2665, %broadcast_in_dim3A_2666 : vector<1x512xi1>, vector<1x512xi32>
      %add3A_2668 = arith.addi %get3A_2660, %select_n3A_2667 : vector<1x512xi32>
      %eq3A_2669 = arith.constant 2 : i32
      %eq3A_2670 = vector.broadcast %eq3A_2669 : i32 to vector<1x512xi32>
      %eq3A_2671 = arith.cmpi eq, %get3A_2655, %eq3A_2670 : vector<1x512xi32>
      %jit3A_2672 = arith.constant 0 : i32
      %broadcast_in_dim3A_2673 = vector.broadcast %add3A_224 : i32 to vector<1x512xi32>
      %broadcast_in_dim3A_2674 = vector.broadcast %jit3A_2672 : i32 to vector<1x512xi32>
      %select_n3A_2675 = arith.select %eq3A_2671, %broadcast_in_dim3A_2673, %broadcast_in_dim3A_2674 : vector<1x512xi1>, vector<1x512xi32>
      %add3A_2676 = arith.addi %add3A_2668, %select_n3A_2675 : vector<1x512xi32>
      %eq3A_2677 = arith.constant 3 : i32
      %eq3A_2678 = vector.broadcast %eq3A_2677 : i32 to vector<1x512xi32>
      %eq3A_2679 = arith.cmpi eq, %get3A_2655, %eq3A_2678 : vector<1x512xi32>
      %jit3A_2680 = arith.constant 0 : i32
      %broadcast_in_dim3A_2681 = vector.broadcast %add3A_270 : i32 to vector<1x512xi32>
      %broadcast_in_dim3A_2682 = vector.broadcast %jit3A_2680 : i32 to vector<1x512xi32>
      %select_n3A_2683 = arith.select %eq3A_2679, %broadcast_in_dim3A_2681, %broadcast_in_dim3A_2682 : vector<1x512xi1>, vector<1x512xi32>
      %add3A_2684 = arith.addi %add3A_2676, %select_n3A_2683 : vector<1x512xi32>
      %eq3A_2685 = arith.constant 4 : i32
      %eq3A_2686 = vector.broadcast %eq3A_2685 : i32 to vector<1x512xi32>
      %eq3A_2687 = arith.cmpi eq, %get3A_2655, %eq3A_2686 : vector<1x512xi32>
      %jit3A_2688 = arith.constant 0 : i32
      %broadcast_in_dim3A_2689 = vector.broadcast %add3A_316 : i32 to vector<1x512xi32>
      %broadcast_in_dim3A_2690 = vector.broadcast %jit3A_2688 : i32 to vector<1x512xi32>
      %select_n3A_2691 = arith.select %eq3A_2687, %broadcast_in_dim3A_2689, %broadcast_in_dim3A_2690 : vector<1x512xi1>, vector<1x512xi32>
      %add3A_2692 = arith.addi %add3A_2684, %select_n3A_2691 : vector<1x512xi32>
      %eq3A_2693 = arith.constant 5 : i32
      %eq3A_2694 = vector.broadcast %eq3A_2693 : i32 to vector<1x512xi32>
      %eq3A_2695 = arith.cmpi eq, %get3A_2655, %eq3A_2694 : vector<1x512xi32>
      %jit3A_2696 = arith.constant 0 : i32
      %broadcast_in_dim3A_2697 = vector.broadcast %add3A_362 : i32 to vector<1x512xi32>
      %broadcast_in_dim3A_2698 = vector.broadcast %jit3A_2696 : i32 to vector<1x512xi32>
      %select_n3A_2699 = arith.select %eq3A_2695, %broadcast_in_dim3A_2697, %broadcast_in_dim3A_2698 : vector<1x512xi1>, vector<1x512xi32>
      %add3A_2700 = arith.addi %add3A_2692, %select_n3A_2699 : vector<1x512xi32>
      %eq3A_2701 = arith.constant 6 : i32
      %eq3A_2702 = vector.broadcast %eq3A_2701 : i32 to vector<1x512xi32>
      %eq3A_2703 = arith.cmpi eq, %get3A_2655, %eq3A_2702 : vector<1x512xi32>
      %jit3A_2704 = arith.constant 0 : i32
      %broadcast_in_dim3A_2705 = vector.broadcast %add3A_408 : i32 to vector<1x512xi32>
      %broadcast_in_dim3A_2706 = vector.broadcast %jit3A_2704 : i32 to vector<1x512xi32>
      %select_n3A_2707 = arith.select %eq3A_2703, %broadcast_in_dim3A_2705, %broadcast_in_dim3A_2706 : vector<1x512xi1>, vector<1x512xi32>
      %add3A_2708 = arith.addi %add3A_2700, %select_n3A_2707 : vector<1x512xi32>
      %eq3A_2709 = arith.constant 7 : i32
      %eq3A_2710 = vector.broadcast %eq3A_2709 : i32 to vector<1x512xi32>
      %eq3A_2711 = arith.cmpi eq, %get3A_2655, %eq3A_2710 : vector<1x512xi32>
      %jit3A_2712 = arith.constant 0 : i32
      %broadcast_in_dim3A_2713 = vector.broadcast %add3A_454 : i32 to vector<1x512xi32>
      %broadcast_in_dim3A_2714 = vector.broadcast %jit3A_2712 : i32 to vector<1x512xi32>
      %select_n3A_2715 = arith.select %eq3A_2711, %broadcast_in_dim3A_2713, %broadcast_in_dim3A_2714 : vector<1x512xi1>, vector<1x512xi32>
      %add3A_2716 = arith.addi %add3A_2708, %select_n3A_2715 : vector<1x512xi32>
      %swap3A_2717 = arith.constant 30 : index
      %swap3A_2718 = arith.constant 0 : index
      %swap3A_2719 = arith.constant 0 : index
      %swap3A_2720 = vector.load %arg9[%swap3A_2717, %swap3A_2718, %swap3A_2719] : memref<32x1x512xi32, #tpu.memory_space<vmem>>, vector<1x1x512xi32>
      %swap3A_2721 = vector.shape_cast %swap3A_2720 : vector<1x1x512xi32> to vector<1x512xi32>
      %swap3A_2722 = vector.shape_cast %add3A_2716 : vector<1x512xi32> to vector<1x1x512xi32>
      tpu.vector_store %arg9[%swap3A_2717, %swap3A_2718, %swap3A_2719], %swap3A_2722 {strides = array<i32>} : memref<32x1x512xi32, #tpu.memory_space<vmem>>, vector<1x1x512xi32>,
      %get3A_2723 = arith.constant 31 : index
      %get3A_2724 = arith.constant 0 : index
      %get3A_2725 = arith.constant 0 : index
      %get3A_2726 = vector.load %arg14[%get3A_2723, %get3A_2724, %get3A_2725] : memref<32x1x512xi32, #tpu.memory_space<vmem>>, vector<1x1x512xi32>
      %get3A_2727 = vector.shape_cast %get3A_2726 : vector<1x1x512xi32> to vector<1x512xi32>
      %get3A_2728 = arith.constant 31 : index
      %get3A_2729 = arith.constant 0 : index
      %get3A_2730 = arith.constant 0 : index
      %get3A_2731 = vector.load %arg15[%get3A_2728, %get3A_2729, %get3A_2730] : memref<32x1x512xi32, #tpu.memory_space<vmem>>, vector<1x1x512xi32>
      %get3A_2732 = vector.shape_cast %get3A_2731 : vector<1x1x512xi32> to vector<1x512xi32>
      %eq3A_2733 = arith.constant 1 : i32
      %eq3A_2734 = vector.broadcast %eq3A_2733 : i32 to vector<1x512xi32>
      %eq3A_2735 = arith.cmpi eq, %get3A_2727, %eq3A_2734 : vector<1x512xi32>
      %jit3A_2736 = arith.constant 0 : i32
      %broadcast_in_dim3A_2737 = vector.broadcast %add3A_178 : i32 to vector<1x512xi32>
      %broadcast_in_dim3A_2738 = vector.broadcast %jit3A_2736 : i32 to vector<1x512xi32>
      %select_n3A_2739 = arith.select %eq3A_2735, %broadcast_in_dim3A_2737, %broadcast_in_dim3A_2738 : vector<1x512xi1>, vector<1x512xi32>
      %add3A_2740 = arith.addi %get3A_2732, %select_n3A_2739 : vector<1x512xi32>
      %eq3A_2741 = arith.constant 2 : i32
      %eq3A_2742 = vector.broadcast %eq3A_2741 : i32 to vector<1x512xi32>
      %eq3A_2743 = arith.cmpi eq, %get3A_2727, %eq3A_2742 : vector<1x512xi32>
      %jit3A_2744 = arith.constant 0 : i32
      %broadcast_in_dim3A_2745 = vector.broadcast %add3A_224 : i32 to vector<1x512xi32>
      %broadcast_in_dim3A_2746 = vector.broadcast %jit3A_2744 : i32 to vector<1x512xi32>
      %select_n3A_2747 = arith.select %eq3A_2743, %broadcast_in_dim3A_2745, %broadcast_in_dim3A_2746 : vector<1x512xi1>, vector<1x512xi32>
      %add3A_2748 = arith.addi %add3A_2740, %select_n3A_2747 : vector<1x512xi32>
      %eq3A_2749 = arith.constant 3 : i32
      %eq3A_2750 = vector.broadcast %eq3A_2749 : i32 to vector<1x512xi32>
      %eq3A_2751 = arith.cmpi eq, %get3A_2727, %eq3A_2750 : vector<1x512xi32>
      %jit3A_2752 = arith.constant 0 : i32
      %broadcast_in_dim3A_2753 = vector.broadcast %add3A_270 : i32 to vector<1x512xi32>
      %broadcast_in_dim3A_2754 = vector.broadcast %jit3A_2752 : i32 to vector<1x512xi32>
      %select_n3A_2755 = arith.select %eq3A_2751, %broadcast_in_dim3A_2753, %broadcast_in_dim3A_2754 : vector<1x512xi1>, vector<1x512xi32>
      %add3A_2756 = arith.addi %add3A_2748, %select_n3A_2755 : vector<1x512xi32>
      %eq3A_2757 = arith.constant 4 : i32
      %eq3A_2758 = vector.broadcast %eq3A_2757 : i32 to vector<1x512xi32>
      %eq3A_2759 = arith.cmpi eq, %get3A_2727, %eq3A_2758 : vector<1x512xi32>
      %jit3A_2760 = arith.constant 0 : i32
      %broadcast_in_dim3A_2761 = vector.broadcast %add3A_316 : i32 to vector<1x512xi32>
      %broadcast_in_dim3A_2762 = vector.broadcast %jit3A_2760 : i32 to vector<1x512xi32>
      %select_n3A_2763 = arith.select %eq3A_2759, %broadcast_in_dim3A_2761, %broadcast_in_dim3A_2762 : vector<1x512xi1>, vector<1x512xi32>
      %add3A_2764 = arith.addi %add3A_2756, %select_n3A_2763 : vector<1x512xi32>
      %eq3A_2765 = arith.constant 5 : i32
      %eq3A_2766 = vector.broadcast %eq3A_2765 : i32 to vector<1x512xi32>
      %eq3A_2767 = arith.cmpi eq, %get3A_2727, %eq3A_2766 : vector<1x512xi32>
      %jit3A_2768 = arith.constant 0 : i32
      %broadcast_in_dim3A_2769 = vector.broadcast %add3A_362 : i32 to vector<1x512xi32>
      %broadcast_in_dim3A_2770 = vector.broadcast %jit3A_2768 : i32 to vector<1x512xi32>
      %select_n3A_2771 = arith.select %eq3A_2767, %broadcast_in_dim3A_2769, %broadcast_in_dim3A_2770 : vector<1x512xi1>, vector<1x512xi32>
      %add3A_2772 = arith.addi %add3A_2764, %select_n3A_2771 : vector<1x512xi32>
      %eq3A_2773 = arith.constant 6 : i32
      %eq3A_2774 = vector.broadcast %eq3A_2773 : i32 to vector<1x512xi32>
      %eq3A_2775 = arith.cmpi eq, %get3A_2727, %eq3A_2774 : vector<1x512xi32>
      %jit3A_2776 = arith.constant 0 : i32
      %broadcast_in_dim3A_2777 = vector.broadcast %add3A_408 : i32 to vector<1x512xi32>
      %broadcast_in_dim3A_2778 = vector.broadcast %jit3A_2776 : i32 to vector<1x512xi32>
      %select_n3A_2779 = arith.select %eq3A_2775, %broadcast_in_dim3A_2777, %broadcast_in_dim3A_2778 : vector<1x512xi1>, vector<1x512xi32>
      %add3A_2780 = arith.addi %add3A_2772, %select_n3A_2779 : vector<1x512xi32>
      %eq3A_2781 = arith.constant 7 : i32
      %eq3A_2782 = vector.broadcast %eq3A_2781 : i32 to vector<1x512xi32>
      %eq3A_2783 = arith.cmpi eq, %get3A_2727, %eq3A_2782 : vector<1x512xi32>
      %jit3A_2784 = arith.constant 0 : i32
      %broadcast_in_dim3A_2785 = vector.broadcast %add3A_454 : i32 to vector<1x512xi32>
      %broadcast_in_dim3A_2786 = vector.broadcast %jit3A_2784 : i32 to vector<1x512xi32>
      %select_n3A_2787 = arith.select %eq3A_2783, %broadcast_in_dim3A_2785, %broadcast_in_dim3A_2786 : vector<1x512xi1>, vector<1x512xi32>
      %add3A_2788 = arith.addi %add3A_2780, %select_n3A_2787 : vector<1x512xi32>
      %swap3A_2789 = arith.constant 31 : index
      %swap3A_2790 = arith.constant 0 : index
      %swap3A_2791 = arith.constant 0 : index
      %swap3A_2792 = vector.load %arg9[%swap3A_2789, %swap3A_2790, %swap3A_2791] : memref<32x1x512xi32, #tpu.memory_space<vmem>>, vector<1x1x512xi32>
      %swap3A_2793 = vector.shape_cast %swap3A_2792 : vector<1x1x512xi32> to vector<1x512xi32>
      %swap3A_2794 = vector.shape_cast %add3A_2788 : vector<1x512xi32> to vector<1x1x512xi32>
      tpu.vector_store %arg9[%swap3A_2789, %swap3A_2790, %swap3A_2791], %swap3A_2794 {strides = array<i32>} : memref<32x1x512xi32, #tpu.memory_space<vmem>>, vector<1x1x512xi32>,
    } else {
    }
    return
  }
  func.func @transform_0(%arg0: i32) -> (i32, i32) {
    %c0_i32 = arith.constant 0 : i32
    %c0_i32_0 = arith.constant 0 : i32
    %c0_i32_1 = arith.constant 0 : i32
    return %c0_i32, %c0_i32_0 : i32, i32
  }
  func.func @transform_1(%arg0: i32) -> (i32, i32, i32) {
    %c0_i32 = arith.constant 0 : i32
    %c0_i32_0 = arith.constant 0 : i32
    %c0_i32_1 = arith.constant 0 : i32
    return %arg0, %c0_i32, %c0_i32_0 : i32, i32, i32
  }
  func.func @transform_2(%arg0: i32) -> (i32, i32) {
    %c0_i32 = arith.constant 0 : i32
    %c0_i32_0 = arith.constant 0 : i32
    %c0_i32_1 = arith.constant 0 : i32
    return %c0_i32, %c0_i32_0 : i32, i32
  }
  func.func @transform_3(%arg0: i32) -> (i32, i32) {
    %c0_i32 = arith.constant 0 : i32
    %c0_i32_0 = arith.constant 0 : i32
    %c0_i32_1 = arith.constant 0 : i32
    return %c0_i32, %c0_i32_0 : i32, i32
  }
  func.func @transform_4(%arg0: i32) -> (i32, i32) {
    %c0_i32 = arith.constant 0 : i32
    %c0_i32_0 = arith.constant 0 : i32
    %c0_i32_1 = arith.constant 0 : i32
    return %c0_i32, %c0_i32_0 : i32, i32
  }
  func.func @transform_5(%arg0: i32) -> (i32, i32) {
    %c0_i32 = arith.constant 0 : i32
    %c0_i32_0 = arith.constant 0 : i32
    %c0_i32_1 = arith.constant 0 : i32
    return %c0_i32, %c0_i32_0 : i32, i32
  }
  func.func @transform_6(%arg0: i32) -> (i32, i32) {
    %c0_i32 = arith.constant 0 : i32
    %c0_i32_0 = arith.constant 0 : i32
    %c0_i32_1 = arith.constant 0 : i32
    return %c0_i32, %c0_i32_0 : i32, i32
  }
  func.func @transform_7(%arg0: i32) -> (i32, i32) {
    %c0_i32 = arith.constant 0 : i32
    %c0_i32_0 = arith.constant 0 : i32
    return %arg0, %c0_i32 : i32, i32
  }
  func.func @transform_8(%arg0: i32) -> (i32, i32, i32) {
    %c0_i32 = arith.constant 0 : i32
    %c0_i32_0 = arith.constant 0 : i32
    %c0_i32_1 = arith.constant 0 : i32
    %c0_i32_2 = arith.constant 0 : i32
    return %c0_i32, %c0_i32_0, %c0_i32_1 : i32, i32, i32
  }
  func.func @transform_9(%arg0: i32) -> (i32, i32) {
    %c0_i32 = arith.constant 0 : i32
    %c0_i32_0 = arith.constant 0 : i32
    %c0_i32_1 = arith.constant 0 : i32
    return %c0_i32, %c0_i32_0 : i32, i32
  }
  func.func @transform_10(%arg0: i32) -> (i32, i32) {
    %c0_i32 = arith.constant 0 : i32
    %c0_i32_0 = arith.constant 0 : i32
    %c0_i32_1 = arith.constant 0 : i32
    return %c0_i32, %c0_i32_0 : i32, i32
  }
}

module attributes {stable_mosaic.version = 14 : i64} {
  func.func @_gmm_body(%arg0: i32, %arg1: memref<40xi32, #tpu.memory_space<smem>>, %arg2: memref<512x384xi32, #tpu.memory_space<vmem>>, %arg3: memref<8x768x768xbf16, #tpu.memory_space<vmem>>, %arg4: memref<8x1x768xf32, #tpu.memory_space<vmem>>, %arg5: memref<512x384xi32, #tpu.memory_space<vmem>>, %arg6: memref<768x768xbf16, #tpu.memory_space<vmem>>, %arg7: memref<1x768xf32, #tpu.memory_space<vmem>>) attributes {dimension_semantics = [#tpu.dimension_semantics<arbitrary>], iteration_bounds = array<i64: 40>, scalar_prefetch = 1 : i64, scratch_operands = 2 : i64, tpu.core_type = #tpu.core_type<tc>, window_params = [{transform_indices = @transform_0, window_bounds = array<i64: 512, 384>}, {pipeline_mode = #tpu.pipeline_mode<synchronous>, transform_indices = @transform_1, window_bounds = array<i64: 8, 768, 768>}, {pipeline_mode = #tpu.pipeline_mode<synchronous>, transform_indices = @transform_2, window_bounds = array<i64: 8, 1, 768>}, {transform_indices = @transform_3, window_bounds = array<i64: 512, 384>}]} {
    %get3A = arith.index_cast %arg0 : i32 to index
    %get3A_0 = memref.load %arg1[%get3A] : memref<40xi32, #tpu.memory_space<smem>>
    %eq3A = arith.constant 0 : i32
    %eq3A_1 = arith.cmpi eq, %arg0, %eq3A : i32
    %sub3A = arith.constant 1 : i32
    %sub3A_2 = arith.subi %arg0, %sub3A : i32
    %max3A = arith.constant 0 : i32
    %max3A_3 = arith.maxsi %sub3A_2, %max3A : i32
    %get3A_4 = arith.index_cast %max3A_3 : i32 to index
    %get3A_5 = memref.load %arg1[%get3A_4] : memref<40xi32, #tpu.memory_space<smem>>
    %ne3A = arith.cmpi ne, %get3A_5, %get3A_0 : i32
    %or3A = arith.ori %eq3A_1, %ne3A : i1
    %convert_element_type3A = arith.extui %or3A : i1 to i32
    %cond3A = arith.constant 0 : i32
    %cond3A_6 = arith.cmpi ne, %convert_element_type3A, %cond3A : i32
    scf.if %cond3A_6 {
      %get3A_36 = arith.index_cast %get3A_0 : i32 to index
      %get3A_37 = arith.constant 0 : index
      %get3A_38 = arith.constant 0 : index
      %get3A_39 = vector.load %arg3[%get3A_36, %get3A_37, %get3A_38] : memref<8x768x768xbf16, #tpu.memory_space<vmem>>, vector<1x768x768xbf16>
      %squeeze3A = vector.shape_cast %get3A_39 : vector<1x768x768xbf16> to vector<768x768xbf16>
      %swap3A_40 = arith.constant 0 : index
      %swap3A_41 = arith.constant 0 : index
      %swap3A_42 = vector.load %arg6[%swap3A_40, %swap3A_41] : memref<768x768xbf16, #tpu.memory_space<vmem>>, vector<768x768xbf16>
      tpu.vector_store %arg6[%swap3A_40, %swap3A_41], %squeeze3A {strides = array<i32>} : memref<768x768xbf16, #tpu.memory_space<vmem>>, vector<768x768xbf16>,
      %get3A_43 = arith.index_cast %get3A_0 : i32 to index
      %get3A_44 = arith.constant 0 : index
      %get3A_45 = arith.constant 0 : index
      %get3A_46 = vector.load %arg4[%get3A_43, %get3A_44, %get3A_45] : memref<8x1x768xf32, #tpu.memory_space<vmem>>, vector<1x1x768xf32>
      %squeeze3A_47 = vector.shape_cast %get3A_46 : vector<1x1x768xf32> to vector<1x768xf32>
      %swap3A_48 = arith.constant 0 : index
      %swap3A_49 = arith.constant 0 : index
      %swap3A_50 = vector.load %arg7[%swap3A_48, %swap3A_49] : memref<1x768xf32, #tpu.memory_space<vmem>>, vector<1x768xf32>
      tpu.vector_store %arg7[%swap3A_48, %swap3A_49], %squeeze3A_47 {strides = array<i32>} : memref<1x768xf32, #tpu.memory_space<vmem>>, vector<1x768xf32>,
    } else {
    }
    %get3A_7 = arith.constant 0 : index
    %get3A_8 = arith.constant 0 : index
    %get3A_9 = vector.load %arg2[%get3A_7, %get3A_8] : memref<512x384xi32, #tpu.memory_space<vmem>>, vector<512x384xi32>
    %shift_right_arithmetic3A = arith.constant 16 : i32
    %shift_right_arithmetic3A_10 = vector.broadcast %shift_right_arithmetic3A : i32 to vector<512x384xi32>
    %shift_right_arithmetic3A_11 = arith.shrsi %get3A_9, %shift_right_arithmetic3A_10 : vector<512x384xi32>
    %convert_element_type3A_12 = arith.trunci %shift_right_arithmetic3A_11 : vector<512x384xi32> to vector<512x384xi16>
    %bitcast_convert_type3A = tpu.bitcast %convert_element_type3A_12 : vector<512x384xi16> -> vector<512x384xbf16>
    %and3A = arith.constant 65535 : i32
    %and3A_13 = vector.broadcast %and3A : i32 to vector<512x384xi32>
    %and3A_14 = arith.andi %get3A_9, %and3A_13 : vector<512x384xi32>
    %convert_element_type3A_15 = arith.trunci %and3A_14 : vector<512x384xi32> to vector<512x384xi16>
    %bitcast_convert_type3A_16 = tpu.bitcast %convert_element_type3A_15 : vector<512x384xi16> -> vector<512x384xbf16>
    %concatenate3A = tpu.concatenate %bitcast_convert_type3A, %bitcast_convert_type3A_16 in 1 : vector<512x384xbf16>, vector<512x384xbf16> -> vector<512x768xbf16>
    %get3A_17 = arith.constant 0 : index
    %get3A_18 = arith.constant 0 : index
    %get3A_19 = vector.load %arg6[%get3A_17, %get3A_18] : memref<768x768xbf16, #tpu.memory_space<vmem>>, vector<768x768xbf16>
    %dot_general3A = arith.constant dense<0.000000e+00> : vector<512x768xf32>
    %dot_general3A_20 = tpu.matmul %concatenate3A, %get3A_19, %dot_general3A {dimension_numbers = #tpu.dot_dimension_numbers<[1], [0], [0], [1], [0, 0, 1, 1], [], []>, transpose_lhs_hint = false} : vector<512x768xbf16>, vector<768x768xbf16>, vector<512x768xf32> -> vector<512x768xf32>
    %get3A_21 = arith.constant 0 : index
    %get3A_22 = arith.constant 0 : index
    %get3A_23 = vector.load %arg7[%get3A_21, %get3A_22] : memref<1x768xf32, #tpu.memory_space<vmem>>, vector<1x768xf32>
    %add3A = vector.broadcast %get3A_23 : vector<1x768xf32> to vector<512x768xf32>
    %add3A_24 = arith.addf %dot_general3A_20, %add3A : vector<512x768xf32>
    %convert_element_type3A_25 = arith.truncf %add3A_24 : vector<512x768xf32> to vector<512x768xbf16>
    %slice3A = vector.extract_strided_slice %convert_element_type3A_25 {offsets = [0, 0], sizes = [512, 384], strides = [1, 1]} : vector<512x768xbf16> to vector<512x384xbf16>
    %bitcast_convert_type3A_26 = tpu.bitcast %slice3A : vector<512x384xbf16> -> vector<512x384xi16>
    %convert_element_type3A_27 = arith.extui %bitcast_convert_type3A_26 : vector<512x384xi16> to vector<512x384xi32>
    %slice3A_28 = vector.extract_strided_slice %convert_element_type3A_25 {offsets = [0, 384], sizes = [512, 384], strides = [1, 1]} : vector<512x768xbf16> to vector<512x384xbf16>
    %bitcast_convert_type3A_29 = tpu.bitcast %slice3A_28 : vector<512x384xbf16> -> vector<512x384xi16>
    %convert_element_type3A_30 = arith.extui %bitcast_convert_type3A_29 : vector<512x384xi16> to vector<512x384xi32>
    %shift_left3A = arith.constant 16 : i32
    %shift_left3A_31 = vector.broadcast %shift_left3A : i32 to vector<512x384xi32>
    %shift_left3A_32 = arith.shli %convert_element_type3A_27, %shift_left3A_31 : vector<512x384xi32>
    %or3A_33 = arith.ori %shift_left3A_32, %convert_element_type3A_30 : vector<512x384xi32>
    %swap3A = arith.constant 0 : index
    %swap3A_34 = arith.constant 0 : index
    %swap3A_35 = vector.load %arg5[%swap3A, %swap3A_34] : memref<512x384xi32, #tpu.memory_space<vmem>>, vector<512x384xi32>
    tpu.vector_store %arg5[%swap3A, %swap3A_34], %or3A_33 {strides = array<i32>} : memref<512x384xi32, #tpu.memory_space<vmem>>, vector<512x384xi32>,
    return
  }
  func.func @transform_0(%arg0: i32, %arg1: memref<40xi32, #tpu.memory_space<smem>>) -> (i32, i32) {
    %c0_i32 = arith.constant 0 : i32
    %c0_i32_0 = arith.constant 0 : i32
    return %arg0, %c0_i32 : i32, i32
  }
  func.func @transform_1(%arg0: i32, %arg1: memref<40xi32, #tpu.memory_space<smem>>) -> (i32, i32, i32) {
    %c0_i32 = arith.constant 0 : i32
    %c0_i32_0 = arith.constant 0 : i32
    %c0_i32_1 = arith.constant 0 : i32
    %c0_i32_2 = arith.constant 0 : i32
    return %c0_i32, %c0_i32_0, %c0_i32_1 : i32, i32, i32
  }
  func.func @transform_2(%arg0: i32, %arg1: memref<40xi32, #tpu.memory_space<smem>>) -> (i32, i32, i32) {
    %c0_i32 = arith.constant 0 : i32
    %c0_i32_0 = arith.constant 0 : i32
    %c0_i32_1 = arith.constant 0 : i32
    %c0_i32_2 = arith.constant 0 : i32
    return %c0_i32, %c0_i32_0, %c0_i32_1 : i32, i32, i32
  }
  func.func @transform_3(%arg0: i32, %arg1: memref<40xi32, #tpu.memory_space<smem>>) -> (i32, i32) {
    %c0_i32 = arith.constant 0 : i32
    %c0_i32_0 = arith.constant 0 : i32
    return %arg0, %c0_i32 : i32, i32
  }
}

module attributes {stable_mosaic.version = 14 : i64} {
  func.func @_relayout_body(%arg0: i32, %arg1: memref<2048x384xi32, #tpu.memory_space<vmem>>, %arg2: memref<1024x2x768xf32, #tpu.memory_space<vmem>>) attributes {dimension_semantics = [#tpu.dimension_semantics<arbitrary>], iteration_bounds = array<i64: 8>, scalar_prefetch = 0 : i64, scratch_operands = 0 : i64, tpu.core_type = #tpu.core_type<tc>, window_params = [{transform_indices = @transform_0, window_bounds = array<i64: 2048, 384>}, {transform_indices = @transform_1, window_bounds = array<i64: 1024, 2, 768>}]} {
    %get3A = arith.constant 0 : index
    %get3A_0 = arith.constant 0 : index
    %get3A_1 = vector.load %arg1[%get3A, %get3A_0] : memref<2048x384xi32, #tpu.memory_space<vmem>>, vector<2048x384xi32>
    %shift_right_arithmetic3A = arith.constant 16 : i32
    %shift_right_arithmetic3A_2 = vector.broadcast %shift_right_arithmetic3A : i32 to vector<2048x384xi32>
    %shift_right_arithmetic3A_3 = arith.shrsi %get3A_1, %shift_right_arithmetic3A_2 : vector<2048x384xi32>
    %convert_element_type3A = arith.trunci %shift_right_arithmetic3A_3 : vector<2048x384xi32> to vector<2048x384xi16>
    %bitcast_convert_type3A = tpu.bitcast %convert_element_type3A : vector<2048x384xi16> -> vector<2048x384xbf16>
    %and3A = arith.constant 65535 : i32
    %and3A_4 = vector.broadcast %and3A : i32 to vector<2048x384xi32>
    %and3A_5 = arith.andi %get3A_1, %and3A_4 : vector<2048x384xi32>
    %convert_element_type3A_6 = arith.trunci %and3A_5 : vector<2048x384xi32> to vector<2048x384xi16>
    %bitcast_convert_type3A_7 = tpu.bitcast %convert_element_type3A_6 : vector<2048x384xi16> -> vector<2048x384xbf16>
    %concatenate3A = tpu.concatenate %bitcast_convert_type3A, %bitcast_convert_type3A_7 in 1 : vector<2048x384xbf16>, vector<2048x384xbf16> -> vector<2048x768xbf16>
    %convert_element_type3A_8 = arith.extf %concatenate3A : vector<2048x768xbf16> to vector<2048x768xf32>
    %reshape3A = vector.shape_cast %convert_element_type3A_8 : vector<2048x768xf32> to vector<1024x2x768xf32>
    %swap3A = arith.constant 0 : index
    %swap3A_9 = arith.constant 0 : index
    %swap3A_10 = arith.constant 0 : index
    %swap3A_11 = vector.load %arg2[%swap3A, %swap3A_9, %swap3A_10] : memref<1024x2x768xf32, #tpu.memory_space<vmem>>, vector<1024x2x768xf32>
    tpu.vector_store %arg2[%swap3A, %swap3A_9, %swap3A_10], %reshape3A {strides = array<i32>} : memref<1024x2x768xf32, #tpu.memory_space<vmem>>, vector<1024x2x768xf32>,
    return
  }
  func.func @transform_0(%arg0: i32) -> (i32, i32) {
    %c0_i32 = arith.constant 0 : i32
    %c0_i32_0 = arith.constant 0 : i32
    return %arg0, %c0_i32 : i32, i32
  }
  func.func @transform_1(%arg0: i32) -> (i32, i32, i32) {
    %c0_i32 = arith.constant 0 : i32
    %c0_i32_0 = arith.constant 0 : i32
    %c0_i32_1 = arith.constant 0 : i32
    return %arg0, %c0_i32, %c0_i32_0 : i32, i32, i32
  }
}

</mosaic_0001>

<sc_bundles>
// kernel: kernel.10.cloned.1.call-start
scs
__scs_entry_jumppad:
0x0: {  	(pc) =	sbr.rel $0x88, $3  }
0x1: {  	(tag) =	ssettag $0x0;
	lr =	simm.s32 $0x1  }
0x2: {  	[smem:$0x3F98] =	sst lr;
	_ =	strace $0xD0000000  }
0x3: {  	_ = 	snop  }
0x4: {  	_ = 	snop  }
0x5: {  	_ = 	snop  }
0x6: {  	_ = 	snop  }
0x7: {  	_ = 	snop  }
__scs_overlays_trampoline_lowered:
0x8: {  	[smem:$0x3FA7] =	sst s0  }
0x9: {  	[smem:$0x3FA8] =	sst s1  }
0xa: {  	[smem:$0x3FA9] =	sst s2  }
0xb: {  	[smem:$0x3FAA] =	sst s3  }
0xc: {  	[smem:$0x3FAB] =	sst s4  }
0xd: {  	[smem:$0x3FAC] =	sst s5  }
0xe: {  	[smem:$0x3FAD] =	sst s6  }
0xf: {  	[smem:$0x3FAE] =	sst s7  }
0x10: {  	[smem:$0x3FAF] =	sst s8  }
0x11: {  	[smem:$0x3FB0] =	sst s9;
	s0 =	simm.s32 @!p0 $0x0  }
0x12: {  	s1 =	sld [smem:$0x3F96];
	s0 =	simm.s32 @p0 $0x1  }
0x13: {  	[smem:$0x3FB1] =	sst s0;
	s0 =	simm.s32 @!p1 $0x0  }
0x14: {  	s2 =	sld [smem:$0x3F95];
	s0 =	simm.s32 @p1 $0x1  }
0x15: {  	[smem:$0x3FB2] =	sst s0;
	s0 =	simm.s32 @!p2 $0x0  }
0x16: {  	s3 =	sld [smem:$0x3FDB];
	s0 =	simm.s32 @p2 $0x1  }
0x17: {  	s4 =	simm.s32 $0x1BF5;
	[smem:$0x3FB4] =	sst s0  }
0x18: {  	s0 =	sld [smem:$0x3F97];
	_ =	swait.ge [sflag:s4], $0x0  }
0x19: {  	s7 =	sld [smem:$0x3F98]  }
0x1a: {  	s8 =	sadd.s32 $0xFFFFE003, lr  }
0x1b: {  	s9 =	sadd.s32 $0xFFFFFEF7, lr;
	s5 =	simm.s32 $0xFFFFFFFF;
	p2 =	slt.u32 s8, $0xFFFFF086  }
0x1c: {  	p1 =	slt.u32 s9, $0xF7A;
	s5 =	simm.s32 @!p2 $0x0  }
0x1d: {  	s5 =	simm.s32 @p1 $0x1;
	p0 =	seq.s32 s7, s2  }
0x1e: {  	s7 =	smul.u32 @!p0 $0xF7A, s2;
	p2 =	seq.s32 @!p0 s5, $0x0  }
0x1f: {  	s9 =	smul.u32 $0xF7A, s1;
	s8 =	simm.s32 @!p0 $0x1BF5;
	p2 =	por !p2, p0  }
0x20: {  	[sflag:s8] =	ssyncset.s32 @!p0 $0xFFFFF086;
	s6 =	sadd.s32 @!p0 s3, s7;
	s7 =	simm.s32 @!p0 $0x108  }
0x21: {  	s3 =	sadd.s32 s3, s9;
	s6 =	sadd.s32 @!p0 $0x88, s6;
	s7 =	simm.s32 @p2 $0x1082  }
0x22: {  	[simem:s7], [sflag:s8] =	dma.local @!p0 [hbm:s6], $0xF7A  }
0x23: {  	s9 =	sor.u32 $0xD0000000, s2;
	s6 =	simm.s32 $0x108;
	_ =	swait.ge @!p0 [sflag:s8], $0x0  }
0x24: {  	s3 =	sadd.s32 $0x88, s3;
	s6 =	simm.s32 @!p1 $0x1082;
	[sflag:s4] =	ssyncset.s32 $0xFFFFF086  }
0x25: {  	[simem:s6], [sflag:s4] =	dma.local [hbm:s3], $0xF7A  }
0x26: {  	[smem:$0x3F98] =	sst s1;
	(tag) =	ssettag s2;
	_ =	strace s9  }
0x27: {  	s1 =	sld [smem:$0x3FA8]  }
0x28: {  	s2 =	sld [smem:$0x3FA9]  }
0x29: {  	s4 =	sld [smem:$0x3FAB]  }
0x2a: {  	p0 =	seq.s32 s5, $0x0;
	s5 =	sld [smem:$0x3FAC]  }
0x2b: {  	s6 =	sld [smem:$0x3FAD]  }
0x2c: {  	s7 =	sld [smem:$0x3FAE]  }
0x2d: {  	s3 =	simm.s32 $0x108;
	s8 =	sld [smem:$0x3FAF]  }
0x2e: {  	s3 =	simm.s32 @!p0 $0x1082;
	s9 =	sld [smem:$0x3FB0]  }
0x2f: {  	lr =	sadd.s32 s0, s3;
	s0 =	sld [smem:$0x3FA7]  }
0x30: {  	s3 =	sld [smem:$0x3FAA]  }
0x31: {  	[smem:$0x3FB3] =	sst s10  }
0x32: {  	s10 =	sld [smem:$0x3FB1];
	_ =	sdelay $0x3  }
0x33: {  	p0 =	seq.s32 s10, $0x1;
	s10 =	sld [smem:$0x3FB3];
	_ =	sdelay $0x3  }
0x34: {  	[smem:$0x3FB3] =	sst s10  }
0x35: {  	s10 =	sld [smem:$0x3FB2];
	_ =	sdelay $0x3  }
0x36: {  	p1 =	seq.s32 s10, $0x1;
	s10 =	sld [smem:$0x3FB3];
	_ =	sdelay $0x3  }
0x37: {  	[smem:$0x3FB3] =	sst s10  }
0x38: {  	s10 =	sld [smem:$0x3FB4]  }
0x39: {  	_ = 	snop;
	(pc) =	sbr.ind lr, $3  }
0x3a: {  	_ = 	snop  }
0x3b: {  	_ = 	snop  }
0x3c: {  	p2 =	seq.s32 s10, $0x1;
	s10 =	sld [smem:$0x3FB3]  }
0x3d: {  	_ =	shalt  }
0x3e: {  	_ =	shalt  }
0x3f: {  	_ =	shalt  }
0x40: {  	_ =	shalt  }
0x41: {  	_ =	shalt  }
0x42: {  	_ =	shalt  }
0x43: {  	_ =	shalt  }
0x44: {  	_ =	shalt  }
0x45: {  	_ =	shalt  }
0x46: {  	_ =	shalt  }
0x47: {  	_ =	shalt  }
0x48: {  	_ =	shalt  }
0x49: {  	_ =	shalt  }
0x4a: {  	_ =	shalt  }
0x4b: {  	_ =	shalt  }
0x4c: {  	_ =	shalt  }
0x4d: {  	_ =	shalt  }
0x4e: {  	_ =	shalt  }
0x4f: {  	_ =	shalt  }
0x50: {  	_ =	shalt  }
0x51: {  	_ =	shalt  }
0x52: {  	_ =	shalt  }
0x53: {  	_ =	shalt  }
0x54: {  	_ =	shalt  }
0x55: {  	_ =	shalt  }
0x56: {  	_ =	shalt  }
0x57: {  	_ =	shalt  }
0x58: {  	_ =	shalt  }
0x59: {  	_ =	shalt  }
0x5a: {  	_ =	shalt  }
0x5b: {  	_ =	shalt  }
0x5c: {  	_ =	shalt  }
0x5d: {  	_ =	shalt  }
0x5e: {  	_ =	shalt  }
0x5f: {  	_ =	shalt  }
0x60: {  	_ =	shalt  }
0x61: {  	_ =	shalt  }
0x62: {  	_ =	shalt  }
0x63: {  	_ =	shalt  }
0x64: {  	_ =	shalt  }
0x65: {  	_ =	shalt  }
0x66: {  	_ =	shalt  }
0x67: {  	_ =	shalt  }
0x68: {  	_ =	shalt  }
0x69: {  	_ =	shalt  }
0x6a: {  	_ =	shalt  }
0x6b: {  	_ =	shalt  }
0x6c: {  	_ =	shalt  }
0x6d: {  	_ =	shalt  }
0x6e: {  	_ =	shalt  }
0x6f: {  	_ =	shalt  }
0x70: {  	_ =	shalt  }
0x71: {  	_ =	shalt  }
0x72: {  	_ =	shalt  }
0x73: {  	_ =	shalt  }
0x74: {  	_ =	shalt  }
0x75: {  	_ =	shalt  }
0x76: {  	_ =	shalt  }
0x77: {  	_ =	shalt  }
0x78: {  	_ =	shalt  }
0x79: {  	_ =	shalt  }
0x7a: {  	_ =	shalt  }
0x7b: {  	_ =	shalt  }
0x7c: {  	_ =	shalt  }
0x7d: {  	_ =	shalt  }
0x7e: {  	_ =	shalt  }
0x7f: {  	_ =	shalt  }
0x80: {  	_ =	shalt  }
0x81: {  	_ =	shalt  }
0x82: {  	_ =	shalt  }
0x83: {  	_ =	shalt  }
0x84: {  	_ =	shalt  }
0x85: {  	_ =	shalt  }
0x86: {  	_ =	shalt  }
0x87: {  	_ =	shalt  }
.Lfunc_end0:
.L_simem_size_0:
called_computation.1_lowered:
.L_overlay_start_0:
0x88: {  	s2 =	sld [smem:$0x3FD9]  }
0x89: {  	s3 =	sld [smem:$0x3FFE];
	_ =	sdelay $0x1  }
0x8a: {  	s1 =	srdreg.scid  }
0x8b: {  	s0 =	sand.u32 $0x1, s1  }
0x8c: {  	s14 =	sshll.u32 s0, $0xA;
	s2 =	sadd.s32 s3, s2  }
0x8d: {  	s2 =	sadd.s32 s2, s14  }
0x8e: {  	[smem:$0x3FBF] =	sst s2  }
0x8f: {  	_ = 	snop  }
0x90: {  	s2 =	sld [smem:$0x3FD0];
	_ =	sdelay $0x2  }
0x91: {  	s15 =	simm.s32 $0xA;
	s4 =	simm.s32 $0x10  }
0x92: {  	[smem:s4], [sflag:s15] =	dma.local [hbm:s2], $0x1  }
0x93: {  	_ =	swait.eq [sflag:s15], $0x1  }
0x94: {  	[sflag:s15] =	ssyncset.done $0x0  }
0x95: {  	[sflag:s15] =	ssyncadd.s32 $0xFFFFFFFF  }
0x96: {  	s16 =	sld [smem:$0x10];
	(tm) =	ssettm $0x1  }
0x97: {  	s17 =	sld [smem:$0x3FFB];
	_ =	sdelay $0x3  }
0x98: {  	_ =	strace s17  }
0x99: {  	s3 =	sld [smem:$0x3FFC];
	_ =	sdelay $0x3  }
0x9a: {  	_ =	strace s3  }
0x9b: {  	s3 =	sld [smem:$0x3FFD];
	_ =	sdelay $0x3  }
0x9c: {  	_ =	strace s3  }
0x9d: {  	_ =	strace $0x8FFFFFFF  }
0x9e: {  	s18 =	sld [smem:$0x3FDB];
	_ =	sdelay $0x1  }
0x9f: {  	s19 =	simm.s32 $_scs_section_size  }
0xa0: {  	s5 =	simm.s32 $_size__tile_overlayer_lowered;
	s6 =	simm.s32 $_tile_overlayer_lowered  }
0xa1: {  	s22 =	simm.s32 $0x1BFF;
	s21 =	sshll.u32 s6, $0x1;
	s3 =	sadd.s32 s19, s18  }
0xa2: {  	s7 =	simm.s32 $0x0;
	s20 =	sshll.u32 s5, $0x1;
	s5 =	sadd.s32 s21, s3  }
0xa3: {  	[timem:s7], [sflag:s22] =	dma.local [hbm:s5], s20  }
0xa4: {  	_ =	swait.ge [sflag:s22], s20  }
0xa5: {  	s4 =	ssub.s32 $0x0, s20;
	[sflag:s22] =	ssyncset.done $0x0  }
0xa6: {  	[sflag:s22] =	ssyncadd.s32 s4;
	_ =	sdelay $0x1  }
0xa7: {  	s23 =	simm.s32 $0x1B8B  }
0xa8: {  	_ =	swait.ge [sflag:s23], $0x1  }
0xa9: {  	[sflag:s23] =	ssyncset.done $0x0  }
0xaa: {  	s25 =	simm.s32 $0x1B8E;
	s24 =	sld [smem:$0x3FFE];
	[sflag:s23] =	ssyncadd.s32 $0xFFFFFFFF  }
0xab: {  	s26 =	simm.s32 $execute0_lowered;
	[smem:$0x3FD2] =	sst s25  }
0xac: {  	s5 =	sshll.u32 s26, $0x1;
	_ =	strace $0x80000049;
	[dreg:$0x1] =	wrdreg $0xFFFFFFFF  }
0xad: {  	s28 =	simm.s32 $_size_execute0_lowered;
	s3 =	sadd.s32 s3, s5;
	[dreg:$0x0] =	wrdreg $0x0  }
0xae: {  	s5 =	sshll.u32 s28, $0x1;
	[dreg:$0x2] =	wrdreg s3  }
0xaf: {  	[dreg:$0x3] =	wrdreg s5  }
0xb0: {  	[dreg:$0x4] =	wrdreg $0xC0  }
0xb1: {  	_ =	task [dreg:s7], $0x5FFFF  }
0xb2: {  	[dreg:$0x1] =	wrdreg $0xFFFFFFFF  }
0xb3: {  	[dreg:$0x0] =	wrdreg $0x60  }
0xb4: {  	[dreg:$0x2] =	wrdreg s16  }
0xb5: {  	[dreg:$0x3] =	wrdreg s24  }
0xb6: {  	[dreg:$0x4] =	wrdreg $0x9  }
0xb7: {  	_ =	task.clear_ibuf [dreg:s7], $0x5FFFF;
	_ =	strace $0x90000049  }
0xb8: {  	s29 =	simm.s32 $0x9;
	_ =	strace $0x8000004B  }
0xb9: {  	_ =	swait.ge [sflag:s29], $0x1  }
0xba: {  	[sflag:s29] =	ssyncadd.s32 $0xFFFFFFFF  }
0xbb: {  	_ =	strace $0x9000004B  }
0xbc: {  	_ =	sfence  }
0xbd: {  	s30 =	sld [smem:$0x0];
	_ =	sdelay $0x2  }
0xbe: {  	s31 =	sshll.u32 s1, $0xD;
	s1 =	sshrl.u32 s1, $0x2  }
0xbf: {  	s3 =	sand.u32 $0x4000, s31;
	s1 =	sadd.s32 s1, s30  }
0xc0: {  	s0 =	sor.u32 s3, s0;
	s1 =	sshll.u32 s1, $0x11  }
0xc1: {  	s0 =	sor.u32 s1, s0  }
0xc2: {  	s0 =	sadd.s32 $0x8F2B, s0  }
0xc3: {  	[sflag:s0] =	ssyncadd.remote.s32 $0x1  }
0xc4: {  	_ =	sfence.sel $0xFFFF  }
0xc5: {  	[dreg:$0x0] =	wrdreg $0xFFFFFFFF;
	(pc) =	sbr.abs _section_cstart, $3  }
0xc6: {  	[dreg:$0x1] =	wrdreg $0xFFFFFFFF  }
0xc7: {  	_ =	task.clear_ibuf [dreg:s7], $0x2FFFF;
	_ =	strace $0x9FFFFFFF  }
0xc8: {  	(tm) =	ssettm $0x7FFFFFFF  }
0xc9: {  	_ =	shalt  }
tec
execute0_lowered:
.L_overlay_start_1:
0x0: {  	(tag) =	ssettag $0x1  }
0x1: {  	s1 =	rddreg [dreg:$0x0]  }
0x2: {  	s0 =	rddreg [dreg:$0x1]  }
0x3: {  	s2 =	srdreg.scid;
	s3 =	simm.s32 $0x0;
	s4 =	stileid.u32  }
0x4: {  	s14 =	simm.s32 $0x1;
	s2 =	sand.u32 $0x1, s2;
	[smem:$0x7FF] =	sst s3  }
0x5: {  	s4 =	sshll.u32 s4, $0x7;
	s6 =	sadd.s32 $0x2600, s0;
	s5 =	sshll.u32 s2, $0x6  }
0x6: {  	s0 =	sadd.s32 $0x2E00, s0;
	s2 =	ssub.s32 $0x2, s2;
	s4 =	sor.u32 s5, s4  }
0x7: {  	_ =	strace $0x8000004A;
	s7 =	sshrl.u32 s2, $0x1;
	s5 =	smul.u32 $0x180, s4  }
0x8: {  	s8 =	sadd.s32 s6, s4;
	s9 =	sor.u32 $0x10, s4;
	s24 =	sor.u32 $0x20, s4  }
0x9: {  	s4 =	sor.u32 $0x30, s4;
	[dreg:$0x3] =	wrdreg s8;
	s23 =	sadd.s32 s6, s9  }
0xa: {  	s2 =	ssub.s32 s2, s7;
	s28 =	sadd.s32 s6, s24;
	[dreg:$0x5] =	wrdreg s23  }
0xb: {  	s22 =	smul.u32 $0x180, s9;
	s31 =	sadd.s32 s6, s4;
	[dreg:$0x7] =	wrdreg s28  }
0xc: {  	s26 =	smul.u32 $0x180, s24;
	s5 =	sadd.s32 s0, s5;
	[dreg:$0x9] =	wrdreg s31  }
0xd: {  	s30 =	smul.u32 $0x180, s4;
	[dreg:$0x4] =	wrdreg s5;
	s25 =	sadd.s32 s0, s22  }
0xe: {  	v2 =	vlaneseq.u32;
	s4 =	sadd.s32 $0x100, s1;
	s29 =	sadd.s32 s0, s26;
	[dreg:$0x6] =	wrdreg s25  }
0xf: {  	vm0 =	vmmov $0xffff;
	vm1 =	vmmov $0xff;
	v1 =	vshrl.u32 v2, $0x3;
	s6 =	simm.s32 $0x2;
	s0 =	sadd.s32 s0, s30;
	[dreg:$0x8] =	wrdreg s29  }
0x10: {  	v0 =	vand.u32 $0x7, v2;
	v2 =	vor.u32 $0x8, v2;
	v1 =	vmul.u32 $0x8, v1;
	s5 =	smax.u32 s2, $0x1;
	[dreg:$0xa] =	wrdreg s0;
	s25 =	simm.s32 $0x80  }
.LBB2_1:
0x11: {  	s15 =	rddreg [dreg:$0x3]  }
0x12: {  	[tilespmem:s3], [sflag:$0x2] =	stream.linear.gather [hbm4b:s15+s3], $0x80, $0x38;
	[tilespmem:$0xC080] =	vst v63  }
0x13: {  	_ =	swait.ge [sflag:s6], $0x80  }
0x14: {  	[sflag:s6] =	ssyncset.done $0x0  }
0x15: {  	[sflag:s6] =	ssyncadd.s32 $0xFFFFFF80  }
0x16: {  	v3 =	vld [tilespmem:$0x0];
	_ =	sdelay $0x4  }
0x17: {  	v4 =	vshrl.u32 v3, $0x3  }
0x18: {  	v4 =	vmul.u32 $0x18, v4  }
0x19: {  	v3 =	vand.u32 $0x7, v3  }
0x1a: {  	v3 =	vor.u32 v3, v4  }
0x1b: {  	v4 =	vperm.xlane v3, v0;
	_ =	sdelay $0x1  }
0x1c: {  	v4 =	vadd.s32 v1, v4;
	_ =	sdelay $0x1  }
0x1d: {  	v3 =	vperm.xlane v3, v2;
	_ =	sdelay $0x1  }
0x1e: {  	v3 =	vadd.s32 v1, v3  }
0x1f: {  	[tilespmem:s25], [sflag:$0x1] =	stream.indirect_vreg.gather [hbm4b:s1+s3], $0x80, v4, vm0, $0xb8;
	[tilespmem:$0xC080] =	vst v63  }
0x20: {  	s0 =	simm.s32 $0x880  }
0x21: {  	[tilespmem:s0], [sflag:$0x1] =	stream.indirect_vreg.gather [hbm4b:s4+s3], $0x80, v4, vm1, $0xb8;
	[tilespmem:$0xC080] =	vst v63  }
0x22: {  	s7 =	simm.s32 $0xC80  }
0x23: {  	[tilespmem:s7], [sflag:$0x1] =	stream.indirect_vreg.gather [hbm4b:s1+s3], $0x80, v3, vm0, $0xb8;
	[tilespmem:$0xC080] =	vst v63  }
0x24: {  	s8 =	simm.s32 $0x1480  }
0x25: {  	[tilespmem:s8], [sflag:$0x1] =	stream.indirect_vreg.gather [hbm4b:s4+s3], $0x80, v3, vm1, $0xb8;
	[tilespmem:$0xC080] =	vst v63  }
0x26: {  	v3 =	vld [tilespmem:$0x10];
	_ =	sdelay $0x4  }
0x27: {  	v33 =	vshrl.u32 v3, $0x3  }
0x28: {  	v4 =	vmul.u32 $0x18, v33  }
0x29: {  	v3 =	vand.u32 $0x7, v3  }
0x2a: {  	v3 =	vor.u32 v3, v4  }
0x2b: {  	v4 =	vperm.xlane v3, v0;
	_ =	sdelay $0x1  }
0x2c: {  	v4 =	vadd.s32 v1, v4;
	_ =	sdelay $0x1  }
0x2d: {  	v3 =	vperm.xlane v3, v2;
	_ =	sdelay $0x1  }
0x2e: {  	s9 =	simm.s32 $0x1880;
	v3 =	vadd.s32 v1, v3  }
0x2f: {  	[tilespmem:s9], [sflag:$0x1] =	stream.indirect_vreg.gather [hbm4b:s1+s3], $0x80, v4, vm0, $0xb8;
	[tilespmem:$0xC080] =	vst v63  }
0x30: {  	s10 =	simm.s32 $0x2080  }
0x31: {  	[tilespmem:s10], [sflag:$0x1] =	stream.indirect_vreg.gather [hbm4b:s4+s3], $0x80, v4, vm1, $0xb8;
	[tilespmem:$0xC080] =	vst v63  }
0x32: {  	s11 =	simm.s32 $0x2480  }
0x33: {  	[tilespmem:s11], [sflag:$0x1] =	stream.indirect_vreg.gather [hbm4b:s1+s3], $0x80, v3, vm0, $0xb8;
	[tilespmem:$0xC080] =	vst v63  }
0x34: {  	s12 =	simm.s32 $0x2C80  }
0x35: {  	[tilespmem:s12], [sflag:$0x1] =	stream.indirect_vreg.gather [hbm4b:s4+s3], $0x80, v3, vm1, $0xb8;
	[tilespmem:$0xC080] =	vst v63  }
0x36: {  	v3 =	vld [tilespmem:$0x20];
	_ =	sdelay $0x4  }
0x37: {  	v34 =	vshrl.u32 v3, $0x3  }
0x38: {  	v4 =	vmul.u32 $0x18, v34  }
0x39: {  	v3 =	vand.u32 $0x7, v3  }
0x3a: {  	v3 =	vor.u32 v3, v4  }
0x3b: {  	v4 =	vperm.xlane v3, v0;
	_ =	sdelay $0x1  }
0x3c: {  	v4 =	vadd.s32 v1, v4;
	_ =	sdelay $0x1  }
0x3d: {  	v3 =	vperm.xlane v3, v2;
	_ =	sdelay $0x1  }
0x3e: {  	s13 =	simm.s32 $0x3080;
	v3 =	vadd.s32 v1, v3  }
0x3f: {  	[tilespmem:s13], [sflag:$0x1] =	stream.indirect_vreg.gather [hbm4b:s1+s3], $0x80, v4, vm0, $0xb8;
	[tilespmem:$0xC080] =	vst v63  }
0x40: {  	s15 =	simm.s32 $0x3880  }
0x41: {  	[tilespmem:s15], [sflag:$0x1] =	stream.indirect_vreg.gather [hbm4b:s4+s3], $0x80, v4, vm1, $0xb8;
	[tilespmem:$0xC080] =	vst v63  }
0x42: {  	s16 =	simm.s32 $0x3C80  }
0x43: {  	[tilespmem:s16], [sflag:$0x1] =	stream.indirect_vreg.gather [hbm4b:s1+s3], $0x80, v3, vm0, $0xb8;
	[tilespmem:$0xC080] =	vst v63  }
0x44: {  	s17 =	simm.s32 $0x4480  }
0x45: {  	[tilespmem:s17], [sflag:$0x1] =	stream.indirect_vreg.gather [hbm4b:s4+s3], $0x80, v3, vm1, $0xb8;
	[tilespmem:$0xC080] =	vst v63  }
0x46: {  	v3 =	vld [tilespmem:$0x30];
	_ =	sdelay $0x4  }
0x47: {  	v35 =	vshrl.u32 v3, $0x3  }
0x48: {  	v4 =	vmul.u32 $0x18, v35  }
0x49: {  	v3 =	vand.u32 $0x7, v3  }
0x4a: {  	v3 =	vor.u32 v3, v4  }
0x4b: {  	v4 =	vperm.xlane v3, v0;
	_ =	sdelay $0x1  }
0x4c: {  	v4 =	vadd.s32 v1, v4;
	_ =	sdelay $0x1  }
0x4d: {  	v3 =	vperm.xlane v3, v2;
	_ =	sdelay $0x1  }
0x4e: {  	s18 =	simm.s32 $0x4880;
	v3 =	vadd.s32 v1, v3  }
0x4f: {  	[tilespmem:s18], [sflag:$0x1] =	stream.indirect_vreg.gather [hbm4b:s1+s3], $0x80, v4, vm0, $0xb8;
	[tilespmem:$0xC080] =	vst v63  }
0x50: {  	s19 =	simm.s32 $0x5080  }
0x51: {  	[tilespmem:s19], [sflag:$0x1] =	stream.indirect_vreg.gather [hbm4b:s4+s3], $0x80, v4, vm1, $0xb8;
	[tilespmem:$0xC080] =	vst v63  }
0x52: {  	s20 =	simm.s32 $0x5480  }
0x53: {  	[tilespmem:s20], [sflag:$0x1] =	stream.indirect_vreg.gather [hbm4b:s1+s3], $0x80, v3, vm0, $0xb8;
	[tilespmem:$0xC080] =	vst v63  }
0x54: {  	s21 =	simm.s32 $0x5C80  }
0x55: {  	[tilespmem:s21], [sflag:$0x1] =	stream.indirect_vreg.gather [hbm4b:s4+s3], $0x80, v3, vm1, $0xb8;
	[tilespmem:$0xC080] =	vst v63  }
0x56: {  	v3 =	vld [tilespmem:$0x40];
	_ =	sdelay $0x4  }
0x57: {  	v36 =	vshrl.u32 v3, $0x3  }
0x58: {  	v4 =	vmul.u32 $0x18, v36  }
0x59: {  	v3 =	vand.u32 $0x7, v3  }
0x5a: {  	v3 =	vor.u32 v3, v4  }
0x5b: {  	v4 =	vperm.xlane v3, v0;
	_ =	sdelay $0x1  }
0x5c: {  	v4 =	vadd.s32 v1, v4;
	_ =	sdelay $0x1  }
0x5d: {  	v3 =	vperm.xlane v3, v2;
	_ =	sdelay $0x1  }
0x5e: {  	s22 =	simm.s32 $0x6080;
	v3 =	vadd.s32 v1, v3  }
0x5f: {  	[tilespmem:s22], [sflag:$0x1] =	stream.indirect_vreg.gather [hbm4b:s1+s3], $0x80, v4, vm0, $0xb8;
	[tilespmem:$0xC080] =	vst v63  }
0x60: {  	s23 =	simm.s32 $0x6880  }
0x61: {  	[tilespmem:s23], [sflag:$0x1] =	stream.indirect_vreg.gather [hbm4b:s4+s3], $0x80, v4, vm1, $0xb8;
	[tilespmem:$0xC080] =	vst v63  }
0x62: {  	s24 =	simm.s32 $0x6C80  }
0x63: {  	[tilespmem:s24], [sflag:$0x1] =	stream.indirect_vreg.gather [hbm4b:s1+s3], $0x80, v3, vm0, $0xb8;
	[tilespmem:$0xC080] =	vst v63  }
0x64: {  	s26 =	simm.s32 $0x7480  }
0x65: {  	[tilespmem:s26], [sflag:$0x1] =	stream.indirect_vreg.gather [hbm4b:s4+s3], $0x80, v3, vm1, $0xb8;
	[tilespmem:$0xC080] =	vst v63  }
0x66: {  	v3 =	vld [tilespmem:$0x50];
	_ =	sdelay $0x4  }
0x67: {  	v37 =	vshrl.u32 v3, $0x3  }
0x68: {  	v4 =	vmul.u32 $0x18, v37  }
0x69: {  	v3 =	vand.u32 $0x7, v3  }
0x6a: {  	v3 =	vor.u32 v3, v4  }
0x6b: {  	v4 =	vperm.xlane v3, v0;
	_ =	sdelay $0x1  }
0x6c: {  	v4 =	vadd.s32 v1, v4;
	_ =	sdelay $0x1  }
0x6d: {  	v3 =	vperm.xlane v3, v2;
	_ =	sdelay $0x1  }
0x6e: {  	s28 =	simm.s32 $0x7880;
	v3 =	vadd.s32 v1, v3  }
0x6f: {  	[tilespmem:s28], [sflag:$0x1] =	stream.indirect_vreg.gather [hbm4b:s1+s3], $0x80, v4, vm0, $0xb8;
	[tilespmem:$0xC080] =	vst v63  }
0x70: {  	s29 =	simm.s32 $0x8080  }
0x71: {  	[tilespmem:s29], [sflag:$0x1] =	stream.indirect_vreg.gather [hbm4b:s4+s3], $0x80, v4, vm1, $0xb8;
	[tilespmem:$0xC080] =	vst v63  }
0x72: {  	s30 =	simm.s32 $0x8480  }
0x73: {  	[tilespmem:s30], [sflag:$0x1] =	stream.indirect_vreg.gather [hbm4b:s1+s3], $0x80, v3, vm0, $0xb8;
	[tilespmem:$0xC080] =	vst v63  }
0x74: {  	s31 =	simm.s32 $0x8C80  }
0x75: {  	[tilespmem:s31], [sflag:$0x1] =	stream.indirect_vreg.gather [hbm4b:s4+s3], $0x80, v3, vm1, $0xb8;
	[tilespmem:$0xC080] =	vst v63  }
0x76: {  	v3 =	vld [tilespmem:$0x60];
	_ =	sdelay $0x4  }
0x77: {  	v38 =	vshrl.u32 v3, $0x3  }
0x78: {  	v4 =	vmul.u32 $0x18, v38  }
0x79: {  	v3 =	vand.u32 $0x7, v3  }
0x7a: {  	v3 =	vor.u32 v3, v4  }
0x7b: {  	v4 =	vperm.xlane v3, v0;
	_ =	sdelay $0x1  }
0x7c: {  	v4 =	vadd.s32 v1, v4;
	_ =	sdelay $0x1  }
0x7d: {  	v3 =	vperm.xlane v3, v2;
	_ =	sdelay $0x1  }
0x7e: {  	s0 =	simm.s32 $0x9080;
	v3 =	vadd.s32 v1, v3  }
0x7f: {  	[tilespmem:s0], [sflag:$0x1] =	stream.indirect_vreg.gather [hbm4b:s1+s3], $0x80, v4, vm0, $0xb8;
	[tilespmem:$0xC080] =	vst v63  }
0x80: {  	s13 =	simm.s32 $0x9880  }
0x81: {  	[tilespmem:s13], [sflag:$0x1] =	stream.indirect_vreg.gather [hbm4b:s4+s3], $0x80, v4, vm1, $0xb8;
	[tilespmem:$0xC080] =	vst v63  }
0x82: {  	s16 =	simm.s32 $0x9C80  }
0x83: {  	[tilespmem:s16], [sflag:$0x1] =	stream.indirect_vreg.gather [hbm4b:s1+s3], $0x80, v3, vm0, $0xb8;
	[tilespmem:$0xC080] =	vst v63  }
0x84: {  	s17 =	simm.s32 $0xA480  }
0x85: {  	[tilespmem:s17], [sflag:$0x1] =	stream.indirect_vreg.gather [hbm4b:s4+s3], $0x80, v3, vm1, $0xb8;
	[tilespmem:$0xC080] =	vst v63  }
0x86: {  	v3 =	vld [tilespmem:$0x70];
	_ =	sdelay $0x4  }
0x87: {  	v39 =	vshrl.u32 v3, $0x3  }
0x88: {  	v4 =	vmul.u32 $0x18, v39  }
0x89: {  	v3 =	vand.u32 $0x7, v3  }
0x8a: {  	v3 =	vor.u32 v3, v4  }
0x8b: {  	v4 =	vperm.xlane v3, v0;
	_ =	sdelay $0x1  }
0x8c: {  	v4 =	vadd.s32 v1, v4;
	_ =	sdelay $0x1  }
0x8d: {  	v3 =	vperm.xlane v3, v2;
	_ =	sdelay $0x1  }
0x8e: {  	s18 =	simm.s32 $0xA880;
	v3 =	vadd.s32 v1, v3  }
0x8f: {  	[tilespmem:s18], [sflag:$0x1] =	stream.indirect_vreg.gather [hbm4b:s1+s3], $0x80, v4, vm0, $0xb8;
	[tilespmem:$0xC080] =	vst v63  }
0x90: {  	s19 =	simm.s32 $0xB080  }
0x91: {  	[tilespmem:s19], [sflag:$0x1] =	stream.indirect_vreg.gather [hbm4b:s4+s3], $0x80, v4, vm1, $0xb8;
	[tilespmem:$0xC080] =	vst v63  }
0x92: {  	s20 =	simm.s32 $0xB480  }
0x93: {  	[tilespmem:s20], [sflag:$0x1] =	stream.indirect_vreg.gather [hbm4b:s1+s3], $0x80, v3, vm0, $0xb8;
	[tilespmem:$0xC080] =	vst v63  }
0x94: {  	s21 =	simm.s32 $0xBC80  }
0x95: {  	[tilespmem:s21], [sflag:$0x1] =	stream.indirect_vreg.gather [hbm4b:s4+s3], $0x80, v3, vm1, $0xb8;
	[tilespmem:$0xC080] =	vst v63  }
0x96: {  	_ =	swait.ge [sflag:s14], $0xC000  }
0x97: {  	[sflag:s14] =	ssyncset.done $0x0  }
0x98: {  	s24 =	rddreg [dreg:$0x4];
	[sflag:s14] =	ssyncadd.s32 $0xFFFF4000  }
0x99: {  	[hbm4b:s24+s3] =	stream.linear.scatter [tilespmem:s25], [sflag:$0x2], $0xC000, $0x38;
	[tilespmem:$0xC080] =	vst v63  }
0x9a: {  	_ =	swait.ge [sflag:s6], $0xC000  }
0x9b: {  	[sflag:s6] =	ssyncset.done $0x0  }
0x9c: {  	s26 =	rddreg [dreg:$0x5];
	[sflag:s6] =	ssyncadd.s32 $0xFFFF4000  }
0x9d: {  	[tilespmem:s3], [sflag:$0x2] =	stream.linear.gather [hbm4b:s26+s3], $0x80, $0x38;
	[tilespmem:$0xC080] =	vst v63  }
0x9e: {  	_ =	swait.ge [sflag:s6], $0x80  }
0x9f: {  	[sflag:s6] =	ssyncset.done $0x0  }
0xa0: {  	[sflag:s6] =	ssyncadd.s32 $0xFFFFFF80  }
0xa1: {  	v3 =	vld [tilespmem:$0x0];
	_ =	sdelay $0x4  }
0xa2: {  	v40 =	vshrl.u32 v3, $0x3  }
0xa3: {  	v4 =	vmul.u32 $0x18, v40  }
0xa4: {  	v3 =	vand.u32 $0x7, v3  }
0xa5: {  	v3 =	vor.u32 v3, v4  }
0xa6: {  	v4 =	vperm.xlane v3, v0;
	_ =	sdelay $0x1  }
0xa7: {  	v4 =	vadd.s32 v1, v4;
	_ =	sdelay $0x1  }
0xa8: {  	v3 =	vperm.xlane v3, v2;
	_ =	sdelay $0x1  }
0xa9: {  	v3 =	vadd.s32 v1, v3  }
0xaa: {  	[tilespmem:s25], [sflag:$0x1] =	stream.indirect_vreg.gather [hbm4b:s1+s3], $0x80, v4, vm0, $0xb8;
	[tilespmem:$0xC080] =	vst v63  }
0xab: {  	s2 =	simm.s32 $0x880  }
0xac: {  	[tilespmem:s2], [sflag:$0x1] =	stream.indirect_vreg.gather [hbm4b:s4+s3], $0x80, v4, vm1, $0xb8;
	[tilespmem:$0xC080] =	vst v63  }
0xad: {  	s7 =	simm.s32 $0xC80  }
0xae: {  	[tilespmem:s7], [sflag:$0x1] =	stream.indirect_vreg.gather [hbm4b:s1+s3], $0x80, v3, vm0, $0xb8;
	[tilespmem:$0xC080] =	vst v63  }
0xaf: {  	s16 =	simm.s32 $0x1480  }
0xb0: {  	[tilespmem:s16], [sflag:$0x1] =	stream.indirect_vreg.gather [hbm4b:s4+s3], $0x80, v3, vm1, $0xb8;
	[tilespmem:$0xC080] =	vst v63  }
0xb1: {  	v3 =	vld [tilespmem:$0x10];
	_ =	sdelay $0x4  }
0xb2: {  	v41 =	vshrl.u32 v3, $0x3  }
0xb3: {  	v4 =	vmul.u32 $0x18, v41  }
0xb4: {  	v3 =	vand.u32 $0x7, v3  }
0xb5: {  	v3 =	vor.u32 v3, v4  }
0xb6: {  	v4 =	vperm.xlane v3, v0;
	_ =	sdelay $0x1  }
0xb7: {  	v4 =	vadd.s32 v1, v4;
	_ =	sdelay $0x1  }
0xb8: {  	v3 =	vperm.xlane v3, v2;
	_ =	sdelay $0x1  }
0xb9: {  	s8 =	simm.s32 $0x1880;
	v3 =	vadd.s32 v1, v3  }
0xba: {  	[tilespmem:s8], [sflag:$0x1] =	stream.indirect_vreg.gather [hbm4b:s1+s3], $0x80, v4, vm0, $0xb8;
	[tilespmem:$0xC080] =	vst v63  }
0xbb: {  	s9 =	simm.s32 $0x2080  }
0xbc: {  	[tilespmem:s9], [sflag:$0x1] =	stream.indirect_vreg.gather [hbm4b:s4+s3], $0x80, v4, vm1, $0xb8;
	[tilespmem:$0xC080] =	vst v63  }
0xbd: {  	s10 =	simm.s32 $0x2480  }
0xbe: {  	[tilespmem:s10], [sflag:$0x1] =	stream.indirect_vreg.gather [hbm4b:s1+s3], $0x80, v3, vm0, $0xb8;
	[tilespmem:$0xC080] =	vst v63  }
0xbf: {  	s12 =	simm.s32 $0x2C80  }
0xc0: {  	[tilespmem:s12], [sflag:$0x1] =	stream.indirect_vreg.gather [hbm4b:s4+s3], $0x80, v3, vm1, $0xb8;
	[tilespmem:$0xC080] =	vst v63  }
0xc1: {  	v3 =	vld [tilespmem:$0x20];
	_ =	sdelay $0x4  }
0xc2: {  	v42 =	vshrl.u32 v3, $0x3  }
0xc3: {  	v4 =	vmul.u32 $0x18, v42  }
0xc4: {  	v3 =	vand.u32 $0x7, v3  }
0xc5: {  	v3 =	vor.u32 v3, v4  }
0xc6: {  	v4 =	vperm.xlane v3, v0;
	_ =	sdelay $0x1  }
0xc7: {  	v4 =	vadd.s32 v1, v4;
	_ =	sdelay $0x1  }
0xc8: {  	v3 =	vperm.xlane v3, v2;
	_ =	sdelay $0x1  }
0xc9: {  	s11 =	simm.s32 $0x3080;
	v3 =	vadd.s32 v1, v3  }
0xca: {  	[tilespmem:s11], [sflag:$0x1] =	stream.indirect_vreg.gather [hbm4b:s1+s3], $0x80, v4, vm0, $0xb8;
	[tilespmem:$0xC080] =	vst v63  }
0xcb: {  	s24 =	simm.s32 $0x3880  }
0xcc: {  	[tilespmem:s24], [sflag:$0x1] =	stream.indirect_vreg.gather [hbm4b:s4+s3], $0x80, v4, vm1, $0xb8;
	[tilespmem:$0xC080] =	vst v63  }
0xcd: {  	s12 =	simm.s32 $0x3C80  }
0xce: {  	[tilespmem:s12], [sflag:$0x1] =	stream.indirect_vreg.gather [hbm4b:s1+s3], $0x80, v3, vm0, $0xb8;
	[tilespmem:$0xC080] =	vst v63  }
0xcf: {  	s13 =	simm.s32 $0x4480  }
0xd0: {  	[tilespmem:s13], [sflag:$0x1] =	stream.indirect_vreg.gather [hbm4b:s4+s3], $0x80, v3, vm1, $0xb8;
	[tilespmem:$0xC080] =	vst v63  }
0xd1: {  	v3 =	vld [tilespmem:$0x30];
	_ =	sdelay $0x4  }
0xd2: {  	v43 =	vshrl.u32 v3, $0x3  }
0xd3: {  	v4 =	vmul.u32 $0x18, v43  }
0xd4: {  	v3 =	vand.u32 $0x7, v3  }
0xd5: {  	v3 =	vor.u32 v3, v4  }
0xd6: {  	v4 =	vperm.xlane v3, v0;
	_ =	sdelay $0x1  }
0xd7: {  	v4 =	vadd.s32 v1, v4;
	_ =	sdelay $0x1  }
0xd8: {  	v3 =	vperm.xlane v3, v2;
	_ =	sdelay $0x1  }
0xd9: {  	s17 =	simm.s32 $0x4880;
	v3 =	vadd.s32 v1, v3  }
0xda: {  	[tilespmem:s17], [sflag:$0x1] =	stream.indirect_vreg.gather [hbm4b:s1+s3], $0x80, v4, vm0, $0xb8;
	[tilespmem:$0xC080] =	vst v63  }
0xdb: {  	s18 =	simm.s32 $0x5080  }
0xdc: {  	[tilespmem:s18], [sflag:$0x1] =	stream.indirect_vreg.gather [hbm4b:s4+s3], $0x80, v4, vm1, $0xb8;
	[tilespmem:$0xC080] =	vst v63  }
0xdd: {  	s19 =	simm.s32 $0x5480  }
0xde: {  	[tilespmem:s19], [sflag:$0x1] =	stream.indirect_vreg.gather [hbm4b:s1+s3], $0x80, v3, vm0, $0xb8;
	[tilespmem:$0xC080] =	vst v63  }
0xdf: {  	s20 =	simm.s32 $0x5C80  }
0xe0: {  	[tilespmem:s20], [sflag:$0x1] =	stream.indirect_vreg.gather [hbm4b:s4+s3], $0x80, v3, vm1, $0xb8;
	[tilespmem:$0xC080] =	vst v63  }
0xe1: {  	v3 =	vld [tilespmem:$0x40];
	_ =	sdelay $0x4  }
0xe2: {  	v44 =	vshrl.u32 v3, $0x3  }
0xe3: {  	v4 =	vmul.u32 $0x18, v44  }
0xe4: {  	v3 =	vand.u32 $0x7, v3  }
0xe5: {  	v3 =	vor.u32 v3, v4  }
0xe6: {  	v4 =	vperm.xlane v3, v0;
	_ =	sdelay $0x1  }
0xe7: {  	v4 =	vadd.s32 v1, v4;
	_ =	sdelay $0x1  }
0xe8: {  	v3 =	vperm.xlane v3, v2;
	_ =	sdelay $0x1  }
0xe9: {  	s0 =	simm.s32 $0x6080;
	v3 =	vadd.s32 v1, v3  }
0xea: {  	[tilespmem:s0], [sflag:$0x1] =	stream.indirect_vreg.gather [hbm4b:s1+s3], $0x80, v4, vm0, $0xb8;
	[tilespmem:$0xC080] =	vst v63  }
0xeb: {  	s2 =	simm.s32 $0x6880  }
0xec: {  	[tilespmem:s2], [sflag:$0x1] =	stream.indirect_vreg.gather [hbm4b:s4+s3], $0x80, v4, vm1, $0xb8;
	[tilespmem:$0xC080] =	vst v63  }
0xed: {  	s7 =	simm.s32 $0x6C80  }
0xee: {  	[tilespmem:s7], [sflag:$0x1] =	stream.indirect_vreg.gather [hbm4b:s1+s3], $0x80, v3, vm0, $0xb8;
	[tilespmem:$0xC080] =	vst v63  }
0xef: {  	s11 =	simm.s32 $0x7480  }
0xf0: {  	[tilespmem:s11], [sflag:$0x1] =	stream.indirect_vreg.gather [hbm4b:s4+s3], $0x80, v3, vm1, $0xb8;
	[tilespmem:$0xC080] =	vst v63  }
0xf1: {  	v3 =	vld [tilespmem:$0x50];
	_ =	sdelay $0x4  }
0xf2: {  	v45 =	vshrl.u32 v3, $0x3  }
0xf3: {  	v4 =	vmul.u32 $0x18, v45  }
0xf4: {  	v3 =	vand.u32 $0x7, v3  }
0xf5: {  	v3 =	vor.u32 v3, v4  }
0xf6: {  	v4 =	vperm.xlane v3, v0;
	_ =	sdelay $0x1  }
0xf7: {  	v4 =	vadd.s32 v1, v4;
	_ =	sdelay $0x1  }
0xf8: {  	v3 =	vperm.xlane v3, v2;
	_ =	sdelay $0x1  }
0xf9: {  	s8 =	simm.s32 $0x7880;
	v3 =	vadd.s32 v1, v3  }
0xfa: {  	[tilespmem:s8], [sflag:$0x1] =	stream.indirect_vreg.gather [hbm4b:s1+s3], $0x80, v4, vm0, $0xb8;
	[tilespmem:$0xC080] =	vst v63  }
0xfb: {  	s9 =	simm.s32 $0x8080  }
0xfc: {  	[tilespmem:s9], [sflag:$0x1] =	stream.indirect_vreg.gather [hbm4b:s4+s3], $0x80, v4, vm1, $0xb8;
	[tilespmem:$0xC080] =	vst v63  }
0xfd: {  	s10 =	simm.s32 $0x8480  }
0xfe: {  	[tilespmem:s10], [sflag:$0x1] =	stream.indirect_vreg.gather [hbm4b:s1+s3], $0x80, v3, vm0, $0xb8;
	[tilespmem:$0xC080] =	vst v63  }
0xff: {  	s23 =	simm.s32 $0x8C80  }
0x100: {  	[tilespmem:s23], [sflag:$0x1] =	stream.indirect_vreg.gather [hbm4b:s4+s3], $0x80, v3, vm1, $0xb8;
	[tilespmem:$0xC080] =	vst v63  }
0x101: {  	v3 =	vld [tilespmem:$0x60];
	_ =	sdelay $0x4  }
0x102: {  	v46 =	vshrl.u32 v3, $0x3  }
0x103: {  	v4 =	vmul.u32 $0x18, v46  }
0x104: {  	v3 =	vand.u32 $0x7, v3  }
0x105: {  	v3 =	vor.u32 v3, v4  }
0x106: {  	v4 =	vperm.xlane v3, v0;
	_ =	sdelay $0x1  }
0x107: {  	v4 =	vadd.s32 v1, v4;
	_ =	sdelay $0x1  }
0x108: {  	v3 =	vperm.xlane v3, v2;
	_ =	sdelay $0x1  }
0x109: {  	s30 =	simm.s32 $0x9080;
	v3 =	vadd.s32 v1, v3  }
0x10a: {  	[tilespmem:s30], [sflag:$0x1] =	stream.indirect_vreg.gather [hbm4b:s1+s3], $0x80, v4, vm0, $0xb8;
	[tilespmem:$0xC080] =	vst v63  }
0x10b: {  	s28 =	simm.s32 $0x9880  }
0x10c: {  	[tilespmem:s28], [sflag:$0x1] =	stream.indirect_vreg.gather [hbm4b:s4+s3], $0x80, v4, vm1, $0xb8;
	[tilespmem:$0xC080] =	vst v63  }
0x10d: {  	s29 =	simm.s32 $0x9C80  }
0x10e: {  	[tilespmem:s29], [sflag:$0x1] =	stream.indirect_vreg.gather [hbm4b:s1+s3], $0x80, v3, vm0, $0xb8;
	[tilespmem:$0xC080] =	vst v63  }
0x10f: {  	s22 =	simm.s32 $0xA480  }
0x110: {  	[tilespmem:s22], [sflag:$0x1] =	stream.indirect_vreg.gather [hbm4b:s4+s3], $0x80, v3, vm1, $0xb8;
	[tilespmem:$0xC080] =	vst v63  }
0x111: {  	v3 =	vld [tilespmem:$0x70];
	_ =	sdelay $0x4  }
0x112: {  	v47 =	vshrl.u32 v3, $0x3  }
0x113: {  	v4 =	vmul.u32 $0x18, v47  }
0x114: {  	v3 =	vand.u32 $0x7, v3  }
0x115: {  	v3 =	vor.u32 v3, v4  }
0x116: {  	v4 =	vperm.xlane v3, v0;
	_ =	sdelay $0x1  }
0x117: {  	v4 =	vadd.s32 v1, v4;
	_ =	sdelay $0x1  }
0x118: {  	v3 =	vperm.xlane v3, v2;
	_ =	sdelay $0x1  }
0x119: {  	s28 =	simm.s32 $0xA880;
	v3 =	vadd.s32 v1, v3  }
0x11a: {  	[tilespmem:s28], [sflag:$0x1] =	stream.indirect_vreg.gather [hbm4b:s1+s3], $0x80, v4, vm0, $0xb8;
	[tilespmem:$0xC080] =	vst v63  }
0x11b: {  	s29 =	simm.s32 $0xB080  }
0x11c: {  	[tilespmem:s29], [sflag:$0x1] =	stream.indirect_vreg.gather [hbm4b:s4+s3], $0x80, v4, vm1, $0xb8;
	[tilespmem:$0xC080] =	vst v63  }
0x11d: {  	s30 =	simm.s32 $0xB480  }
0x11e: {  	[tilespmem:s30], [sflag:$0x1] =	stream.indirect_vreg.gather [hbm4b:s1+s3], $0x80, v3, vm0, $0xb8;
	[tilespmem:$0xC080] =	vst v63  }
0x11f: {  	s21 =	simm.s32 $0xBC80  }
0x120: {  	[tilespmem:s21], [sflag:$0x1] =	stream.indirect_vreg.gather [hbm4b:s4+s3], $0x80, v3, vm1, $0xb8;
	[tilespmem:$0xC080] =	vst v63  }
0x121: {  	_ =	swait.ge [sflag:s14], $0xC000  }
0x122: {  	[sflag:s14] =	ssyncset.done $0x0  }
0x123: {  	s21 =	rddreg [dreg:$0x6];
	[sflag:s14] =	ssyncadd.s32 $0xFFFF4000  }
0x124: {  	[hbm4b:s21+s3] =	stream.linear.scatter [tilespmem:s25], [sflag:$0x2], $0xC000, $0x38;
	[tilespmem:$0xC080] =	vst v63  }
0x125: {  	_ =	swait.ge [sflag:s6], $0xC000  }
0x126: {  	[sflag:s6] =	ssyncset.done $0x0  }
0x127: {  	s22 =	rddreg [dreg:$0x7];
	[sflag:s6] =	ssyncadd.s32 $0xFFFF4000  }
0x128: {  	[tilespmem:s3], [sflag:$0x2] =	stream.linear.gather [hbm4b:s22+s3], $0x80, $0x38;
	[tilespmem:$0xC080] =	vst v63  }
0x129: {  	_ =	swait.ge [sflag:s6], $0x80  }
0x12a: {  	[sflag:s6] =	ssyncset.done $0x0  }
0x12b: {  	[sflag:s6] =	ssyncadd.s32 $0xFFFFFF80  }
0x12c: {  	v3 =	vld [tilespmem:$0x0];
	_ =	sdelay $0x4  }
0x12d: {  	v48 =	vshrl.u32 v3, $0x3  }
0x12e: {  	v4 =	vmul.u32 $0x18, v48  }
0x12f: {  	v3 =	vand.u32 $0x7, v3  }
0x130: {  	v3 =	vor.u32 v3, v4  }
0x131: {  	v4 =	vperm.xlane v3, v0;
	_ =	sdelay $0x1  }
0x132: {  	v4 =	vadd.s32 v1, v4;
	_ =	sdelay $0x1  }
0x133: {  	v3 =	vperm.xlane v3, v2;
	_ =	sdelay $0x1  }
0x134: {  	v3 =	vadd.s32 v1, v3  }
0x135: {  	[tilespmem:s25], [sflag:$0x1] =	stream.indirect_vreg.gather [hbm4b:s1+s3], $0x80, v4, vm0, $0xb8;
	[tilespmem:$0xC080] =	vst v63  }
0x136: {  	s26 =	simm.s32 $0x880  }
0x137: {  	[tilespmem:s26], [sflag:$0x1] =	stream.indirect_vreg.gather [hbm4b:s4+s3], $0x80, v4, vm1, $0xb8;
	[tilespmem:$0xC080] =	vst v63  }
0x138: {  	s26 =	simm.s32 $0xC80  }
0x139: {  	[tilespmem:s26], [sflag:$0x1] =	stream.indirect_vreg.gather [hbm4b:s1+s3], $0x80, v3, vm0, $0xb8;
	[tilespmem:$0xC080] =	vst v63  }
0x13a: {  	_ = 	snop  }
0x13b: {  	[tilespmem:s16], [sflag:$0x1] =	stream.indirect_vreg.gather [hbm4b:s4+s3], $0x80, v3, vm1, $0xb8;
	[tilespmem:$0xC080] =	vst v63  }
0x13c: {  	v3 =	vld [tilespmem:$0x10];
	_ =	sdelay $0x4  }
0x13d: {  	v49 =	vshrl.u32 v3, $0x3  }
0x13e: {  	v4 =	vmul.u32 $0x18, v49  }
0x13f: {  	v3 =	vand.u32 $0x7, v3  }
0x140: {  	v3 =	vor.u32 v3, v4  }
0x141: {  	v4 =	vperm.xlane v3, v0;
	_ =	sdelay $0x1  }
0x142: {  	v4 =	vadd.s32 v1, v4;
	_ =	sdelay $0x1  }
0x143: {  	v3 =	vperm.xlane v3, v2;
	_ =	sdelay $0x1  }
0x144: {  	s16 =	simm.s32 $0x1880;
	v3 =	vadd.s32 v1, v3  }
0x145: {  	[tilespmem:s16], [sflag:$0x1] =	stream.indirect_vreg.gather [hbm4b:s1+s3], $0x80, v4, vm0, $0xb8;
	[tilespmem:$0xC080] =	vst v63  }
0x146: {  	s26 =	simm.s32 $0x2080  }
0x147: {  	[tilespmem:s26], [sflag:$0x1] =	stream.indirect_vreg.gather [hbm4b:s4+s3], $0x80, v4, vm1, $0xb8;
	[tilespmem:$0xC080] =	vst v63  }
0x148: {  	s16 =	simm.s32 $0x2480  }
0x149: {  	[tilespmem:s16], [sflag:$0x1] =	stream.indirect_vreg.gather [hbm4b:s1+s3], $0x80, v3, vm0, $0xb8;
	[tilespmem:$0xC080] =	vst v63  }
0x14a: {  	s26 =	simm.s32 $0x2C80  }
0x14b: {  	[tilespmem:s26], [sflag:$0x1] =	stream.indirect_vreg.gather [hbm4b:s4+s3], $0x80, v3, vm1, $0xb8;
	[tilespmem:$0xC080] =	vst v63  }
0x14c: {  	v3 =	vld [tilespmem:$0x20];
	_ =	sdelay $0x4  }
0x14d: {  	v50 =	vshrl.u32 v3, $0x3  }
0x14e: {  	v4 =	vmul.u32 $0x18, v50  }
0x14f: {  	v3 =	vand.u32 $0x7, v3  }
0x150: {  	v3 =	vor.u32 v3, v4  }
0x151: {  	v4 =	vperm.xlane v3, v0;
	_ =	sdelay $0x1  }
0x152: {  	v4 =	vadd.s32 v1, v4;
	_ =	sdelay $0x1  }
0x153: {  	v3 =	vperm.xlane v3, v2;
	_ =	sdelay $0x1  }
0x154: {  	s16 =	simm.s32 $0x3080;
	v3 =	vadd.s32 v1, v3  }
0x155: {  	[tilespmem:s16], [sflag:$0x1] =	stream.indirect_vreg.gather [hbm4b:s1+s3], $0x80, v4, vm0, $0xb8;
	[tilespmem:$0xC080] =	vst v63  }
0x156: {  	_ = 	snop  }
0x157: {  	[tilespmem:s24], [sflag:$0x1] =	stream.indirect_vreg.gather [hbm4b:s4+s3], $0x80, v4, vm1, $0xb8;
	[tilespmem:$0xC080] =	vst v63  }
0x158: {  	_ = 	snop  }
0x159: {  	[tilespmem:s12], [sflag:$0x1] =	stream.indirect_vreg.gather [hbm4b:s1+s3], $0x80, v3, vm0, $0xb8;
	[tilespmem:$0xC080] =	vst v63  }
0x15a: {  	_ = 	snop  }
0x15b: {  	[tilespmem:s13], [sflag:$0x1] =	stream.indirect_vreg.gather [hbm4b:s4+s3], $0x80, v3, vm1, $0xb8;
	[tilespmem:$0xC080] =	vst v63  }
0x15c: {  	v3 =	vld [tilespmem:$0x30];
	_ =	sdelay $0x4  }
0x15d: {  	v51 =	vshrl.u32 v3, $0x3  }
0x15e: {  	v4 =	vmul.u32 $0x18, v51  }
0x15f: {  	v3 =	vand.u32 $0x7, v3  }
0x160: {  	v3 =	vor.u32 v3, v4  }
0x161: {  	v4 =	vperm.xlane v3, v0;
	_ =	sdelay $0x1  }
0x162: {  	v4 =	vadd.s32 v1, v4;
	_ =	sdelay $0x1  }
0x163: {  	v3 =	vperm.xlane v3, v2;
	_ =	sdelay $0x1  }
0x164: {  	v3 =	vadd.s32 v1, v3  }
0x165: {  	[tilespmem:s17], [sflag:$0x1] =	stream.indirect_vreg.gather [hbm4b:s1+s3], $0x80, v4, vm0, $0xb8;
	[tilespmem:$0xC080] =	vst v63  }
0x166: {  	_ = 	snop  }
0x167: {  	[tilespmem:s18], [sflag:$0x1] =	stream.indirect_vreg.gather [hbm4b:s4+s3], $0x80, v4, vm1, $0xb8;
	[tilespmem:$0xC080] =	vst v63  }
0x168: {  	_ = 	snop  }
0x169: {  	[tilespmem:s19], [sflag:$0x1] =	stream.indirect_vreg.gather [hbm4b:s1+s3], $0x80, v3, vm0, $0xb8;
	[tilespmem:$0xC080] =	vst v63  }
0x16a: {  	_ = 	snop  }
0x16b: {  	[tilespmem:s20], [sflag:$0x1] =	stream.indirect_vreg.gather [hbm4b:s4+s3], $0x80, v3, vm1, $0xb8;
	[tilespmem:$0xC080] =	vst v63  }
0x16c: {  	v3 =	vld [tilespmem:$0x40];
	_ =	sdelay $0x4  }
0x16d: {  	v52 =	vshrl.u32 v3, $0x3  }
0x16e: {  	v4 =	vmul.u32 $0x18, v52  }
0x16f: {  	v3 =	vand.u32 $0x7, v3  }
0x170: {  	v3 =	vor.u32 v3, v4  }
0x171: {  	v4 =	vperm.xlane v3, v0;
	_ =	sdelay $0x1  }
0x172: {  	v4 =	vadd.s32 v1, v4;
	_ =	sdelay $0x1  }
0x173: {  	v3 =	vperm.xlane v3, v2;
	_ =	sdelay $0x1  }
0x174: {  	v3 =	vadd.s32 v1, v3  }
0x175: {  	[tilespmem:s0], [sflag:$0x1] =	stream.indirect_vreg.gather [hbm4b:s1+s3], $0x80, v4, vm0, $0xb8;
	[tilespmem:$0xC080] =	vst v63  }
0x176: {  	_ = 	snop  }
0x177: {  	[tilespmem:s2], [sflag:$0x1] =	stream.indirect_vreg.gather [hbm4b:s4+s3], $0x80, v4, vm1, $0xb8;
	[tilespmem:$0xC080] =	vst v63  }
0x178: {  	_ = 	snop  }
0x179: {  	[tilespmem:s7], [sflag:$0x1] =	stream.indirect_vreg.gather [hbm4b:s1+s3], $0x80, v3, vm0, $0xb8;
	[tilespmem:$0xC080] =	vst v63  }
0x17a: {  	_ = 	snop  }
0x17b: {  	[tilespmem:s11], [sflag:$0x1] =	stream.indirect_vreg.gather [hbm4b:s4+s3], $0x80, v3, vm1, $0xb8;
	[tilespmem:$0xC080] =	vst v63  }
0x17c: {  	v3 =	vld [tilespmem:$0x50];
	_ =	sdelay $0x4  }
0x17d: {  	v53 =	vshrl.u32 v3, $0x3  }
0x17e: {  	v4 =	vmul.u32 $0x18, v53  }
0x17f: {  	v3 =	vand.u32 $0x7, v3  }
0x180: {  	v3 =	vor.u32 v3, v4  }
0x181: {  	v4 =	vperm.xlane v3, v0;
	_ =	sdelay $0x1  }
0x182: {  	v4 =	vadd.s32 v1, v4;
	_ =	sdelay $0x1  }
0x183: {  	v3 =	vperm.xlane v3, v2;
	_ =	sdelay $0x1  }
0x184: {  	v3 =	vadd.s32 v1, v3  }
0x185: {  	[tilespmem:s8], [sflag:$0x1] =	stream.indirect_vreg.gather [hbm4b:s1+s3], $0x80, v4, vm0, $0xb8;
	[tilespmem:$0xC080] =	vst v63  }
0x186: {  	_ = 	snop  }
0x187: {  	[tilespmem:s9], [sflag:$0x1] =	stream.indirect_vreg.gather [hbm4b:s4+s3], $0x80, v4, vm1, $0xb8;
	[tilespmem:$0xC080] =	vst v63  }
0x188: {  	_ = 	snop  }
0x189: {  	[tilespmem:s10], [sflag:$0x1] =	stream.indirect_vreg.gather [hbm4b:s1+s3], $0x80, v3, vm0, $0xb8;
	[tilespmem:$0xC080] =	vst v63  }
0x18a: {  	s26 =	simm.s32 $0x8C80  }
0x18b: {  	[tilespmem:s26], [sflag:$0x1] =	stream.indirect_vreg.gather [hbm4b:s4+s3], $0x80, v3, vm1, $0xb8;
	[tilespmem:$0xC080] =	vst v63  }
0x18c: {  	v3 =	vld [tilespmem:$0x60];
	_ =	sdelay $0x4  }
0x18d: {  	v54 =	vshrl.u32 v3, $0x3  }
0x18e: {  	v4 =	vmul.u32 $0x18, v54  }
0x18f: {  	v3 =	vand.u32 $0x7, v3  }
0x190: {  	v3 =	vor.u32 v3, v4  }
0x191: {  	v4 =	vperm.xlane v3, v0;
	_ =	sdelay $0x1  }
0x192: {  	v4 =	vadd.s32 v1, v4;
	_ =	sdelay $0x1  }
0x193: {  	v3 =	vperm.xlane v3, v2;
	_ =	sdelay $0x1  }
0x194: {  	s31 =	simm.s32 $0x9080;
	v3 =	vadd.s32 v1, v3  }
0x195: {  	[tilespmem:s31], [sflag:$0x1] =	stream.indirect_vreg.gather [hbm4b:s1+s3], $0x80, v4, vm0, $0xb8;
	[tilespmem:$0xC080] =	vst v63  }
0x196: {  	s24 =	simm.s32 $0x9880  }
0x197: {  	[tilespmem:s24], [sflag:$0x1] =	stream.indirect_vreg.gather [hbm4b:s4+s3], $0x80, v4, vm1, $0xb8;
	[tilespmem:$0xC080] =	vst v63  }
0x198: {  	s23 =	simm.s32 $0x9C80  }
0x199: {  	[tilespmem:s23], [sflag:$0x1] =	stream.indirect_vreg.gather [hbm4b:s1+s3], $0x80, v3, vm0, $0xb8;
	[tilespmem:$0xC080] =	vst v63  }
0x19a: {  	s26 =	simm.s32 $0xA480  }
0x19b: {  	[tilespmem:s26], [sflag:$0x1] =	stream.indirect_vreg.gather [hbm4b:s4+s3], $0x80, v3, vm1, $0xb8;
	[tilespmem:$0xC080] =	vst v63  }
0x19c: {  	v3 =	vld [tilespmem:$0x70];
	_ =	sdelay $0x4  }
0x19d: {  	v55 =	vshrl.u32 v3, $0x3  }
0x19e: {  	v4 =	vmul.u32 $0x18, v55  }
0x19f: {  	v3 =	vand.u32 $0x7, v3  }
0x1a0: {  	v3 =	vor.u32 v3, v4  }
0x1a1: {  	v4 =	vperm.xlane v3, v0;
	_ =	sdelay $0x1  }
0x1a2: {  	v4 =	vadd.s32 v1, v4;
	_ =	sdelay $0x1  }
0x1a3: {  	v3 =	vperm.xlane v3, v2;
	_ =	sdelay $0x1  }
0x1a4: {  	s28 =	simm.s32 $0xA880;
	v3 =	vadd.s32 v1, v3  }
0x1a5: {  	[tilespmem:s28], [sflag:$0x1] =	stream.indirect_vreg.gather [hbm4b:s1+s3], $0x80, v4, vm0, $0xb8;
	[tilespmem:$0xC080] =	vst v63  }
0x1a6: {  	s29 =	simm.s32 $0xB080  }
0x1a7: {  	[tilespmem:s29], [sflag:$0x1] =	stream.indirect_vreg.gather [hbm4b:s4+s3], $0x80, v4, vm1, $0xb8;
	[tilespmem:$0xC080] =	vst v63  }
0x1a8: {  	s30 =	simm.s32 $0xB480  }
0x1a9: {  	[tilespmem:s30], [sflag:$0x1] =	stream.indirect_vreg.gather [hbm4b:s1+s3], $0x80, v3, vm0, $0xb8;
	[tilespmem:$0xC080] =	vst v63  }
0x1aa: {  	s29 =	simm.s32 $0xBC80  }
0x1ab: {  	[tilespmem:s29], [sflag:$0x1] =	stream.indirect_vreg.gather [hbm4b:s4+s3], $0x80, v3, vm1, $0xb8;
	[tilespmem:$0xC080] =	vst v63  }
0x1ac: {  	_ =	swait.ge [sflag:s14], $0xC000  }
0x1ad: {  	[sflag:s14] =	ssyncset.done $0x0  }
0x1ae: {  	s30 =	rddreg [dreg:$0x8];
	[sflag:s14] =	ssyncadd.s32 $0xFFFF4000  }
0x1af: {  	[hbm4b:s30+s3] =	stream.linear.scatter [tilespmem:s25], [sflag:$0x2], $0xC000, $0x38;
	[tilespmem:$0xC080] =	vst v63  }
0x1b0: {  	_ =	swait.ge [sflag:s6], $0xC000  }
0x1b1: {  	[sflag:s6] =	ssyncset.done $0x0  }
0x1b2: {  	s30 =	rddreg [dreg:$0x9];
	[sflag:s6] =	ssyncadd.s32 $0xFFFF4000  }
0x1b3: {  	[tilespmem:s3], [sflag:$0x2] =	stream.linear.gather [hbm4b:s30+s3], $0x80, $0x38;
	[tilespmem:$0xC080] =	vst v63  }
0x1b4: {  	_ =	swait.ge [sflag:s6], $0x80  }
0x1b5: {  	[sflag:s6] =	ssyncset.done $0x0  }
0x1b6: {  	[sflag:s6] =	ssyncadd.s32 $0xFFFFFF80  }
0x1b7: {  	v3 =	vld [tilespmem:$0x0];
	_ =	sdelay $0x4  }
0x1b8: {  	v56 =	vshrl.u32 v3, $0x3  }
0x1b9: {  	v4 =	vmul.u32 $0x18, v56  }
0x1ba: {  	v3 =	vand.u32 $0x7, v3  }
0x1bb: {  	v3 =	vor.u32 v3, v4  }
0x1bc: {  	v4 =	vperm.xlane v3, v0;
	_ =	sdelay $0x1  }
0x1bd: {  	v4 =	vadd.s32 v1, v4;
	_ =	sdelay $0x1  }
0x1be: {  	v3 =	vperm.xlane v3, v2;
	_ =	sdelay $0x1  }
0x1bf: {  	v3 =	vadd.s32 v1, v3  }
0x1c0: {  	[tilespmem:s25], [sflag:$0x1] =	stream.indirect_vreg.gather [hbm4b:s1+s3], $0x80, v4, vm0, $0xb8;
	[tilespmem:$0xC080] =	vst v63  }
0x1c1: {  	s22 =	simm.s32 $0x880  }
0x1c2: {  	[tilespmem:s22], [sflag:$0x1] =	stream.indirect_vreg.gather [hbm4b:s4+s3], $0x80, v4, vm1, $0xb8;
	[tilespmem:$0xC080] =	vst v63  }
0x1c3: {  	s30 =	simm.s32 $0xC80  }
0x1c4: {  	[tilespmem:s30], [sflag:$0x1] =	stream.indirect_vreg.gather [hbm4b:s1+s3], $0x80, v3, vm0, $0xb8;
	[tilespmem:$0xC080] =	vst v63  }
0x1c5: {  	s21 =	simm.s32 $0x1480  }
0x1c6: {  	[tilespmem:s21], [sflag:$0x1] =	stream.indirect_vreg.gather [hbm4b:s4+s3], $0x80, v3, vm1, $0xb8;
	[tilespmem:$0xC080] =	vst v63  }
0x1c7: {  	v3 =	vld [tilespmem:$0x10];
	_ =	sdelay $0x4  }
0x1c8: {  	v57 =	vshrl.u32 v3, $0x3  }
0x1c9: {  	v4 =	vmul.u32 $0x18, v57  }
0x1ca: {  	v3 =	vand.u32 $0x7, v3  }
0x1cb: {  	v3 =	vor.u32 v3, v4  }
0x1cc: {  	v4 =	vperm.xlane v3, v0;
	_ =	sdelay $0x1  }
0x1cd: {  	v4 =	vadd.s32 v1, v4;
	_ =	sdelay $0x1  }
0x1ce: {  	v3 =	vperm.xlane v3, v2;
	_ =	sdelay $0x1  }
0x1cf: {  	s22 =	simm.s32 $0x1880;
	v3 =	vadd.s32 v1, v3  }
0x1d0: {  	[tilespmem:s22], [sflag:$0x1] =	stream.indirect_vreg.gather [hbm4b:s1+s3], $0x80, v4, vm0, $0xb8;
	[tilespmem:$0xC080] =	vst v63  }
0x1d1: {  	s30 =	simm.s32 $0x2080  }
0x1d2: {  	[tilespmem:s30], [sflag:$0x1] =	stream.indirect_vreg.gather [hbm4b:s4+s3], $0x80, v4, vm1, $0xb8;
	[tilespmem:$0xC080] =	vst v63  }
0x1d3: {  	s21 =	simm.s32 $0x2480  }
0x1d4: {  	[tilespmem:s21], [sflag:$0x1] =	stream.indirect_vreg.gather [hbm4b:s1+s3], $0x80, v3, vm0, $0xb8;
	[tilespmem:$0xC080] =	vst v63  }
0x1d5: {  	s22 =	simm.s32 $0x2C80  }
0x1d6: {  	[tilespmem:s22], [sflag:$0x1] =	stream.indirect_vreg.gather [hbm4b:s4+s3], $0x80, v3, vm1, $0xb8;
	[tilespmem:$0xC080] =	vst v63  }
0x1d7: {  	v3 =	vld [tilespmem:$0x20];
	_ =	sdelay $0x4  }
0x1d8: {  	v58 =	vshrl.u32 v3, $0x3  }
0x1d9: {  	v4 =	vmul.u32 $0x18, v58  }
0x1da: {  	v3 =	vand.u32 $0x7, v3  }
0x1db: {  	v3 =	vor.u32 v3, v4  }
0x1dc: {  	v4 =	vperm.xlane v3, v0;
	_ =	sdelay $0x1  }
0x1dd: {  	v4 =	vadd.s32 v1, v4;
	_ =	sdelay $0x1  }
0x1de: {  	v3 =	vperm.xlane v3, v2;
	_ =	sdelay $0x1  }
0x1df: {  	s30 =	simm.s32 $0x3080;
	v3 =	vadd.s32 v1, v3  }
0x1e0: {  	[tilespmem:s30], [sflag:$0x1] =	stream.indirect_vreg.gather [hbm4b:s1+s3], $0x80, v4, vm0, $0xb8;
	[tilespmem:$0xC080] =	vst v63  }
0x1e1: {  	s16 =	simm.s32 $0x3880  }
0x1e2: {  	[tilespmem:s16], [sflag:$0x1] =	stream.indirect_vreg.gather [hbm4b:s4+s3], $0x80, v4, vm1, $0xb8;
	[tilespmem:$0xC080] =	vst v63  }
0x1e3: {  	s12 =	simm.s32 $0x3C80  }
0x1e4: {  	[tilespmem:s12], [sflag:$0x1] =	stream.indirect_vreg.gather [hbm4b:s1+s3], $0x80, v3, vm0, $0xb8;
	[tilespmem:$0xC080] =	vst v63  }
0x1e5: {  	s13 =	simm.s32 $0x4480  }
0x1e6: {  	[tilespmem:s13], [sflag:$0x1] =	stream.indirect_vreg.gather [hbm4b:s4+s3], $0x80, v3, vm1, $0xb8;
	[tilespmem:$0xC080] =	vst v63  }
0x1e7: {  	v3 =	vld [tilespmem:$0x30];
	_ =	sdelay $0x4  }
0x1e8: {  	v59 =	vshrl.u32 v3, $0x3  }
0x1e9: {  	v4 =	vmul.u32 $0x18, v59  }
0x1ea: {  	v3 =	vand.u32 $0x7, v3  }
0x1eb: {  	v3 =	vor.u32 v3, v4  }
0x1ec: {  	v4 =	vperm.xlane v3, v0;
	_ =	sdelay $0x1  }
0x1ed: {  	v4 =	vadd.s32 v1, v4;
	_ =	sdelay $0x1  }
0x1ee: {  	v3 =	vperm.xlane v3, v2;
	_ =	sdelay $0x1  }
0x1ef: {  	s17 =	simm.s32 $0x4880;
	v3 =	vadd.s32 v1, v3  }
0x1f0: {  	[tilespmem:s17], [sflag:$0x1] =	stream.indirect_vreg.gather [hbm4b:s1+s3], $0x80, v4, vm0, $0xb8;
	[tilespmem:$0xC080] =	vst v63  }
0x1f1: {  	s18 =	simm.s32 $0x5080  }
0x1f2: {  	[tilespmem:s18], [sflag:$0x1] =	stream.indirect_vreg.gather [hbm4b:s4+s3], $0x80, v4, vm1, $0xb8;
	[tilespmem:$0xC080] =	vst v63  }
0x1f3: {  	s19 =	simm.s32 $0x5480  }
0x1f4: {  	[tilespmem:s19], [sflag:$0x1] =	stream.indirect_vreg.gather [hbm4b:s1+s3], $0x80, v3, vm0, $0xb8;
	[tilespmem:$0xC080] =	vst v63  }
0x1f5: {  	s20 =	simm.s32 $0x5C80  }
0x1f6: {  	[tilespmem:s20], [sflag:$0x1] =	stream.indirect_vreg.gather [hbm4b:s4+s3], $0x80, v3, vm1, $0xb8;
	[tilespmem:$0xC080] =	vst v63  }
0x1f7: {  	v3 =	vld [tilespmem:$0x40];
	_ =	sdelay $0x4  }
0x1f8: {  	v60 =	vshrl.u32 v3, $0x3  }
0x1f9: {  	v4 =	vmul.u32 $0x18, v60  }
0x1fa: {  	v3 =	vand.u32 $0x7, v3  }
0x1fb: {  	v3 =	vor.u32 v3, v4  }
0x1fc: {  	v4 =	vperm.xlane v3, v0;
	_ =	sdelay $0x1  }
0x1fd: {  	v4 =	vadd.s32 v1, v4;
	_ =	sdelay $0x1  }
0x1fe: {  	v3 =	vperm.xlane v3, v2;
	_ =	sdelay $0x1  }
0x1ff: {  	s0 =	simm.s32 $0x6080;
	v3 =	vadd.s32 v1, v3  }
0x200: {  	[tilespmem:s0], [sflag:$0x1] =	stream.indirect_vreg.gather [hbm4b:s1+s3], $0x80, v4, vm0, $0xb8;
	[tilespmem:$0xC080] =	vst v63  }
0x201: {  	s2 =	simm.s32 $0x6880  }
0x202: {  	[tilespmem:s2], [sflag:$0x1] =	stream.indirect_vreg.gather [hbm4b:s4+s3], $0x80, v4, vm1, $0xb8;
	[tilespmem:$0xC080] =	vst v63  }
0x203: {  	s7 =	simm.s32 $0x6C80  }
0x204: {  	[tilespmem:s7], [sflag:$0x1] =	stream.indirect_vreg.gather [hbm4b:s1+s3], $0x80, v3, vm0, $0xb8;
	[tilespmem:$0xC080] =	vst v63  }
0x205: {  	s11 =	simm.s32 $0x7480  }
0x206: {  	[tilespmem:s11], [sflag:$0x1] =	stream.indirect_vreg.gather [hbm4b:s4+s3], $0x80, v3, vm1, $0xb8;
	[tilespmem:$0xC080] =	vst v63  }
0x207: {  	v3 =	vld [tilespmem:$0x50];
	_ =	sdelay $0x4  }
0x208: {  	v61 =	vshrl.u32 v3, $0x3  }
0x209: {  	v4 =	vmul.u32 $0x18, v61  }
0x20a: {  	v3 =	vand.u32 $0x7, v3  }
0x20b: {  	v3 =	vor.u32 v3, v4  }
0x20c: {  	v4 =	vperm.xlane v3, v0;
	_ =	sdelay $0x1  }
0x20d: {  	v4 =	vadd.s32 v1, v4;
	_ =	sdelay $0x1  }
0x20e: {  	v3 =	vperm.xlane v3, v2;
	_ =	sdelay $0x1  }
0x20f: {  	s8 =	simm.s32 $0x7880;
	v3 =	vadd.s32 v1, v3  }
0x210: {  	[tilespmem:s8], [sflag:$0x1] =	stream.indirect_vreg.gather [hbm4b:s1+s3], $0x80, v4, vm0, $0xb8;
	[tilespmem:$0xC080] =	vst v63  }
0x211: {  	s9 =	simm.s32 $0x8080  }
0x212: {  	[tilespmem:s9], [sflag:$0x1] =	stream.indirect_vreg.gather [hbm4b:s4+s3], $0x80, v4, vm1, $0xb8;
	[tilespmem:$0xC080] =	vst v63  }
0x213: {  	s10 =	simm.s32 $0x8480  }
0x214: {  	[tilespmem:s10], [sflag:$0x1] =	stream.indirect_vreg.gather [hbm4b:s1+s3], $0x80, v3, vm0, $0xb8;
	[tilespmem:$0xC080] =	vst v63  }
0x215: {  	s21 =	simm.s32 $0x8C80  }
0x216: {  	[tilespmem:s21], [sflag:$0x1] =	stream.indirect_vreg.gather [hbm4b:s4+s3], $0x80, v3, vm1, $0xb8;
	[tilespmem:$0xC080] =	vst v63  }
0x217: {  	v3 =	vld [tilespmem:$0x60];
	_ =	sdelay $0x4  }
0x218: {  	v62 =	vshrl.u32 v3, $0x3  }
0x219: {  	v4 =	vmul.u32 $0x18, v62  }
0x21a: {  	v3 =	vand.u32 $0x7, v3  }
0x21b: {  	v3 =	vor.u32 v3, v4  }
0x21c: {  	v4 =	vperm.xlane v3, v0;
	_ =	sdelay $0x1  }
0x21d: {  	v4 =	vadd.s32 v1, v4;
	_ =	sdelay $0x1  }
0x21e: {  	v3 =	vperm.xlane v3, v2;
	_ =	sdelay $0x1  }
0x21f: {  	s31 =	simm.s32 $0x9080;
	v3 =	vadd.s32 v1, v3  }
0x220: {  	[tilespmem:s31], [sflag:$0x1] =	stream.indirect_vreg.gather [hbm4b:s1+s3], $0x80, v4, vm0, $0xb8;
	[tilespmem:$0xC080] =	vst v63  }
0x221: {  	s22 =	simm.s32 $0x9880  }
0x222: {  	[tilespmem:s22], [sflag:$0x1] =	stream.indirect_vreg.gather [hbm4b:s4+s3], $0x80, v4, vm1, $0xb8;
	[tilespmem:$0xC080] =	vst v63  }
0x223: {  	s24 =	simm.s32 $0x9C80  }
0x224: {  	[tilespmem:s24], [sflag:$0x1] =	stream.indirect_vreg.gather [hbm4b:s1+s3], $0x80, v3, vm0, $0xb8;
	[tilespmem:$0xC080] =	vst v63  }
0x225: {  	s30 =	simm.s32 $0xA480  }
0x226: {  	[tilespmem:s30], [sflag:$0x1] =	stream.indirect_vreg.gather [hbm4b:s4+s3], $0x80, v3, vm1, $0xb8;
	[tilespmem:$0xC080] =	vst v63  }
0x227: {  	v3 =	vld [tilespmem:$0x70];
	_ =	sdelay $0x4  }
0x228: {  	v63 =	vshrl.u32 v3, $0x3  }
0x229: {  	v4 =	vmul.u32 $0x18, v63  }
0x22a: {  	v3 =	vand.u32 $0x7, v3  }
0x22b: {  	v3 =	vor.u32 v3, v4  }
0x22c: {  	v4 =	vperm.xlane v3, v0;
	_ =	sdelay $0x1  }
0x22d: {  	v4 =	vadd.s32 v1, v4;
	_ =	sdelay $0x1  }
0x22e: {  	v3 =	vperm.xlane v3, v2;
	_ =	sdelay $0x1  }
0x22f: {  	s23 =	simm.s32 $0xA880;
	v3 =	vadd.s32 v1, v3  }
0x230: {  	[tilespmem:s23], [sflag:$0x1] =	stream.indirect_vreg.gather [hbm4b:s1+s3], $0x80, v4, vm0, $0xb8;
	[tilespmem:$0xC080] =	vst v63  }
0x231: {  	s26 =	simm.s32 $0xB080  }
0x232: {  	[tilespmem:s26], [sflag:$0x1] =	stream.indirect_vreg.gather [hbm4b:s4+s3], $0x80, v4, vm1, $0xb8;
	[tilespmem:$0xC080] =	vst v63  }
0x233: {  	s28 =	simm.s32 $0xB480  }
0x234: {  	[tilespmem:s28], [sflag:$0x1] =	stream.indirect_vreg.gather [hbm4b:s1+s3], $0x80, v3, vm0, $0xb8;
	[tilespmem:$0xC080] =	vst v63  }
0x235: {  	s29 =	simm.s32 $0xBC80  }
0x236: {  	[tilespmem:s29], [sflag:$0x1] =	stream.indirect_vreg.gather [hbm4b:s4+s3], $0x80, v3, vm1, $0xb8;
	[tilespmem:$0xC080] =	vst v63  }
0x237: {  	_ =	swait.ge [sflag:s14], $0xC000  }
0x238: {  	p0 =	sne.s32 s5, $0x1;
	[sflag:s14] =	ssyncset.done $0x0  }
.Ltmp0:
0x239: {  	s31 =	rddreg [dreg:$0xa];
	[sflag:s14] =	ssyncadd.s32 $0xFFFF4000;
	(pc) =	sbr.rel @p0 .LBB2_1-.Ltmp0, $4  }
0x23a: {  	[hbm4b:s31+s3] =	stream.linear.scatter [tilespmem:s25], [sflag:$0x2], $0xC000, $0x38;
	[tilespmem:$0xC080] =	vst v63  }
0x23b: {  	_ =	swait.ge [sflag:s6], $0xC000  }
0x23c: {  	[sflag:s6] =	ssyncset.done $0x0  }
0x23d: {  	s5 =	sadd.s32 $0xFFFFFFFF, s5;
	[sflag:s6] =	ssyncadd.s32 $0xFFFF4000  }
0x23e: {  	_ =	sfence.sel $0x180000  }
0x23f: {  	[bflag:$0x0] =	sbarrier.arrive $0xFFFF  }
0x240: {  	_ =	strace $0x9000004A  }
0x241: {  	s0 =	stileid.u32;
	[bflag:$0x2] =	sbarrier.arrive $0xFFFF  }
0x242: {  	p0 =	sne.s32 s0, $0x0;
	s0 =	rddreg [dreg:$0x2]  }
0x243: {  	s0 =	sadd.s32 @!p0 $0x100000, s0  }
0x244: {  	[sflag:s0] =	ssyncadd.tile.s32 @!p0 $0x1;
	_ =	shalt  }
.Lfunc_end2:
_tile_overlayer_lowered:
.L_overlay_start_2:
0x245: {  	(tag) =	ssettag $0x2  }
0x246: {  	s0 =	rddreg [dreg:$0x0];
	s2 =	stileid.u32  }
0x247: {  	s1 =	rddreg [dreg:$0x1];
	p0 =	sne.s32 s2, $0x0  }
0x248: {  	s3 =	rddreg [dreg:$0x2];
	[bflag:$0x3] =	sbarrier.arrive $0xFFFF;
	s2 =	simm.s32 @!p0 $0x1C02  }
0x249: {  	[timem:s3], [sflag:s2] =	dma.local @!p0 [hbm:s0], s1  }
0x24a: {  	s0 =	simm.s32 @!p0 $0x2  }
0x24b: {  	_ =	swait.ge @!p0 [sflag:s0], s1  }
0x24c: {  	s1 =	ssub.s32 @!p0 $0x0, s1;
	[sflag:s0] =	ssyncset.done @!p0 $0x0  }
0x24d: {  	[sflag:s0] =	ssyncadd.s32 @!p0 s1  }
0x24e: {  	[bflag:$0x3] =	sbarrier.arrive $0xFFFF  }
0x24f: {  	_ =	shalt  }

// kernel: kernel.7.cloned.1.call-start
scs
__scs_entry_jumppad:
0x0: {  	(pc) =	sbr.rel $0x88, $3  }
0x1: {  	(tag) =	ssettag $0x0;
	lr =	simm.s32 $0x1  }
0x2: {  	[smem:$0x3F98] =	sst lr;
	_ =	strace $0xD0000000  }
0x3: {  	_ = 	snop  }
0x4: {  	_ = 	snop  }
0x5: {  	_ = 	snop  }
0x6: {  	_ = 	snop  }
0x7: {  	_ = 	snop  }
__scs_overlays_trampoline_lowered:
0x8: {  	[smem:$0x3FA7] =	sst s0  }
0x9: {  	[smem:$0x3FA8] =	sst s1  }
0xa: {  	[smem:$0x3FA9] =	sst s2  }
0xb: {  	[smem:$0x3FAA] =	sst s3  }
0xc: {  	[smem:$0x3FAB] =	sst s4  }
0xd: {  	[smem:$0x3FAC] =	sst s5  }
0xe: {  	[smem:$0x3FAD] =	sst s6  }
0xf: {  	[smem:$0x3FAE] =	sst s7  }
0x10: {  	[smem:$0x3FAF] =	sst s8  }
0x11: {  	[smem:$0x3FB0] =	sst s9;
	s0 =	simm.s32 @!p0 $0x0  }
0x12: {  	s1 =	sld [smem:$0x3F96];
	s0 =	simm.s32 @p0 $0x1  }
0x13: {  	[smem:$0x3FB1] =	sst s0;
	s0 =	simm.s32 @!p1 $0x0  }
0x14: {  	s2 =	sld [smem:$0x3F95];
	s0 =	simm.s32 @p1 $0x1  }
0x15: {  	[smem:$0x3FB2] =	sst s0;
	s0 =	simm.s32 @!p2 $0x0  }
0x16: {  	s3 =	sld [smem:$0x3FDB];
	s0 =	simm.s32 @p2 $0x1  }
0x17: {  	s4 =	simm.s32 $0x1BF5;
	[smem:$0x3FB4] =	sst s0  }
0x18: {  	s0 =	sld [smem:$0x3F97];
	_ =	swait.ge [sflag:s4], $0x0  }
0x19: {  	s7 =	sld [smem:$0x3F98]  }
0x1a: {  	s8 =	sadd.s32 $0xFFFFE003, lr  }
0x1b: {  	s9 =	sadd.s32 $0xFFFFFEF7, lr;
	s5 =	simm.s32 $0xFFFFFFFF;
	p2 =	slt.u32 s8, $0xFFFFF086  }
0x1c: {  	p1 =	slt.u32 s9, $0xF7A;
	s5 =	simm.s32 @!p2 $0x0  }
0x1d: {  	s5 =	simm.s32 @p1 $0x1;
	p0 =	seq.s32 s7, s2  }
0x1e: {  	s7 =	smul.u32 @!p0 $0xF7A, s2;
	p2 =	seq.s32 @!p0 s5, $0x0  }
0x1f: {  	s9 =	smul.u32 $0xF7A, s1;
	s8 =	simm.s32 @!p0 $0x1BF5;
	p2 =	por !p2, p0  }
0x20: {  	[sflag:s8] =	ssyncset.s32 @!p0 $0xFFFFF086;
	s6 =	sadd.s32 @!p0 s3, s7;
	s7 =	simm.s32 @!p0 $0x108  }
0x21: {  	s3 =	sadd.s32 s3, s9;
	s6 =	sadd.s32 @!p0 $0x88, s6;
	s7 =	simm.s32 @p2 $0x1082  }
0x22: {  	[simem:s7], [sflag:s8] =	dma.local @!p0 [hbm:s6], $0xF7A  }
0x23: {  	s9 =	sor.u32 $0xD0000000, s2;
	s6 =	simm.s32 $0x108;
	_ =	swait.ge @!p0 [sflag:s8], $0x0  }
0x24: {  	s3 =	sadd.s32 $0x88, s3;
	s6 =	simm.s32 @!p1 $0x1082;
	[sflag:s4] =	ssyncset.s32 $0xFFFFF086  }
0x25: {  	[simem:s6], [sflag:s4] =	dma.local [hbm:s3], $0xF7A  }
0x26: {  	[smem:$0x3F98] =	sst s1;
	(tag) =	ssettag s2;
	_ =	strace s9  }
0x27: {  	s1 =	sld [smem:$0x3FA8]  }
0x28: {  	s2 =	sld [smem:$0x3FA9]  }
0x29: {  	s4 =	sld [smem:$0x3FAB]  }
0x2a: {  	p0 =	seq.s32 s5, $0x0;
	s5 =	sld [smem:$0x3FAC]  }
0x2b: {  	s6 =	sld [smem:$0x3FAD]  }
0x2c: {  	s7 =	sld [smem:$0x3FAE]  }
0x2d: {  	s3 =	simm.s32 $0x108;
	s8 =	sld [smem:$0x3FAF]  }
0x2e: {  	s3 =	simm.s32 @!p0 $0x1082;
	s9 =	sld [smem:$0x3FB0]  }
0x2f: {  	lr =	sadd.s32 s0, s3;
	s0 =	sld [smem:$0x3FA7]  }
0x30: {  	s3 =	sld [smem:$0x3FAA]  }
0x31: {  	[smem:$0x3FB3] =	sst s10  }
0x32: {  	s10 =	sld [smem:$0x3FB1];
	_ =	sdelay $0x3  }
0x33: {  	p0 =	seq.s32 s10, $0x1;
	s10 =	sld [smem:$0x3FB3];
	_ =	sdelay $0x3  }
0x34: {  	[smem:$0x3FB3] =	sst s10  }
0x35: {  	s10 =	sld [smem:$0x3FB2];
	_ =	sdelay $0x3  }
0x36: {  	p1 =	seq.s32 s10, $0x1;
	s10 =	sld [smem:$0x3FB3];
	_ =	sdelay $0x3  }
0x37: {  	[smem:$0x3FB3] =	sst s10  }
0x38: {  	s10 =	sld [smem:$0x3FB4]  }
0x39: {  	_ = 	snop;
	(pc) =	sbr.ind lr, $3  }
0x3a: {  	_ = 	snop  }
0x3b: {  	_ = 	snop  }
0x3c: {  	p2 =	seq.s32 s10, $0x1;
	s10 =	sld [smem:$0x3FB3]  }
0x3d: {  	_ =	shalt  }
0x3e: {  	_ =	shalt  }
0x3f: {  	_ =	shalt  }
0x40: {  	_ =	shalt  }
0x41: {  	_ =	shalt  }
0x42: {  	_ =	shalt  }
0x43: {  	_ =	shalt  }
0x44: {  	_ =	shalt  }
0x45: {  	_ =	shalt  }
0x46: {  	_ =	shalt  }
0x47: {  	_ =	shalt  }
0x48: {  	_ =	shalt  }
0x49: {  	_ =	shalt  }
0x4a: {  	_ =	shalt  }
0x4b: {  	_ =	shalt  }
0x4c: {  	_ =	shalt  }
0x4d: {  	_ =	shalt  }
0x4e: {  	_ =	shalt  }
0x4f: {  	_ =	shalt  }
0x50: {  	_ =	shalt  }
0x51: {  	_ =	shalt  }
0x52: {  	_ =	shalt  }
0x53: {  	_ =	shalt  }
0x54: {  	_ =	shalt  }
0x55: {  	_ =	shalt  }
0x56: {  	_ =	shalt  }
0x57: {  	_ =	shalt  }
0x58: {  	_ =	shalt  }
0x59: {  	_ =	shalt  }
0x5a: {  	_ =	shalt  }
0x5b: {  	_ =	shalt  }
0x5c: {  	_ =	shalt  }
0x5d: {  	_ =	shalt  }
0x5e: {  	_ =	shalt  }
0x5f: {  	_ =	shalt  }
0x60: {  	_ =	shalt  }
0x61: {  	_ =	shalt  }
0x62: {  	_ =	shalt  }
0x63: {  	_ =	shalt  }
0x64: {  	_ =	shalt  }
0x65: {  	_ =	shalt  }
0x66: {  	_ =	shalt  }
0x67: {  	_ =	shalt  }
0x68: {  	_ =	shalt  }
0x69: {  	_ =	shalt  }
0x6a: {  	_ =	shalt  }
0x6b: {  	_ =	shalt  }
0x6c: {  	_ =	shalt  }
0x6d: {  	_ =	shalt  }
0x6e: {  	_ =	shalt  }
0x6f: {  	_ =	shalt  }
0x70: {  	_ =	shalt  }
0x71: {  	_ =	shalt  }
0x72: {  	_ =	shalt  }
0x73: {  	_ =	shalt  }
0x74: {  	_ =	shalt  }
0x75: {  	_ =	shalt  }
0x76: {  	_ =	shalt  }
0x77: {  	_ =	shalt  }
0x78: {  	_ =	shalt  }
0x79: {  	_ =	shalt  }
0x7a: {  	_ =	shalt  }
0x7b: {  	_ =	shalt  }
0x7c: {  	_ =	shalt  }
0x7d: {  	_ =	shalt  }
0x7e: {  	_ =	shalt  }
0x7f: {  	_ =	shalt  }
0x80: {  	_ =	shalt  }
0x81: {  	_ =	shalt  }
0x82: {  	_ =	shalt  }
0x83: {  	_ =	shalt  }
0x84: {  	_ =	shalt  }
0x85: {  	_ =	shalt  }
0x86: {  	_ =	shalt  }
0x87: {  	_ =	shalt  }
.Lfunc_end0:
.L_simem_size_0:
called_computation_lowered:
.L_overlay_start_0:
0x88: {  	s2 =	sld [smem:$0x3FD9]  }
0x89: {  	s3 =	sld [smem:$0x3FFE];
	_ =	sdelay $0x1  }
0x8a: {  	s1 =	srdreg.scid  }
0x8b: {  	s0 =	sand.u32 $0x1, s1  }
0x8c: {  	s14 =	sshll.u32 s0, $0xA;
	s2 =	sadd.s32 s3, s2  }
0x8d: {  	s2 =	sadd.s32 s2, s14  }
0x8e: {  	[smem:$0x3FBF] =	sst s2  }
0x8f: {  	_ = 	snop  }
0x90: {  	s2 =	sld [smem:$0x3FD0];
	_ =	sdelay $0x2  }
0x91: {  	s15 =	simm.s32 $0xA;
	s4 =	simm.s32 $0x10  }
0x92: {  	[smem:s4], [sflag:s15] =	dma.local [hbm:s2], $0x1  }
0x93: {  	_ =	swait.eq [sflag:s15], $0x1  }
0x94: {  	[sflag:s15] =	ssyncset.done $0x0  }
0x95: {  	[sflag:s15] =	ssyncadd.s32 $0xFFFFFFFF  }
0x96: {  	s16 =	sld [smem:$0x10];
	(tm) =	ssettm $0x1  }
0x97: {  	s17 =	sld [smem:$0x3FFB];
	_ =	sdelay $0x3  }
0x98: {  	_ =	strace s17  }
0x99: {  	s3 =	sld [smem:$0x3FFC];
	_ =	sdelay $0x3  }
0x9a: {  	_ =	strace s3  }
0x9b: {  	s3 =	sld [smem:$0x3FFD];
	_ =	sdelay $0x3  }
0x9c: {  	_ =	strace s3  }
0x9d: {  	_ =	strace $0x8FFFFFFF  }
0x9e: {  	s18 =	sld [smem:$0x3FDB];
	_ =	sdelay $0x1  }
0x9f: {  	s19 =	simm.s32 $_scs_section_size  }
0xa0: {  	s5 =	simm.s32 $_size__tile_overlayer_lowered;
	s6 =	simm.s32 $_tile_overlayer_lowered  }
0xa1: {  	s22 =	simm.s32 $0x1BFF;
	s21 =	sshll.u32 s6, $0x1;
	s3 =	sadd.s32 s19, s18  }
0xa2: {  	s7 =	simm.s32 $0x0;
	s20 =	sshll.u32 s5, $0x1;
	s5 =	sadd.s32 s21, s3  }
0xa3: {  	[timem:s7], [sflag:s22] =	dma.local [hbm:s5], s20  }
0xa4: {  	_ =	swait.ge [sflag:s22], s20  }
0xa5: {  	s4 =	ssub.s32 $0x0, s20;
	[sflag:s22] =	ssyncset.done $0x0  }
0xa6: {  	[sflag:s22] =	ssyncadd.s32 s4;
	_ =	sdelay $0x1  }
0xa7: {  	s23 =	simm.s32 $0x1B8B  }
0xa8: {  	_ =	swait.ge [sflag:s23], $0x1  }
0xa9: {  	[sflag:s23] =	ssyncset.done $0x0  }
0xaa: {  	s25 =	simm.s32 $0x1B8E;
	s24 =	sld [smem:$0x3FFE];
	[sflag:s23] =	ssyncadd.s32 $0xFFFFFFFF  }
0xab: {  	s26 =	simm.s32 $execute0_lowered;
	[smem:$0x3FD2] =	sst s25  }
0xac: {  	s5 =	sshll.u32 s26, $0x1;
	_ =	strace $0x80000046;
	[dreg:$0x1] =	wrdreg $0xFFFFFFFF  }
0xad: {  	s28 =	simm.s32 $_size_execute0_lowered;
	s3 =	sadd.s32 s3, s5;
	[dreg:$0x0] =	wrdreg $0x0  }
0xae: {  	s5 =	sshll.u32 s28, $0x1;
	[dreg:$0x2] =	wrdreg s3  }
0xaf: {  	[dreg:$0x3] =	wrdreg s5  }
0xb0: {  	[dreg:$0x4] =	wrdreg $0xC0  }
0xb1: {  	_ =	task [dreg:s7], $0x5FFFF  }
0xb2: {  	[dreg:$0x1] =	wrdreg $0xFFFFFFFF  }
0xb3: {  	[dreg:$0x0] =	wrdreg $0x60  }
0xb4: {  	[dreg:$0x2] =	wrdreg s16  }
0xb5: {  	[dreg:$0x3] =	wrdreg s24  }
0xb6: {  	[dreg:$0x4] =	wrdreg $0x9  }
0xb7: {  	_ =	task.clear_ibuf [dreg:s7], $0x5FFFF;
	_ =	strace $0x90000046  }
0xb8: {  	s29 =	simm.s32 $0x9;
	_ =	strace $0x80000048  }
0xb9: {  	_ =	swait.ge [sflag:s29], $0x1  }
0xba: {  	[sflag:s29] =	ssyncadd.s32 $0xFFFFFFFF  }
0xbb: {  	_ =	strace $0x90000048  }
0xbc: {  	_ =	sfence  }
0xbd: {  	s30 =	sld [smem:$0x0];
	_ =	sdelay $0x2  }
0xbe: {  	s31 =	sshll.u32 s1, $0xD;
	s1 =	sshrl.u32 s1, $0x2  }
0xbf: {  	s3 =	sand.u32 $0x4000, s31;
	s1 =	sadd.s32 s1, s30  }
0xc0: {  	s0 =	sor.u32 s3, s0;
	s1 =	sshll.u32 s1, $0x11  }
0xc1: {  	s0 =	sor.u32 s1, s0  }
0xc2: {  	s0 =	sadd.s32 $0x8F2B, s0  }
0xc3: {  	[sflag:s0] =	ssyncadd.remote.s32 $0x1  }
0xc4: {  	_ =	sfence.sel $0xFFFF  }
0xc5: {  	[dreg:$0x0] =	wrdreg $0xFFFFFFFF;
	(pc) =	sbr.abs _section_cstart, $3  }
0xc6: {  	[dreg:$0x1] =	wrdreg $0xFFFFFFFF  }
0xc7: {  	_ =	task.clear_ibuf [dreg:s7], $0x2FFFF;
	_ =	strace $0x9FFFFFFF  }
0xc8: {  	(tm) =	ssettm $0x7FFFFFFF  }
0xc9: {  	_ =	shalt  }
tec
execute0_lowered:
.L_overlay_start_1:
0x0: {  	(tag) =	ssettag $0x1  }
0x1: {  	s0 =	rddreg [dreg:$0x0]  }
0x2: {  	s1 =	rddreg [dreg:$0x1]  }
0x3: {  	s3 =	srdreg.scid;
	s2 =	simm.s32 $0x0;
	s5 =	stileid.u32  }
0x4: {  	s14 =	simm.s32 $0x1;
	s4 =	sand.u32 $0x1, s3;
	[smem:$0x7FF] =	sst s2  }
0x5: {  	s21 =	sshll.u32 s5, $0x7;
	s6 =	sadd.s32 $0x2600, s1;
	s22 =	sshll.u32 s4, $0x6  }
0x6: {  	s3 =	sadd.s32 $0x2E00, s1;
	s4 =	ssub.s32 $0x2, s4;
	s5 =	sor.u32 s22, s21  }
0x7: {  	_ =	strace $0x80000047;
	s8 =	sshrl.u32 s4, $0x1;
	s7 =	smul.u32 $0x180, s5  }
0x8: {  	s9 =	sadd.s32 s6, s5;
	s10 =	sor.u32 $0x10, s5;
	s25 =	sor.u32 $0x20, s5  }
0x9: {  	s5 =	sor.u32 $0x30, s5;
	[dreg:$0x3] =	wrdreg s9;
	s24 =	sadd.s32 s6, s10  }
0xa: {  	s23 =	smul.u32 $0x180, s10;
	s29 =	sadd.s32 s6, s25;
	[dreg:$0x5] =	wrdreg s24  }
0xb: {  	s31 =	smul.u32 $0x180, s5;
	s5 =	sadd.s32 s6, s5;
	[dreg:$0x7] =	wrdreg s29  }
0xc: {  	s28 =	smul.u32 $0x180, s25;
	s7 =	sadd.s32 s0, s7;
	[dreg:$0x9] =	wrdreg s5  }
0xd: {  	s8 =	ssub.s32 s4, s8;
	[dreg:$0x4] =	wrdreg s7;
	s26 =	sadd.s32 s0, s23  }
0xe: {  	v2 =	vlaneseq.u32;
	s4 =	sadd.s32 $0x2F00, s1;
	s30 =	sadd.s32 s0, s28;
	[dreg:$0x6] =	wrdreg s26  }
0xf: {  	vm0 =	vmmov $0xffff;
	vm1 =	vmmov $0xff;
	v1 =	vshrl.u32 v2, $0x3;
	s6 =	simm.s32 $0x2;
	s0 =	sadd.s32 s0, s31;
	[dreg:$0x8] =	wrdreg s30  }
0x10: {  	v0 =	vand.u32 $0x7, v2;
	v2 =	vor.u32 $0x8, v2;
	v1 =	vmul.u32 $0x8, v1;
	s25 =	simm.s32 $0x80;
	s5 =	smax.u32 s8, $0x1;
	[dreg:$0xa] =	wrdreg s0  }
.LBB2_1:
0x11: {  	s15 =	rddreg [dreg:$0x3]  }
0x12: {  	[tilespmem:s2], [sflag:$0x2] =	stream.linear.gather [hbm4b:s15+s2], $0x80, $0x38;
	[tilespmem:$0xC080] =	vst v63  }
0x13: {  	_ =	swait.ge [sflag:s6], $0x80  }
0x14: {  	[sflag:s6] =	ssyncset.done $0x0  }
0x15: {  	s1 =	rddreg [dreg:$0x4];
	[sflag:s6] =	ssyncadd.s32 $0xFFFFFF80  }
0x16: {  	[tilespmem:s25], [sflag:$0x2] =	stream.linear.gather [hbm4b:s1+s2], $0xC000, $0x38;
	[tilespmem:$0xC080] =	vst v63  }
0x17: {  	_ =	swait.ge [sflag:s6], $0xC000  }
0x18: {  	[sflag:s6] =	ssyncset.done $0x0  }
0x19: {  	[sflag:s6] =	ssyncadd.s32 $0xFFFF4000  }
0x1a: {  	v3 =	vld [tilespmem:$0x0];
	_ =	sdelay $0x4  }
0x1b: {  	v4 =	vshrl.u32 v3, $0x3  }
0x1c: {  	v4 =	vmul.u32 $0x18, v4  }
0x1d: {  	v3 =	vand.u32 $0x7, v3  }
0x1e: {  	v3 =	vor.u32 v3, v4  }
0x1f: {  	v4 =	vperm.xlane v3, v0;
	_ =	sdelay $0x1  }
0x20: {  	v4 =	vadd.s32 v1, v4;
	_ =	sdelay $0x1  }
0x21: {  	v3 =	vperm.xlane v3, v2;
	_ =	sdelay $0x1  }
0x22: {  	v3 =	vadd.s32 v1, v3  }
0x23: {  	[hbm4b:s3+s2] =	stream.indirect_vreg.scatter [tilespmem:s25], [sflag:$0x1], $0x80, v4, vm0, $0xb8;
	[tilespmem:$0xC080] =	vst v63  }
0x24: {  	s0 =	simm.s32 $0x880  }
0x25: {  	[hbm4b:s4+s2] =	stream.indirect_vreg.scatter [tilespmem:s0], [sflag:$0x1], $0x80, v4, vm1, $0xb8;
	[tilespmem:$0xC080] =	vst v63  }
0x26: {  	s7 =	simm.s32 $0xC80  }
0x27: {  	[hbm4b:s3+s2] =	stream.indirect_vreg.scatter [tilespmem:s7], [sflag:$0x1], $0x80, v3, vm0, $0xb8;
	[tilespmem:$0xC080] =	vst v63  }
0x28: {  	s8 =	simm.s32 $0x1480  }
0x29: {  	[hbm4b:s4+s2] =	stream.indirect_vreg.scatter [tilespmem:s8], [sflag:$0x1], $0x80, v3, vm1, $0xb8;
	[tilespmem:$0xC080] =	vst v63  }
0x2a: {  	v3 =	vld [tilespmem:$0x10];
	_ =	sdelay $0x4  }
0x2b: {  	v33 =	vshrl.u32 v3, $0x3  }
0x2c: {  	v4 =	vmul.u32 $0x18, v33  }
0x2d: {  	v3 =	vand.u32 $0x7, v3  }
0x2e: {  	v3 =	vor.u32 v3, v4  }
0x2f: {  	v4 =	vperm.xlane v3, v0;
	_ =	sdelay $0x1  }
0x30: {  	v4 =	vadd.s32 v1, v4;
	_ =	sdelay $0x1  }
0x31: {  	v3 =	vperm.xlane v3, v2;
	_ =	sdelay $0x1  }
0x32: {  	s9 =	simm.s32 $0x1880;
	v3 =	vadd.s32 v1, v3  }
0x33: {  	[hbm4b:s3+s2] =	stream.indirect_vreg.scatter [tilespmem:s9], [sflag:$0x1], $0x80, v4, vm0, $0xb8;
	[tilespmem:$0xC080] =	vst v63  }
0x34: {  	s10 =	simm.s32 $0x2080  }
0x35: {  	[hbm4b:s4+s2] =	stream.indirect_vreg.scatter [tilespmem:s10], [sflag:$0x1], $0x80, v4, vm1, $0xb8;
	[tilespmem:$0xC080] =	vst v63  }
0x36: {  	s11 =	simm.s32 $0x2480  }
0x37: {  	[hbm4b:s3+s2] =	stream.indirect_vreg.scatter [tilespmem:s11], [sflag:$0x1], $0x80, v3, vm0, $0xb8;
	[tilespmem:$0xC080] =	vst v63  }
0x38: {  	s12 =	simm.s32 $0x2C80  }
0x39: {  	[hbm4b:s4+s2] =	stream.indirect_vreg.scatter [tilespmem:s12], [sflag:$0x1], $0x80, v3, vm1, $0xb8;
	[tilespmem:$0xC080] =	vst v63  }
0x3a: {  	v3 =	vld [tilespmem:$0x20];
	_ =	sdelay $0x4  }
0x3b: {  	v34 =	vshrl.u32 v3, $0x3  }
0x3c: {  	v4 =	vmul.u32 $0x18, v34  }
0x3d: {  	v3 =	vand.u32 $0x7, v3  }
0x3e: {  	v3 =	vor.u32 v3, v4  }
0x3f: {  	v4 =	vperm.xlane v3, v0;
	_ =	sdelay $0x1  }
0x40: {  	v4 =	vadd.s32 v1, v4;
	_ =	sdelay $0x1  }
0x41: {  	v3 =	vperm.xlane v3, v2;
	_ =	sdelay $0x1  }
0x42: {  	s13 =	simm.s32 $0x3080;
	v3 =	vadd.s32 v1, v3  }
0x43: {  	[hbm4b:s3+s2] =	stream.indirect_vreg.scatter [tilespmem:s13], [sflag:$0x1], $0x80, v4, vm0, $0xb8;
	[tilespmem:$0xC080] =	vst v63  }
0x44: {  	s15 =	simm.s32 $0x3880  }
0x45: {  	[hbm4b:s4+s2] =	stream.indirect_vreg.scatter [tilespmem:s15], [sflag:$0x1], $0x80, v4, vm1, $0xb8;
	[tilespmem:$0xC080] =	vst v63  }
0x46: {  	s16 =	simm.s32 $0x3C80  }
0x47: {  	[hbm4b:s3+s2] =	stream.indirect_vreg.scatter [tilespmem:s16], [sflag:$0x1], $0x80, v3, vm0, $0xb8;
	[tilespmem:$0xC080] =	vst v63  }
0x48: {  	s17 =	simm.s32 $0x4480  }
0x49: {  	[hbm4b:s4+s2] =	stream.indirect_vreg.scatter [tilespmem:s17], [sflag:$0x1], $0x80, v3, vm1, $0xb8;
	[tilespmem:$0xC080] =	vst v63  }
0x4a: {  	v3 =	vld [tilespmem:$0x30];
	_ =	sdelay $0x4  }
0x4b: {  	v35 =	vshrl.u32 v3, $0x3  }
0x4c: {  	v4 =	vmul.u32 $0x18, v35  }
0x4d: {  	v3 =	vand.u32 $0x7, v3  }
0x4e: {  	v3 =	vor.u32 v3, v4  }
0x4f: {  	v4 =	vperm.xlane v3, v0;
	_ =	sdelay $0x1  }
0x50: {  	v4 =	vadd.s32 v1, v4;
	_ =	sdelay $0x1  }
0x51: {  	v3 =	vperm.xlane v3, v2;
	_ =	sdelay $0x1  }
0x52: {  	s18 =	simm.s32 $0x4880;
	v3 =	vadd.s32 v1, v3  }
0x53: {  	[hbm4b:s3+s2] =	stream.indirect_vreg.scatter [tilespmem:s18], [sflag:$0x1], $0x80, v4, vm0, $0xb8;
	[tilespmem:$0xC080] =	vst v63  }
0x54: {  	s19 =	simm.s32 $0x5080  }
0x55: {  	[hbm4b:s4+s2] =	stream.indirect_vreg.scatter [tilespmem:s19], [sflag:$0x1], $0x80, v4, vm1, $0xb8;
	[tilespmem:$0xC080] =	vst v63  }
0x56: {  	s20 =	simm.s32 $0x5480  }
0x57: {  	[hbm4b:s3+s2] =	stream.indirect_vreg.scatter [tilespmem:s20], [sflag:$0x1], $0x80, v3, vm0, $0xb8;
	[tilespmem:$0xC080] =	vst v63  }
0x58: {  	s21 =	simm.s32 $0x5C80  }
0x59: {  	[hbm4b:s4+s2] =	stream.indirect_vreg.scatter [tilespmem:s21], [sflag:$0x1], $0x80, v3, vm1, $0xb8;
	[tilespmem:$0xC080] =	vst v63  }
0x5a: {  	v3 =	vld [tilespmem:$0x40];
	_ =	sdelay $0x4  }
0x5b: {  	v36 =	vshrl.u32 v3, $0x3  }
0x5c: {  	v4 =	vmul.u32 $0x18, v36  }
0x5d: {  	v3 =	vand.u32 $0x7, v3  }
0x5e: {  	v3 =	vor.u32 v3, v4  }
0x5f: {  	v4 =	vperm.xlane v3, v0;
	_ =	sdelay $0x1  }
0x60: {  	v4 =	vadd.s32 v1, v4;
	_ =	sdelay $0x1  }
0x61: {  	v3 =	vperm.xlane v3, v2;
	_ =	sdelay $0x1  }
0x62: {  	s22 =	simm.s32 $0x6080;
	v3 =	vadd.s32 v1, v3  }
0x63: {  	[hbm4b:s3+s2] =	stream.indirect_vreg.scatter [tilespmem:s22], [sflag:$0x1], $0x80, v4, vm0, $0xb8;
	[tilespmem:$0xC080] =	vst v63  }
0x64: {  	s23 =	simm.s32 $0x6880  }
0x65: {  	[hbm4b:s4+s2] =	stream.indirect_vreg.scatter [tilespmem:s23], [sflag:$0x1], $0x80, v4, vm1, $0xb8;
	[tilespmem:$0xC080] =	vst v63  }
0x66: {  	s24 =	simm.s32 $0x6C80  }
0x67: {  	[hbm4b:s3+s2] =	stream.indirect_vreg.scatter [tilespmem:s24], [sflag:$0x1], $0x80, v3, vm0, $0xb8;
	[tilespmem:$0xC080] =	vst v63  }
0x68: {  	s26 =	simm.s32 $0x7480  }
0x69: {  	[hbm4b:s4+s2] =	stream.indirect_vreg.scatter [tilespmem:s26], [sflag:$0x1], $0x80, v3, vm1, $0xb8;
	[tilespmem:$0xC080] =	vst v63  }
0x6a: {  	v3 =	vld [tilespmem:$0x50];
	_ =	sdelay $0x4  }
0x6b: {  	v37 =	vshrl.u32 v3, $0x3  }
0x6c: {  	v4 =	vmul.u32 $0x18, v37  }
0x6d: {  	v3 =	vand.u32 $0x7, v3  }
0x6e: {  	v3 =	vor.u32 v3, v4  }
0x6f: {  	v4 =	vperm.xlane v3, v0;
	_ =	sdelay $0x1  }
0x70: {  	v4 =	vadd.s32 v1, v4;
	_ =	sdelay $0x1  }
0x71: {  	v3 =	vperm.xlane v3, v2;
	_ =	sdelay $0x1  }
0x72: {  	s28 =	simm.s32 $0x7880;
	v3 =	vadd.s32 v1, v3  }
0x73: {  	[hbm4b:s3+s2] =	stream.indirect_vreg.scatter [tilespmem:s28], [sflag:$0x1], $0x80, v4, vm0, $0xb8;
	[tilespmem:$0xC080] =	vst v63  }
0x74: {  	s29 =	simm.s32 $0x8080  }
0x75: {  	[hbm4b:s4+s2] =	stream.indirect_vreg.scatter [tilespmem:s29], [sflag:$0x1], $0x80, v4, vm1, $0xb8;
	[tilespmem:$0xC080] =	vst v63  }
0x76: {  	s30 =	simm.s32 $0x8480  }
0x77: {  	[hbm4b:s3+s2] =	stream.indirect_vreg.scatter [tilespmem:s30], [sflag:$0x1], $0x80, v3, vm0, $0xb8;
	[tilespmem:$0xC080] =	vst v63  }
0x78: {  	s31 =	simm.s32 $0x8C80  }
0x79: {  	[hbm4b:s4+s2] =	stream.indirect_vreg.scatter [tilespmem:s31], [sflag:$0x1], $0x80, v3, vm1, $0xb8;
	[tilespmem:$0xC080] =	vst v63  }
0x7a: {  	v3 =	vld [tilespmem:$0x60];
	_ =	sdelay $0x4  }
0x7b: {  	v38 =	vshrl.u32 v3, $0x3  }
0x7c: {  	v4 =	vmul.u32 $0x18, v38  }
0x7d: {  	v3 =	vand.u32 $0x7, v3  }
0x7e: {  	v3 =	vor.u32 v3, v4  }
0x7f: {  	v4 =	vperm.xlane v3, v0;
	_ =	sdelay $0x1  }
0x80: {  	v4 =	vadd.s32 v1, v4;
	_ =	sdelay $0x1  }
0x81: {  	v3 =	vperm.xlane v3, v2;
	_ =	sdelay $0x1  }
0x82: {  	s0 =	simm.s32 $0x9080;
	v3 =	vadd.s32 v1, v3  }
0x83: {  	[hbm4b:s3+s2] =	stream.indirect_vreg.scatter [tilespmem:s0], [sflag:$0x1], $0x80, v4, vm0, $0xb8;
	[tilespmem:$0xC080] =	vst v63  }
0x84: {  	s13 =	simm.s32 $0x9880  }
0x85: {  	[hbm4b:s4+s2] =	stream.indirect_vreg.scatter [tilespmem:s13], [sflag:$0x1], $0x80, v4, vm1, $0xb8;
	[tilespmem:$0xC080] =	vst v63  }
0x86: {  	s16 =	simm.s32 $0x9C80  }
0x87: {  	[hbm4b:s3+s2] =	stream.indirect_vreg.scatter [tilespmem:s16], [sflag:$0x1], $0x80, v3, vm0, $0xb8;
	[tilespmem:$0xC080] =	vst v63  }
0x88: {  	s17 =	simm.s32 $0xA480  }
0x89: {  	[hbm4b:s4+s2] =	stream.indirect_vreg.scatter [tilespmem:s17], [sflag:$0x1], $0x80, v3, vm1, $0xb8;
	[tilespmem:$0xC080] =	vst v63  }
0x8a: {  	v3 =	vld [tilespmem:$0x70];
	_ =	sdelay $0x4  }
0x8b: {  	v39 =	vshrl.u32 v3, $0x3  }
0x8c: {  	v4 =	vmul.u32 $0x18, v39  }
0x8d: {  	v3 =	vand.u32 $0x7, v3  }
0x8e: {  	v3 =	vor.u32 v3, v4  }
0x8f: {  	v4 =	vperm.xlane v3, v0;
	_ =	sdelay $0x1  }
0x90: {  	v4 =	vadd.s32 v1, v4;
	_ =	sdelay $0x1  }
0x91: {  	v3 =	vperm.xlane v3, v2;
	_ =	sdelay $0x1  }
0x92: {  	s18 =	simm.s32 $0xA880;
	v3 =	vadd.s32 v1, v3  }
0x93: {  	[hbm4b:s3+s2] =	stream.indirect_vreg.scatter [tilespmem:s18], [sflag:$0x1], $0x80, v4, vm0, $0xb8;
	[tilespmem:$0xC080] =	vst v63  }
0x94: {  	s19 =	simm.s32 $0xB080  }
0x95: {  	[hbm4b:s4+s2] =	stream.indirect_vreg.scatter [tilespmem:s19], [sflag:$0x1], $0x80, v4, vm1, $0xb8;
	[tilespmem:$0xC080] =	vst v63  }
0x96: {  	s20 =	simm.s32 $0xB480  }
0x97: {  	[hbm4b:s3+s2] =	stream.indirect_vreg.scatter [tilespmem:s20], [sflag:$0x1], $0x80, v3, vm0, $0xb8;
	[tilespmem:$0xC080] =	vst v63  }
0x98: {  	s21 =	simm.s32 $0xBC80  }
0x99: {  	[hbm4b:s4+s2] =	stream.indirect_vreg.scatter [tilespmem:s21], [sflag:$0x1], $0x80, v3, vm1, $0xb8;
	[tilespmem:$0xC080] =	vst v63  }
0x9a: {  	_ =	swait.ge [sflag:s14], $0xC000  }
0x9b: {  	[sflag:s14] =	ssyncset.done $0x0  }
0x9c: {  	s24 =	rddreg [dreg:$0x5];
	[sflag:s14] =	ssyncadd.s32 $0xFFFF4000  }
0x9d: {  	[tilespmem:s2], [sflag:$0x2] =	stream.linear.gather [hbm4b:s24+s2], $0x80, $0x38;
	[tilespmem:$0xC080] =	vst v63  }
0x9e: {  	_ =	swait.ge [sflag:s6], $0x80  }
0x9f: {  	[sflag:s6] =	ssyncset.done $0x0  }
0xa0: {  	s26 =	rddreg [dreg:$0x6];
	[sflag:s6] =	ssyncadd.s32 $0xFFFFFF80  }
0xa1: {  	[tilespmem:s25], [sflag:$0x2] =	stream.linear.gather [hbm4b:s26+s2], $0xC000, $0x38;
	[tilespmem:$0xC080] =	vst v63  }
0xa2: {  	_ =	swait.ge [sflag:s6], $0xC000  }
0xa3: {  	[sflag:s6] =	ssyncset.done $0x0  }
0xa4: {  	[sflag:s6] =	ssyncadd.s32 $0xFFFF4000  }
0xa5: {  	v3 =	vld [tilespmem:$0x0];
	_ =	sdelay $0x4  }
0xa6: {  	v40 =	vshrl.u32 v3, $0x3  }
0xa7: {  	v4 =	vmul.u32 $0x18, v40  }
0xa8: {  	v3 =	vand.u32 $0x7, v3  }
0xa9: {  	v3 =	vor.u32 v3, v4  }
0xaa: {  	v4 =	vperm.xlane v3, v0;
	_ =	sdelay $0x1  }
0xab: {  	v4 =	vadd.s32 v1, v4;
	_ =	sdelay $0x1  }
0xac: {  	v3 =	vperm.xlane v3, v2;
	_ =	sdelay $0x1  }
0xad: {  	v3 =	vadd.s32 v1, v3  }
0xae: {  	[hbm4b:s3+s2] =	stream.indirect_vreg.scatter [tilespmem:s25], [sflag:$0x1], $0x80, v4, vm0, $0xb8;
	[tilespmem:$0xC080] =	vst v63  }
0xaf: {  	s1 =	simm.s32 $0x880  }
0xb0: {  	[hbm4b:s4+s2] =	stream.indirect_vreg.scatter [tilespmem:s1], [sflag:$0x1], $0x80, v4, vm1, $0xb8;
	[tilespmem:$0xC080] =	vst v63  }
0xb1: {  	s7 =	simm.s32 $0xC80  }
0xb2: {  	[hbm4b:s3+s2] =	stream.indirect_vreg.scatter [tilespmem:s7], [sflag:$0x1], $0x80, v3, vm0, $0xb8;
	[tilespmem:$0xC080] =	vst v63  }
0xb3: {  	s16 =	simm.s32 $0x1480  }
0xb4: {  	[hbm4b:s4+s2] =	stream.indirect_vreg.scatter [tilespmem:s16], [sflag:$0x1], $0x80, v3, vm1, $0xb8;
	[tilespmem:$0xC080] =	vst v63  }
0xb5: {  	v3 =	vld [tilespmem:$0x10];
	_ =	sdelay $0x4  }
0xb6: {  	v41 =	vshrl.u32 v3, $0x3  }
0xb7: {  	v4 =	vmul.u32 $0x18, v41  }
0xb8: {  	v3 =	vand.u32 $0x7, v3  }
0xb9: {  	v3 =	vor.u32 v3, v4  }
0xba: {  	v4 =	vperm.xlane v3, v0;
	_ =	sdelay $0x1  }
0xbb: {  	v4 =	vadd.s32 v1, v4;
	_ =	sdelay $0x1  }
0xbc: {  	v3 =	vperm.xlane v3, v2;
	_ =	sdelay $0x1  }
0xbd: {  	s8 =	simm.s32 $0x1880;
	v3 =	vadd.s32 v1, v3  }
0xbe: {  	[hbm4b:s3+s2] =	stream.indirect_vreg.scatter [tilespmem:s8], [sflag:$0x1], $0x80, v4, vm0, $0xb8;
	[tilespmem:$0xC080] =	vst v63  }
0xbf: {  	s9 =	simm.s32 $0x2080  }
0xc0: {  	[hbm4b:s4+s2] =	stream.indirect_vreg.scatter [tilespmem:s9], [sflag:$0x1], $0x80, v4, vm1, $0xb8;
	[tilespmem:$0xC080] =	vst v63  }
0xc1: {  	s10 =	simm.s32 $0x2480  }
0xc2: {  	[hbm4b:s3+s2] =	stream.indirect_vreg.scatter [tilespmem:s10], [sflag:$0x1], $0x80, v3, vm0, $0xb8;
	[tilespmem:$0xC080] =	vst v63  }
0xc3: {  	s12 =	simm.s32 $0x2C80  }
0xc4: {  	[hbm4b:s4+s2] =	stream.indirect_vreg.scatter [tilespmem:s12], [sflag:$0x1], $0x80, v3, vm1, $0xb8;
	[tilespmem:$0xC080] =	vst v63  }
0xc5: {  	v3 =	vld [tilespmem:$0x20];
	_ =	sdelay $0x4  }
0xc6: {  	v42 =	vshrl.u32 v3, $0x3  }
0xc7: {  	v4 =	vmul.u32 $0x18, v42  }
0xc8: {  	v3 =	vand.u32 $0x7, v3  }
0xc9: {  	v3 =	vor.u32 v3, v4  }
0xca: {  	v4 =	vperm.xlane v3, v0;
	_ =	sdelay $0x1  }
0xcb: {  	v4 =	vadd.s32 v1, v4;
	_ =	sdelay $0x1  }
0xcc: {  	v3 =	vperm.xlane v3, v2;
	_ =	sdelay $0x1  }
0xcd: {  	s11 =	simm.s32 $0x3080;
	v3 =	vadd.s32 v1, v3  }
0xce: {  	[hbm4b:s3+s2] =	stream.indirect_vreg.scatter [tilespmem:s11], [sflag:$0x1], $0x80, v4, vm0, $0xb8;
	[tilespmem:$0xC080] =	vst v63  }
0xcf: {  	s24 =	simm.s32 $0x3880  }
0xd0: {  	[hbm4b:s4+s2] =	stream.indirect_vreg.scatter [tilespmem:s24], [sflag:$0x1], $0x80, v4, vm1, $0xb8;
	[tilespmem:$0xC080] =	vst v63  }
0xd1: {  	s12 =	simm.s32 $0x3C80  }
0xd2: {  	[hbm4b:s3+s2] =	stream.indirect_vreg.scatter [tilespmem:s12], [sflag:$0x1], $0x80, v3, vm0, $0xb8;
	[tilespmem:$0xC080] =	vst v63  }
0xd3: {  	s13 =	simm.s32 $0x4480  }
0xd4: {  	[hbm4b:s4+s2] =	stream.indirect_vreg.scatter [tilespmem:s13], [sflag:$0x1], $0x80, v3, vm1, $0xb8;
	[tilespmem:$0xC080] =	vst v63  }
0xd5: {  	v3 =	vld [tilespmem:$0x30];
	_ =	sdelay $0x4  }
0xd6: {  	v43 =	vshrl.u32 v3, $0x3  }
0xd7: {  	v4 =	vmul.u32 $0x18, v43  }
0xd8: {  	v3 =	vand.u32 $0x7, v3  }
0xd9: {  	v3 =	vor.u32 v3, v4  }
0xda: {  	v4 =	vperm.xlane v3, v0;
	_ =	sdelay $0x1  }
0xdb: {  	v4 =	vadd.s32 v1, v4;
	_ =	sdelay $0x1  }
0xdc: {  	v3 =	vperm.xlane v3, v2;
	_ =	sdelay $0x1  }
0xdd: {  	s17 =	simm.s32 $0x4880;
	v3 =	vadd.s32 v1, v3  }
0xde: {  	[hbm4b:s3+s2] =	stream.indirect_vreg.scatter [tilespmem:s17], [sflag:$0x1], $0x80, v4, vm0, $0xb8;
	[tilespmem:$0xC080] =	vst v63  }
0xdf: {  	s18 =	simm.s32 $0x5080  }
0xe0: {  	[hbm4b:s4+s2] =	stream.indirect_vreg.scatter [tilespmem:s18], [sflag:$0x1], $0x80, v4, vm1, $0xb8;
	[tilespmem:$0xC080] =	vst v63  }
0xe1: {  	s19 =	simm.s32 $0x5480  }
0xe2: {  	[hbm4b:s3+s2] =	stream.indirect_vreg.scatter [tilespmem:s19], [sflag:$0x1], $0x80, v3, vm0, $0xb8;
	[tilespmem:$0xC080] =	vst v63  }
0xe3: {  	s20 =	simm.s32 $0x5C80  }
0xe4: {  	[hbm4b:s4+s2] =	stream.indirect_vreg.scatter [tilespmem:s20], [sflag:$0x1], $0x80, v3, vm1, $0xb8;
	[tilespmem:$0xC080] =	vst v63  }
0xe5: {  	v3 =	vld [tilespmem:$0x40];
	_ =	sdelay $0x4  }
0xe6: {  	v44 =	vshrl.u32 v3, $0x3  }
0xe7: {  	v4 =	vmul.u32 $0x18, v44  }
0xe8: {  	v3 =	vand.u32 $0x7, v3  }
0xe9: {  	v3 =	vor.u32 v3, v4  }
0xea: {  	v4 =	vperm.xlane v3, v0;
	_ =	sdelay $0x1  }
0xeb: {  	v4 =	vadd.s32 v1, v4;
	_ =	sdelay $0x1  }
0xec: {  	v3 =	vperm.xlane v3, v2;
	_ =	sdelay $0x1  }
0xed: {  	s0 =	simm.s32 $0x6080;
	v3 =	vadd.s32 v1, v3  }
0xee: {  	[hbm4b:s3+s2] =	stream.indirect_vreg.scatter [tilespmem:s0], [sflag:$0x1], $0x80, v4, vm0, $0xb8;
	[tilespmem:$0xC080] =	vst v63  }
0xef: {  	s1 =	simm.s32 $0x6880  }
0xf0: {  	[hbm4b:s4+s2] =	stream.indirect_vreg.scatter [tilespmem:s1], [sflag:$0x1], $0x80, v4, vm1, $0xb8;
	[tilespmem:$0xC080] =	vst v63  }
0xf1: {  	s7 =	simm.s32 $0x6C80  }
0xf2: {  	[hbm4b:s3+s2] =	stream.indirect_vreg.scatter [tilespmem:s7], [sflag:$0x1], $0x80, v3, vm0, $0xb8;
	[tilespmem:$0xC080] =	vst v63  }
0xf3: {  	s11 =	simm.s32 $0x7480  }
0xf4: {  	[hbm4b:s4+s2] =	stream.indirect_vreg.scatter [tilespmem:s11], [sflag:$0x1], $0x80, v3, vm1, $0xb8;
	[tilespmem:$0xC080] =	vst v63  }
0xf5: {  	v3 =	vld [tilespmem:$0x50];
	_ =	sdelay $0x4  }
0xf6: {  	v45 =	vshrl.u32 v3, $0x3  }
0xf7: {  	v4 =	vmul.u32 $0x18, v45  }
0xf8: {  	v3 =	vand.u32 $0x7, v3  }
0xf9: {  	v3 =	vor.u32 v3, v4  }
0xfa: {  	v4 =	vperm.xlane v3, v0;
	_ =	sdelay $0x1  }
0xfb: {  	v4 =	vadd.s32 v1, v4;
	_ =	sdelay $0x1  }
0xfc: {  	v3 =	vperm.xlane v3, v2;
	_ =	sdelay $0x1  }
0xfd: {  	s8 =	simm.s32 $0x7880;
	v3 =	vadd.s32 v1, v3  }
0xfe: {  	[hbm4b:s3+s2] =	stream.indirect_vreg.scatter [tilespmem:s8], [sflag:$0x1], $0x80, v4, vm0, $0xb8;
	[tilespmem:$0xC080] =	vst v63  }
0xff: {  	s9 =	simm.s32 $0x8080  }
0x100: {  	[hbm4b:s4+s2] =	stream.indirect_vreg.scatter [tilespmem:s9], [sflag:$0x1], $0x80, v4, vm1, $0xb8;
	[tilespmem:$0xC080] =	vst v63  }
0x101: {  	s10 =	simm.s32 $0x8480  }
0x102: {  	[hbm4b:s3+s2] =	stream.indirect_vreg.scatter [tilespmem:s10], [sflag:$0x1], $0x80, v3, vm0, $0xb8;
	[tilespmem:$0xC080] =	vst v63  }
0x103: {  	s23 =	simm.s32 $0x8C80  }
0x104: {  	[hbm4b:s4+s2] =	stream.indirect_vreg.scatter [tilespmem:s23], [sflag:$0x1], $0x80, v3, vm1, $0xb8;
	[tilespmem:$0xC080] =	vst v63  }
0x105: {  	v3 =	vld [tilespmem:$0x60];
	_ =	sdelay $0x4  }
0x106: {  	v46 =	vshrl.u32 v3, $0x3  }
0x107: {  	v4 =	vmul.u32 $0x18, v46  }
0x108: {  	v3 =	vand.u32 $0x7, v3  }
0x109: {  	v3 =	vor.u32 v3, v4  }
0x10a: {  	v4 =	vperm.xlane v3, v0;
	_ =	sdelay $0x1  }
0x10b: {  	v4 =	vadd.s32 v1, v4;
	_ =	sdelay $0x1  }
0x10c: {  	v3 =	vperm.xlane v3, v2;
	_ =	sdelay $0x1  }
0x10d: {  	s30 =	simm.s32 $0x9080;
	v3 =	vadd.s32 v1, v3  }
0x10e: {  	[hbm4b:s3+s2] =	stream.indirect_vreg.scatter [tilespmem:s30], [sflag:$0x1], $0x80, v4, vm0, $0xb8;
	[tilespmem:$0xC080] =	vst v63  }
0x10f: {  	s28 =	simm.s32 $0x9880  }
0x110: {  	[hbm4b:s4+s2] =	stream.indirect_vreg.scatter [tilespmem:s28], [sflag:$0x1], $0x80, v4, vm1, $0xb8;
	[tilespmem:$0xC080] =	vst v63  }
0x111: {  	s29 =	simm.s32 $0x9C80  }
0x112: {  	[hbm4b:s3+s2] =	stream.indirect_vreg.scatter [tilespmem:s29], [sflag:$0x1], $0x80, v3, vm0, $0xb8;
	[tilespmem:$0xC080] =	vst v63  }
0x113: {  	s22 =	simm.s32 $0xA480  }
0x114: {  	[hbm4b:s4+s2] =	stream.indirect_vreg.scatter [tilespmem:s22], [sflag:$0x1], $0x80, v3, vm1, $0xb8;
	[tilespmem:$0xC080] =	vst v63  }
0x115: {  	v3 =	vld [tilespmem:$0x70];
	_ =	sdelay $0x4  }
0x116: {  	v47 =	vshrl.u32 v3, $0x3  }
0x117: {  	v4 =	vmul.u32 $0x18, v47  }
0x118: {  	v3 =	vand.u32 $0x7, v3  }
0x119: {  	v3 =	vor.u32 v3, v4  }
0x11a: {  	v4 =	vperm.xlane v3, v0;
	_ =	sdelay $0x1  }
0x11b: {  	v4 =	vadd.s32 v1, v4;
	_ =	sdelay $0x1  }
0x11c: {  	v3 =	vperm.xlane v3, v2;
	_ =	sdelay $0x1  }
0x11d: {  	s28 =	simm.s32 $0xA880;
	v3 =	vadd.s32 v1, v3  }
0x11e: {  	[hbm4b:s3+s2] =	stream.indirect_vreg.scatter [tilespmem:s28], [sflag:$0x1], $0x80, v4, vm0, $0xb8;
	[tilespmem:$0xC080] =	vst v63  }
0x11f: {  	s29 =	simm.s32 $0xB080  }
0x120: {  	[hbm4b:s4+s2] =	stream.indirect_vreg.scatter [tilespmem:s29], [sflag:$0x1], $0x80, v4, vm1, $0xb8;
	[tilespmem:$0xC080] =	vst v63  }
0x121: {  	s30 =	simm.s32 $0xB480  }
0x122: {  	[hbm4b:s3+s2] =	stream.indirect_vreg.scatter [tilespmem:s30], [sflag:$0x1], $0x80, v3, vm0, $0xb8;
	[tilespmem:$0xC080] =	vst v63  }
0x123: {  	s21 =	simm.s32 $0xBC80  }
0x124: {  	[hbm4b:s4+s2] =	stream.indirect_vreg.scatter [tilespmem:s21], [sflag:$0x1], $0x80, v3, vm1, $0xb8;
	[tilespmem:$0xC080] =	vst v63  }
0x125: {  	_ =	swait.ge [sflag:s14], $0xC000  }
0x126: {  	[sflag:s14] =	ssyncset.done $0x0  }
0x127: {  	s21 =	rddreg [dreg:$0x7];
	[sflag:s14] =	ssyncadd.s32 $0xFFFF4000  }
0x128: {  	[tilespmem:s2], [sflag:$0x2] =	stream.linear.gather [hbm4b:s21+s2], $0x80, $0x38;
	[tilespmem:$0xC080] =	vst v63  }
0x129: {  	_ =	swait.ge [sflag:s6], $0x80  }
0x12a: {  	[sflag:s6] =	ssyncset.done $0x0  }
0x12b: {  	s22 =	rddreg [dreg:$0x8];
	[sflag:s6] =	ssyncadd.s32 $0xFFFFFF80  }
0x12c: {  	[tilespmem:s25], [sflag:$0x2] =	stream.linear.gather [hbm4b:s22+s2], $0xC000, $0x38;
	[tilespmem:$0xC080] =	vst v63  }
0x12d: {  	_ =	swait.ge [sflag:s6], $0xC000  }
0x12e: {  	[sflag:s6] =	ssyncset.done $0x0  }
0x12f: {  	[sflag:s6] =	ssyncadd.s32 $0xFFFF4000  }
0x130: {  	v3 =	vld [tilespmem:$0x0];
	_ =	sdelay $0x4  }
0x131: {  	v48 =	vshrl.u32 v3, $0x3  }
0x132: {  	v4 =	vmul.u32 $0x18, v48  }
0x133: {  	v3 =	vand.u32 $0x7, v3  }
0x134: {  	v3 =	vor.u32 v3, v4  }
0x135: {  	v4 =	vperm.xlane v3, v0;
	_ =	sdelay $0x1  }
0x136: {  	v4 =	vadd.s32 v1, v4;
	_ =	sdelay $0x1  }
0x137: {  	v3 =	vperm.xlane v3, v2;
	_ =	sdelay $0x1  }
0x138: {  	v3 =	vadd.s32 v1, v3  }
0x139: {  	[hbm4b:s3+s2] =	stream.indirect_vreg.scatter [tilespmem:s25], [sflag:$0x1], $0x80, v4, vm0, $0xb8;
	[tilespmem:$0xC080] =	vst v63  }
0x13a: {  	s26 =	simm.s32 $0x880  }
0x13b: {  	[hbm4b:s4+s2] =	stream.indirect_vreg.scatter [tilespmem:s26], [sflag:$0x1], $0x80, v4, vm1, $0xb8;
	[tilespmem:$0xC080] =	vst v63  }
0x13c: {  	s26 =	simm.s32 $0xC80  }
0x13d: {  	[hbm4b:s3+s2] =	stream.indirect_vreg.scatter [tilespmem:s26], [sflag:$0x1], $0x80, v3, vm0, $0xb8;
	[tilespmem:$0xC080] =	vst v63  }
0x13e: {  	_ = 	snop  }
0x13f: {  	[hbm4b:s4+s2] =	stream.indirect_vreg.scatter [tilespmem:s16], [sflag:$0x1], $0x80, v3, vm1, $0xb8;
	[tilespmem:$0xC080] =	vst v63  }
0x140: {  	v3 =	vld [tilespmem:$0x10];
	_ =	sdelay $0x4  }
0x141: {  	v49 =	vshrl.u32 v3, $0x3  }
0x142: {  	v4 =	vmul.u32 $0x18, v49  }
0x143: {  	v3 =	vand.u32 $0x7, v3  }
0x144: {  	v3 =	vor.u32 v3, v4  }
0x145: {  	v4 =	vperm.xlane v3, v0;
	_ =	sdelay $0x1  }
0x146: {  	v4 =	vadd.s32 v1, v4;
	_ =	sdelay $0x1  }
0x147: {  	v3 =	vperm.xlane v3, v2;
	_ =	sdelay $0x1  }
0x148: {  	s16 =	simm.s32 $0x1880;
	v3 =	vadd.s32 v1, v3  }
0x149: {  	[hbm4b:s3+s2] =	stream.indirect_vreg.scatter [tilespmem:s16], [sflag:$0x1], $0x80, v4, vm0, $0xb8;
	[tilespmem:$0xC080] =	vst v63  }
0x14a: {  	s26 =	simm.s32 $0x2080  }
0x14b: {  	[hbm4b:s4+s2] =	stream.indirect_vreg.scatter [tilespmem:s26], [sflag:$0x1], $0x80, v4, vm1, $0xb8;
	[tilespmem:$0xC080] =	vst v63  }
0x14c: {  	s16 =	simm.s32 $0x2480  }
0x14d: {  	[hbm4b:s3+s2] =	stream.indirect_vreg.scatter [tilespmem:s16], [sflag:$0x1], $0x80, v3, vm0, $0xb8;
	[tilespmem:$0xC080] =	vst v63  }
0x14e: {  	s26 =	simm.s32 $0x2C80  }
0x14f: {  	[hbm4b:s4+s2] =	stream.indirect_vreg.scatter [tilespmem:s26], [sflag:$0x1], $0x80, v3, vm1, $0xb8;
	[tilespmem:$0xC080] =	vst v63  }
0x150: {  	v3 =	vld [tilespmem:$0x20];
	_ =	sdelay $0x4  }
0x151: {  	v50 =	vshrl.u32 v3, $0x3  }
0x152: {  	v4 =	vmul.u32 $0x18, v50  }
0x153: {  	v3 =	vand.u32 $0x7, v3  }
0x154: {  	v3 =	vor.u32 v3, v4  }
0x155: {  	v4 =	vperm.xlane v3, v0;
	_ =	sdelay $0x1  }
0x156: {  	v4 =	vadd.s32 v1, v4;
	_ =	sdelay $0x1  }
0x157: {  	v3 =	vperm.xlane v3, v2;
	_ =	sdelay $0x1  }
0x158: {  	s16 =	simm.s32 $0x3080;
	v3 =	vadd.s32 v1, v3  }
0x159: {  	[hbm4b:s3+s2] =	stream.indirect_vreg.scatter [tilespmem:s16], [sflag:$0x1], $0x80, v4, vm0, $0xb8;
	[tilespmem:$0xC080] =	vst v63  }
0x15a: {  	_ = 	snop  }
0x15b: {  	[hbm4b:s4+s2] =	stream.indirect_vreg.scatter [tilespmem:s24], [sflag:$0x1], $0x80, v4, vm1, $0xb8;
	[tilespmem:$0xC080] =	vst v63  }
0x15c: {  	_ = 	snop  }
0x15d: {  	[hbm4b:s3+s2] =	stream.indirect_vreg.scatter [tilespmem:s12], [sflag:$0x1], $0x80, v3, vm0, $0xb8;
	[tilespmem:$0xC080] =	vst v63  }
0x15e: {  	_ = 	snop  }
0x15f: {  	[hbm4b:s4+s2] =	stream.indirect_vreg.scatter [tilespmem:s13], [sflag:$0x1], $0x80, v3, vm1, $0xb8;
	[tilespmem:$0xC080] =	vst v63  }
0x160: {  	v3 =	vld [tilespmem:$0x30];
	_ =	sdelay $0x4  }
0x161: {  	v51 =	vshrl.u32 v3, $0x3  }
0x162: {  	v4 =	vmul.u32 $0x18, v51  }
0x163: {  	v3 =	vand.u32 $0x7, v3  }
0x164: {  	v3 =	vor.u32 v3, v4  }
0x165: {  	v4 =	vperm.xlane v3, v0;
	_ =	sdelay $0x1  }
0x166: {  	v4 =	vadd.s32 v1, v4;
	_ =	sdelay $0x1  }
0x167: {  	v3 =	vperm.xlane v3, v2;
	_ =	sdelay $0x1  }
0x168: {  	v3 =	vadd.s32 v1, v3  }
0x169: {  	[hbm4b:s3+s2] =	stream.indirect_vreg.scatter [tilespmem:s17], [sflag:$0x1], $0x80, v4, vm0, $0xb8;
	[tilespmem:$0xC080] =	vst v63  }
0x16a: {  	_ = 	snop  }
0x16b: {  	[hbm4b:s4+s2] =	stream.indirect_vreg.scatter [tilespmem:s18], [sflag:$0x1], $0x80, v4, vm1, $0xb8;
	[tilespmem:$0xC080] =	vst v63  }
0x16c: {  	_ = 	snop  }
0x16d: {  	[hbm4b:s3+s2] =	stream.indirect_vreg.scatter [tilespmem:s19], [sflag:$0x1], $0x80, v3, vm0, $0xb8;
	[tilespmem:$0xC080] =	vst v63  }
0x16e: {  	_ = 	snop  }
0x16f: {  	[hbm4b:s4+s2] =	stream.indirect_vreg.scatter [tilespmem:s20], [sflag:$0x1], $0x80, v3, vm1, $0xb8;
	[tilespmem:$0xC080] =	vst v63  }
0x170: {  	v3 =	vld [tilespmem:$0x40];
	_ =	sdelay $0x4  }
0x171: {  	v52 =	vshrl.u32 v3, $0x3  }
0x172: {  	v4 =	vmul.u32 $0x18, v52  }
0x173: {  	v3 =	vand.u32 $0x7, v3  }
0x174: {  	v3 =	vor.u32 v3, v4  }
0x175: {  	v4 =	vperm.xlane v3, v0;
	_ =	sdelay $0x1  }
0x176: {  	v4 =	vadd.s32 v1, v4;
	_ =	sdelay $0x1  }
0x177: {  	v3 =	vperm.xlane v3, v2;
	_ =	sdelay $0x1  }
0x178: {  	v3 =	vadd.s32 v1, v3  }
0x179: {  	[hbm4b:s3+s2] =	stream.indirect_vreg.scatter [tilespmem:s0], [sflag:$0x1], $0x80, v4, vm0, $0xb8;
	[tilespmem:$0xC080] =	vst v63  }
0x17a: {  	_ = 	snop  }
0x17b: {  	[hbm4b:s4+s2] =	stream.indirect_vreg.scatter [tilespmem:s1], [sflag:$0x1], $0x80, v4, vm1, $0xb8;
	[tilespmem:$0xC080] =	vst v63  }
0x17c: {  	_ = 	snop  }
0x17d: {  	[hbm4b:s3+s2] =	stream.indirect_vreg.scatter [tilespmem:s7], [sflag:$0x1], $0x80, v3, vm0, $0xb8;
	[tilespmem:$0xC080] =	vst v63  }
0x17e: {  	_ = 	snop  }
0x17f: {  	[hbm4b:s4+s2] =	stream.indirect_vreg.scatter [tilespmem:s11], [sflag:$0x1], $0x80, v3, vm1, $0xb8;
	[tilespmem:$0xC080] =	vst v63  }
0x180: {  	v3 =	vld [tilespmem:$0x50];
	_ =	sdelay $0x4  }
0x181: {  	v53 =	vshrl.u32 v3, $0x3  }
0x182: {  	v4 =	vmul.u32 $0x18, v53  }
0x183: {  	v3 =	vand.u32 $0x7, v3  }
0x184: {  	v3 =	vor.u32 v3, v4  }
0x185: {  	v4 =	vperm.xlane v3, v0;
	_ =	sdelay $0x1  }
0x186: {  	v4 =	vadd.s32 v1, v4;
	_ =	sdelay $0x1  }
0x187: {  	v3 =	vperm.xlane v3, v2;
	_ =	sdelay $0x1  }
0x188: {  	v3 =	vadd.s32 v1, v3  }
0x189: {  	[hbm4b:s3+s2] =	stream.indirect_vreg.scatter [tilespmem:s8], [sflag:$0x1], $0x80, v4, vm0, $0xb8;
	[tilespmem:$0xC080] =	vst v63  }
0x18a: {  	_ = 	snop  }
0x18b: {  	[hbm4b:s4+s2] =	stream.indirect_vreg.scatter [tilespmem:s9], [sflag:$0x1], $0x80, v4, vm1, $0xb8;
	[tilespmem:$0xC080] =	vst v63  }
0x18c: {  	_ = 	snop  }
0x18d: {  	[hbm4b:s3+s2] =	stream.indirect_vreg.scatter [tilespmem:s10], [sflag:$0x1], $0x80, v3, vm0, $0xb8;
	[tilespmem:$0xC080] =	vst v63  }
0x18e: {  	s26 =	simm.s32 $0x8C80  }
0x18f: {  	[hbm4b:s4+s2] =	stream.indirect_vreg.scatter [tilespmem:s26], [sflag:$0x1], $0x80, v3, vm1, $0xb8;
	[tilespmem:$0xC080] =	vst v63  }
0x190: {  	v3 =	vld [tilespmem:$0x60];
	_ =	sdelay $0x4  }
0x191: {  	v54 =	vshrl.u32 v3, $0x3  }
0x192: {  	v4 =	vmul.u32 $0x18, v54  }
0x193: {  	v3 =	vand.u32 $0x7, v3  }
0x194: {  	v3 =	vor.u32 v3, v4  }
0x195: {  	v4 =	vperm.xlane v3, v0;
	_ =	sdelay $0x1  }
0x196: {  	v4 =	vadd.s32 v1, v4;
	_ =	sdelay $0x1  }
0x197: {  	v3 =	vperm.xlane v3, v2;
	_ =	sdelay $0x1  }
0x198: {  	s31 =	simm.s32 $0x9080;
	v3 =	vadd.s32 v1, v3  }
0x199: {  	[hbm4b:s3+s2] =	stream.indirect_vreg.scatter [tilespmem:s31], [sflag:$0x1], $0x80, v4, vm0, $0xb8;
	[tilespmem:$0xC080] =	vst v63  }
0x19a: {  	s24 =	simm.s32 $0x9880  }
0x19b: {  	[hbm4b:s4+s2] =	stream.indirect_vreg.scatter [tilespmem:s24], [sflag:$0x1], $0x80, v4, vm1, $0xb8;
	[tilespmem:$0xC080] =	vst v63  }
0x19c: {  	s23 =	simm.s32 $0x9C80  }
0x19d: {  	[hbm4b:s3+s2] =	stream.indirect_vreg.scatter [tilespmem:s23], [sflag:$0x1], $0x80, v3, vm0, $0xb8;
	[tilespmem:$0xC080] =	vst v63  }
0x19e: {  	s26 =	simm.s32 $0xA480  }
0x19f: {  	[hbm4b:s4+s2] =	stream.indirect_vreg.scatter [tilespmem:s26], [sflag:$0x1], $0x80, v3, vm1, $0xb8;
	[tilespmem:$0xC080] =	vst v63  }
0x1a0: {  	v3 =	vld [tilespmem:$0x70];
	_ =	sdelay $0x4  }
0x1a1: {  	v55 =	vshrl.u32 v3, $0x3  }
0x1a2: {  	v4 =	vmul.u32 $0x18, v55  }
0x1a3: {  	v3 =	vand.u32 $0x7, v3  }
0x1a4: {  	v3 =	vor.u32 v3, v4  }
0x1a5: {  	v4 =	vperm.xlane v3, v0;
	_ =	sdelay $0x1  }
0x1a6: {  	v4 =	vadd.s32 v1, v4;
	_ =	sdelay $0x1  }
0x1a7: {  	v3 =	vperm.xlane v3, v2;
	_ =	sdelay $0x1  }
0x1a8: {  	s28 =	simm.s32 $0xA880;
	v3 =	vadd.s32 v1, v3  }
0x1a9: {  	[hbm4b:s3+s2] =	stream.indirect_vreg.scatter [tilespmem:s28], [sflag:$0x1], $0x80, v4, vm0, $0xb8;
	[tilespmem:$0xC080] =	vst v63  }
0x1aa: {  	s29 =	simm.s32 $0xB080  }
0x1ab: {  	[hbm4b:s4+s2] =	stream.indirect_vreg.scatter [tilespmem:s29], [sflag:$0x1], $0x80, v4, vm1, $0xb8;
	[tilespmem:$0xC080] =	vst v63  }
0x1ac: {  	s30 =	simm.s32 $0xB480  }
0x1ad: {  	[hbm4b:s3+s2] =	stream.indirect_vreg.scatter [tilespmem:s30], [sflag:$0x1], $0x80, v3, vm0, $0xb8;
	[tilespmem:$0xC080] =	vst v63  }
0x1ae: {  	s29 =	simm.s32 $0xBC80  }
0x1af: {  	[hbm4b:s4+s2] =	stream.indirect_vreg.scatter [tilespmem:s29], [sflag:$0x1], $0x80, v3, vm1, $0xb8;
	[tilespmem:$0xC080] =	vst v63  }
0x1b0: {  	_ =	swait.ge [sflag:s14], $0xC000  }
0x1b1: {  	[sflag:s14] =	ssyncset.done $0x0  }
0x1b2: {  	s30 =	rddreg [dreg:$0x9];
	[sflag:s14] =	ssyncadd.s32 $0xFFFF4000  }
0x1b3: {  	[tilespmem:s2], [sflag:$0x2] =	stream.linear.gather [hbm4b:s30+s2], $0x80, $0x38;
	[tilespmem:$0xC080] =	vst v63  }
0x1b4: {  	_ =	swait.ge [sflag:s6], $0x80  }
0x1b5: {  	[sflag:s6] =	ssyncset.done $0x0  }
0x1b6: {  	s30 =	rddreg [dreg:$0xa];
	[sflag:s6] =	ssyncadd.s32 $0xFFFFFF80  }
0x1b7: {  	[tilespmem:s25], [sflag:$0x2] =	stream.linear.gather [hbm4b:s30+s2], $0xC000, $0x38;
	[tilespmem:$0xC080] =	vst v63  }
0x1b8: {  	_ =	swait.ge [sflag:s6], $0xC000  }
0x1b9: {  	[sflag:s6] =	ssyncset.done $0x0  }
0x1ba: {  	[sflag:s6] =	ssyncadd.s32 $0xFFFF4000  }
0x1bb: {  	v3 =	vld [tilespmem:$0x0];
	_ =	sdelay $0x4  }
0x1bc: {  	v56 =	vshrl.u32 v3, $0x3  }
0x1bd: {  	v4 =	vmul.u32 $0x18, v56  }
0x1be: {  	v3 =	vand.u32 $0x7, v3  }
0x1bf: {  	v3 =	vor.u32 v3, v4  }
0x1c0: {  	v4 =	vperm.xlane v3, v0;
	_ =	sdelay $0x1  }
0x1c1: {  	v4 =	vadd.s32 v1, v4;
	_ =	sdelay $0x1  }
0x1c2: {  	v3 =	vperm.xlane v3, v2;
	_ =	sdelay $0x1  }
0x1c3: {  	v3 =	vadd.s32 v1, v3  }
0x1c4: {  	[hbm4b:s3+s2] =	stream.indirect_vreg.scatter [tilespmem:s25], [sflag:$0x1], $0x80, v4, vm0, $0xb8;
	[tilespmem:$0xC080] =	vst v63  }
0x1c5: {  	s22 =	simm.s32 $0x880  }
0x1c6: {  	[hbm4b:s4+s2] =	stream.indirect_vreg.scatter [tilespmem:s22], [sflag:$0x1], $0x80, v4, vm1, $0xb8;
	[tilespmem:$0xC080] =	vst v63  }
0x1c7: {  	s22 =	simm.s32 $0xC80  }
0x1c8: {  	[hbm4b:s3+s2] =	stream.indirect_vreg.scatter [tilespmem:s22], [sflag:$0x1], $0x80, v3, vm0, $0xb8;
	[tilespmem:$0xC080] =	vst v63  }
0x1c9: {  	s21 =	simm.s32 $0x1480  }
0x1ca: {  	[hbm4b:s4+s2] =	stream.indirect_vreg.scatter [tilespmem:s21], [sflag:$0x1], $0x80, v3, vm1, $0xb8;
	[tilespmem:$0xC080] =	vst v63  }
0x1cb: {  	v3 =	vld [tilespmem:$0x10];
	_ =	sdelay $0x4  }
0x1cc: {  	v57 =	vshrl.u32 v3, $0x3  }
0x1cd: {  	v4 =	vmul.u32 $0x18, v57  }
0x1ce: {  	v3 =	vand.u32 $0x7, v3  }
0x1cf: {  	v3 =	vor.u32 v3, v4  }
0x1d0: {  	v4 =	vperm.xlane v3, v0;
	_ =	sdelay $0x1  }
0x1d1: {  	v4 =	vadd.s32 v1, v4;
	_ =	sdelay $0x1  }
0x1d2: {  	v3 =	vperm.xlane v3, v2;
	_ =	sdelay $0x1  }
0x1d3: {  	s30 =	simm.s32 $0x1880;
	v3 =	vadd.s32 v1, v3  }
0x1d4: {  	[hbm4b:s3+s2] =	stream.indirect_vreg.scatter [tilespmem:s30], [sflag:$0x1], $0x80, v4, vm0, $0xb8;
	[tilespmem:$0xC080] =	vst v63  }
0x1d5: {  	s21 =	simm.s32 $0x2080  }
0x1d6: {  	[hbm4b:s4+s2] =	stream.indirect_vreg.scatter [tilespmem:s21], [sflag:$0x1], $0x80, v4, vm1, $0xb8;
	[tilespmem:$0xC080] =	vst v63  }
0x1d7: {  	s22 =	simm.s32 $0x2480  }
0x1d8: {  	[hbm4b:s3+s2] =	stream.indirect_vreg.scatter [tilespmem:s22], [sflag:$0x1], $0x80, v3, vm0, $0xb8;
	[tilespmem:$0xC080] =	vst v63  }
0x1d9: {  	s30 =	simm.s32 $0x2C80  }
0x1da: {  	[hbm4b:s4+s2] =	stream.indirect_vreg.scatter [tilespmem:s30], [sflag:$0x1], $0x80, v3, vm1, $0xb8;
	[tilespmem:$0xC080] =	vst v63  }
0x1db: {  	v3 =	vld [tilespmem:$0x20];
	_ =	sdelay $0x4  }
0x1dc: {  	v58 =	vshrl.u32 v3, $0x3  }
0x1dd: {  	v4 =	vmul.u32 $0x18, v58  }
0x1de: {  	v3 =	vand.u32 $0x7, v3  }
0x1df: {  	v3 =	vor.u32 v3, v4  }
0x1e0: {  	v4 =	vperm.xlane v3, v0;
	_ =	sdelay $0x1  }
0x1e1: {  	v4 =	vadd.s32 v1, v4;
	_ =	sdelay $0x1  }
0x1e2: {  	v3 =	vperm.xlane v3, v2;
	_ =	sdelay $0x1  }
0x1e3: {  	s21 =	simm.s32 $0x3080;
	v3 =	vadd.s32 v1, v3  }
0x1e4: {  	[hbm4b:s3+s2] =	stream.indirect_vreg.scatter [tilespmem:s21], [sflag:$0x1], $0x80, v4, vm0, $0xb8;
	[tilespmem:$0xC080] =	vst v63  }
0x1e5: {  	s16 =	simm.s32 $0x3880  }
0x1e6: {  	[hbm4b:s4+s2] =	stream.indirect_vreg.scatter [tilespmem:s16], [sflag:$0x1], $0x80, v4, vm1, $0xb8;
	[tilespmem:$0xC080] =	vst v63  }
0x1e7: {  	s12 =	simm.s32 $0x3C80  }
0x1e8: {  	[hbm4b:s3+s2] =	stream.indirect_vreg.scatter [tilespmem:s12], [sflag:$0x1], $0x80, v3, vm0, $0xb8;
	[tilespmem:$0xC080] =	vst v63  }
0x1e9: {  	s13 =	simm.s32 $0x4480  }
0x1ea: {  	[hbm4b:s4+s2] =	stream.indirect_vreg.scatter [tilespmem:s13], [sflag:$0x1], $0x80, v3, vm1, $0xb8;
	[tilespmem:$0xC080] =	vst v63  }
0x1eb: {  	v3 =	vld [tilespmem:$0x30];
	_ =	sdelay $0x4  }
0x1ec: {  	v59 =	vshrl.u32 v3, $0x3  }
0x1ed: {  	v4 =	vmul.u32 $0x18, v59  }
0x1ee: {  	v3 =	vand.u32 $0x7, v3  }
0x1ef: {  	v3 =	vor.u32 v3, v4  }
0x1f0: {  	v4 =	vperm.xlane v3, v0;
	_ =	sdelay $0x1  }
0x1f1: {  	v4 =	vadd.s32 v1, v4;
	_ =	sdelay $0x1  }
0x1f2: {  	v3 =	vperm.xlane v3, v2;
	_ =	sdelay $0x1  }
0x1f3: {  	s17 =	simm.s32 $0x4880;
	v3 =	vadd.s32 v1, v3  }
0x1f4: {  	[hbm4b:s3+s2] =	stream.indirect_vreg.scatter [tilespmem:s17], [sflag:$0x1], $0x80, v4, vm0, $0xb8;
	[tilespmem:$0xC080] =	vst v63  }
0x1f5: {  	s18 =	simm.s32 $0x5080  }
0x1f6: {  	[hbm4b:s4+s2] =	stream.indirect_vreg.scatter [tilespmem:s18], [sflag:$0x1], $0x80, v4, vm1, $0xb8;
	[tilespmem:$0xC080] =	vst v63  }
0x1f7: {  	s19 =	simm.s32 $0x5480  }
0x1f8: {  	[hbm4b:s3+s2] =	stream.indirect_vreg.scatter [tilespmem:s19], [sflag:$0x1], $0x80, v3, vm0, $0xb8;
	[tilespmem:$0xC080] =	vst v63  }
0x1f9: {  	s20 =	simm.s32 $0x5C80  }
0x1fa: {  	[hbm4b:s4+s2] =	stream.indirect_vreg.scatter [tilespmem:s20], [sflag:$0x1], $0x80, v3, vm1, $0xb8;
	[tilespmem:$0xC080] =	vst v63  }
0x1fb: {  	v3 =	vld [tilespmem:$0x40];
	_ =	sdelay $0x4  }
0x1fc: {  	v60 =	vshrl.u32 v3, $0x3  }
0x1fd: {  	v4 =	vmul.u32 $0x18, v60  }
0x1fe: {  	v3 =	vand.u32 $0x7, v3  }
0x1ff: {  	v3 =	vor.u32 v3, v4  }
0x200: {  	v4 =	vperm.xlane v3, v0;
	_ =	sdelay $0x1  }
0x201: {  	v4 =	vadd.s32 v1, v4;
	_ =	sdelay $0x1  }
0x202: {  	v3 =	vperm.xlane v3, v2;
	_ =	sdelay $0x1  }
0x203: {  	s0 =	simm.s32 $0x6080;
	v3 =	vadd.s32 v1, v3  }
0x204: {  	[hbm4b:s3+s2] =	stream.indirect_vreg.scatter [tilespmem:s0], [sflag:$0x1], $0x80, v4, vm0, $0xb8;
	[tilespmem:$0xC080] =	vst v63  }
0x205: {  	s1 =	simm.s32 $0x6880  }
0x206: {  	[hbm4b:s4+s2] =	stream.indirect_vreg.scatter [tilespmem:s1], [sflag:$0x1], $0x80, v4, vm1, $0xb8;
	[tilespmem:$0xC080] =	vst v63  }
0x207: {  	s7 =	simm.s32 $0x6C80  }
0x208: {  	[hbm4b:s3+s2] =	stream.indirect_vreg.scatter [tilespmem:s7], [sflag:$0x1], $0x80, v3, vm0, $0xb8;
	[tilespmem:$0xC080] =	vst v63  }
0x209: {  	s11 =	simm.s32 $0x7480  }
0x20a: {  	[hbm4b:s4+s2] =	stream.indirect_vreg.scatter [tilespmem:s11], [sflag:$0x1], $0x80, v3, vm1, $0xb8;
	[tilespmem:$0xC080] =	vst v63  }
0x20b: {  	v3 =	vld [tilespmem:$0x50];
	_ =	sdelay $0x4  }
0x20c: {  	v61 =	vshrl.u32 v3, $0x3  }
0x20d: {  	v4 =	vmul.u32 $0x18, v61  }
0x20e: {  	v3 =	vand.u32 $0x7, v3  }
0x20f: {  	v3 =	vor.u32 v3, v4  }
0x210: {  	v4 =	vperm.xlane v3, v0;
	_ =	sdelay $0x1  }
0x211: {  	v4 =	vadd.s32 v1, v4;
	_ =	sdelay $0x1  }
0x212: {  	v3 =	vperm.xlane v3, v2;
	_ =	sdelay $0x1  }
0x213: {  	s8 =	simm.s32 $0x7880;
	v3 =	vadd.s32 v1, v3  }
0x214: {  	[hbm4b:s3+s2] =	stream.indirect_vreg.scatter [tilespmem:s8], [sflag:$0x1], $0x80, v4, vm0, $0xb8;
	[tilespmem:$0xC080] =	vst v63  }
0x215: {  	s9 =	simm.s32 $0x8080  }
0x216: {  	[hbm4b:s4+s2] =	stream.indirect_vreg.scatter [tilespmem:s9], [sflag:$0x1], $0x80, v4, vm1, $0xb8;
	[tilespmem:$0xC080] =	vst v63  }
0x217: {  	s10 =	simm.s32 $0x8480  }
0x218: {  	[hbm4b:s3+s2] =	stream.indirect_vreg.scatter [tilespmem:s10], [sflag:$0x1], $0x80, v3, vm0, $0xb8;
	[tilespmem:$0xC080] =	vst v63  }
0x219: {  	s22 =	simm.s32 $0x8C80  }
0x21a: {  	[hbm4b:s4+s2] =	stream.indirect_vreg.scatter [tilespmem:s22], [sflag:$0x1], $0x80, v3, vm1, $0xb8;
	[tilespmem:$0xC080] =	vst v63  }
0x21b: {  	v3 =	vld [tilespmem:$0x60];
	_ =	sdelay $0x4  }
0x21c: {  	v62 =	vshrl.u32 v3, $0x3  }
0x21d: {  	v4 =	vmul.u32 $0x18, v62  }
0x21e: {  	v3 =	vand.u32 $0x7, v3  }
0x21f: {  	v3 =	vor.u32 v3, v4  }
0x220: {  	v4 =	vperm.xlane v3, v0;
	_ =	sdelay $0x1  }
0x221: {  	v4 =	vadd.s32 v1, v4;
	_ =	sdelay $0x1  }
0x222: {  	v3 =	vperm.xlane v3, v2;
	_ =	sdelay $0x1  }
0x223: {  	s31 =	simm.s32 $0x9080;
	v3 =	vadd.s32 v1, v3  }
0x224: {  	[hbm4b:s3+s2] =	stream.indirect_vreg.scatter [tilespmem:s31], [sflag:$0x1], $0x80, v4, vm0, $0xb8;
	[tilespmem:$0xC080] =	vst v63  }
0x225: {  	s30 =	simm.s32 $0x9880  }
0x226: {  	[hbm4b:s4+s2] =	stream.indirect_vreg.scatter [tilespmem:s30], [sflag:$0x1], $0x80, v4, vm1, $0xb8;
	[tilespmem:$0xC080] =	vst v63  }
0x227: {  	s24 =	simm.s32 $0x9C80  }
0x228: {  	[hbm4b:s3+s2] =	stream.indirect_vreg.scatter [tilespmem:s24], [sflag:$0x1], $0x80, v3, vm0, $0xb8;
	[tilespmem:$0xC080] =	vst v63  }
0x229: {  	s31 =	simm.s32 $0xA480  }
0x22a: {  	[hbm4b:s4+s2] =	stream.indirect_vreg.scatter [tilespmem:s31], [sflag:$0x1], $0x80, v3, vm1, $0xb8;
	[tilespmem:$0xC080] =	vst v63  }
0x22b: {  	v3 =	vld [tilespmem:$0x70];
	_ =	sdelay $0x4  }
0x22c: {  	v63 =	vshrl.u32 v3, $0x3  }
0x22d: {  	v4 =	vmul.u32 $0x18, v63  }
0x22e: {  	v3 =	vand.u32 $0x7, v3  }
0x22f: {  	v3 =	vor.u32 v3, v4  }
0x230: {  	v4 =	vperm.xlane v3, v0;
	_ =	sdelay $0x1  }
0x231: {  	v4 =	vadd.s32 v1, v4;
	_ =	sdelay $0x1  }
0x232: {  	v3 =	vperm.xlane v3, v2;
	_ =	sdelay $0x1  }
0x233: {  	s23 =	simm.s32 $0xA880;
	v3 =	vadd.s32 v1, v3  }
0x234: {  	[hbm4b:s3+s2] =	stream.indirect_vreg.scatter [tilespmem:s23], [sflag:$0x1], $0x80, v4, vm0, $0xb8;
	[tilespmem:$0xC080] =	vst v63  }
0x235: {  	s26 =	simm.s32 $0xB080  }
0x236: {  	[hbm4b:s4+s2] =	stream.indirect_vreg.scatter [tilespmem:s26], [sflag:$0x1], $0x80, v4, vm1, $0xb8;
	[tilespmem:$0xC080] =	vst v63  }
0x237: {  	p0 =	sne.s32 s5, $0x1;
	s28 =	simm.s32 $0xB480  }
0x238: {  	[hbm4b:s3+s2] =	stream.indirect_vreg.scatter [tilespmem:s28], [sflag:$0x1], $0x80, v3, vm0, $0xb8;
	[tilespmem:$0xC080] =	vst v63  }
.Ltmp0:
0x239: {  	s29 =	simm.s32 $0xBC80;
	(pc) =	sbr.rel @p0 .LBB2_1-.Ltmp0, $4  }
0x23a: {  	[hbm4b:s4+s2] =	stream.indirect_vreg.scatter [tilespmem:s29], [sflag:$0x1], $0x80, v3, vm1, $0xb8;
	[tilespmem:$0xC080] =	vst v63  }
0x23b: {  	_ =	swait.ge [sflag:s14], $0xC000  }
0x23c: {  	[sflag:s14] =	ssyncset.done $0x0  }
0x23d: {  	s5 =	sadd.s32 $0xFFFFFFFF, s5;
	[sflag:s14] =	ssyncadd.s32 $0xFFFF4000  }
0x23e: {  	_ =	sfence.sel $0x180000  }
0x23f: {  	[bflag:$0x0] =	sbarrier.arrive $0xFFFF  }
0x240: {  	_ =	strace $0x90000047  }
0x241: {  	s0 =	stileid.u32;
	[bflag:$0x2] =	sbarrier.arrive $0xFFFF  }
0x242: {  	p0 =	sne.s32 s0, $0x0;
	s0 =	rddreg [dreg:$0x2]  }
0x243: {  	s0 =	sadd.s32 @!p0 $0x100000, s0  }
0x244: {  	[sflag:s0] =	ssyncadd.tile.s32 @!p0 $0x1;
	_ =	shalt  }
.Lfunc_end2:
_tile_overlayer_lowered:
.L_overlay_start_2:
0x245: {  	(tag) =	ssettag $0x2  }
0x246: {  	s0 =	rddreg [dreg:$0x0];
	s2 =	stileid.u32  }
0x247: {  	s1 =	rddreg [dreg:$0x1];
	p0 =	sne.s32 s2, $0x0  }
0x248: {  	s3 =	rddreg [dreg:$0x2];
	[bflag:$0x3] =	sbarrier.arrive $0xFFFF;
	s2 =	simm.s32 @!p0 $0x1C02  }
0x249: {  	[timem:s3], [sflag:s2] =	dma.local @!p0 [hbm:s0], s1  }
0x24a: {  	s0 =	simm.s32 @!p0 $0x2  }
0x24b: {  	_ =	swait.ge @!p0 [sflag:s0], s1  }
0x24c: {  	s1 =	ssub.s32 @!p0 $0x0, s1;
	[sflag:s0] =	ssyncset.done @!p0 $0x0  }
0x24d: {  	[sflag:s0] =	ssyncadd.s32 @!p0 s1  }
0x24e: {  	[bflag:$0x3] =	sbarrier.arrive $0xFFFF  }
0x24f: {  	_ =	shalt  }

</sc_bundles>
